<compile_context>
chip_gen: v7x
topology: tpu7x:2x2x1
jax: 0.10.2.dev20260603
libtpu: 0.0.44.dev20260713+nightly
codegen_flags: <defaults>
</compile_context>

<pallas_src>
import functools

import jax
import jax.numpy as jnp
from jax import lax
from jax.experimental import pallas as pl
from jax.experimental.pallas import tpu as pltpu
from jax.experimental.pallas import tpu_sc as plsc

NC = 2
NS = 16
NW = NC * NS
LANES = 16
EPSILON = 1e-6
NACC = 4


def _rsqrt(x):
    i = lax.bitcast_convert_type(x, jnp.int32)
    i = jnp.int32(0x5F3759DF) - (i >> 1)
    y = lax.bitcast_convert_type(i, jnp.float32)
    for _ in range(3):
        y = y * (jnp.float32(1.5) - jnp.float32(0.5) * x * y * y)
    return y


def _tree_sum(vals):
    vals = list(vals)
    while len(vals) > 1:
        nxt = [a + b for a, b in zip(vals[0::2], vals[1::2])]
        if len(vals) % 2:
            nxt.append(vals[-1])
        vals = nxt
    return vals[0]


def kernel(input_ids, token_table, pos_table, ln_scale, ln_bias):
    B, S = input_ids.shape
    V, H = token_table.shape
    SP = S // NW
    NJ = H // LANES

    assert S % NW == 0 and H % LANES == 0 and SP == LANES and B % 2 == 0

    ids_w = (input_ids.astype(jnp.int32)
             .reshape(B, NW, SP).transpose(1, 0, 2).reshape(NW, B * SP))

    mesh = plsc.VectorSubcoreMesh(core_axis_name="c", subcore_axis_name="s")

    @functools.partial(
        pl.kernel,
        mesh=mesh,
        out_type=jax.ShapeDtypeStruct((B, S, H), jnp.float32),
        compiler_params=pltpu.CompilerParams(needs_layout_passes=False),
        scratch_types=[
            pltpu.VMEM((B * SP,), jnp.int32),
            pltpu.VMEM((SP, H), jnp.float32),
            pltpu.VMEM((H,), jnp.float32),
            pltpu.VMEM((H,), jnp.float32),
            pltpu.VMEM((SP, H), jnp.float32),
            pltpu.VMEM((SP, H), jnp.float32),
            pltpu.VMEM((SP, H), jnp.float32),
            pltpu.VMEM((SP, H), jnp.float32),
            pltpu.SMEM((2, LANES), jnp.float32),
            pltpu.SemaphoreType.DMA,
            pltpu.SemaphoreType.DMA,
            pltpu.SemaphoreType.DMA,
            pltpu.SemaphoreType.DMA,
        ],
    )
    def emb_kernel(ids_hbm, tok_hbm, pos_hbm, scale_hbm, bias_hbm, out_hbm,
                   idx_v, pos_v, scale_v, bias_v, in0, in1, ou0, ou1, stat_v,
                   gi0, gi1, go0, go1):
        wid = lax.axis_index("s") * NC + lax.axis_index("c")
        s0 = wid * SP

        pltpu.sync_copy(ids_hbm.at[wid], idx_v)
        cp_pos = pltpu.async_copy(pos_hbm.at[pl.ds(s0, SP), :], pos_v, go0)
        cp_sc = pltpu.async_copy(scale_hbm, scale_v, go0)
        cp_bi = pltpu.async_copy(bias_hbm, bias_v, go0)

        inv_h = jnp.float32(1.0 / H)
        ins, outs = (in0, in1), (ou0, ou1)
        gis, gos = (gi0, gi1), (go0, go1)
        ND = 2

        def gather_start(b, buf, sem):
            pltpu.async_copy(tok_hbm.at[idx_v.at[pl.ds(b * SP, SP)]], buf, sem)

        def gather_wait(b, buf, sem):
            pltpu.make_async_copy(
                tok_hbm.at[idx_v.at[pl.ds(b * SP, SP)]], buf, sem).wait()

        def write_start(b, buf, sem):
            pltpu.async_copy(buf, out_hbm.at[b, pl.ds(s0, SP), :], sem)

        def write_wait(b, buf, sem):
            pltpu.make_async_copy(
                buf, out_hbm.at[b, pl.ds(s0, SP), :], sem).wait()

        def pass1(src, dst):
            @plsc.parallel_loop(0, SP)
            def one_row(r):
                accs = []
                accq = []
                for j in range(NJ):
                    sl = pl.ds(j * LANES, LANES)
                    x = src[r, sl] + pos_v[r, sl]
                    dst[r, sl] = x
                    if j < NACC:
                        accs.append(x)
                        accq.append(x * x)
                    else:
                        k = j % NACC
                        accs[k] = accs[k] + x
                        accq[k] = accq[k] + x * x
                mean = jnp.sum(_tree_sum(accs)) * inv_h
                var = jnp.sum(_tree_sum(accq)) * inv_h - mean * mean
                rstd = _rsqrt(var + jnp.float32(EPSILON))
                stat_v[0, r] = rstd
                stat_v[1, r] = -(mean * rstd)

        def pass2(dst):
            a_s = [stat_v[0, r] for r in range(SP)]
            b_s = [stat_v[1, r] for r in range(SP)]

            @plsc.parallel_loop(0, NJ)
            def colblk(j):
                sl = pl.ds(j * LANES, LANES)
                sc = scale_v[sl]
                bi = bias_v[sl]
                for r in range(SP):
                    x = dst[r, sl]
                    dst[r, sl] = (x * a_s[r] + b_s[r]) * sc + bi

        for p in range(ND):
            gather_start(p, ins[p], gis[p])
        cp_pos.wait()
        cp_sc.wait()
        cp_bi.wait()

        def group(i, carry):
            for p in range(ND):
                b = ND * i + p
                gather_wait(b, ins[p], gis[p])

                @pl.when(i >= 1)
                def _():
                    write_wait(b - ND, outs[p], gos[p])

                pass1(ins[p], outs[p])

                @pl.when(i < (B // ND - 1))
                def _():
                    gather_start(b + ND, ins[p], gis[p])

                pass2(outs[p])
                write_start(b, outs[p], gos[p])
            return carry

        lax.fori_loop(0, B // ND, group, 0)
        for p in range(ND):
            write_wait(B - ND + p, outs[p], gos[p])

    return emb_kernel(ids_w, token_table, pos_table, ln_scale, ln_bias)

# --- scband reference (transcript-rebuilt; emitter-appended) ---
"""Pipeline reference for scband-embeddings-55645596287653 (READ-ONLY COPY).

The authoritative reference and input builder live on the scoring server;
editing this copy changes nothing except your own understanding.
"""

import jax, jax.numpy as jnp
import numpy as np

VOCAB = 30522
HIDDEN = 768
MAXPOS = 512
B = 64
S = 512
EPS = 1e-6


def setup_inputs(seed: int = 0) -> dict:
    key = jax.random.key(seed)
    k1, k2, k3 = jax.random.split(key, 3)
    input_ids = jax.random.randint(k1, (B, S), 0, VOCAB)
    token_table = jax.random.normal(k2, (VOCAB, HIDDEN), dtype=jnp.float32) * 0.02
    pos_table = jax.random.normal(k3, (MAXPOS, HIDDEN), dtype=jnp.float32) * 0.02
    ln_scale = jnp.ones((HIDDEN,), dtype=jnp.float32)
    ln_bias = jnp.zeros((HIDDEN,), dtype=jnp.float32)
    return {
        "input_ids": input_ids,
        "token_table": token_table,
        "pos_table": pos_table,
        "ln_scale": ln_scale,
        "ln_bias": ln_bias,
    }


def reference(input_ids, token_table, pos_table, ln_scale, ln_bias):
    seq_length = input_ids.shape[1]
    position_ids = jnp.arange(seq_length)[None, :]
    token_embeddings = jnp.take(token_table, input_ids, axis=0)
    position_embeddings = jnp.take(pos_table, position_ids, axis=0)
    embeddings = token_embeddings + position_embeddings
    mean = jnp.mean(embeddings, axis=-1, keepdims=True)
    var = jnp.var(embeddings, axis=-1, keepdims=True)
    normed = (embeddings - mean) * jax.lax.rsqrt(var + EPS)
    out = normed * ln_scale + ln_bias
    # dropout is deterministic (eval mode) for a reproducible reference
    return out

if __name__ == "__main__":
    import jax
    _d = setup_inputs()
    print(jax.jit(kernel)(*tuple(_d.values())))

</pallas_src>

<mosaic_0001>
#map = affine_map<(d0, d1) -> (0, 0)>
#map1 = affine_map<(d0, d1) -> (0)>
#map2 = affine_map<(d0, d1) -> (0, 0, 0)>
module attributes {stable_mosaic.version = 14 : i64} {
  func.func @emb_kernel(%arg0: i32, %arg1: i32, %arg2: memref<32x1024xi32, #tpu.memory_space<hbm>>, %arg3: memref<30522x768xf32, #tpu.memory_space<hbm>>, %arg4: memref<512x768xf32, #tpu.memory_space<hbm>>, %arg5: memref<768xf32, #tpu.memory_space<hbm>>, %arg6: memref<768xf32, #tpu.memory_space<hbm>>, %arg7: memref<64x512x768xf32, #tpu.memory_space<hbm>>, %arg8: memref<1024xi32, #tpu.memory_space<vmem>>, %arg9: memref<16x768xf32, #tpu.memory_space<vmem>>, %arg10: memref<768xf32, #tpu.memory_space<vmem>>, %arg11: memref<768xf32, #tpu.memory_space<vmem>>, %arg12: memref<16x768xf32, #tpu.memory_space<vmem>>, %arg13: memref<16x768xf32, #tpu.memory_space<vmem>>, %arg14: memref<16x768xf32, #tpu.memory_space<vmem>>, %arg15: memref<16x768xf32, #tpu.memory_space<vmem>>, %arg16: memref<2x16xf32, #tpu.memory_space<smem>>, %arg17: memref<!tpu.dma_semaphore, #tpu.memory_space<semaphore_mem>>, %arg18: memref<!tpu.dma_semaphore, #tpu.memory_space<semaphore_mem>>, %arg19: memref<!tpu.dma_semaphore, #tpu.memory_space<semaphore_mem>>, %arg20: memref<!tpu.dma_semaphore, #tpu.memory_space<semaphore_mem>>) attributes {dimension_semantics = [#tpu.dimension_semantics<core_parallel>, #tpu.dimension_semantics<subcore_parallel>], iteration_bounds = array<i64: 2, 16>, scalar_prefetch = 0 : i64, scratch_operands = 13 : i64, tpu.core_type = #tpu.core_type<sc_vector_subcore>, window_params = [{transform_indices = #map}, {transform_indices = #map}, {transform_indices = #map}, {transform_indices = #map1}, {transform_indices = #map1}, {transform_indices = #map2}]} {
    %mul3A = arith.constant 2 : i32
    %mul3A_0 = arith.muli %arg1, %mul3A : i32
    %add3A = arith.addi %mul3A_0, %arg0 : i32
    %mul3A_1 = arith.constant 16 : i32
    %mul3A_2 = arith.muli %add3A, %mul3A_1 : i32
    "tpu.region"() ({
      %run_scoped3A = tpu.sem_alloc : memref<!tpu.dma_semaphore, #tpu.memory_space<semaphore_mem>>
      %dma_start3A_39 = arith.constant 0 : i32
      %dma_start3A_40 = tpu.memref_slice %arg2[%add3A, %dma_start3A_39] : memref<32x1024xi32, #tpu.memory_space<hbm>> -> memref<1x1024xi32, #tpu.memory_space<hbm>>
      %dma_start3A_41 = tpu.memref_squeeze %dma_start3A_40 : memref<1x1024xi32, #tpu.memory_space<hbm>> -> memref<1024xi32, #tpu.memory_space<hbm>>
      %dma_start3A_42 = arith.constant 0 : i32
      %dma_start3A_43 = tpu.memref_slice %arg2[%add3A, %dma_start3A_42] : memref<32x1024xi32, #tpu.memory_space<hbm>> -> memref<1x1024xi32, #tpu.memory_space<hbm>>
      %dma_start3A_44 = tpu.memref_squeeze %dma_start3A_43 : memref<1x1024xi32, #tpu.memory_space<hbm>> -> memref<1024xi32, #tpu.memory_space<hbm>>
      tpu.enqueue_dma source(%dma_start3A_44 : memref<1024xi32, #tpu.memory_space<hbm>>) target(%arg8 : memref<1024xi32, #tpu.memory_space<vmem>>) target_semaphore(%run_scoped3A : memref<!tpu.dma_semaphore, #tpu.memory_space<semaphore_mem>>)
      %dma_wait3A_45 = arith.constant 0 : i32
      %dma_wait3A_46 = tpu.memref_slice %arg2[%add3A, %dma_wait3A_45] : memref<32x1024xi32, #tpu.memory_space<hbm>> -> memref<1x1024xi32, #tpu.memory_space<hbm>>
      %dma_wait3A_47 = tpu.memref_squeeze %dma_wait3A_46 : memref<1x1024xi32, #tpu.memory_space<hbm>> -> memref<1024xi32, #tpu.memory_space<hbm>>
      %dma_wait3A_48 = arith.constant 0 : i32
      %dma_wait3A_49 = tpu.memref_slice %arg2[%add3A, %dma_wait3A_48] : memref<32x1024xi32, #tpu.memory_space<hbm>> -> memref<1x1024xi32, #tpu.memory_space<hbm>>
      %dma_wait3A_50 = tpu.memref_squeeze %dma_wait3A_49 : memref<1x1024xi32, #tpu.memory_space<hbm>> -> memref<1024xi32, #tpu.memory_space<hbm>>
      tpu.wait_dma2 semaphore(%run_scoped3A : memref<!tpu.dma_semaphore, #tpu.memory_space<semaphore_mem>>) src(%dma_wait3A_50 : memref<1024xi32, #tpu.memory_space<hbm>>) dst(%arg8 : memref<1024xi32, #tpu.memory_space<vmem>>)
      tpu.yield
    }) : () -> ()
    %dma_start3A = arith.constant 0 : i32
    %dma_start3A_3 = tpu.memref_slice %arg4[%mul3A_2, %dma_start3A] : memref<512x768xf32, #tpu.memory_space<hbm>> -> memref<16x768xf32, #tpu.memory_space<hbm>>
    %dma_start3A_4 = arith.constant 0 : i32
    %dma_start3A_5 = tpu.memref_slice %arg4[%mul3A_2, %dma_start3A_4] : memref<512x768xf32, #tpu.memory_space<hbm>> -> memref<16x768xf32, #tpu.memory_space<hbm>>
    tpu.enqueue_dma source(%dma_start3A_5 : memref<16x768xf32, #tpu.memory_space<hbm>>) target(%arg9 : memref<16x768xf32, #tpu.memory_space<vmem>>) target_semaphore(%arg19 : memref<!tpu.dma_semaphore, #tpu.memory_space<semaphore_mem>>)
    tpu.enqueue_dma source(%arg5 : memref<768xf32, #tpu.memory_space<hbm>>) target(%arg10 : memref<768xf32, #tpu.memory_space<vmem>>) target_semaphore(%arg19 : memref<!tpu.dma_semaphore, #tpu.memory_space<semaphore_mem>>)
    tpu.enqueue_dma source(%arg6 : memref<768xf32, #tpu.memory_space<hbm>>) target(%arg11 : memref<768xf32, #tpu.memory_space<vmem>>) target_semaphore(%arg19 : memref<!tpu.dma_semaphore, #tpu.memory_space<semaphore_mem>>)
    %dma_start3A_6 = arith.constant 0 : i32
    %dma_start3A_7 = tpu.memref_slice %arg8[%dma_start3A_6] : memref<1024xi32, #tpu.memory_space<vmem>> -> memref<16xi32, #tpu.memory_space<vmem>>
    %dma_start3A_8 = arith.constant 0 : i32
    %dma_start3A_9 = arith.constant 0 : i32
    %dma_start3A_10 = tpu.memref_slice %arg3[%dma_start3A_8, %dma_start3A_9] : memref<30522x768xf32, #tpu.memory_space<hbm>> -> memref<30522x768xf32, #tpu.memory_space<hbm>>
    tpu.enqueue_indirect_dma source(%dma_start3A_10 : memref<30522x768xf32, #tpu.memory_space<hbm>>) target(%arg12 : memref<16x768xf32, #tpu.memory_space<vmem>>) offsets(%dma_start3A_7 : memref<16xi32, #tpu.memory_space<vmem>>) semaphore(%arg17 : memref<!tpu.dma_semaphore, #tpu.memory_space<semaphore_mem>>)
    %dma_start3A_11 = arith.constant 16 : i32
    %dma_start3A_12 = tpu.memref_slice %arg8[%dma_start3A_11] : memref<1024xi32, #tpu.memory_space<vmem>> -> memref<16xi32, #tpu.memory_space<vmem>>
    %dma_start3A_13 = arith.constant 0 : i32
    %dma_start3A_14 = arith.constant 0 : i32
    %dma_start3A_15 = tpu.memref_slice %arg3[%dma_start3A_13, %dma_start3A_14] : memref<30522x768xf32, #tpu.memory_space<hbm>> -> memref<30522x768xf32, #tpu.memory_space<hbm>>
    tpu.enqueue_indirect_dma source(%dma_start3A_15 : memref<30522x768xf32, #tpu.memory_space<hbm>>) target(%arg13 : memref<16x768xf32, #tpu.memory_space<vmem>>) offsets(%dma_start3A_12 : memref<16xi32, #tpu.memory_space<vmem>>) semaphore(%arg18 : memref<!tpu.dma_semaphore, #tpu.memory_space<semaphore_mem>>)
    %dma_wait3A = arith.constant 0 : i32
    %dma_wait3A_16 = tpu.memref_slice %arg4[%mul3A_2, %dma_wait3A] : memref<512x768xf32, #tpu.memory_space<hbm>> -> memref<16x768xf32, #tpu.memory_space<hbm>>
    %dma_wait3A_17 = arith.constant 0 : i32
    %dma_wait3A_18 = tpu.memref_slice %arg4[%mul3A_2, %dma_wait3A_17] : memref<512x768xf32, #tpu.memory_space<hbm>> -> memref<16x768xf32, #tpu.memory_space<hbm>>
    tpu.wait_dma2 semaphore(%arg19 : memref<!tpu.dma_semaphore, #tpu.memory_space<semaphore_mem>>) src(%dma_wait3A_18 : memref<16x768xf32, #tpu.memory_space<hbm>>) dst(%arg9 : memref<16x768xf32, #tpu.memory_space<vmem>>)
    tpu.wait_dma2 semaphore(%arg19 : memref<!tpu.dma_semaphore, #tpu.memory_space<semaphore_mem>>) src(%arg5 : memref<768xf32, #tpu.memory_space<hbm>>) dst(%arg10 : memref<768xf32, #tpu.memory_space<vmem>>)
    tpu.wait_dma2 semaphore(%arg19 : memref<!tpu.dma_semaphore, #tpu.memory_space<semaphore_mem>>) src(%arg6 : memref<768xf32, #tpu.memory_space<hbm>>) dst(%arg11 : memref<768xf32, #tpu.memory_space<vmem>>)
    %scan3A = arith.constant 0 : i32
    %scan3A_19 = arith.constant 0.00130208337 : f32
    %scan3A_20 = arith.constant 0 : i32
    %scan3A_21 = arith.constant 32 : i32
    %scan3A_22 = arith.addi %scan3A_20, %scan3A_21 : i32
    %scan3A_23 = arith.constant 1 : i32
    scf.for %scan3A_39 = %scan3A_20 to %scan3A_22 step %scan3A_23  : i32 {
      %mul3A_40 = arith.constant 2 : i32
      %mul3A_41 = arith.muli %mul3A_40, %scan3A_39 : i32
      %add3A_42 = arith.constant 0 : i32
      %add3A_43 = arith.addi %mul3A_41, %add3A_42 : i32
      %mul3A_44 = arith.constant 16 : i32
      %mul3A_45 = arith.muli %add3A_43, %mul3A_44 : i32
      %dma_wait3A_46 = tpu.memref_slice %arg8[%mul3A_45] : memref<1024xi32, #tpu.memory_space<vmem>> -> memref<16xi32, #tpu.memory_space<vmem>>
      %dma_wait3A_47 = arith.constant 0 : i32
      %dma_wait3A_48 = arith.constant 0 : i32
      %dma_wait3A_49 = tpu.memref_slice %arg3[%dma_wait3A_47, %dma_wait3A_48] : memref<30522x768xf32, #tpu.memory_space<hbm>> -> memref<30522x768xf32, #tpu.memory_space<hbm>>
      tpu.wait_indirect_dma semaphore(%arg17 : memref<!tpu.dma_semaphore, #tpu.memory_space<semaphore_mem>>) src(%dma_wait3A_49 : memref<30522x768xf32, #tpu.memory_space<hbm>>) dst(%arg12 : memref<16x768xf32, #tpu.memory_space<vmem>>)
      %ge3A = arith.constant 1 : i32
      %ge3A_50 = arith.cmpi sge, %scan3A_39, %ge3A : i32
      %convert_element_type3A = arith.extui %ge3A_50 : i1 to i32
      %cond3A = arith.constant 0 : i32
      %cond3A_51 = arith.cmpi ne, %convert_element_type3A, %cond3A : i32
      scf.if %cond3A_51 {
        %sub3A = arith.constant 2 : i32
        %sub3A_418 = arith.subi %add3A_43, %sub3A : i32
        %dma_wait3A_419 = arith.constant 0 : i32
        %dma_wait3A_420 = tpu.memref_slice %arg7[%sub3A_418, %mul3A_2, %dma_wait3A_419] : memref<64x512x768xf32, #tpu.memory_space<hbm>> -> memref<1x16x768xf32, #tpu.memory_space<hbm>>
        %dma_wait3A_421 = tpu.memref_squeeze %dma_wait3A_420 : memref<1x16x768xf32, #tpu.memory_space<hbm>> -> memref<16x768xf32, #tpu.memory_space<hbm>>
        %dma_wait3A_422 = arith.constant 0 : i32
        %dma_wait3A_423 = tpu.memref_slice %arg7[%sub3A_418, %mul3A_2, %dma_wait3A_422] : memref<64x512x768xf32, #tpu.memory_space<hbm>> -> memref<1x16x768xf32, #tpu.memory_space<hbm>>
        %dma_wait3A_424 = tpu.memref_squeeze %dma_wait3A_423 : memref<1x16x768xf32, #tpu.memory_space<hbm>> -> memref<16x768xf32, #tpu.memory_space<hbm>>
        tpu.wait_dma2 semaphore(%arg19 : memref<!tpu.dma_semaphore, #tpu.memory_space<semaphore_mem>>) src(%arg14 : memref<16x768xf32, #tpu.memory_space<vmem>>) dst(%dma_wait3A_424 : memref<16x768xf32, #tpu.memory_space<hbm>>)
      } else {
      }
      %parallel_loop3A = arith.constant 0 : i32
      %parallel_loop3A_52 = arith.constant 16 : i32
      %parallel_loop3A_53 = arith.constant 1 : i32
      scf.for %parallel_loop3A_418 = %parallel_loop3A to %parallel_loop3A_52 step %parallel_loop3A_53  : i32 {
        %parallel_loop3A_419 = arith.index_cast %parallel_loop3A_418 : i32 to index
        %parallel_loop3A_420 = arith.constant 0 : index
        %parallel_loop3A_421 = tpu.vector_load %arg12[%parallel_loop3A_419, %parallel_loop3A_420] {strides = array<i32>} : memref<16x768xf32, #tpu.memory_space<vmem>>, vector<16xf32>,
        %parallel_loop3A_422 = arith.index_cast %parallel_loop3A_418 : i32 to index
        %parallel_loop3A_423 = arith.constant 0 : index
        %parallel_loop3A_424 = tpu.vector_load %arg9[%parallel_loop3A_422, %parallel_loop3A_423] {strides = array<i32>} : memref<16x768xf32, #tpu.memory_space<vmem>>, vector<16xf32>,
        %parallel_loop3A_425 = arith.addf %parallel_loop3A_421, %parallel_loop3A_424 : vector<16xf32>
        %parallel_loop3A_426 = arith.index_cast %parallel_loop3A_418 : i32 to index
        %parallel_loop3A_427 = arith.constant 0 : index
        %parallel_loop3A_428 = tpu.vector_load %arg14[%parallel_loop3A_426, %parallel_loop3A_427] {strides = array<i32>} : memref<16x768xf32, #tpu.memory_space<vmem>>, vector<16xf32>,
        tpu.vector_store %arg14[%parallel_loop3A_426, %parallel_loop3A_427], %parallel_loop3A_425 {strides = array<i32>} : memref<16x768xf32, #tpu.memory_space<vmem>>, vector<16xf32>,
        %parallel_loop3A_429 = arith.mulf %parallel_loop3A_425, %parallel_loop3A_425 : vector<16xf32>
        %parallel_loop3A_430 = arith.index_cast %parallel_loop3A_418 : i32 to index
        %parallel_loop3A_431 = arith.constant 16 : index
        %parallel_loop3A_432 = tpu.vector_load %arg12[%parallel_loop3A_430, %parallel_loop3A_431] {strides = array<i32>} : memref<16x768xf32, #tpu.memory_space<vmem>>, vector<16xf32>,
        %parallel_loop3A_433 = arith.index_cast %parallel_loop3A_418 : i32 to index
        %parallel_loop3A_434 = arith.constant 16 : index
        %parallel_loop3A_435 = tpu.vector_load %arg9[%parallel_loop3A_433, %parallel_loop3A_434] {strides = array<i32>} : memref<16x768xf32, #tpu.memory_space<vmem>>, vector<16xf32>,
        %parallel_loop3A_436 = arith.addf %parallel_loop3A_432, %parallel_loop3A_435 : vector<16xf32>
        %parallel_loop3A_437 = arith.index_cast %parallel_loop3A_418 : i32 to index
        %parallel_loop3A_438 = arith.constant 16 : index
        %parallel_loop3A_439 = tpu.vector_load %arg14[%parallel_loop3A_437, %parallel_loop3A_438] {strides = array<i32>} : memref<16x768xf32, #tpu.memory_space<vmem>>, vector<16xf32>,
        tpu.vector_store %arg14[%parallel_loop3A_437, %parallel_loop3A_438], %parallel_loop3A_436 {strides = array<i32>} : memref<16x768xf32, #tpu.memory_space<vmem>>, vector<16xf32>,
        %parallel_loop3A_440 = arith.mulf %parallel_loop3A_436, %parallel_loop3A_436 : vector<16xf32>
        %parallel_loop3A_441 = arith.index_cast %parallel_loop3A_418 : i32 to index
        %parallel_loop3A_442 = arith.constant 32 : index
        %parallel_loop3A_443 = tpu.vector_load %arg12[%parallel_loop3A_441, %parallel_loop3A_442] {strides = array<i32>} : memref<16x768xf32, #tpu.memory_space<vmem>>, vector<16xf32>,
        %parallel_loop3A_444 = arith.index_cast %parallel_loop3A_418 : i32 to index
        %parallel_loop3A_445 = arith.constant 32 : index
        %parallel_loop3A_446 = tpu.vector_load %arg9[%parallel_loop3A_444, %parallel_loop3A_445] {strides = array<i32>} : memref<16x768xf32, #tpu.memory_space<vmem>>, vector<16xf32>,
        %parallel_loop3A_447 = arith.addf %parallel_loop3A_443, %parallel_loop3A_446 : vector<16xf32>
        %parallel_loop3A_448 = arith.index_cast %parallel_loop3A_418 : i32 to index
        %parallel_loop3A_449 = arith.constant 32 : index
        %parallel_loop3A_450 = tpu.vector_load %arg14[%parallel_loop3A_448, %parallel_loop3A_449] {strides = array<i32>} : memref<16x768xf32, #tpu.memory_space<vmem>>, vector<16xf32>,
        tpu.vector_store %arg14[%parallel_loop3A_448, %parallel_loop3A_449], %parallel_loop3A_447 {strides = array<i32>} : memref<16x768xf32, #tpu.memory_space<vmem>>, vector<16xf32>,
        %parallel_loop3A_451 = arith.mulf %parallel_loop3A_447, %parallel_loop3A_447 : vector<16xf32>
        %parallel_loop3A_452 = arith.index_cast %parallel_loop3A_418 : i32 to index
        %parallel_loop3A_453 = arith.constant 48 : index
        %parallel_loop3A_454 = tpu.vector_load %arg12[%parallel_loop3A_452, %parallel_loop3A_453] {strides = array<i32>} : memref<16x768xf32, #tpu.memory_space<vmem>>, vector<16xf32>,
        %parallel_loop3A_455 = arith.index_cast %parallel_loop3A_418 : i32 to index
        %parallel_loop3A_456 = arith.constant 48 : index
        %parallel_loop3A_457 = tpu.vector_load %arg9[%parallel_loop3A_455, %parallel_loop3A_456] {strides = array<i32>} : memref<16x768xf32, #tpu.memory_space<vmem>>, vector<16xf32>,
        %parallel_loop3A_458 = arith.addf %parallel_loop3A_454, %parallel_loop3A_457 : vector<16xf32>
        %parallel_loop3A_459 = arith.index_cast %parallel_loop3A_418 : i32 to index
        %parallel_loop3A_460 = arith.constant 48 : index
        %parallel_loop3A_461 = tpu.vector_load %arg14[%parallel_loop3A_459, %parallel_loop3A_460] {strides = array<i32>} : memref<16x768xf32, #tpu.memory_space<vmem>>, vector<16xf32>,
        tpu.vector_store %arg14[%parallel_loop3A_459, %parallel_loop3A_460], %parallel_loop3A_458 {strides = array<i32>} : memref<16x768xf32, #tpu.memory_space<vmem>>, vector<16xf32>,
        %parallel_loop3A_462 = arith.mulf %parallel_loop3A_458, %parallel_loop3A_458 : vector<16xf32>
        %parallel_loop3A_463 = arith.index_cast %parallel_loop3A_418 : i32 to index
        %parallel_loop3A_464 = arith.constant 64 : index
        %parallel_loop3A_465 = tpu.vector_load %arg12[%parallel_loop3A_463, %parallel_loop3A_464] {strides = array<i32>} : memref<16x768xf32, #tpu.memory_space<vmem>>, vector<16xf32>,
        %parallel_loop3A_466 = arith.index_cast %parallel_loop3A_418 : i32 to index
        %parallel_loop3A_467 = arith.constant 64 : index
        %parallel_loop3A_468 = tpu.vector_load %arg9[%parallel_loop3A_466, %parallel_loop3A_467] {strides = array<i32>} : memref<16x768xf32, #tpu.memory_space<vmem>>, vector<16xf32>,
        %parallel_loop3A_469 = arith.addf %parallel_loop3A_465, %parallel_loop3A_468 : vector<16xf32>
        %parallel_loop3A_470 = arith.index_cast %parallel_loop3A_418 : i32 to index
        %parallel_loop3A_471 = arith.constant 64 : index
        %parallel_loop3A_472 = tpu.vector_load %arg14[%parallel_loop3A_470, %parallel_loop3A_471] {strides = array<i32>} : memref<16x768xf32, #tpu.memory_space<vmem>>, vector<16xf32>,
        tpu.vector_store %arg14[%parallel_loop3A_470, %parallel_loop3A_471], %parallel_loop3A_469 {strides = array<i32>} : memref<16x768xf32, #tpu.memory_space<vmem>>, vector<16xf32>,
        %parallel_loop3A_473 = arith.addf %parallel_loop3A_425, %parallel_loop3A_469 : vector<16xf32>
        %parallel_loop3A_474 = arith.mulf %parallel_loop3A_469, %parallel_loop3A_469 : vector<16xf32>
        %parallel_loop3A_475 = arith.addf %parallel_loop3A_429, %parallel_loop3A_474 : vector<16xf32>
        %parallel_loop3A_476 = arith.index_cast %parallel_loop3A_418 : i32 to index
        %parallel_loop3A_477 = arith.constant 80 : index
        %parallel_loop3A_478 = tpu.vector_load %arg12[%parallel_loop3A_476, %parallel_loop3A_477] {strides = array<i32>} : memref<16x768xf32, #tpu.memory_space<vmem>>, vector<16xf32>,
        %parallel_loop3A_479 = arith.index_cast %parallel_loop3A_418 : i32 to index
        %parallel_loop3A_480 = arith.constant 80 : index
        %parallel_loop3A_481 = tpu.vector_load %arg9[%parallel_loop3A_479, %parallel_loop3A_480] {strides = array<i32>} : memref<16x768xf32, #tpu.memory_space<vmem>>, vector<16xf32>,
        %parallel_loop3A_482 = arith.addf %parallel_loop3A_478, %parallel_loop3A_481 : vector<16xf32>
        %parallel_loop3A_483 = arith.index_cast %parallel_loop3A_418 : i32 to index
        %parallel_loop3A_484 = arith.constant 80 : index
        %parallel_loop3A_485 = tpu.vector_load %arg14[%parallel_loop3A_483, %parallel_loop3A_484] {strides = array<i32>} : memref<16x768xf32, #tpu.memory_space<vmem>>, vector<16xf32>,
        tpu.vector_store %arg14[%parallel_loop3A_483, %parallel_loop3A_484], %parallel_loop3A_482 {strides = array<i32>} : memref<16x768xf32, #tpu.memory_space<vmem>>, vector<16xf32>,
        %parallel_loop3A_486 = arith.addf %parallel_loop3A_436, %parallel_loop3A_482 : vector<16xf32>
        %parallel_loop3A_487 = arith.mulf %parallel_loop3A_482, %parallel_loop3A_482 : vector<16xf32>
        %parallel_loop3A_488 = arith.addf %parallel_loop3A_440, %parallel_loop3A_487 : vector<16xf32>
        %parallel_loop3A_489 = arith.index_cast %parallel_loop3A_418 : i32 to index
        %parallel_loop3A_490 = arith.constant 96 : index
        %parallel_loop3A_491 = tpu.vector_load %arg12[%parallel_loop3A_489, %parallel_loop3A_490] {strides = array<i32>} : memref<16x768xf32, #tpu.memory_space<vmem>>, vector<16xf32>,
        %parallel_loop3A_492 = arith.index_cast %parallel_loop3A_418 : i32 to index
        %parallel_loop3A_493 = arith.constant 96 : index
        %parallel_loop3A_494 = tpu.vector_load %arg9[%parallel_loop3A_492, %parallel_loop3A_493] {strides = array<i32>} : memref<16x768xf32, #tpu.memory_space<vmem>>, vector<16xf32>,
        %parallel_loop3A_495 = arith.addf %parallel_loop3A_491, %parallel_loop3A_494 : vector<16xf32>
        %parallel_loop3A_496 = arith.index_cast %parallel_loop3A_418 : i32 to index
        %parallel_loop3A_497 = arith.constant 96 : index
        %parallel_loop3A_498 = tpu.vector_load %arg14[%parallel_loop3A_496, %parallel_loop3A_497] {strides = array<i32>} : memref<16x768xf32, #tpu.memory_space<vmem>>, vector<16xf32>,
        tpu.vector_store %arg14[%parallel_loop3A_496, %parallel_loop3A_497], %parallel_loop3A_495 {strides = array<i32>} : memref<16x768xf32, #tpu.memory_space<vmem>>, vector<16xf32>,
        %parallel_loop3A_499 = arith.addf %parallel_loop3A_447, %parallel_loop3A_495 : vector<16xf32>
        %parallel_loop3A_500 = arith.mulf %parallel_loop3A_495, %parallel_loop3A_495 : vector<16xf32>
        %parallel_loop3A_501 = arith.addf %parallel_loop3A_451, %parallel_loop3A_500 : vector<16xf32>
        %parallel_loop3A_502 = arith.index_cast %parallel_loop3A_418 : i32 to index
        %parallel_loop3A_503 = arith.constant 112 : index
        %parallel_loop3A_504 = tpu.vector_load %arg12[%parallel_loop3A_502, %parallel_loop3A_503] {strides = array<i32>} : memref<16x768xf32, #tpu.memory_space<vmem>>, vector<16xf32>,
        %parallel_loop3A_505 = arith.index_cast %parallel_loop3A_418 : i32 to index
        %parallel_loop3A_506 = arith.constant 112 : index
        %parallel_loop3A_507 = tpu.vector_load %arg9[%parallel_loop3A_505, %parallel_loop3A_506] {strides = array<i32>} : memref<16x768xf32, #tpu.memory_space<vmem>>, vector<16xf32>,
        %parallel_loop3A_508 = arith.addf %parallel_loop3A_504, %parallel_loop3A_507 : vector<16xf32>
        %parallel_loop3A_509 = arith.index_cast %parallel_loop3A_418 : i32 to index
        %parallel_loop3A_510 = arith.constant 112 : index
        %parallel_loop3A_511 = tpu.vector_load %arg14[%parallel_loop3A_509, %parallel_loop3A_510] {strides = array<i32>} : memref<16x768xf32, #tpu.memory_space<vmem>>, vector<16xf32>,
        tpu.vector_store %arg14[%parallel_loop3A_509, %parallel_loop3A_510], %parallel_loop3A_508 {strides = array<i32>} : memref<16x768xf32, #tpu.memory_space<vmem>>, vector<16xf32>,
        %parallel_loop3A_512 = arith.addf %parallel_loop3A_458, %parallel_loop3A_508 : vector<16xf32>
        %parallel_loop3A_513 = arith.mulf %parallel_loop3A_508, %parallel_loop3A_508 : vector<16xf32>
        %parallel_loop3A_514 = arith.addf %parallel_loop3A_462, %parallel_loop3A_513 : vector<16xf32>
        %parallel_loop3A_515 = arith.index_cast %parallel_loop3A_418 : i32 to index
        %parallel_loop3A_516 = arith.constant 128 : index
        %parallel_loop3A_517 = tpu.vector_load %arg12[%parallel_loop3A_515, %parallel_loop3A_516] {strides = array<i32>} : memref<16x768xf32, #tpu.memory_space<vmem>>, vector<16xf32>,
        %parallel_loop3A_518 = arith.index_cast %parallel_loop3A_418 : i32 to index
        %parallel_loop3A_519 = arith.constant 128 : index
        %parallel_loop3A_520 = tpu.vector_load %arg9[%parallel_loop3A_518, %parallel_loop3A_519] {strides = array<i32>} : memref<16x768xf32, #tpu.memory_space<vmem>>, vector<16xf32>,
        %parallel_loop3A_521 = arith.addf %parallel_loop3A_517, %parallel_loop3A_520 : vector<16xf32>
        %parallel_loop3A_522 = arith.index_cast %parallel_loop3A_418 : i32 to index
        %parallel_loop3A_523 = arith.constant 128 : index
        %parallel_loop3A_524 = tpu.vector_load %arg14[%parallel_loop3A_522, %parallel_loop3A_523] {strides = array<i32>} : memref<16x768xf32, #tpu.memory_space<vmem>>, vector<16xf32>,
        tpu.vector_store %arg14[%parallel_loop3A_522, %parallel_loop3A_523], %parallel_loop3A_521 {strides = array<i32>} : memref<16x768xf32, #tpu.memory_space<vmem>>, vector<16xf32>,
        %parallel_loop3A_525 = arith.addf %parallel_loop3A_473, %parallel_loop3A_521 : vector<16xf32>
        %parallel_loop3A_526 = arith.mulf %parallel_loop3A_521, %parallel_loop3A_521 : vector<16xf32>
        %parallel_loop3A_527 = arith.addf %parallel_loop3A_475, %parallel_loop3A_526 : vector<16xf32>
        %parallel_loop3A_528 = arith.index_cast %parallel_loop3A_418 : i32 to index
        %parallel_loop3A_529 = arith.constant 144 : index
        %parallel_loop3A_530 = tpu.vector_load %arg12[%parallel_loop3A_528, %parallel_loop3A_529] {strides = array<i32>} : memref<16x768xf32, #tpu.memory_space<vmem>>, vector<16xf32>,
        %parallel_loop3A_531 = arith.index_cast %parallel_loop3A_418 : i32 to index
        %parallel_loop3A_532 = arith.constant 144 : index
        %parallel_loop3A_533 = tpu.vector_load %arg9[%parallel_loop3A_531, %parallel_loop3A_532] {strides = array<i32>} : memref<16x768xf32, #tpu.memory_space<vmem>>, vector<16xf32>,
        %parallel_loop3A_534 = arith.addf %parallel_loop3A_530, %parallel_loop3A_533 : vector<16xf32>
        %parallel_loop3A_535 = arith.index_cast %parallel_loop3A_418 : i32 to index
        %parallel_loop3A_536 = arith.constant 144 : index
        %parallel_loop3A_537 = tpu.vector_load %arg14[%parallel_loop3A_535, %parallel_loop3A_536] {strides = array<i32>} : memref<16x768xf32, #tpu.memory_space<vmem>>, vector<16xf32>,
        tpu.vector_store %arg14[%parallel_loop3A_535, %parallel_loop3A_536], %parallel_loop3A_534 {strides = array<i32>} : memref<16x768xf32, #tpu.memory_space<vmem>>, vector<16xf32>,
        %parallel_loop3A_538 = arith.addf %parallel_loop3A_486, %parallel_loop3A_534 : vector<16xf32>
        %parallel_loop3A_539 = arith.mulf %parallel_loop3A_534, %parallel_loop3A_534 : vector<16xf32>
        %parallel_loop3A_540 = arith.addf %parallel_loop3A_488, %parallel_loop3A_539 : vector<16xf32>
        %parallel_loop3A_541 = arith.index_cast %parallel_loop3A_418 : i32 to index
        %parallel_loop3A_542 = arith.constant 160 : index
        %parallel_loop3A_543 = tpu.vector_load %arg12[%parallel_loop3A_541, %parallel_loop3A_542] {strides = array<i32>} : memref<16x768xf32, #tpu.memory_space<vmem>>, vector<16xf32>,
        %parallel_loop3A_544 = arith.index_cast %parallel_loop3A_418 : i32 to index
        %parallel_loop3A_545 = arith.constant 160 : index
        %parallel_loop3A_546 = tpu.vector_load %arg9[%parallel_loop3A_544, %parallel_loop3A_545] {strides = array<i32>} : memref<16x768xf32, #tpu.memory_space<vmem>>, vector<16xf32>,
        %parallel_loop3A_547 = arith.addf %parallel_loop3A_543, %parallel_loop3A_546 : vector<16xf32>
        %parallel_loop3A_548 = arith.index_cast %parallel_loop3A_418 : i32 to index
        %parallel_loop3A_549 = arith.constant 160 : index
        %parallel_loop3A_550 = tpu.vector_load %arg14[%parallel_loop3A_548, %parallel_loop3A_549] {strides = array<i32>} : memref<16x768xf32, #tpu.memory_space<vmem>>, vector<16xf32>,
        tpu.vector_store %arg14[%parallel_loop3A_548, %parallel_loop3A_549], %parallel_loop3A_547 {strides = array<i32>} : memref<16x768xf32, #tpu.memory_space<vmem>>, vector<16xf32>,
        %parallel_loop3A_551 = arith.addf %parallel_loop3A_499, %parallel_loop3A_547 : vector<16xf32>
        %parallel_loop3A_552 = arith.mulf %parallel_loop3A_547, %parallel_loop3A_547 : vector<16xf32>
        %parallel_loop3A_553 = arith.addf %parallel_loop3A_501, %parallel_loop3A_552 : vector<16xf32>
        %parallel_loop3A_554 = arith.index_cast %parallel_loop3A_418 : i32 to index
        %parallel_loop3A_555 = arith.constant 176 : index
        %parallel_loop3A_556 = tpu.vector_load %arg12[%parallel_loop3A_554, %parallel_loop3A_555] {strides = array<i32>} : memref<16x768xf32, #tpu.memory_space<vmem>>, vector<16xf32>,
        %parallel_loop3A_557 = arith.index_cast %parallel_loop3A_418 : i32 to index
        %parallel_loop3A_558 = arith.constant 176 : index
        %parallel_loop3A_559 = tpu.vector_load %arg9[%parallel_loop3A_557, %parallel_loop3A_558] {strides = array<i32>} : memref<16x768xf32, #tpu.memory_space<vmem>>, vector<16xf32>,
        %parallel_loop3A_560 = arith.addf %parallel_loop3A_556, %parallel_loop3A_559 : vector<16xf32>
        %parallel_loop3A_561 = arith.index_cast %parallel_loop3A_418 : i32 to index
        %parallel_loop3A_562 = arith.constant 176 : index
        %parallel_loop3A_563 = tpu.vector_load %arg14[%parallel_loop3A_561, %parallel_loop3A_562] {strides = array<i32>} : memref<16x768xf32, #tpu.memory_space<vmem>>, vector<16xf32>,
        tpu.vector_store %arg14[%parallel_loop3A_561, %parallel_loop3A_562], %parallel_loop3A_560 {strides = array<i32>} : memref<16x768xf32, #tpu.memory_space<vmem>>, vector<16xf32>,
        %parallel_loop3A_564 = arith.addf %parallel_loop3A_512, %parallel_loop3A_560 : vector<16xf32>
        %parallel_loop3A_565 = arith.mulf %parallel_loop3A_560, %parallel_loop3A_560 : vector<16xf32>
        %parallel_loop3A_566 = arith.addf %parallel_loop3A_514, %parallel_loop3A_565 : vector<16xf32>
        %parallel_loop3A_567 = arith.index_cast %parallel_loop3A_418 : i32 to index
        %parallel_loop3A_568 = arith.constant 192 : index
        %parallel_loop3A_569 = tpu.vector_load %arg12[%parallel_loop3A_567, %parallel_loop3A_568] {strides = array<i32>} : memref<16x768xf32, #tpu.memory_space<vmem>>, vector<16xf32>,
        %parallel_loop3A_570 = arith.index_cast %parallel_loop3A_418 : i32 to index
        %parallel_loop3A_571 = arith.constant 192 : index
        %parallel_loop3A_572 = tpu.vector_load %arg9[%parallel_loop3A_570, %parallel_loop3A_571] {strides = array<i32>} : memref<16x768xf32, #tpu.memory_space<vmem>>, vector<16xf32>,
        %parallel_loop3A_573 = arith.addf %parallel_loop3A_569, %parallel_loop3A_572 : vector<16xf32>
        %parallel_loop3A_574 = arith.index_cast %parallel_loop3A_418 : i32 to index
        %parallel_loop3A_575 = arith.constant 192 : index
        %parallel_loop3A_576 = tpu.vector_load %arg14[%parallel_loop3A_574, %parallel_loop3A_575] {strides = array<i32>} : memref<16x768xf32, #tpu.memory_space<vmem>>, vector<16xf32>,
        tpu.vector_store %arg14[%parallel_loop3A_574, %parallel_loop3A_575], %parallel_loop3A_573 {strides = array<i32>} : memref<16x768xf32, #tpu.memory_space<vmem>>, vector<16xf32>,
        %parallel_loop3A_577 = arith.addf %parallel_loop3A_525, %parallel_loop3A_573 : vector<16xf32>
        %parallel_loop3A_578 = arith.mulf %parallel_loop3A_573, %parallel_loop3A_573 : vector<16xf32>
        %parallel_loop3A_579 = arith.addf %parallel_loop3A_527, %parallel_loop3A_578 : vector<16xf32>
        %parallel_loop3A_580 = arith.index_cast %parallel_loop3A_418 : i32 to index
        %parallel_loop3A_581 = arith.constant 208 : index
        %parallel_loop3A_582 = tpu.vector_load %arg12[%parallel_loop3A_580, %parallel_loop3A_581] {strides = array<i32>} : memref<16x768xf32, #tpu.memory_space<vmem>>, vector<16xf32>,
        %parallel_loop3A_583 = arith.index_cast %parallel_loop3A_418 : i32 to index
        %parallel_loop3A_584 = arith.constant 208 : index
        %parallel_loop3A_585 = tpu.vector_load %arg9[%parallel_loop3A_583, %parallel_loop3A_584] {strides = array<i32>} : memref<16x768xf32, #tpu.memory_space<vmem>>, vector<16xf32>,
        %parallel_loop3A_586 = arith.addf %parallel_loop3A_582, %parallel_loop3A_585 : vector<16xf32>
        %parallel_loop3A_587 = arith.index_cast %parallel_loop3A_418 : i32 to index
        %parallel_loop3A_588 = arith.constant 208 : index
        %parallel_loop3A_589 = tpu.vector_load %arg14[%parallel_loop3A_587, %parallel_loop3A_588] {strides = array<i32>} : memref<16x768xf32, #tpu.memory_space<vmem>>, vector<16xf32>,
        tpu.vector_store %arg14[%parallel_loop3A_587, %parallel_loop3A_588], %parallel_loop3A_586 {strides = array<i32>} : memref<16x768xf32, #tpu.memory_space<vmem>>, vector<16xf32>,
        %parallel_loop3A_590 = arith.addf %parallel_loop3A_538, %parallel_loop3A_586 : vector<16xf32>
        %parallel_loop3A_591 = arith.mulf %parallel_loop3A_586, %parallel_loop3A_586 : vector<16xf32>
        %parallel_loop3A_592 = arith.addf %parallel_loop3A_540, %parallel_loop3A_591 : vector<16xf32>
        %parallel_loop3A_593 = arith.index_cast %parallel_loop3A_418 : i32 to index
        %parallel_loop3A_594 = arith.constant 224 : index
        %parallel_loop3A_595 = tpu.vector_load %arg12[%parallel_loop3A_593, %parallel_loop3A_594] {strides = array<i32>} : memref<16x768xf32, #tpu.memory_space<vmem>>, vector<16xf32>,
        %parallel_loop3A_596 = arith.index_cast %parallel_loop3A_418 : i32 to index
        %parallel_loop3A_597 = arith.constant 224 : index
        %parallel_loop3A_598 = tpu.vector_load %arg9[%parallel_loop3A_596, %parallel_loop3A_597] {strides = array<i32>} : memref<16x768xf32, #tpu.memory_space<vmem>>, vector<16xf32>,
        %parallel_loop3A_599 = arith.addf %parallel_loop3A_595, %parallel_loop3A_598 : vector<16xf32>
        %parallel_loop3A_600 = arith.index_cast %parallel_loop3A_418 : i32 to index
        %parallel_loop3A_601 = arith.constant 224 : index
        %parallel_loop3A_602 = tpu.vector_load %arg14[%parallel_loop3A_600, %parallel_loop3A_601] {strides = array<i32>} : memref<16x768xf32, #tpu.memory_space<vmem>>, vector<16xf32>,
        tpu.vector_store %arg14[%parallel_loop3A_600, %parallel_loop3A_601], %parallel_loop3A_599 {strides = array<i32>} : memref<16x768xf32, #tpu.memory_space<vmem>>, vector<16xf32>,
        %parallel_loop3A_603 = arith.addf %parallel_loop3A_551, %parallel_loop3A_599 : vector<16xf32>
        %parallel_loop3A_604 = arith.mulf %parallel_loop3A_599, %parallel_loop3A_599 : vector<16xf32>
        %parallel_loop3A_605 = arith.addf %parallel_loop3A_553, %parallel_loop3A_604 : vector<16xf32>
        %parallel_loop3A_606 = arith.index_cast %parallel_loop3A_418 : i32 to index
        %parallel_loop3A_607 = arith.constant 240 : index
        %parallel_loop3A_608 = tpu.vector_load %arg12[%parallel_loop3A_606, %parallel_loop3A_607] {strides = array<i32>} : memref<16x768xf32, #tpu.memory_space<vmem>>, vector<16xf32>,
        %parallel_loop3A_609 = arith.index_cast %parallel_loop3A_418 : i32 to index
        %parallel_loop3A_610 = arith.constant 240 : index
        %parallel_loop3A_611 = tpu.vector_load %arg9[%parallel_loop3A_609, %parallel_loop3A_610] {strides = array<i32>} : memref<16x768xf32, #tpu.memory_space<vmem>>, vector<16xf32>,
        %parallel_loop3A_612 = arith.addf %parallel_loop3A_608, %parallel_loop3A_611 : vector<16xf32>
        %parallel_loop3A_613 = arith.index_cast %parallel_loop3A_418 : i32 to index
        %parallel_loop3A_614 = arith.constant 240 : index
        %parallel_loop3A_615 = tpu.vector_load %arg14[%parallel_loop3A_613, %parallel_loop3A_614] {strides = array<i32>} : memref<16x768xf32, #tpu.memory_space<vmem>>, vector<16xf32>,
        tpu.vector_store %arg14[%parallel_loop3A_613, %parallel_loop3A_614], %parallel_loop3A_612 {strides = array<i32>} : memref<16x768xf32, #tpu.memory_space<vmem>>, vector<16xf32>,
        %parallel_loop3A_616 = arith.addf %parallel_loop3A_564, %parallel_loop3A_612 : vector<16xf32>
        %parallel_loop3A_617 = arith.mulf %parallel_loop3A_612, %parallel_loop3A_612 : vector<16xf32>
        %parallel_loop3A_618 = arith.addf %parallel_loop3A_566, %parallel_loop3A_617 : vector<16xf32>
        %parallel_loop3A_619 = arith.index_cast %parallel_loop3A_418 : i32 to index
        %parallel_loop3A_620 = arith.constant 256 : index
        %parallel_loop3A_621 = tpu.vector_load %arg12[%parallel_loop3A_619, %parallel_loop3A_620] {strides = array<i32>} : memref<16x768xf32, #tpu.memory_space<vmem>>, vector<16xf32>,
        %parallel_loop3A_622 = arith.index_cast %parallel_loop3A_418 : i32 to index
        %parallel_loop3A_623 = arith.constant 256 : index
        %parallel_loop3A_624 = tpu.vector_load %arg9[%parallel_loop3A_622, %parallel_loop3A_623] {strides = array<i32>} : memref<16x768xf32, #tpu.memory_space<vmem>>, vector<16xf32>,
        %parallel_loop3A_625 = arith.addf %parallel_loop3A_621, %parallel_loop3A_624 : vector<16xf32>
        %parallel_loop3A_626 = arith.index_cast %parallel_loop3A_418 : i32 to index
        %parallel_loop3A_627 = arith.constant 256 : index
        %parallel_loop3A_628 = tpu.vector_load %arg14[%parallel_loop3A_626, %parallel_loop3A_627] {strides = array<i32>} : memref<16x768xf32, #tpu.memory_space<vmem>>, vector<16xf32>,
        tpu.vector_store %arg14[%parallel_loop3A_626, %parallel_loop3A_627], %parallel_loop3A_625 {strides = array<i32>} : memref<16x768xf32, #tpu.memory_space<vmem>>, vector<16xf32>,
        %parallel_loop3A_629 = arith.addf %parallel_loop3A_577, %parallel_loop3A_625 : vector<16xf32>
        %parallel_loop3A_630 = arith.mulf %parallel_loop3A_625, %parallel_loop3A_625 : vector<16xf32>
        %parallel_loop3A_631 = arith.addf %parallel_loop3A_579, %parallel_loop3A_630 : vector<16xf32>
        %parallel_loop3A_632 = arith.index_cast %parallel_loop3A_418 : i32 to index
        %parallel_loop3A_633 = arith.constant 272 : index
        %parallel_loop3A_634 = tpu.vector_load %arg12[%parallel_loop3A_632, %parallel_loop3A_633] {strides = array<i32>} : memref<16x768xf32, #tpu.memory_space<vmem>>, vector<16xf32>,
        %parallel_loop3A_635 = arith.index_cast %parallel_loop3A_418 : i32 to index
        %parallel_loop3A_636 = arith.constant 272 : index
        %parallel_loop3A_637 = tpu.vector_load %arg9[%parallel_loop3A_635, %parallel_loop3A_636] {strides = array<i32>} : memref<16x768xf32, #tpu.memory_space<vmem>>, vector<16xf32>,
        %parallel_loop3A_638 = arith.addf %parallel_loop3A_634, %parallel_loop3A_637 : vector<16xf32>
        %parallel_loop3A_639 = arith.index_cast %parallel_loop3A_418 : i32 to index
        %parallel_loop3A_640 = arith.constant 272 : index
        %parallel_loop3A_641 = tpu.vector_load %arg14[%parallel_loop3A_639, %parallel_loop3A_640] {strides = array<i32>} : memref<16x768xf32, #tpu.memory_space<vmem>>, vector<16xf32>,
        tpu.vector_store %arg14[%parallel_loop3A_639, %parallel_loop3A_640], %parallel_loop3A_638 {strides = array<i32>} : memref<16x768xf32, #tpu.memory_space<vmem>>, vector<16xf32>,
        %parallel_loop3A_642 = arith.addf %parallel_loop3A_590, %parallel_loop3A_638 : vector<16xf32>
        %parallel_loop3A_643 = arith.mulf %parallel_loop3A_638, %parallel_loop3A_638 : vector<16xf32>
        %parallel_loop3A_644 = arith.addf %parallel_loop3A_592, %parallel_loop3A_643 : vector<16xf32>
        %parallel_loop3A_645 = arith.index_cast %parallel_loop3A_418 : i32 to index
        %parallel_loop3A_646 = arith.constant 288 : index
        %parallel_loop3A_647 = tpu.vector_load %arg12[%parallel_loop3A_645, %parallel_loop3A_646] {strides = array<i32>} : memref<16x768xf32, #tpu.memory_space<vmem>>, vector<16xf32>,
        %parallel_loop3A_648 = arith.index_cast %parallel_loop3A_418 : i32 to index
        %parallel_loop3A_649 = arith.constant 288 : index
        %parallel_loop3A_650 = tpu.vector_load %arg9[%parallel_loop3A_648, %parallel_loop3A_649] {strides = array<i32>} : memref<16x768xf32, #tpu.memory_space<vmem>>, vector<16xf32>,
        %parallel_loop3A_651 = arith.addf %parallel_loop3A_647, %parallel_loop3A_650 : vector<16xf32>
        %parallel_loop3A_652 = arith.index_cast %parallel_loop3A_418 : i32 to index
        %parallel_loop3A_653 = arith.constant 288 : index
        %parallel_loop3A_654 = tpu.vector_load %arg14[%parallel_loop3A_652, %parallel_loop3A_653] {strides = array<i32>} : memref<16x768xf32, #tpu.memory_space<vmem>>, vector<16xf32>,
        tpu.vector_store %arg14[%parallel_loop3A_652, %parallel_loop3A_653], %parallel_loop3A_651 {strides = array<i32>} : memref<16x768xf32, #tpu.memory_space<vmem>>, vector<16xf32>,
        %parallel_loop3A_655 = arith.addf %parallel_loop3A_603, %parallel_loop3A_651 : vector<16xf32>
        %parallel_loop3A_656 = arith.mulf %parallel_loop3A_651, %parallel_loop3A_651 : vector<16xf32>
        %parallel_loop3A_657 = arith.addf %parallel_loop3A_605, %parallel_loop3A_656 : vector<16xf32>
        %parallel_loop3A_658 = arith.index_cast %parallel_loop3A_418 : i32 to index
        %parallel_loop3A_659 = arith.constant 304 : index
        %parallel_loop3A_660 = tpu.vector_load %arg12[%parallel_loop3A_658, %parallel_loop3A_659] {strides = array<i32>} : memref<16x768xf32, #tpu.memory_space<vmem>>, vector<16xf32>,
        %parallel_loop3A_661 = arith.index_cast %parallel_loop3A_418 : i32 to index
        %parallel_loop3A_662 = arith.constant 304 : index
        %parallel_loop3A_663 = tpu.vector_load %arg9[%parallel_loop3A_661, %parallel_loop3A_662] {strides = array<i32>} : memref<16x768xf32, #tpu.memory_space<vmem>>, vector<16xf32>,
        %parallel_loop3A_664 = arith.addf %parallel_loop3A_660, %parallel_loop3A_663 : vector<16xf32>
        %parallel_loop3A_665 = arith.index_cast %parallel_loop3A_418 : i32 to index
        %parallel_loop3A_666 = arith.constant 304 : index
        %parallel_loop3A_667 = tpu.vector_load %arg14[%parallel_loop3A_665, %parallel_loop3A_666] {strides = array<i32>} : memref<16x768xf32, #tpu.memory_space<vmem>>, vector<16xf32>,
        tpu.vector_store %arg14[%parallel_loop3A_665, %parallel_loop3A_666], %parallel_loop3A_664 {strides = array<i32>} : memref<16x768xf32, #tpu.memory_space<vmem>>, vector<16xf32>,
        %parallel_loop3A_668 = arith.addf %parallel_loop3A_616, %parallel_loop3A_664 : vector<16xf32>
        %parallel_loop3A_669 = arith.mulf %parallel_loop3A_664, %parallel_loop3A_664 : vector<16xf32>
        %parallel_loop3A_670 = arith.addf %parallel_loop3A_618, %parallel_loop3A_669 : vector<16xf32>
        %parallel_loop3A_671 = arith.index_cast %parallel_loop3A_418 : i32 to index
        %parallel_loop3A_672 = arith.constant 320 : index
        %parallel_loop3A_673 = tpu.vector_load %arg12[%parallel_loop3A_671, %parallel_loop3A_672] {strides = array<i32>} : memref<16x768xf32, #tpu.memory_space<vmem>>, vector<16xf32>,
        %parallel_loop3A_674 = arith.index_cast %parallel_loop3A_418 : i32 to index
        %parallel_loop3A_675 = arith.constant 320 : index
        %parallel_loop3A_676 = tpu.vector_load %arg9[%parallel_loop3A_674, %parallel_loop3A_675] {strides = array<i32>} : memref<16x768xf32, #tpu.memory_space<vmem>>, vector<16xf32>,
        %parallel_loop3A_677 = arith.addf %parallel_loop3A_673, %parallel_loop3A_676 : vector<16xf32>
        %parallel_loop3A_678 = arith.index_cast %parallel_loop3A_418 : i32 to index
        %parallel_loop3A_679 = arith.constant 320 : index
        %parallel_loop3A_680 = tpu.vector_load %arg14[%parallel_loop3A_678, %parallel_loop3A_679] {strides = array<i32>} : memref<16x768xf32, #tpu.memory_space<vmem>>, vector<16xf32>,
        tpu.vector_store %arg14[%parallel_loop3A_678, %parallel_loop3A_679], %parallel_loop3A_677 {strides = array<i32>} : memref<16x768xf32, #tpu.memory_space<vmem>>, vector<16xf32>,
        %parallel_loop3A_681 = arith.addf %parallel_loop3A_629, %parallel_loop3A_677 : vector<16xf32>
        %parallel_loop3A_682 = arith.mulf %parallel_loop3A_677, %parallel_loop3A_677 : vector<16xf32>
        %parallel_loop3A_683 = arith.addf %parallel_loop3A_631, %parallel_loop3A_682 : vector<16xf32>
        %parallel_loop3A_684 = arith.index_cast %parallel_loop3A_418 : i32 to index
        %parallel_loop3A_685 = arith.constant 336 : index
        %parallel_loop3A_686 = tpu.vector_load %arg12[%parallel_loop3A_684, %parallel_loop3A_685] {strides = array<i32>} : memref<16x768xf32, #tpu.memory_space<vmem>>, vector<16xf32>,
        %parallel_loop3A_687 = arith.index_cast %parallel_loop3A_418 : i32 to index
        %parallel_loop3A_688 = arith.constant 336 : index
        %parallel_loop3A_689 = tpu.vector_load %arg9[%parallel_loop3A_687, %parallel_loop3A_688] {strides = array<i32>} : memref<16x768xf32, #tpu.memory_space<vmem>>, vector<16xf32>,
        %parallel_loop3A_690 = arith.addf %parallel_loop3A_686, %parallel_loop3A_689 : vector<16xf32>
        %parallel_loop3A_691 = arith.index_cast %parallel_loop3A_418 : i32 to index
        %parallel_loop3A_692 = arith.constant 336 : index
        %parallel_loop3A_693 = tpu.vector_load %arg14[%parallel_loop3A_691, %parallel_loop3A_692] {strides = array<i32>} : memref<16x768xf32, #tpu.memory_space<vmem>>, vector<16xf32>,
        tpu.vector_store %arg14[%parallel_loop3A_691, %parallel_loop3A_692], %parallel_loop3A_690 {strides = array<i32>} : memref<16x768xf32, #tpu.memory_space<vmem>>, vector<16xf32>,
        %parallel_loop3A_694 = arith.addf %parallel_loop3A_642, %parallel_loop3A_690 : vector<16xf32>
        %parallel_loop3A_695 = arith.mulf %parallel_loop3A_690, %parallel_loop3A_690 : vector<16xf32>
        %parallel_loop3A_696 = arith.addf %parallel_loop3A_644, %parallel_loop3A_695 : vector<16xf32>
        %parallel_loop3A_697 = arith.index_cast %parallel_loop3A_418 : i32 to index
        %parallel_loop3A_698 = arith.constant 352 : index
        %parallel_loop3A_699 = tpu.vector_load %arg12[%parallel_loop3A_697, %parallel_loop3A_698] {strides = array<i32>} : memref<16x768xf32, #tpu.memory_space<vmem>>, vector<16xf32>,
        %parallel_loop3A_700 = arith.index_cast %parallel_loop3A_418 : i32 to index
        %parallel_loop3A_701 = arith.constant 352 : index
        %parallel_loop3A_702 = tpu.vector_load %arg9[%parallel_loop3A_700, %parallel_loop3A_701] {strides = array<i32>} : memref<16x768xf32, #tpu.memory_space<vmem>>, vector<16xf32>,
        %parallel_loop3A_703 = arith.addf %parallel_loop3A_699, %parallel_loop3A_702 : vector<16xf32>
        %parallel_loop3A_704 = arith.index_cast %parallel_loop3A_418 : i32 to index
        %parallel_loop3A_705 = arith.constant 352 : index
        %parallel_loop3A_706 = tpu.vector_load %arg14[%parallel_loop3A_704, %parallel_loop3A_705] {strides = array<i32>} : memref<16x768xf32, #tpu.memory_space<vmem>>, vector<16xf32>,
        tpu.vector_store %arg14[%parallel_loop3A_704, %parallel_loop3A_705], %parallel_loop3A_703 {strides = array<i32>} : memref<16x768xf32, #tpu.memory_space<vmem>>, vector<16xf32>,
        %parallel_loop3A_707 = arith.addf %parallel_loop3A_655, %parallel_loop3A_703 : vector<16xf32>
        %parallel_loop3A_708 = arith.mulf %parallel_loop3A_703, %parallel_loop3A_703 : vector<16xf32>
        %parallel_loop3A_709 = arith.addf %parallel_loop3A_657, %parallel_loop3A_708 : vector<16xf32>
        %parallel_loop3A_710 = arith.index_cast %parallel_loop3A_418 : i32 to index
        %parallel_loop3A_711 = arith.constant 368 : index
        %parallel_loop3A_712 = tpu.vector_load %arg12[%parallel_loop3A_710, %parallel_loop3A_711] {strides = array<i32>} : memref<16x768xf32, #tpu.memory_space<vmem>>, vector<16xf32>,
        %parallel_loop3A_713 = arith.index_cast %parallel_loop3A_418 : i32 to index
        %parallel_loop3A_714 = arith.constant 368 : index
        %parallel_loop3A_715 = tpu.vector_load %arg9[%parallel_loop3A_713, %parallel_loop3A_714] {strides = array<i32>} : memref<16x768xf32, #tpu.memory_space<vmem>>, vector<16xf32>,
        %parallel_loop3A_716 = arith.addf %parallel_loop3A_712, %parallel_loop3A_715 : vector<16xf32>
        %parallel_loop3A_717 = arith.index_cast %parallel_loop3A_418 : i32 to index
        %parallel_loop3A_718 = arith.constant 368 : index
        %parallel_loop3A_719 = tpu.vector_load %arg14[%parallel_loop3A_717, %parallel_loop3A_718] {strides = array<i32>} : memref<16x768xf32, #tpu.memory_space<vmem>>, vector<16xf32>,
        tpu.vector_store %arg14[%parallel_loop3A_717, %parallel_loop3A_718], %parallel_loop3A_716 {strides = array<i32>} : memref<16x768xf32, #tpu.memory_space<vmem>>, vector<16xf32>,
        %parallel_loop3A_720 = arith.addf %parallel_loop3A_668, %parallel_loop3A_716 : vector<16xf32>
        %parallel_loop3A_721 = arith.mulf %parallel_loop3A_716, %parallel_loop3A_716 : vector<16xf32>
        %parallel_loop3A_722 = arith.addf %parallel_loop3A_670, %parallel_loop3A_721 : vector<16xf32>
        %parallel_loop3A_723 = arith.index_cast %parallel_loop3A_418 : i32 to index
        %parallel_loop3A_724 = arith.constant 384 : index
        %parallel_loop3A_725 = tpu.vector_load %arg12[%parallel_loop3A_723, %parallel_loop3A_724] {strides = array<i32>} : memref<16x768xf32, #tpu.memory_space<vmem>>, vector<16xf32>,
        %parallel_loop3A_726 = arith.index_cast %parallel_loop3A_418 : i32 to index
        %parallel_loop3A_727 = arith.constant 384 : index
        %parallel_loop3A_728 = tpu.vector_load %arg9[%parallel_loop3A_726, %parallel_loop3A_727] {strides = array<i32>} : memref<16x768xf32, #tpu.memory_space<vmem>>, vector<16xf32>,
        %parallel_loop3A_729 = arith.addf %parallel_loop3A_725, %parallel_loop3A_728 : vector<16xf32>
        %parallel_loop3A_730 = arith.index_cast %parallel_loop3A_418 : i32 to index
        %parallel_loop3A_731 = arith.constant 384 : index
        %parallel_loop3A_732 = tpu.vector_load %arg14[%parallel_loop3A_730, %parallel_loop3A_731] {strides = array<i32>} : memref<16x768xf32, #tpu.memory_space<vmem>>, vector<16xf32>,
        tpu.vector_store %arg14[%parallel_loop3A_730, %parallel_loop3A_731], %parallel_loop3A_729 {strides = array<i32>} : memref<16x768xf32, #tpu.memory_space<vmem>>, vector<16xf32>,
        %parallel_loop3A_733 = arith.addf %parallel_loop3A_681, %parallel_loop3A_729 : vector<16xf32>
        %parallel_loop3A_734 = arith.mulf %parallel_loop3A_729, %parallel_loop3A_729 : vector<16xf32>
        %parallel_loop3A_735 = arith.addf %parallel_loop3A_683, %parallel_loop3A_734 : vector<16xf32>
        %parallel_loop3A_736 = arith.index_cast %parallel_loop3A_418 : i32 to index
        %parallel_loop3A_737 = arith.constant 400 : index
        %parallel_loop3A_738 = tpu.vector_load %arg12[%parallel_loop3A_736, %parallel_loop3A_737] {strides = array<i32>} : memref<16x768xf32, #tpu.memory_space<vmem>>, vector<16xf32>,
        %parallel_loop3A_739 = arith.index_cast %parallel_loop3A_418 : i32 to index
        %parallel_loop3A_740 = arith.constant 400 : index
        %parallel_loop3A_741 = tpu.vector_load %arg9[%parallel_loop3A_739, %parallel_loop3A_740] {strides = array<i32>} : memref<16x768xf32, #tpu.memory_space<vmem>>, vector<16xf32>,
        %parallel_loop3A_742 = arith.addf %parallel_loop3A_738, %parallel_loop3A_741 : vector<16xf32>
        %parallel_loop3A_743 = arith.index_cast %parallel_loop3A_418 : i32 to index
        %parallel_loop3A_744 = arith.constant 400 : index
        %parallel_loop3A_745 = tpu.vector_load %arg14[%parallel_loop3A_743, %parallel_loop3A_744] {strides = array<i32>} : memref<16x768xf32, #tpu.memory_space<vmem>>, vector<16xf32>,
        tpu.vector_store %arg14[%parallel_loop3A_743, %parallel_loop3A_744], %parallel_loop3A_742 {strides = array<i32>} : memref<16x768xf32, #tpu.memory_space<vmem>>, vector<16xf32>,
        %parallel_loop3A_746 = arith.addf %parallel_loop3A_694, %parallel_loop3A_742 : vector<16xf32>
        %parallel_loop3A_747 = arith.mulf %parallel_loop3A_742, %parallel_loop3A_742 : vector<16xf32>
        %parallel_loop3A_748 = arith.addf %parallel_loop3A_696, %parallel_loop3A_747 : vector<16xf32>
        %parallel_loop3A_749 = arith.index_cast %parallel_loop3A_418 : i32 to index
        %parallel_loop3A_750 = arith.constant 416 : index
        %parallel_loop3A_751 = tpu.vector_load %arg12[%parallel_loop3A_749, %parallel_loop3A_750] {strides = array<i32>} : memref<16x768xf32, #tpu.memory_space<vmem>>, vector<16xf32>,
        %parallel_loop3A_752 = arith.index_cast %parallel_loop3A_418 : i32 to index
        %parallel_loop3A_753 = arith.constant 416 : index
        %parallel_loop3A_754 = tpu.vector_load %arg9[%parallel_loop3A_752, %parallel_loop3A_753] {strides = array<i32>} : memref<16x768xf32, #tpu.memory_space<vmem>>, vector<16xf32>,
        %parallel_loop3A_755 = arith.addf %parallel_loop3A_751, %parallel_loop3A_754 : vector<16xf32>
        %parallel_loop3A_756 = arith.index_cast %parallel_loop3A_418 : i32 to index
        %parallel_loop3A_757 = arith.constant 416 : index
        %parallel_loop3A_758 = tpu.vector_load %arg14[%parallel_loop3A_756, %parallel_loop3A_757] {strides = array<i32>} : memref<16x768xf32, #tpu.memory_space<vmem>>, vector<16xf32>,
        tpu.vector_store %arg14[%parallel_loop3A_756, %parallel_loop3A_757], %parallel_loop3A_755 {strides = array<i32>} : memref<16x768xf32, #tpu.memory_space<vmem>>, vector<16xf32>,
        %parallel_loop3A_759 = arith.addf %parallel_loop3A_707, %parallel_loop3A_755 : vector<16xf32>
        %parallel_loop3A_760 = arith.mulf %parallel_loop3A_755, %parallel_loop3A_755 : vector<16xf32>
        %parallel_loop3A_761 = arith.addf %parallel_loop3A_709, %parallel_loop3A_760 : vector<16xf32>
        %parallel_loop3A_762 = arith.index_cast %parallel_loop3A_418 : i32 to index
        %parallel_loop3A_763 = arith.constant 432 : index
        %parallel_loop3A_764 = tpu.vector_load %arg12[%parallel_loop3A_762, %parallel_loop3A_763] {strides = array<i32>} : memref<16x768xf32, #tpu.memory_space<vmem>>, vector<16xf32>,
        %parallel_loop3A_765 = arith.index_cast %parallel_loop3A_418 : i32 to index
        %parallel_loop3A_766 = arith.constant 432 : index
        %parallel_loop3A_767 = tpu.vector_load %arg9[%parallel_loop3A_765, %parallel_loop3A_766] {strides = array<i32>} : memref<16x768xf32, #tpu.memory_space<vmem>>, vector<16xf32>,
        %parallel_loop3A_768 = arith.addf %parallel_loop3A_764, %parallel_loop3A_767 : vector<16xf32>
        %parallel_loop3A_769 = arith.index_cast %parallel_loop3A_418 : i32 to index
        %parallel_loop3A_770 = arith.constant 432 : index
        %parallel_loop3A_771 = tpu.vector_load %arg14[%parallel_loop3A_769, %parallel_loop3A_770] {strides = array<i32>} : memref<16x768xf32, #tpu.memory_space<vmem>>, vector<16xf32>,
        tpu.vector_store %arg14[%parallel_loop3A_769, %parallel_loop3A_770], %parallel_loop3A_768 {strides = array<i32>} : memref<16x768xf32, #tpu.memory_space<vmem>>, vector<16xf32>,
        %parallel_loop3A_772 = arith.addf %parallel_loop3A_720, %parallel_loop3A_768 : vector<16xf32>
        %parallel_loop3A_773 = arith.mulf %parallel_loop3A_768, %parallel_loop3A_768 : vector<16xf32>
        %parallel_loop3A_774 = arith.addf %parallel_loop3A_722, %parallel_loop3A_773 : vector<16xf32>
        %parallel_loop3A_775 = arith.index_cast %parallel_loop3A_418 : i32 to index
        %parallel_loop3A_776 = arith.constant 448 : index
        %parallel_loop3A_777 = tpu.vector_load %arg12[%parallel_loop3A_775, %parallel_loop3A_776] {strides = array<i32>} : memref<16x768xf32, #tpu.memory_space<vmem>>, vector<16xf32>,
        %parallel_loop3A_778 = arith.index_cast %parallel_loop3A_418 : i32 to index
        %parallel_loop3A_779 = arith.constant 448 : index
        %parallel_loop3A_780 = tpu.vector_load %arg9[%parallel_loop3A_778, %parallel_loop3A_779] {strides = array<i32>} : memref<16x768xf32, #tpu.memory_space<vmem>>, vector<16xf32>,
        %parallel_loop3A_781 = arith.addf %parallel_loop3A_777, %parallel_loop3A_780 : vector<16xf32>
        %parallel_loop3A_782 = arith.index_cast %parallel_loop3A_418 : i32 to index
        %parallel_loop3A_783 = arith.constant 448 : index
        %parallel_loop3A_784 = tpu.vector_load %arg14[%parallel_loop3A_782, %parallel_loop3A_783] {strides = array<i32>} : memref<16x768xf32, #tpu.memory_space<vmem>>, vector<16xf32>,
        tpu.vector_store %arg14[%parallel_loop3A_782, %parallel_loop3A_783], %parallel_loop3A_781 {strides = array<i32>} : memref<16x768xf32, #tpu.memory_space<vmem>>, vector<16xf32>,
        %parallel_loop3A_785 = arith.addf %parallel_loop3A_733, %parallel_loop3A_781 : vector<16xf32>
        %parallel_loop3A_786 = arith.mulf %parallel_loop3A_781, %parallel_loop3A_781 : vector<16xf32>
        %parallel_loop3A_787 = arith.addf %parallel_loop3A_735, %parallel_loop3A_786 : vector<16xf32>
        %parallel_loop3A_788 = arith.index_cast %parallel_loop3A_418 : i32 to index
        %parallel_loop3A_789 = arith.constant 464 : index
        %parallel_loop3A_790 = tpu.vector_load %arg12[%parallel_loop3A_788, %parallel_loop3A_789] {strides = array<i32>} : memref<16x768xf32, #tpu.memory_space<vmem>>, vector<16xf32>,
        %parallel_loop3A_791 = arith.index_cast %parallel_loop3A_418 : i32 to index
        %parallel_loop3A_792 = arith.constant 464 : index
        %parallel_loop3A_793 = tpu.vector_load %arg9[%parallel_loop3A_791, %parallel_loop3A_792] {strides = array<i32>} : memref<16x768xf32, #tpu.memory_space<vmem>>, vector<16xf32>,
        %parallel_loop3A_794 = arith.addf %parallel_loop3A_790, %parallel_loop3A_793 : vector<16xf32>
        %parallel_loop3A_795 = arith.index_cast %parallel_loop3A_418 : i32 to index
        %parallel_loop3A_796 = arith.constant 464 : index
        %parallel_loop3A_797 = tpu.vector_load %arg14[%parallel_loop3A_795, %parallel_loop3A_796] {strides = array<i32>} : memref<16x768xf32, #tpu.memory_space<vmem>>, vector<16xf32>,
        tpu.vector_store %arg14[%parallel_loop3A_795, %parallel_loop3A_796], %parallel_loop3A_794 {strides = array<i32>} : memref<16x768xf32, #tpu.memory_space<vmem>>, vector<16xf32>,
        %parallel_loop3A_798 = arith.addf %parallel_loop3A_746, %parallel_loop3A_794 : vector<16xf32>
        %parallel_loop3A_799 = arith.mulf %parallel_loop3A_794, %parallel_loop3A_794 : vector<16xf32>
        %parallel_loop3A_800 = arith.addf %parallel_loop3A_748, %parallel_loop3A_799 : vector<16xf32>
        %parallel_loop3A_801 = arith.index_cast %parallel_loop3A_418 : i32 to index
        %parallel_loop3A_802 = arith.constant 480 : index
        %parallel_loop3A_803 = tpu.vector_load %arg12[%parallel_loop3A_801, %parallel_loop3A_802] {strides = array<i32>} : memref<16x768xf32, #tpu.memory_space<vmem>>, vector<16xf32>,
        %parallel_loop3A_804 = arith.index_cast %parallel_loop3A_418 : i32 to index
        %parallel_loop3A_805 = arith.constant 480 : index
        %parallel_loop3A_806 = tpu.vector_load %arg9[%parallel_loop3A_804, %parallel_loop3A_805] {strides = array<i32>} : memref<16x768xf32, #tpu.memory_space<vmem>>, vector<16xf32>,
        %parallel_loop3A_807 = arith.addf %parallel_loop3A_803, %parallel_loop3A_806 : vector<16xf32>
        %parallel_loop3A_808 = arith.index_cast %parallel_loop3A_418 : i32 to index
        %parallel_loop3A_809 = arith.constant 480 : index
        %parallel_loop3A_810 = tpu.vector_load %arg14[%parallel_loop3A_808, %parallel_loop3A_809] {strides = array<i32>} : memref<16x768xf32, #tpu.memory_space<vmem>>, vector<16xf32>,
        tpu.vector_store %arg14[%parallel_loop3A_808, %parallel_loop3A_809], %parallel_loop3A_807 {strides = array<i32>} : memref<16x768xf32, #tpu.memory_space<vmem>>, vector<16xf32>,
        %parallel_loop3A_811 = arith.addf %parallel_loop3A_759, %parallel_loop3A_807 : vector<16xf32>
        %parallel_loop3A_812 = arith.mulf %parallel_loop3A_807, %parallel_loop3A_807 : vector<16xf32>
        %parallel_loop3A_813 = arith.addf %parallel_loop3A_761, %parallel_loop3A_812 : vector<16xf32>
        %parallel_loop3A_814 = arith.index_cast %parallel_loop3A_418 : i32 to index
        %parallel_loop3A_815 = arith.constant 496 : index
        %parallel_loop3A_816 = tpu.vector_load %arg12[%parallel_loop3A_814, %parallel_loop3A_815] {strides = array<i32>} : memref<16x768xf32, #tpu.memory_space<vmem>>, vector<16xf32>,
        %parallel_loop3A_817 = arith.index_cast %parallel_loop3A_418 : i32 to index
        %parallel_loop3A_818 = arith.constant 496 : index
        %parallel_loop3A_819 = tpu.vector_load %arg9[%parallel_loop3A_817, %parallel_loop3A_818] {strides = array<i32>} : memref<16x768xf32, #tpu.memory_space<vmem>>, vector<16xf32>,
        %parallel_loop3A_820 = arith.addf %parallel_loop3A_816, %parallel_loop3A_819 : vector<16xf32>
        %parallel_loop3A_821 = arith.index_cast %parallel_loop3A_418 : i32 to index
        %parallel_loop3A_822 = arith.constant 496 : index
        %parallel_loop3A_823 = tpu.vector_load %arg14[%parallel_loop3A_821, %parallel_loop3A_822] {strides = array<i32>} : memref<16x768xf32, #tpu.memory_space<vmem>>, vector<16xf32>,
        tpu.vector_store %arg14[%parallel_loop3A_821, %parallel_loop3A_822], %parallel_loop3A_820 {strides = array<i32>} : memref<16x768xf32, #tpu.memory_space<vmem>>, vector<16xf32>,
        %parallel_loop3A_824 = arith.addf %parallel_loop3A_772, %parallel_loop3A_820 : vector<16xf32>
        %parallel_loop3A_825 = arith.mulf %parallel_loop3A_820, %parallel_loop3A_820 : vector<16xf32>
        %parallel_loop3A_826 = arith.addf %parallel_loop3A_774, %parallel_loop3A_825 : vector<16xf32>
        %parallel_loop3A_827 = arith.index_cast %parallel_loop3A_418 : i32 to index
        %parallel_loop3A_828 = arith.constant 512 : index
        %parallel_loop3A_829 = tpu.vector_load %arg12[%parallel_loop3A_827, %parallel_loop3A_828] {strides = array<i32>} : memref<16x768xf32, #tpu.memory_space<vmem>>, vector<16xf32>,
        %parallel_loop3A_830 = arith.index_cast %parallel_loop3A_418 : i32 to index
        %parallel_loop3A_831 = arith.constant 512 : index
        %parallel_loop3A_832 = tpu.vector_load %arg9[%parallel_loop3A_830, %parallel_loop3A_831] {strides = array<i32>} : memref<16x768xf32, #tpu.memory_space<vmem>>, vector<16xf32>,
        %parallel_loop3A_833 = arith.addf %parallel_loop3A_829, %parallel_loop3A_832 : vector<16xf32>
        %parallel_loop3A_834 = arith.index_cast %parallel_loop3A_418 : i32 to index
        %parallel_loop3A_835 = arith.constant 512 : index
        %parallel_loop3A_836 = tpu.vector_load %arg14[%parallel_loop3A_834, %parallel_loop3A_835] {strides = array<i32>} : memref<16x768xf32, #tpu.memory_space<vmem>>, vector<16xf32>,
        tpu.vector_store %arg14[%parallel_loop3A_834, %parallel_loop3A_835], %parallel_loop3A_833 {strides = array<i32>} : memref<16x768xf32, #tpu.memory_space<vmem>>, vector<16xf32>,
        %parallel_loop3A_837 = arith.addf %parallel_loop3A_785, %parallel_loop3A_833 : vector<16xf32>
        %parallel_loop3A_838 = arith.mulf %parallel_loop3A_833, %parallel_loop3A_833 : vector<16xf32>
        %parallel_loop3A_839 = arith.addf %parallel_loop3A_787, %parallel_loop3A_838 : vector<16xf32>
        %parallel_loop3A_840 = arith.index_cast %parallel_loop3A_418 : i32 to index
        %parallel_loop3A_841 = arith.constant 528 : index
        %parallel_loop3A_842 = tpu.vector_load %arg12[%parallel_loop3A_840, %parallel_loop3A_841] {strides = array<i32>} : memref<16x768xf32, #tpu.memory_space<vmem>>, vector<16xf32>,
        %parallel_loop3A_843 = arith.index_cast %parallel_loop3A_418 : i32 to index
        %parallel_loop3A_844 = arith.constant 528 : index
        %parallel_loop3A_845 = tpu.vector_load %arg9[%parallel_loop3A_843, %parallel_loop3A_844] {strides = array<i32>} : memref<16x768xf32, #tpu.memory_space<vmem>>, vector<16xf32>,
        %parallel_loop3A_846 = arith.addf %parallel_loop3A_842, %parallel_loop3A_845 : vector<16xf32>
        %parallel_loop3A_847 = arith.index_cast %parallel_loop3A_418 : i32 to index
        %parallel_loop3A_848 = arith.constant 528 : index
        %parallel_loop3A_849 = tpu.vector_load %arg14[%parallel_loop3A_847, %parallel_loop3A_848] {strides = array<i32>} : memref<16x768xf32, #tpu.memory_space<vmem>>, vector<16xf32>,
        tpu.vector_store %arg14[%parallel_loop3A_847, %parallel_loop3A_848], %parallel_loop3A_846 {strides = array<i32>} : memref<16x768xf32, #tpu.memory_space<vmem>>, vector<16xf32>,
        %parallel_loop3A_850 = arith.addf %parallel_loop3A_798, %parallel_loop3A_846 : vector<16xf32>
        %parallel_loop3A_851 = arith.mulf %parallel_loop3A_846, %parallel_loop3A_846 : vector<16xf32>
        %parallel_loop3A_852 = arith.addf %parallel_loop3A_800, %parallel_loop3A_851 : vector<16xf32>
        %parallel_loop3A_853 = arith.index_cast %parallel_loop3A_418 : i32 to index
        %parallel_loop3A_854 = arith.constant 544 : index
        %parallel_loop3A_855 = tpu.vector_load %arg12[%parallel_loop3A_853, %parallel_loop3A_854] {strides = array<i32>} : memref<16x768xf32, #tpu.memory_space<vmem>>, vector<16xf32>,
        %parallel_loop3A_856 = arith.index_cast %parallel_loop3A_418 : i32 to index
        %parallel_loop3A_857 = arith.constant 544 : index
        %parallel_loop3A_858 = tpu.vector_load %arg9[%parallel_loop3A_856, %parallel_loop3A_857] {strides = array<i32>} : memref<16x768xf32, #tpu.memory_space<vmem>>, vector<16xf32>,
        %parallel_loop3A_859 = arith.addf %parallel_loop3A_855, %parallel_loop3A_858 : vector<16xf32>
        %parallel_loop3A_860 = arith.index_cast %parallel_loop3A_418 : i32 to index
        %parallel_loop3A_861 = arith.constant 544 : index
        %parallel_loop3A_862 = tpu.vector_load %arg14[%parallel_loop3A_860, %parallel_loop3A_861] {strides = array<i32>} : memref<16x768xf32, #tpu.memory_space<vmem>>, vector<16xf32>,
        tpu.vector_store %arg14[%parallel_loop3A_860, %parallel_loop3A_861], %parallel_loop3A_859 {strides = array<i32>} : memref<16x768xf32, #tpu.memory_space<vmem>>, vector<16xf32>,
        %parallel_loop3A_863 = arith.addf %parallel_loop3A_811, %parallel_loop3A_859 : vector<16xf32>
        %parallel_loop3A_864 = arith.mulf %parallel_loop3A_859, %parallel_loop3A_859 : vector<16xf32>
        %parallel_loop3A_865 = arith.addf %parallel_loop3A_813, %parallel_loop3A_864 : vector<16xf32>
        %parallel_loop3A_866 = arith.index_cast %parallel_loop3A_418 : i32 to index
        %parallel_loop3A_867 = arith.constant 560 : index
        %parallel_loop3A_868 = tpu.vector_load %arg12[%parallel_loop3A_866, %parallel_loop3A_867] {strides = array<i32>} : memref<16x768xf32, #tpu.memory_space<vmem>>, vector<16xf32>,
        %parallel_loop3A_869 = arith.index_cast %parallel_loop3A_418 : i32 to index
        %parallel_loop3A_870 = arith.constant 560 : index
        %parallel_loop3A_871 = tpu.vector_load %arg9[%parallel_loop3A_869, %parallel_loop3A_870] {strides = array<i32>} : memref<16x768xf32, #tpu.memory_space<vmem>>, vector<16xf32>,
        %parallel_loop3A_872 = arith.addf %parallel_loop3A_868, %parallel_loop3A_871 : vector<16xf32>
        %parallel_loop3A_873 = arith.index_cast %parallel_loop3A_418 : i32 to index
        %parallel_loop3A_874 = arith.constant 560 : index
        %parallel_loop3A_875 = tpu.vector_load %arg14[%parallel_loop3A_873, %parallel_loop3A_874] {strides = array<i32>} : memref<16x768xf32, #tpu.memory_space<vmem>>, vector<16xf32>,
        tpu.vector_store %arg14[%parallel_loop3A_873, %parallel_loop3A_874], %parallel_loop3A_872 {strides = array<i32>} : memref<16x768xf32, #tpu.memory_space<vmem>>, vector<16xf32>,
        %parallel_loop3A_876 = arith.addf %parallel_loop3A_824, %parallel_loop3A_872 : vector<16xf32>
        %parallel_loop3A_877 = arith.mulf %parallel_loop3A_872, %parallel_loop3A_872 : vector<16xf32>
        %parallel_loop3A_878 = arith.addf %parallel_loop3A_826, %parallel_loop3A_877 : vector<16xf32>
        %parallel_loop3A_879 = arith.index_cast %parallel_loop3A_418 : i32 to index
        %parallel_loop3A_880 = arith.constant 576 : index
        %parallel_loop3A_881 = tpu.vector_load %arg12[%parallel_loop3A_879, %parallel_loop3A_880] {strides = array<i32>} : memref<16x768xf32, #tpu.memory_space<vmem>>, vector<16xf32>,
        %parallel_loop3A_882 = arith.index_cast %parallel_loop3A_418 : i32 to index
        %parallel_loop3A_883 = arith.constant 576 : index
        %parallel_loop3A_884 = tpu.vector_load %arg9[%parallel_loop3A_882, %parallel_loop3A_883] {strides = array<i32>} : memref<16x768xf32, #tpu.memory_space<vmem>>, vector<16xf32>,
        %parallel_loop3A_885 = arith.addf %parallel_loop3A_881, %parallel_loop3A_884 : vector<16xf32>
        %parallel_loop3A_886 = arith.index_cast %parallel_loop3A_418 : i32 to index
        %parallel_loop3A_887 = arith.constant 576 : index
        %parallel_loop3A_888 = tpu.vector_load %arg14[%parallel_loop3A_886, %parallel_loop3A_887] {strides = array<i32>} : memref<16x768xf32, #tpu.memory_space<vmem>>, vector<16xf32>,
        tpu.vector_store %arg14[%parallel_loop3A_886, %parallel_loop3A_887], %parallel_loop3A_885 {strides = array<i32>} : memref<16x768xf32, #tpu.memory_space<vmem>>, vector<16xf32>,
        %parallel_loop3A_889 = arith.addf %parallel_loop3A_837, %parallel_loop3A_885 : vector<16xf32>
        %parallel_loop3A_890 = arith.mulf %parallel_loop3A_885, %parallel_loop3A_885 : vector<16xf32>
        %parallel_loop3A_891 = arith.addf %parallel_loop3A_839, %parallel_loop3A_890 : vector<16xf32>
        %parallel_loop3A_892 = arith.index_cast %parallel_loop3A_418 : i32 to index
        %parallel_loop3A_893 = arith.constant 592 : index
        %parallel_loop3A_894 = tpu.vector_load %arg12[%parallel_loop3A_892, %parallel_loop3A_893] {strides = array<i32>} : memref<16x768xf32, #tpu.memory_space<vmem>>, vector<16xf32>,
        %parallel_loop3A_895 = arith.index_cast %parallel_loop3A_418 : i32 to index
        %parallel_loop3A_896 = arith.constant 592 : index
        %parallel_loop3A_897 = tpu.vector_load %arg9[%parallel_loop3A_895, %parallel_loop3A_896] {strides = array<i32>} : memref<16x768xf32, #tpu.memory_space<vmem>>, vector<16xf32>,
        %parallel_loop3A_898 = arith.addf %parallel_loop3A_894, %parallel_loop3A_897 : vector<16xf32>
        %parallel_loop3A_899 = arith.index_cast %parallel_loop3A_418 : i32 to index
        %parallel_loop3A_900 = arith.constant 592 : index
        %parallel_loop3A_901 = tpu.vector_load %arg14[%parallel_loop3A_899, %parallel_loop3A_900] {strides = array<i32>} : memref<16x768xf32, #tpu.memory_space<vmem>>, vector<16xf32>,
        tpu.vector_store %arg14[%parallel_loop3A_899, %parallel_loop3A_900], %parallel_loop3A_898 {strides = array<i32>} : memref<16x768xf32, #tpu.memory_space<vmem>>, vector<16xf32>,
        %parallel_loop3A_902 = arith.addf %parallel_loop3A_850, %parallel_loop3A_898 : vector<16xf32>
        %parallel_loop3A_903 = arith.mulf %parallel_loop3A_898, %parallel_loop3A_898 : vector<16xf32>
        %parallel_loop3A_904 = arith.addf %parallel_loop3A_852, %parallel_loop3A_903 : vector<16xf32>
        %parallel_loop3A_905 = arith.index_cast %parallel_loop3A_418 : i32 to index
        %parallel_loop3A_906 = arith.constant 608 : index
        %parallel_loop3A_907 = tpu.vector_load %arg12[%parallel_loop3A_905, %parallel_loop3A_906] {strides = array<i32>} : memref<16x768xf32, #tpu.memory_space<vmem>>, vector<16xf32>,
        %parallel_loop3A_908 = arith.index_cast %parallel_loop3A_418 : i32 to index
        %parallel_loop3A_909 = arith.constant 608 : index
        %parallel_loop3A_910 = tpu.vector_load %arg9[%parallel_loop3A_908, %parallel_loop3A_909] {strides = array<i32>} : memref<16x768xf32, #tpu.memory_space<vmem>>, vector<16xf32>,
        %parallel_loop3A_911 = arith.addf %parallel_loop3A_907, %parallel_loop3A_910 : vector<16xf32>
        %parallel_loop3A_912 = arith.index_cast %parallel_loop3A_418 : i32 to index
        %parallel_loop3A_913 = arith.constant 608 : index
        %parallel_loop3A_914 = tpu.vector_load %arg14[%parallel_loop3A_912, %parallel_loop3A_913] {strides = array<i32>} : memref<16x768xf32, #tpu.memory_space<vmem>>, vector<16xf32>,
        tpu.vector_store %arg14[%parallel_loop3A_912, %parallel_loop3A_913], %parallel_loop3A_911 {strides = array<i32>} : memref<16x768xf32, #tpu.memory_space<vmem>>, vector<16xf32>,
        %parallel_loop3A_915 = arith.addf %parallel_loop3A_863, %parallel_loop3A_911 : vector<16xf32>
        %parallel_loop3A_916 = arith.mulf %parallel_loop3A_911, %parallel_loop3A_911 : vector<16xf32>
        %parallel_loop3A_917 = arith.addf %parallel_loop3A_865, %parallel_loop3A_916 : vector<16xf32>
        %parallel_loop3A_918 = arith.index_cast %parallel_loop3A_418 : i32 to index
        %parallel_loop3A_919 = arith.constant 624 : index
        %parallel_loop3A_920 = tpu.vector_load %arg12[%parallel_loop3A_918, %parallel_loop3A_919] {strides = array<i32>} : memref<16x768xf32, #tpu.memory_space<vmem>>, vector<16xf32>,
        %parallel_loop3A_921 = arith.index_cast %parallel_loop3A_418 : i32 to index
        %parallel_loop3A_922 = arith.constant 624 : index
        %parallel_loop3A_923 = tpu.vector_load %arg9[%parallel_loop3A_921, %parallel_loop3A_922] {strides = array<i32>} : memref<16x768xf32, #tpu.memory_space<vmem>>, vector<16xf32>,
        %parallel_loop3A_924 = arith.addf %parallel_loop3A_920, %parallel_loop3A_923 : vector<16xf32>
        %parallel_loop3A_925 = arith.index_cast %parallel_loop3A_418 : i32 to index
        %parallel_loop3A_926 = arith.constant 624 : index
        %parallel_loop3A_927 = tpu.vector_load %arg14[%parallel_loop3A_925, %parallel_loop3A_926] {strides = array<i32>} : memref<16x768xf32, #tpu.memory_space<vmem>>, vector<16xf32>,
        tpu.vector_store %arg14[%parallel_loop3A_925, %parallel_loop3A_926], %parallel_loop3A_924 {strides = array<i32>} : memref<16x768xf32, #tpu.memory_space<vmem>>, vector<16xf32>,
        %parallel_loop3A_928 = arith.addf %parallel_loop3A_876, %parallel_loop3A_924 : vector<16xf32>
        %parallel_loop3A_929 = arith.mulf %parallel_loop3A_924, %parallel_loop3A_924 : vector<16xf32>
        %parallel_loop3A_930 = arith.addf %parallel_loop3A_878, %parallel_loop3A_929 : vector<16xf32>
        %parallel_loop3A_931 = arith.index_cast %parallel_loop3A_418 : i32 to index
        %parallel_loop3A_932 = arith.constant 640 : index
        %parallel_loop3A_933 = tpu.vector_load %arg12[%parallel_loop3A_931, %parallel_loop3A_932] {strides = array<i32>} : memref<16x768xf32, #tpu.memory_space<vmem>>, vector<16xf32>,
        %parallel_loop3A_934 = arith.index_cast %parallel_loop3A_418 : i32 to index
        %parallel_loop3A_935 = arith.constant 640 : index
        %parallel_loop3A_936 = tpu.vector_load %arg9[%parallel_loop3A_934, %parallel_loop3A_935] {strides = array<i32>} : memref<16x768xf32, #tpu.memory_space<vmem>>, vector<16xf32>,
        %parallel_loop3A_937 = arith.addf %parallel_loop3A_933, %parallel_loop3A_936 : vector<16xf32>
        %parallel_loop3A_938 = arith.index_cast %parallel_loop3A_418 : i32 to index
        %parallel_loop3A_939 = arith.constant 640 : index
        %parallel_loop3A_940 = tpu.vector_load %arg14[%parallel_loop3A_938, %parallel_loop3A_939] {strides = array<i32>} : memref<16x768xf32, #tpu.memory_space<vmem>>, vector<16xf32>,
        tpu.vector_store %arg14[%parallel_loop3A_938, %parallel_loop3A_939], %parallel_loop3A_937 {strides = array<i32>} : memref<16x768xf32, #tpu.memory_space<vmem>>, vector<16xf32>,
        %parallel_loop3A_941 = arith.addf %parallel_loop3A_889, %parallel_loop3A_937 : vector<16xf32>
        %parallel_loop3A_942 = arith.mulf %parallel_loop3A_937, %parallel_loop3A_937 : vector<16xf32>
        %parallel_loop3A_943 = arith.addf %parallel_loop3A_891, %parallel_loop3A_942 : vector<16xf32>
        %parallel_loop3A_944 = arith.index_cast %parallel_loop3A_418 : i32 to index
        %parallel_loop3A_945 = arith.constant 656 : index
        %parallel_loop3A_946 = tpu.vector_load %arg12[%parallel_loop3A_944, %parallel_loop3A_945] {strides = array<i32>} : memref<16x768xf32, #tpu.memory_space<vmem>>, vector<16xf32>,
        %parallel_loop3A_947 = arith.index_cast %parallel_loop3A_418 : i32 to index
        %parallel_loop3A_948 = arith.constant 656 : index
        %parallel_loop3A_949 = tpu.vector_load %arg9[%parallel_loop3A_947, %parallel_loop3A_948] {strides = array<i32>} : memref<16x768xf32, #tpu.memory_space<vmem>>, vector<16xf32>,
        %parallel_loop3A_950 = arith.addf %parallel_loop3A_946, %parallel_loop3A_949 : vector<16xf32>
        %parallel_loop3A_951 = arith.index_cast %parallel_loop3A_418 : i32 to index
        %parallel_loop3A_952 = arith.constant 656 : index
        %parallel_loop3A_953 = tpu.vector_load %arg14[%parallel_loop3A_951, %parallel_loop3A_952] {strides = array<i32>} : memref<16x768xf32, #tpu.memory_space<vmem>>, vector<16xf32>,
        tpu.vector_store %arg14[%parallel_loop3A_951, %parallel_loop3A_952], %parallel_loop3A_950 {strides = array<i32>} : memref<16x768xf32, #tpu.memory_space<vmem>>, vector<16xf32>,
        %parallel_loop3A_954 = arith.addf %parallel_loop3A_902, %parallel_loop3A_950 : vector<16xf32>
        %parallel_loop3A_955 = arith.mulf %parallel_loop3A_950, %parallel_loop3A_950 : vector<16xf32>
        %parallel_loop3A_956 = arith.addf %parallel_loop3A_904, %parallel_loop3A_955 : vector<16xf32>
        %parallel_loop3A_957 = arith.index_cast %parallel_loop3A_418 : i32 to index
        %parallel_loop3A_958 = arith.constant 672 : index
        %parallel_loop3A_959 = tpu.vector_load %arg12[%parallel_loop3A_957, %parallel_loop3A_958] {strides = array<i32>} : memref<16x768xf32, #tpu.memory_space<vmem>>, vector<16xf32>,
        %parallel_loop3A_960 = arith.index_cast %parallel_loop3A_418 : i32 to index
        %parallel_loop3A_961 = arith.constant 672 : index
        %parallel_loop3A_962 = tpu.vector_load %arg9[%parallel_loop3A_960, %parallel_loop3A_961] {strides = array<i32>} : memref<16x768xf32, #tpu.memory_space<vmem>>, vector<16xf32>,
        %parallel_loop3A_963 = arith.addf %parallel_loop3A_959, %parallel_loop3A_962 : vector<16xf32>
        %parallel_loop3A_964 = arith.index_cast %parallel_loop3A_418 : i32 to index
        %parallel_loop3A_965 = arith.constant 672 : index
        %parallel_loop3A_966 = tpu.vector_load %arg14[%parallel_loop3A_964, %parallel_loop3A_965] {strides = array<i32>} : memref<16x768xf32, #tpu.memory_space<vmem>>, vector<16xf32>,
        tpu.vector_store %arg14[%parallel_loop3A_964, %parallel_loop3A_965], %parallel_loop3A_963 {strides = array<i32>} : memref<16x768xf32, #tpu.memory_space<vmem>>, vector<16xf32>,
        %parallel_loop3A_967 = arith.addf %parallel_loop3A_915, %parallel_loop3A_963 : vector<16xf32>
        %parallel_loop3A_968 = arith.mulf %parallel_loop3A_963, %parallel_loop3A_963 : vector<16xf32>
        %parallel_loop3A_969 = arith.addf %parallel_loop3A_917, %parallel_loop3A_968 : vector<16xf32>
        %parallel_loop3A_970 = arith.index_cast %parallel_loop3A_418 : i32 to index
        %parallel_loop3A_971 = arith.constant 688 : index
        %parallel_loop3A_972 = tpu.vector_load %arg12[%parallel_loop3A_970, %parallel_loop3A_971] {strides = array<i32>} : memref<16x768xf32, #tpu.memory_space<vmem>>, vector<16xf32>,
        %parallel_loop3A_973 = arith.index_cast %parallel_loop3A_418 : i32 to index
        %parallel_loop3A_974 = arith.constant 688 : index
        %parallel_loop3A_975 = tpu.vector_load %arg9[%parallel_loop3A_973, %parallel_loop3A_974] {strides = array<i32>} : memref<16x768xf32, #tpu.memory_space<vmem>>, vector<16xf32>,
        %parallel_loop3A_976 = arith.addf %parallel_loop3A_972, %parallel_loop3A_975 : vector<16xf32>
        %parallel_loop3A_977 = arith.index_cast %parallel_loop3A_418 : i32 to index
        %parallel_loop3A_978 = arith.constant 688 : index
        %parallel_loop3A_979 = tpu.vector_load %arg14[%parallel_loop3A_977, %parallel_loop3A_978] {strides = array<i32>} : memref<16x768xf32, #tpu.memory_space<vmem>>, vector<16xf32>,
        tpu.vector_store %arg14[%parallel_loop3A_977, %parallel_loop3A_978], %parallel_loop3A_976 {strides = array<i32>} : memref<16x768xf32, #tpu.memory_space<vmem>>, vector<16xf32>,
        %parallel_loop3A_980 = arith.addf %parallel_loop3A_928, %parallel_loop3A_976 : vector<16xf32>
        %parallel_loop3A_981 = arith.mulf %parallel_loop3A_976, %parallel_loop3A_976 : vector<16xf32>
        %parallel_loop3A_982 = arith.addf %parallel_loop3A_930, %parallel_loop3A_981 : vector<16xf32>
        %parallel_loop3A_983 = arith.index_cast %parallel_loop3A_418 : i32 to index
        %parallel_loop3A_984 = arith.constant 704 : index
        %parallel_loop3A_985 = tpu.vector_load %arg12[%parallel_loop3A_983, %parallel_loop3A_984] {strides = array<i32>} : memref<16x768xf32, #tpu.memory_space<vmem>>, vector<16xf32>,
        %parallel_loop3A_986 = arith.index_cast %parallel_loop3A_418 : i32 to index
        %parallel_loop3A_987 = arith.constant 704 : index
        %parallel_loop3A_988 = tpu.vector_load %arg9[%parallel_loop3A_986, %parallel_loop3A_987] {strides = array<i32>} : memref<16x768xf32, #tpu.memory_space<vmem>>, vector<16xf32>,
        %parallel_loop3A_989 = arith.addf %parallel_loop3A_985, %parallel_loop3A_988 : vector<16xf32>
        %parallel_loop3A_990 = arith.index_cast %parallel_loop3A_418 : i32 to index
        %parallel_loop3A_991 = arith.constant 704 : index
        %parallel_loop3A_992 = tpu.vector_load %arg14[%parallel_loop3A_990, %parallel_loop3A_991] {strides = array<i32>} : memref<16x768xf32, #tpu.memory_space<vmem>>, vector<16xf32>,
        tpu.vector_store %arg14[%parallel_loop3A_990, %parallel_loop3A_991], %parallel_loop3A_989 {strides = array<i32>} : memref<16x768xf32, #tpu.memory_space<vmem>>, vector<16xf32>,
        %parallel_loop3A_993 = arith.addf %parallel_loop3A_941, %parallel_loop3A_989 : vector<16xf32>
        %parallel_loop3A_994 = arith.mulf %parallel_loop3A_989, %parallel_loop3A_989 : vector<16xf32>
        %parallel_loop3A_995 = arith.addf %parallel_loop3A_943, %parallel_loop3A_994 : vector<16xf32>
        %parallel_loop3A_996 = arith.index_cast %parallel_loop3A_418 : i32 to index
        %parallel_loop3A_997 = arith.constant 720 : index
        %parallel_loop3A_998 = tpu.vector_load %arg12[%parallel_loop3A_996, %parallel_loop3A_997] {strides = array<i32>} : memref<16x768xf32, #tpu.memory_space<vmem>>, vector<16xf32>,
        %parallel_loop3A_999 = arith.index_cast %parallel_loop3A_418 : i32 to index
        %parallel_loop3A_1000 = arith.constant 720 : index
        %parallel_loop3A_1001 = tpu.vector_load %arg9[%parallel_loop3A_999, %parallel_loop3A_1000] {strides = array<i32>} : memref<16x768xf32, #tpu.memory_space<vmem>>, vector<16xf32>,
        %parallel_loop3A_1002 = arith.addf %parallel_loop3A_998, %parallel_loop3A_1001 : vector<16xf32>
        %parallel_loop3A_1003 = arith.index_cast %parallel_loop3A_418 : i32 to index
        %parallel_loop3A_1004 = arith.constant 720 : index
        %parallel_loop3A_1005 = tpu.vector_load %arg14[%parallel_loop3A_1003, %parallel_loop3A_1004] {strides = array<i32>} : memref<16x768xf32, #tpu.memory_space<vmem>>, vector<16xf32>,
        tpu.vector_store %arg14[%parallel_loop3A_1003, %parallel_loop3A_1004], %parallel_loop3A_1002 {strides = array<i32>} : memref<16x768xf32, #tpu.memory_space<vmem>>, vector<16xf32>,
        %parallel_loop3A_1006 = arith.addf %parallel_loop3A_954, %parallel_loop3A_1002 : vector<16xf32>
        %parallel_loop3A_1007 = arith.mulf %parallel_loop3A_1002, %parallel_loop3A_1002 : vector<16xf32>
        %parallel_loop3A_1008 = arith.addf %parallel_loop3A_956, %parallel_loop3A_1007 : vector<16xf32>
        %parallel_loop3A_1009 = arith.index_cast %parallel_loop3A_418 : i32 to index
        %parallel_loop3A_1010 = arith.constant 736 : index
        %parallel_loop3A_1011 = tpu.vector_load %arg12[%parallel_loop3A_1009, %parallel_loop3A_1010] {strides = array<i32>} : memref<16x768xf32, #tpu.memory_space<vmem>>, vector<16xf32>,
        %parallel_loop3A_1012 = arith.index_cast %parallel_loop3A_418 : i32 to index
        %parallel_loop3A_1013 = arith.constant 736 : index
        %parallel_loop3A_1014 = tpu.vector_load %arg9[%parallel_loop3A_1012, %parallel_loop3A_1013] {strides = array<i32>} : memref<16x768xf32, #tpu.memory_space<vmem>>, vector<16xf32>,
        %parallel_loop3A_1015 = arith.addf %parallel_loop3A_1011, %parallel_loop3A_1014 : vector<16xf32>
        %parallel_loop3A_1016 = arith.index_cast %parallel_loop3A_418 : i32 to index
        %parallel_loop3A_1017 = arith.constant 736 : index
        %parallel_loop3A_1018 = tpu.vector_load %arg14[%parallel_loop3A_1016, %parallel_loop3A_1017] {strides = array<i32>} : memref<16x768xf32, #tpu.memory_space<vmem>>, vector<16xf32>,
        tpu.vector_store %arg14[%parallel_loop3A_1016, %parallel_loop3A_1017], %parallel_loop3A_1015 {strides = array<i32>} : memref<16x768xf32, #tpu.memory_space<vmem>>, vector<16xf32>,
        %parallel_loop3A_1019 = arith.addf %parallel_loop3A_967, %parallel_loop3A_1015 : vector<16xf32>
        %parallel_loop3A_1020 = arith.mulf %parallel_loop3A_1015, %parallel_loop3A_1015 : vector<16xf32>
        %parallel_loop3A_1021 = arith.addf %parallel_loop3A_969, %parallel_loop3A_1020 : vector<16xf32>
        %parallel_loop3A_1022 = arith.index_cast %parallel_loop3A_418 : i32 to index
        %parallel_loop3A_1023 = arith.constant 752 : index
        %parallel_loop3A_1024 = tpu.vector_load %arg12[%parallel_loop3A_1022, %parallel_loop3A_1023] {strides = array<i32>} : memref<16x768xf32, #tpu.memory_space<vmem>>, vector<16xf32>,
        %parallel_loop3A_1025 = arith.index_cast %parallel_loop3A_418 : i32 to index
        %parallel_loop3A_1026 = arith.constant 752 : index
        %parallel_loop3A_1027 = tpu.vector_load %arg9[%parallel_loop3A_1025, %parallel_loop3A_1026] {strides = array<i32>} : memref<16x768xf32, #tpu.memory_space<vmem>>, vector<16xf32>,
        %parallel_loop3A_1028 = arith.addf %parallel_loop3A_1024, %parallel_loop3A_1027 : vector<16xf32>
        %parallel_loop3A_1029 = arith.index_cast %parallel_loop3A_418 : i32 to index
        %parallel_loop3A_1030 = arith.constant 752 : index
        %parallel_loop3A_1031 = tpu.vector_load %arg14[%parallel_loop3A_1029, %parallel_loop3A_1030] {strides = array<i32>} : memref<16x768xf32, #tpu.memory_space<vmem>>, vector<16xf32>,
        tpu.vector_store %arg14[%parallel_loop3A_1029, %parallel_loop3A_1030], %parallel_loop3A_1028 {strides = array<i32>} : memref<16x768xf32, #tpu.memory_space<vmem>>, vector<16xf32>,
        %parallel_loop3A_1032 = arith.addf %parallel_loop3A_980, %parallel_loop3A_1028 : vector<16xf32>
        %parallel_loop3A_1033 = arith.mulf %parallel_loop3A_1028, %parallel_loop3A_1028 : vector<16xf32>
        %parallel_loop3A_1034 = arith.addf %parallel_loop3A_982, %parallel_loop3A_1033 : vector<16xf32>
        %parallel_loop3A_1035 = arith.addf %parallel_loop3A_993, %parallel_loop3A_1006 : vector<16xf32>
        %parallel_loop3A_1036 = arith.addf %parallel_loop3A_1019, %parallel_loop3A_1032 : vector<16xf32>
        %parallel_loop3A_1037 = arith.addf %parallel_loop3A_1035, %parallel_loop3A_1036 : vector<16xf32>
        %parallel_loop3A_1038 = arith.constant true
        %parallel_loop3A_1039 = vector.broadcast %parallel_loop3A_1038 : i1 to vector<16xi1>
        %parallel_loop3A_1040 = tpu.scan <sum>, %parallel_loop3A_1037 masked %parallel_loop3A_1039 : vector<16xf32>, vector<16xi1> -> vector<16xf32>
        %parallel_loop3A_1041 = vector.extract %parallel_loop3A_1040[15] : f32 from vector<16xf32>
        %parallel_loop3A_1042 = arith.mulf %parallel_loop3A_1041, %scan3A_19 : f32
        %parallel_loop3A_1043 = arith.addf %parallel_loop3A_995, %parallel_loop3A_1008 : vector<16xf32>
        %parallel_loop3A_1044 = arith.addf %parallel_loop3A_1021, %parallel_loop3A_1034 : vector<16xf32>
        %parallel_loop3A_1045 = arith.addf %parallel_loop3A_1043, %parallel_loop3A_1044 : vector<16xf32>
        %parallel_loop3A_1046 = arith.constant true
        %parallel_loop3A_1047 = vector.broadcast %parallel_loop3A_1046 : i1 to vector<16xi1>
        %parallel_loop3A_1048 = tpu.scan <sum>, %parallel_loop3A_1045 masked %parallel_loop3A_1047 : vector<16xf32>, vector<16xi1> -> vector<16xf32>
        %parallel_loop3A_1049 = vector.extract %parallel_loop3A_1048[15] : f32 from vector<16xf32>
        %parallel_loop3A_1050 = arith.mulf %parallel_loop3A_1049, %scan3A_19 : f32
        %parallel_loop3A_1051 = arith.mulf %parallel_loop3A_1042, %parallel_loop3A_1042 : f32
        %parallel_loop3A_1052 = arith.subf %parallel_loop3A_1050, %parallel_loop3A_1051 : f32
        %parallel_loop3A_1053 = arith.constant 9.99999997E-7 : f32
        %parallel_loop3A_1054 = arith.addf %parallel_loop3A_1052, %parallel_loop3A_1053 : f32
        %parallel_loop3A_1055 = arith.bitcast %parallel_loop3A_1054 : f32 to i32
        %parallel_loop3A_1056 = arith.constant 1 : i32
        %parallel_loop3A_1057 = arith.shrsi %parallel_loop3A_1055, %parallel_loop3A_1056 : i32
        %parallel_loop3A_1058 = arith.constant 1597463007 : i32
        %parallel_loop3A_1059 = arith.subi %parallel_loop3A_1058, %parallel_loop3A_1057 : i32
        %parallel_loop3A_1060 = arith.bitcast %parallel_loop3A_1059 : i32 to f32
        %parallel_loop3A_1061 = arith.constant 5.000000e-01 : f32
        %parallel_loop3A_1062 = arith.mulf %parallel_loop3A_1061, %parallel_loop3A_1054 : f32
        %parallel_loop3A_1063 = arith.mulf %parallel_loop3A_1062, %parallel_loop3A_1060 : f32
        %parallel_loop3A_1064 = arith.mulf %parallel_loop3A_1063, %parallel_loop3A_1060 : f32
        %parallel_loop3A_1065 = arith.constant 1.500000e+00 : f32
        %parallel_loop3A_1066 = arith.subf %parallel_loop3A_1065, %parallel_loop3A_1064 : f32
        %parallel_loop3A_1067 = arith.mulf %parallel_loop3A_1060, %parallel_loop3A_1066 : f32
        %parallel_loop3A_1068 = arith.constant 5.000000e-01 : f32
        %parallel_loop3A_1069 = arith.mulf %parallel_loop3A_1068, %parallel_loop3A_1054 : f32
        %parallel_loop3A_1070 = arith.mulf %parallel_loop3A_1069, %parallel_loop3A_1067 : f32
        %parallel_loop3A_1071 = arith.mulf %parallel_loop3A_1070, %parallel_loop3A_1067 : f32
        %parallel_loop3A_1072 = arith.constant 1.500000e+00 : f32
        %parallel_loop3A_1073 = arith.subf %parallel_loop3A_1072, %parallel_loop3A_1071 : f32
        %parallel_loop3A_1074 = arith.mulf %parallel_loop3A_1067, %parallel_loop3A_1073 : f32
        %parallel_loop3A_1075 = arith.constant 5.000000e-01 : f32
        %parallel_loop3A_1076 = arith.mulf %parallel_loop3A_1075, %parallel_loop3A_1054 : f32
        %parallel_loop3A_1077 = arith.mulf %parallel_loop3A_1076, %parallel_loop3A_1074 : f32
        %parallel_loop3A_1078 = arith.mulf %parallel_loop3A_1077, %parallel_loop3A_1074 : f32
        %parallel_loop3A_1079 = arith.constant 1.500000e+00 : f32
        %parallel_loop3A_1080 = arith.subf %parallel_loop3A_1079, %parallel_loop3A_1078 : f32
        %parallel_loop3A_1081 = arith.mulf %parallel_loop3A_1074, %parallel_loop3A_1080 : f32
        %parallel_loop3A_1082 = arith.constant 0 : i32
        %parallel_loop3A_1083 = arith.index_cast %parallel_loop3A_1082 : i32 to index
        %parallel_loop3A_1084 = arith.index_cast %parallel_loop3A_418 : i32 to index
        %parallel_loop3A_1085 = memref.load %arg16[%parallel_loop3A_1083, %parallel_loop3A_1084] : memref<2x16xf32, #tpu.memory_space<smem>>
        memref.store %parallel_loop3A_1081, %arg16[%parallel_loop3A_1083, %parallel_loop3A_1084] : memref<2x16xf32, #tpu.memory_space<smem>>
        %parallel_loop3A_1086 = arith.mulf %parallel_loop3A_1042, %parallel_loop3A_1081 : f32
        %parallel_loop3A_1087 = arith.constant 0.000000e+00 : f32
        %parallel_loop3A_1088 = arith.subf %parallel_loop3A_1087, %parallel_loop3A_1086 : f32
        %parallel_loop3A_1089 = arith.constant 1 : i32
        %parallel_loop3A_1090 = arith.index_cast %parallel_loop3A_1089 : i32 to index
        %parallel_loop3A_1091 = arith.index_cast %parallel_loop3A_418 : i32 to index
        %parallel_loop3A_1092 = memref.load %arg16[%parallel_loop3A_1090, %parallel_loop3A_1091] : memref<2x16xf32, #tpu.memory_space<smem>>
        memref.store %parallel_loop3A_1088, %arg16[%parallel_loop3A_1090, %parallel_loop3A_1091] : memref<2x16xf32, #tpu.memory_space<smem>>
      } {sc.loop_unroll_factor = 1 : i64, sc.parallel_access}
      %lt3A = arith.constant 31 : i32
      %lt3A_54 = arith.cmpi slt, %scan3A_39, %lt3A : i32
      %convert_element_type3A_55 = arith.extui %lt3A_54 : i1 to i32
      %cond3A_56 = arith.constant 0 : i32
      %cond3A_57 = arith.cmpi ne, %convert_element_type3A_55, %cond3A_56 : i32
      scf.if %cond3A_57 {
        %add3A_418 = arith.constant 2 : i32
        %add3A_419 = arith.addi %add3A_43, %add3A_418 : i32
        %mul3A_420 = arith.constant 16 : i32
        %mul3A_421 = arith.muli %add3A_419, %mul3A_420 : i32
        %dma_start3A_422 = tpu.memref_slice %arg8[%mul3A_421] : memref<1024xi32, #tpu.memory_space<vmem>> -> memref<16xi32, #tpu.memory_space<vmem>>
        %dma_start3A_423 = arith.constant 0 : i32
        %dma_start3A_424 = arith.constant 0 : i32
        %dma_start3A_425 = tpu.memref_slice %arg3[%dma_start3A_423, %dma_start3A_424] : memref<30522x768xf32, #tpu.memory_space<hbm>> -> memref<30522x768xf32, #tpu.memory_space<hbm>>
        tpu.enqueue_indirect_dma source(%dma_start3A_425 : memref<30522x768xf32, #tpu.memory_space<hbm>>) target(%arg12 : memref<16x768xf32, #tpu.memory_space<vmem>>) offsets(%dma_start3A_422 : memref<16xi32, #tpu.memory_space<vmem>>) semaphore(%arg17 : memref<!tpu.dma_semaphore, #tpu.memory_space<semaphore_mem>>)
      } else {
      }
      %get3A = arith.constant 0 : i32
      %get3A_58 = arith.constant 0 : i32
      %get3A_59 = arith.index_cast %get3A : i32 to index
      %get3A_60 = arith.index_cast %get3A_58 : i32 to index
      %get3A_61 = memref.load %arg16[%get3A_59, %get3A_60] : memref<2x16xf32, #tpu.memory_space<smem>>
      %get3A_62 = arith.constant 0 : i32
      %get3A_63 = arith.constant 1 : i32
      %get3A_64 = arith.index_cast %get3A_62 : i32 to index
      %get3A_65 = arith.index_cast %get3A_63 : i32 to index
      %get3A_66 = memref.load %arg16[%get3A_64, %get3A_65] : memref<2x16xf32, #tpu.memory_space<smem>>
      %get3A_67 = arith.constant 0 : i32
      %get3A_68 = arith.constant 2 : i32
      %get3A_69 = arith.index_cast %get3A_67 : i32 to index
      %get3A_70 = arith.index_cast %get3A_68 : i32 to index
      %get3A_71 = memref.load %arg16[%get3A_69, %get3A_70] : memref<2x16xf32, #tpu.memory_space<smem>>
      %get3A_72 = arith.constant 0 : i32
      %get3A_73 = arith.constant 3 : i32
      %get3A_74 = arith.index_cast %get3A_72 : i32 to index
      %get3A_75 = arith.index_cast %get3A_73 : i32 to index
      %get3A_76 = memref.load %arg16[%get3A_74, %get3A_75] : memref<2x16xf32, #tpu.memory_space<smem>>
      %get3A_77 = arith.constant 0 : i32
      %get3A_78 = arith.constant 4 : i32
      %get3A_79 = arith.index_cast %get3A_77 : i32 to index
      %get3A_80 = arith.index_cast %get3A_78 : i32 to index
      %get3A_81 = memref.load %arg16[%get3A_79, %get3A_80] : memref<2x16xf32, #tpu.memory_space<smem>>
      %get3A_82 = arith.constant 0 : i32
      %get3A_83 = arith.constant 5 : i32
      %get3A_84 = arith.index_cast %get3A_82 : i32 to index
      %get3A_85 = arith.index_cast %get3A_83 : i32 to index
      %get3A_86 = memref.load %arg16[%get3A_84, %get3A_85] : memref<2x16xf32, #tpu.memory_space<smem>>
      %get3A_87 = arith.constant 0 : i32
      %get3A_88 = arith.constant 6 : i32
      %get3A_89 = arith.index_cast %get3A_87 : i32 to index
      %get3A_90 = arith.index_cast %get3A_88 : i32 to index
      %get3A_91 = memref.load %arg16[%get3A_89, %get3A_90] : memref<2x16xf32, #tpu.memory_space<smem>>
      %get3A_92 = arith.constant 0 : i32
      %get3A_93 = arith.constant 7 : i32
      %get3A_94 = arith.index_cast %get3A_92 : i32 to index
      %get3A_95 = arith.index_cast %get3A_93 : i32 to index
      %get3A_96 = memref.load %arg16[%get3A_94, %get3A_95] : memref<2x16xf32, #tpu.memory_space<smem>>
      %get3A_97 = arith.constant 0 : i32
      %get3A_98 = arith.constant 8 : i32
      %get3A_99 = arith.index_cast %get3A_97 : i32 to index
      %get3A_100 = arith.index_cast %get3A_98 : i32 to index
      %get3A_101 = memref.load %arg16[%get3A_99, %get3A_100] : memref<2x16xf32, #tpu.memory_space<smem>>
      %get3A_102 = arith.constant 0 : i32
      %get3A_103 = arith.constant 9 : i32
      %get3A_104 = arith.index_cast %get3A_102 : i32 to index
      %get3A_105 = arith.index_cast %get3A_103 : i32 to index
      %get3A_106 = memref.load %arg16[%get3A_104, %get3A_105] : memref<2x16xf32, #tpu.memory_space<smem>>
      %get3A_107 = arith.constant 0 : i32
      %get3A_108 = arith.constant 10 : i32
      %get3A_109 = arith.index_cast %get3A_107 : i32 to index
      %get3A_110 = arith.index_cast %get3A_108 : i32 to index
      %get3A_111 = memref.load %arg16[%get3A_109, %get3A_110] : memref<2x16xf32, #tpu.memory_space<smem>>
      %get3A_112 = arith.constant 0 : i32
      %get3A_113 = arith.constant 11 : i32
      %get3A_114 = arith.index_cast %get3A_112 : i32 to index
      %get3A_115 = arith.index_cast %get3A_113 : i32 to index
      %get3A_116 = memref.load %arg16[%get3A_114, %get3A_115] : memref<2x16xf32, #tpu.memory_space<smem>>
      %get3A_117 = arith.constant 0 : i32
      %get3A_118 = arith.constant 12 : i32
      %get3A_119 = arith.index_cast %get3A_117 : i32 to index
      %get3A_120 = arith.index_cast %get3A_118 : i32 to index
      %get3A_121 = memref.load %arg16[%get3A_119, %get3A_120] : memref<2x16xf32, #tpu.memory_space<smem>>
      %get3A_122 = arith.constant 0 : i32
      %get3A_123 = arith.constant 13 : i32
      %get3A_124 = arith.index_cast %get3A_122 : i32 to index
      %get3A_125 = arith.index_cast %get3A_123 : i32 to index
      %get3A_126 = memref.load %arg16[%get3A_124, %get3A_125] : memref<2x16xf32, #tpu.memory_space<smem>>
      %get3A_127 = arith.constant 0 : i32
      %get3A_128 = arith.constant 14 : i32
      %get3A_129 = arith.index_cast %get3A_127 : i32 to index
      %get3A_130 = arith.index_cast %get3A_128 : i32 to index
      %get3A_131 = memref.load %arg16[%get3A_129, %get3A_130] : memref<2x16xf32, #tpu.memory_space<smem>>
      %get3A_132 = arith.constant 0 : i32
      %get3A_133 = arith.constant 15 : i32
      %get3A_134 = arith.index_cast %get3A_132 : i32 to index
      %get3A_135 = arith.index_cast %get3A_133 : i32 to index
      %get3A_136 = memref.load %arg16[%get3A_134, %get3A_135] : memref<2x16xf32, #tpu.memory_space<smem>>
      %get3A_137 = arith.constant 1 : i32
      %get3A_138 = arith.constant 0 : i32
      %get3A_139 = arith.index_cast %get3A_137 : i32 to index
      %get3A_140 = arith.index_cast %get3A_138 : i32 to index
      %get3A_141 = memref.load %arg16[%get3A_139, %get3A_140] : memref<2x16xf32, #tpu.memory_space<smem>>
      %get3A_142 = arith.constant 1 : i32
      %get3A_143 = arith.constant 1 : i32
      %get3A_144 = arith.index_cast %get3A_142 : i32 to index
      %get3A_145 = arith.index_cast %get3A_143 : i32 to index
      %get3A_146 = memref.load %arg16[%get3A_144, %get3A_145] : memref<2x16xf32, #tpu.memory_space<smem>>
      %get3A_147 = arith.constant 1 : i32
      %get3A_148 = arith.constant 2 : i32
      %get3A_149 = arith.index_cast %get3A_147 : i32 to index
      %get3A_150 = arith.index_cast %get3A_148 : i32 to index
      %get3A_151 = memref.load %arg16[%get3A_149, %get3A_150] : memref<2x16xf32, #tpu.memory_space<smem>>
      %get3A_152 = arith.constant 1 : i32
      %get3A_153 = arith.constant 3 : i32
      %get3A_154 = arith.index_cast %get3A_152 : i32 to index
      %get3A_155 = arith.index_cast %get3A_153 : i32 to index
      %get3A_156 = memref.load %arg16[%get3A_154, %get3A_155] : memref<2x16xf32, #tpu.memory_space<smem>>
      %get3A_157 = arith.constant 1 : i32
      %get3A_158 = arith.constant 4 : i32
      %get3A_159 = arith.index_cast %get3A_157 : i32 to index
      %get3A_160 = arith.index_cast %get3A_158 : i32 to index
      %get3A_161 = memref.load %arg16[%get3A_159, %get3A_160] : memref<2x16xf32, #tpu.memory_space<smem>>
      %get3A_162 = arith.constant 1 : i32
      %get3A_163 = arith.constant 5 : i32
      %get3A_164 = arith.index_cast %get3A_162 : i32 to index
      %get3A_165 = arith.index_cast %get3A_163 : i32 to index
      %get3A_166 = memref.load %arg16[%get3A_164, %get3A_165] : memref<2x16xf32, #tpu.memory_space<smem>>
      %get3A_167 = arith.constant 1 : i32
      %get3A_168 = arith.constant 6 : i32
      %get3A_169 = arith.index_cast %get3A_167 : i32 to index
      %get3A_170 = arith.index_cast %get3A_168 : i32 to index
      %get3A_171 = memref.load %arg16[%get3A_169, %get3A_170] : memref<2x16xf32, #tpu.memory_space<smem>>
      %get3A_172 = arith.constant 1 : i32
      %get3A_173 = arith.constant 7 : i32
      %get3A_174 = arith.index_cast %get3A_172 : i32 to index
      %get3A_175 = arith.index_cast %get3A_173 : i32 to index
      %get3A_176 = memref.load %arg16[%get3A_174, %get3A_175] : memref<2x16xf32, #tpu.memory_space<smem>>
      %get3A_177 = arith.constant 1 : i32
      %get3A_178 = arith.constant 8 : i32
      %get3A_179 = arith.index_cast %get3A_177 : i32 to index
      %get3A_180 = arith.index_cast %get3A_178 : i32 to index
      %get3A_181 = memref.load %arg16[%get3A_179, %get3A_180] : memref<2x16xf32, #tpu.memory_space<smem>>
      %get3A_182 = arith.constant 1 : i32
      %get3A_183 = arith.constant 9 : i32
      %get3A_184 = arith.index_cast %get3A_182 : i32 to index
      %get3A_185 = arith.index_cast %get3A_183 : i32 to index
      %get3A_186 = memref.load %arg16[%get3A_184, %get3A_185] : memref<2x16xf32, #tpu.memory_space<smem>>
      %get3A_187 = arith.constant 1 : i32
      %get3A_188 = arith.constant 10 : i32
      %get3A_189 = arith.index_cast %get3A_187 : i32 to index
      %get3A_190 = arith.index_cast %get3A_188 : i32 to index
      %get3A_191 = memref.load %arg16[%get3A_189, %get3A_190] : memref<2x16xf32, #tpu.memory_space<smem>>
      %get3A_192 = arith.constant 1 : i32
      %get3A_193 = arith.constant 11 : i32
      %get3A_194 = arith.index_cast %get3A_192 : i32 to index
      %get3A_195 = arith.index_cast %get3A_193 : i32 to index
      %get3A_196 = memref.load %arg16[%get3A_194, %get3A_195] : memref<2x16xf32, #tpu.memory_space<smem>>
      %get3A_197 = arith.constant 1 : i32
      %get3A_198 = arith.constant 12 : i32
      %get3A_199 = arith.index_cast %get3A_197 : i32 to index
      %get3A_200 = arith.index_cast %get3A_198 : i32 to index
      %get3A_201 = memref.load %arg16[%get3A_199, %get3A_200] : memref<2x16xf32, #tpu.memory_space<smem>>
      %get3A_202 = arith.constant 1 : i32
      %get3A_203 = arith.constant 13 : i32
      %get3A_204 = arith.index_cast %get3A_202 : i32 to index
      %get3A_205 = arith.index_cast %get3A_203 : i32 to index
      %get3A_206 = memref.load %arg16[%get3A_204, %get3A_205] : memref<2x16xf32, #tpu.memory_space<smem>>
      %get3A_207 = arith.constant 1 : i32
      %get3A_208 = arith.constant 14 : i32
      %get3A_209 = arith.index_cast %get3A_207 : i32 to index
      %get3A_210 = arith.index_cast %get3A_208 : i32 to index
      %get3A_211 = memref.load %arg16[%get3A_209, %get3A_210] : memref<2x16xf32, #tpu.memory_space<smem>>
      %get3A_212 = arith.constant 1 : i32
      %get3A_213 = arith.constant 15 : i32
      %get3A_214 = arith.index_cast %get3A_212 : i32 to index
      %get3A_215 = arith.index_cast %get3A_213 : i32 to index
      %get3A_216 = memref.load %arg16[%get3A_214, %get3A_215] : memref<2x16xf32, #tpu.memory_space<smem>>
      %parallel_loop3A_217 = arith.constant 0 : i32
      %parallel_loop3A_218 = arith.constant 48 : i32
      %parallel_loop3A_219 = arith.constant 1 : i32
      scf.for %parallel_loop3A_418 = %parallel_loop3A_217 to %parallel_loop3A_218 step %parallel_loop3A_219  : i32 {
        %parallel_loop3A_419 = arith.constant 16 : i32
        %parallel_loop3A_420 = arith.muli %parallel_loop3A_418, %parallel_loop3A_419 : i32
        %parallel_loop3A_421 = arith.index_cast %parallel_loop3A_420 : i32 to index
        %parallel_loop3A_422 = tpu.vector_load %arg10[%parallel_loop3A_421] {strides = array<i32>} : memref<768xf32, #tpu.memory_space<vmem>>, vector<16xf32>,
        %parallel_loop3A_423 = arith.index_cast %parallel_loop3A_420 : i32 to index
        %parallel_loop3A_424 = tpu.vector_load %arg11[%parallel_loop3A_423] {strides = array<i32>} : memref<768xf32, #tpu.memory_space<vmem>>, vector<16xf32>,
        %parallel_loop3A_425 = arith.constant 0 : i32
        %parallel_loop3A_426 = arith.index_cast %parallel_loop3A_425 : i32 to index
        %parallel_loop3A_427 = arith.index_cast %parallel_loop3A_420 : i32 to index
        %parallel_loop3A_428 = tpu.vector_load %arg14[%parallel_loop3A_426, %parallel_loop3A_427] {strides = array<i32>} : memref<16x768xf32, #tpu.memory_space<vmem>>, vector<16xf32>,
        %parallel_loop3A_429 = vector.broadcast %get3A_61 : f32 to vector<16xf32>
        %parallel_loop3A_430 = arith.mulf %parallel_loop3A_428, %parallel_loop3A_429 : vector<16xf32>
        %parallel_loop3A_431 = vector.broadcast %get3A_141 : f32 to vector<16xf32>
        %parallel_loop3A_432 = arith.addf %parallel_loop3A_430, %parallel_loop3A_431 : vector<16xf32>
        %parallel_loop3A_433 = arith.mulf %parallel_loop3A_432, %parallel_loop3A_422 : vector<16xf32>
        %parallel_loop3A_434 = arith.addf %parallel_loop3A_433, %parallel_loop3A_424 : vector<16xf32>
        %parallel_loop3A_435 = arith.constant 0 : i32
        %parallel_loop3A_436 = arith.index_cast %parallel_loop3A_435 : i32 to index
        %parallel_loop3A_437 = arith.index_cast %parallel_loop3A_420 : i32 to index
        %parallel_loop3A_438 = tpu.vector_load %arg14[%parallel_loop3A_436, %parallel_loop3A_437] {strides = array<i32>} : memref<16x768xf32, #tpu.memory_space<vmem>>, vector<16xf32>,
        tpu.vector_store %arg14[%parallel_loop3A_436, %parallel_loop3A_437], %parallel_loop3A_434 {strides = array<i32>} : memref<16x768xf32, #tpu.memory_space<vmem>>, vector<16xf32>,
        %parallel_loop3A_439 = arith.constant 1 : i32
        %parallel_loop3A_440 = arith.index_cast %parallel_loop3A_439 : i32 to index
        %parallel_loop3A_441 = arith.index_cast %parallel_loop3A_420 : i32 to index
        %parallel_loop3A_442 = tpu.vector_load %arg14[%parallel_loop3A_440, %parallel_loop3A_441] {strides = array<i32>} : memref<16x768xf32, #tpu.memory_space<vmem>>, vector<16xf32>,
        %parallel_loop3A_443 = vector.broadcast %get3A_66 : f32 to vector<16xf32>
        %parallel_loop3A_444 = arith.mulf %parallel_loop3A_442, %parallel_loop3A_443 : vector<16xf32>
        %parallel_loop3A_445 = vector.broadcast %get3A_146 : f32 to vector<16xf32>
        %parallel_loop3A_446 = arith.addf %parallel_loop3A_444, %parallel_loop3A_445 : vector<16xf32>
        %parallel_loop3A_447 = arith.mulf %parallel_loop3A_446, %parallel_loop3A_422 : vector<16xf32>
        %parallel_loop3A_448 = arith.addf %parallel_loop3A_447, %parallel_loop3A_424 : vector<16xf32>
        %parallel_loop3A_449 = arith.constant 1 : i32
        %parallel_loop3A_450 = arith.index_cast %parallel_loop3A_449 : i32 to index
        %parallel_loop3A_451 = arith.index_cast %parallel_loop3A_420 : i32 to index
        %parallel_loop3A_452 = tpu.vector_load %arg14[%parallel_loop3A_450, %parallel_loop3A_451] {strides = array<i32>} : memref<16x768xf32, #tpu.memory_space<vmem>>, vector<16xf32>,
        tpu.vector_store %arg14[%parallel_loop3A_450, %parallel_loop3A_451], %parallel_loop3A_448 {strides = array<i32>} : memref<16x768xf32, #tpu.memory_space<vmem>>, vector<16xf32>,
        %parallel_loop3A_453 = arith.constant 2 : i32
        %parallel_loop3A_454 = arith.index_cast %parallel_loop3A_453 : i32 to index
        %parallel_loop3A_455 = arith.index_cast %parallel_loop3A_420 : i32 to index
        %parallel_loop3A_456 = tpu.vector_load %arg14[%parallel_loop3A_454, %parallel_loop3A_455] {strides = array<i32>} : memref<16x768xf32, #tpu.memory_space<vmem>>, vector<16xf32>,
        %parallel_loop3A_457 = vector.broadcast %get3A_71 : f32 to vector<16xf32>
        %parallel_loop3A_458 = arith.mulf %parallel_loop3A_456, %parallel_loop3A_457 : vector<16xf32>
        %parallel_loop3A_459 = vector.broadcast %get3A_151 : f32 to vector<16xf32>
        %parallel_loop3A_460 = arith.addf %parallel_loop3A_458, %parallel_loop3A_459 : vector<16xf32>
        %parallel_loop3A_461 = arith.mulf %parallel_loop3A_460, %parallel_loop3A_422 : vector<16xf32>
        %parallel_loop3A_462 = arith.addf %parallel_loop3A_461, %parallel_loop3A_424 : vector<16xf32>
        %parallel_loop3A_463 = arith.constant 2 : i32
        %parallel_loop3A_464 = arith.index_cast %parallel_loop3A_463 : i32 to index
        %parallel_loop3A_465 = arith.index_cast %parallel_loop3A_420 : i32 to index
        %parallel_loop3A_466 = tpu.vector_load %arg14[%parallel_loop3A_464, %parallel_loop3A_465] {strides = array<i32>} : memref<16x768xf32, #tpu.memory_space<vmem>>, vector<16xf32>,
        tpu.vector_store %arg14[%parallel_loop3A_464, %parallel_loop3A_465], %parallel_loop3A_462 {strides = array<i32>} : memref<16x768xf32, #tpu.memory_space<vmem>>, vector<16xf32>,
        %parallel_loop3A_467 = arith.constant 3 : i32
        %parallel_loop3A_468 = arith.index_cast %parallel_loop3A_467 : i32 to index
        %parallel_loop3A_469 = arith.index_cast %parallel_loop3A_420 : i32 to index
        %parallel_loop3A_470 = tpu.vector_load %arg14[%parallel_loop3A_468, %parallel_loop3A_469] {strides = array<i32>} : memref<16x768xf32, #tpu.memory_space<vmem>>, vector<16xf32>,
        %parallel_loop3A_471 = vector.broadcast %get3A_76 : f32 to vector<16xf32>
        %parallel_loop3A_472 = arith.mulf %parallel_loop3A_470, %parallel_loop3A_471 : vector<16xf32>
        %parallel_loop3A_473 = vector.broadcast %get3A_156 : f32 to vector<16xf32>
        %parallel_loop3A_474 = arith.addf %parallel_loop3A_472, %parallel_loop3A_473 : vector<16xf32>
        %parallel_loop3A_475 = arith.mulf %parallel_loop3A_474, %parallel_loop3A_422 : vector<16xf32>
        %parallel_loop3A_476 = arith.addf %parallel_loop3A_475, %parallel_loop3A_424 : vector<16xf32>
        %parallel_loop3A_477 = arith.constant 3 : i32
        %parallel_loop3A_478 = arith.index_cast %parallel_loop3A_477 : i32 to index
        %parallel_loop3A_479 = arith.index_cast %parallel_loop3A_420 : i32 to index
        %parallel_loop3A_480 = tpu.vector_load %arg14[%parallel_loop3A_478, %parallel_loop3A_479] {strides = array<i32>} : memref<16x768xf32, #tpu.memory_space<vmem>>, vector<16xf32>,
        tpu.vector_store %arg14[%parallel_loop3A_478, %parallel_loop3A_479], %parallel_loop3A_476 {strides = array<i32>} : memref<16x768xf32, #tpu.memory_space<vmem>>, vector<16xf32>,
        %parallel_loop3A_481 = arith.constant 4 : i32
        %parallel_loop3A_482 = arith.index_cast %parallel_loop3A_481 : i32 to index
        %parallel_loop3A_483 = arith.index_cast %parallel_loop3A_420 : i32 to index
        %parallel_loop3A_484 = tpu.vector_load %arg14[%parallel_loop3A_482, %parallel_loop3A_483] {strides = array<i32>} : memref<16x768xf32, #tpu.memory_space<vmem>>, vector<16xf32>,
        %parallel_loop3A_485 = vector.broadcast %get3A_81 : f32 to vector<16xf32>
        %parallel_loop3A_486 = arith.mulf %parallel_loop3A_484, %parallel_loop3A_485 : vector<16xf32>
        %parallel_loop3A_487 = vector.broadcast %get3A_161 : f32 to vector<16xf32>
        %parallel_loop3A_488 = arith.addf %parallel_loop3A_486, %parallel_loop3A_487 : vector<16xf32>
        %parallel_loop3A_489 = arith.mulf %parallel_loop3A_488, %parallel_loop3A_422 : vector<16xf32>
        %parallel_loop3A_490 = arith.addf %parallel_loop3A_489, %parallel_loop3A_424 : vector<16xf32>
        %parallel_loop3A_491 = arith.constant 4 : i32
        %parallel_loop3A_492 = arith.index_cast %parallel_loop3A_491 : i32 to index
        %parallel_loop3A_493 = arith.index_cast %parallel_loop3A_420 : i32 to index
        %parallel_loop3A_494 = tpu.vector_load %arg14[%parallel_loop3A_492, %parallel_loop3A_493] {strides = array<i32>} : memref<16x768xf32, #tpu.memory_space<vmem>>, vector<16xf32>,
        tpu.vector_store %arg14[%parallel_loop3A_492, %parallel_loop3A_493], %parallel_loop3A_490 {strides = array<i32>} : memref<16x768xf32, #tpu.memory_space<vmem>>, vector<16xf32>,
        %parallel_loop3A_495 = arith.constant 5 : i32
        %parallel_loop3A_496 = arith.index_cast %parallel_loop3A_495 : i32 to index
        %parallel_loop3A_497 = arith.index_cast %parallel_loop3A_420 : i32 to index
        %parallel_loop3A_498 = tpu.vector_load %arg14[%parallel_loop3A_496, %parallel_loop3A_497] {strides = array<i32>} : memref<16x768xf32, #tpu.memory_space<vmem>>, vector<16xf32>,
        %parallel_loop3A_499 = vector.broadcast %get3A_86 : f32 to vector<16xf32>
        %parallel_loop3A_500 = arith.mulf %parallel_loop3A_498, %parallel_loop3A_499 : vector<16xf32>
        %parallel_loop3A_501 = vector.broadcast %get3A_166 : f32 to vector<16xf32>
        %parallel_loop3A_502 = arith.addf %parallel_loop3A_500, %parallel_loop3A_501 : vector<16xf32>
        %parallel_loop3A_503 = arith.mulf %parallel_loop3A_502, %parallel_loop3A_422 : vector<16xf32>
        %parallel_loop3A_504 = arith.addf %parallel_loop3A_503, %parallel_loop3A_424 : vector<16xf32>
        %parallel_loop3A_505 = arith.constant 5 : i32
        %parallel_loop3A_506 = arith.index_cast %parallel_loop3A_505 : i32 to index
        %parallel_loop3A_507 = arith.index_cast %parallel_loop3A_420 : i32 to index
        %parallel_loop3A_508 = tpu.vector_load %arg14[%parallel_loop3A_506, %parallel_loop3A_507] {strides = array<i32>} : memref<16x768xf32, #tpu.memory_space<vmem>>, vector<16xf32>,
        tpu.vector_store %arg14[%parallel_loop3A_506, %parallel_loop3A_507], %parallel_loop3A_504 {strides = array<i32>} : memref<16x768xf32, #tpu.memory_space<vmem>>, vector<16xf32>,
        %parallel_loop3A_509 = arith.constant 6 : i32
        %parallel_loop3A_510 = arith.index_cast %parallel_loop3A_509 : i32 to index
        %parallel_loop3A_511 = arith.index_cast %parallel_loop3A_420 : i32 to index
        %parallel_loop3A_512 = tpu.vector_load %arg14[%parallel_loop3A_510, %parallel_loop3A_511] {strides = array<i32>} : memref<16x768xf32, #tpu.memory_space<vmem>>, vector<16xf32>,
        %parallel_loop3A_513 = vector.broadcast %get3A_91 : f32 to vector<16xf32>
        %parallel_loop3A_514 = arith.mulf %parallel_loop3A_512, %parallel_loop3A_513 : vector<16xf32>
        %parallel_loop3A_515 = vector.broadcast %get3A_171 : f32 to vector<16xf32>
        %parallel_loop3A_516 = arith.addf %parallel_loop3A_514, %parallel_loop3A_515 : vector<16xf32>
        %parallel_loop3A_517 = arith.mulf %parallel_loop3A_516, %parallel_loop3A_422 : vector<16xf32>
        %parallel_loop3A_518 = arith.addf %parallel_loop3A_517, %parallel_loop3A_424 : vector<16xf32>
        %parallel_loop3A_519 = arith.constant 6 : i32
        %parallel_loop3A_520 = arith.index_cast %parallel_loop3A_519 : i32 to index
        %parallel_loop3A_521 = arith.index_cast %parallel_loop3A_420 : i32 to index
        %parallel_loop3A_522 = tpu.vector_load %arg14[%parallel_loop3A_520, %parallel_loop3A_521] {strides = array<i32>} : memref<16x768xf32, #tpu.memory_space<vmem>>, vector<16xf32>,
        tpu.vector_store %arg14[%parallel_loop3A_520, %parallel_loop3A_521], %parallel_loop3A_518 {strides = array<i32>} : memref<16x768xf32, #tpu.memory_space<vmem>>, vector<16xf32>,
        %parallel_loop3A_523 = arith.constant 7 : i32
        %parallel_loop3A_524 = arith.index_cast %parallel_loop3A_523 : i32 to index
        %parallel_loop3A_525 = arith.index_cast %parallel_loop3A_420 : i32 to index
        %parallel_loop3A_526 = tpu.vector_load %arg14[%parallel_loop3A_524, %parallel_loop3A_525] {strides = array<i32>} : memref<16x768xf32, #tpu.memory_space<vmem>>, vector<16xf32>,
        %parallel_loop3A_527 = vector.broadcast %get3A_96 : f32 to vector<16xf32>
        %parallel_loop3A_528 = arith.mulf %parallel_loop3A_526, %parallel_loop3A_527 : vector<16xf32>
        %parallel_loop3A_529 = vector.broadcast %get3A_176 : f32 to vector<16xf32>
        %parallel_loop3A_530 = arith.addf %parallel_loop3A_528, %parallel_loop3A_529 : vector<16xf32>
        %parallel_loop3A_531 = arith.mulf %parallel_loop3A_530, %parallel_loop3A_422 : vector<16xf32>
        %parallel_loop3A_532 = arith.addf %parallel_loop3A_531, %parallel_loop3A_424 : vector<16xf32>
        %parallel_loop3A_533 = arith.constant 7 : i32
        %parallel_loop3A_534 = arith.index_cast %parallel_loop3A_533 : i32 to index
        %parallel_loop3A_535 = arith.index_cast %parallel_loop3A_420 : i32 to index
        %parallel_loop3A_536 = tpu.vector_load %arg14[%parallel_loop3A_534, %parallel_loop3A_535] {strides = array<i32>} : memref<16x768xf32, #tpu.memory_space<vmem>>, vector<16xf32>,
        tpu.vector_store %arg14[%parallel_loop3A_534, %parallel_loop3A_535], %parallel_loop3A_532 {strides = array<i32>} : memref<16x768xf32, #tpu.memory_space<vmem>>, vector<16xf32>,
        %parallel_loop3A_537 = arith.constant 8 : i32
        %parallel_loop3A_538 = arith.index_cast %parallel_loop3A_537 : i32 to index
        %parallel_loop3A_539 = arith.index_cast %parallel_loop3A_420 : i32 to index
        %parallel_loop3A_540 = tpu.vector_load %arg14[%parallel_loop3A_538, %parallel_loop3A_539] {strides = array<i32>} : memref<16x768xf32, #tpu.memory_space<vmem>>, vector<16xf32>,
        %parallel_loop3A_541 = vector.broadcast %get3A_101 : f32 to vector<16xf32>
        %parallel_loop3A_542 = arith.mulf %parallel_loop3A_540, %parallel_loop3A_541 : vector<16xf32>
        %parallel_loop3A_543 = vector.broadcast %get3A_181 : f32 to vector<16xf32>
        %parallel_loop3A_544 = arith.addf %parallel_loop3A_542, %parallel_loop3A_543 : vector<16xf32>
        %parallel_loop3A_545 = arith.mulf %parallel_loop3A_544, %parallel_loop3A_422 : vector<16xf32>
        %parallel_loop3A_546 = arith.addf %parallel_loop3A_545, %parallel_loop3A_424 : vector<16xf32>
        %parallel_loop3A_547 = arith.constant 8 : i32
        %parallel_loop3A_548 = arith.index_cast %parallel_loop3A_547 : i32 to index
        %parallel_loop3A_549 = arith.index_cast %parallel_loop3A_420 : i32 to index
        %parallel_loop3A_550 = tpu.vector_load %arg14[%parallel_loop3A_548, %parallel_loop3A_549] {strides = array<i32>} : memref<16x768xf32, #tpu.memory_space<vmem>>, vector<16xf32>,
        tpu.vector_store %arg14[%parallel_loop3A_548, %parallel_loop3A_549], %parallel_loop3A_546 {strides = array<i32>} : memref<16x768xf32, #tpu.memory_space<vmem>>, vector<16xf32>,
        %parallel_loop3A_551 = arith.constant 9 : i32
        %parallel_loop3A_552 = arith.index_cast %parallel_loop3A_551 : i32 to index
        %parallel_loop3A_553 = arith.index_cast %parallel_loop3A_420 : i32 to index
        %parallel_loop3A_554 = tpu.vector_load %arg14[%parallel_loop3A_552, %parallel_loop3A_553] {strides = array<i32>} : memref<16x768xf32, #tpu.memory_space<vmem>>, vector<16xf32>,
        %parallel_loop3A_555 = vector.broadcast %get3A_106 : f32 to vector<16xf32>
        %parallel_loop3A_556 = arith.mulf %parallel_loop3A_554, %parallel_loop3A_555 : vector<16xf32>
        %parallel_loop3A_557 = vector.broadcast %get3A_186 : f32 to vector<16xf32>
        %parallel_loop3A_558 = arith.addf %parallel_loop3A_556, %parallel_loop3A_557 : vector<16xf32>
        %parallel_loop3A_559 = arith.mulf %parallel_loop3A_558, %parallel_loop3A_422 : vector<16xf32>
        %parallel_loop3A_560 = arith.addf %parallel_loop3A_559, %parallel_loop3A_424 : vector<16xf32>
        %parallel_loop3A_561 = arith.constant 9 : i32
        %parallel_loop3A_562 = arith.index_cast %parallel_loop3A_561 : i32 to index
        %parallel_loop3A_563 = arith.index_cast %parallel_loop3A_420 : i32 to index
        %parallel_loop3A_564 = tpu.vector_load %arg14[%parallel_loop3A_562, %parallel_loop3A_563] {strides = array<i32>} : memref<16x768xf32, #tpu.memory_space<vmem>>, vector<16xf32>,
        tpu.vector_store %arg14[%parallel_loop3A_562, %parallel_loop3A_563], %parallel_loop3A_560 {strides = array<i32>} : memref<16x768xf32, #tpu.memory_space<vmem>>, vector<16xf32>,
        %parallel_loop3A_565 = arith.constant 10 : i32
        %parallel_loop3A_566 = arith.index_cast %parallel_loop3A_565 : i32 to index
        %parallel_loop3A_567 = arith.index_cast %parallel_loop3A_420 : i32 to index
        %parallel_loop3A_568 = tpu.vector_load %arg14[%parallel_loop3A_566, %parallel_loop3A_567] {strides = array<i32>} : memref<16x768xf32, #tpu.memory_space<vmem>>, vector<16xf32>,
        %parallel_loop3A_569 = vector.broadcast %get3A_111 : f32 to vector<16xf32>
        %parallel_loop3A_570 = arith.mulf %parallel_loop3A_568, %parallel_loop3A_569 : vector<16xf32>
        %parallel_loop3A_571 = vector.broadcast %get3A_191 : f32 to vector<16xf32>
        %parallel_loop3A_572 = arith.addf %parallel_loop3A_570, %parallel_loop3A_571 : vector<16xf32>
        %parallel_loop3A_573 = arith.mulf %parallel_loop3A_572, %parallel_loop3A_422 : vector<16xf32>
        %parallel_loop3A_574 = arith.addf %parallel_loop3A_573, %parallel_loop3A_424 : vector<16xf32>
        %parallel_loop3A_575 = arith.constant 10 : i32
        %parallel_loop3A_576 = arith.index_cast %parallel_loop3A_575 : i32 to index
        %parallel_loop3A_577 = arith.index_cast %parallel_loop3A_420 : i32 to index
        %parallel_loop3A_578 = tpu.vector_load %arg14[%parallel_loop3A_576, %parallel_loop3A_577] {strides = array<i32>} : memref<16x768xf32, #tpu.memory_space<vmem>>, vector<16xf32>,
        tpu.vector_store %arg14[%parallel_loop3A_576, %parallel_loop3A_577], %parallel_loop3A_574 {strides = array<i32>} : memref<16x768xf32, #tpu.memory_space<vmem>>, vector<16xf32>,
        %parallel_loop3A_579 = arith.constant 11 : i32
        %parallel_loop3A_580 = arith.index_cast %parallel_loop3A_579 : i32 to index
        %parallel_loop3A_581 = arith.index_cast %parallel_loop3A_420 : i32 to index
        %parallel_loop3A_582 = tpu.vector_load %arg14[%parallel_loop3A_580, %parallel_loop3A_581] {strides = array<i32>} : memref<16x768xf32, #tpu.memory_space<vmem>>, vector<16xf32>,
        %parallel_loop3A_583 = vector.broadcast %get3A_116 : f32 to vector<16xf32>
        %parallel_loop3A_584 = arith.mulf %parallel_loop3A_582, %parallel_loop3A_583 : vector<16xf32>
        %parallel_loop3A_585 = vector.broadcast %get3A_196 : f32 to vector<16xf32>
        %parallel_loop3A_586 = arith.addf %parallel_loop3A_584, %parallel_loop3A_585 : vector<16xf32>
        %parallel_loop3A_587 = arith.mulf %parallel_loop3A_586, %parallel_loop3A_422 : vector<16xf32>
        %parallel_loop3A_588 = arith.addf %parallel_loop3A_587, %parallel_loop3A_424 : vector<16xf32>
        %parallel_loop3A_589 = arith.constant 11 : i32
        %parallel_loop3A_590 = arith.index_cast %parallel_loop3A_589 : i32 to index
        %parallel_loop3A_591 = arith.index_cast %parallel_loop3A_420 : i32 to index
        %parallel_loop3A_592 = tpu.vector_load %arg14[%parallel_loop3A_590, %parallel_loop3A_591] {strides = array<i32>} : memref<16x768xf32, #tpu.memory_space<vmem>>, vector<16xf32>,
        tpu.vector_store %arg14[%parallel_loop3A_590, %parallel_loop3A_591], %parallel_loop3A_588 {strides = array<i32>} : memref<16x768xf32, #tpu.memory_space<vmem>>, vector<16xf32>,
        %parallel_loop3A_593 = arith.constant 12 : i32
        %parallel_loop3A_594 = arith.index_cast %parallel_loop3A_593 : i32 to index
        %parallel_loop3A_595 = arith.index_cast %parallel_loop3A_420 : i32 to index
        %parallel_loop3A_596 = tpu.vector_load %arg14[%parallel_loop3A_594, %parallel_loop3A_595] {strides = array<i32>} : memref<16x768xf32, #tpu.memory_space<vmem>>, vector<16xf32>,
        %parallel_loop3A_597 = vector.broadcast %get3A_121 : f32 to vector<16xf32>
        %parallel_loop3A_598 = arith.mulf %parallel_loop3A_596, %parallel_loop3A_597 : vector<16xf32>
        %parallel_loop3A_599 = vector.broadcast %get3A_201 : f32 to vector<16xf32>
        %parallel_loop3A_600 = arith.addf %parallel_loop3A_598, %parallel_loop3A_599 : vector<16xf32>
        %parallel_loop3A_601 = arith.mulf %parallel_loop3A_600, %parallel_loop3A_422 : vector<16xf32>
        %parallel_loop3A_602 = arith.addf %parallel_loop3A_601, %parallel_loop3A_424 : vector<16xf32>
        %parallel_loop3A_603 = arith.constant 12 : i32
        %parallel_loop3A_604 = arith.index_cast %parallel_loop3A_603 : i32 to index
        %parallel_loop3A_605 = arith.index_cast %parallel_loop3A_420 : i32 to index
        %parallel_loop3A_606 = tpu.vector_load %arg14[%parallel_loop3A_604, %parallel_loop3A_605] {strides = array<i32>} : memref<16x768xf32, #tpu.memory_space<vmem>>, vector<16xf32>,
        tpu.vector_store %arg14[%parallel_loop3A_604, %parallel_loop3A_605], %parallel_loop3A_602 {strides = array<i32>} : memref<16x768xf32, #tpu.memory_space<vmem>>, vector<16xf32>,
        %parallel_loop3A_607 = arith.constant 13 : i32
        %parallel_loop3A_608 = arith.index_cast %parallel_loop3A_607 : i32 to index
        %parallel_loop3A_609 = arith.index_cast %parallel_loop3A_420 : i32 to index
        %parallel_loop3A_610 = tpu.vector_load %arg14[%parallel_loop3A_608, %parallel_loop3A_609] {strides = array<i32>} : memref<16x768xf32, #tpu.memory_space<vmem>>, vector<16xf32>,
        %parallel_loop3A_611 = vector.broadcast %get3A_126 : f32 to vector<16xf32>
        %parallel_loop3A_612 = arith.mulf %parallel_loop3A_610, %parallel_loop3A_611 : vector<16xf32>
        %parallel_loop3A_613 = vector.broadcast %get3A_206 : f32 to vector<16xf32>
        %parallel_loop3A_614 = arith.addf %parallel_loop3A_612, %parallel_loop3A_613 : vector<16xf32>
        %parallel_loop3A_615 = arith.mulf %parallel_loop3A_614, %parallel_loop3A_422 : vector<16xf32>
        %parallel_loop3A_616 = arith.addf %parallel_loop3A_615, %parallel_loop3A_424 : vector<16xf32>
        %parallel_loop3A_617 = arith.constant 13 : i32
        %parallel_loop3A_618 = arith.index_cast %parallel_loop3A_617 : i32 to index
        %parallel_loop3A_619 = arith.index_cast %parallel_loop3A_420 : i32 to index
        %parallel_loop3A_620 = tpu.vector_load %arg14[%parallel_loop3A_618, %parallel_loop3A_619] {strides = array<i32>} : memref<16x768xf32, #tpu.memory_space<vmem>>, vector<16xf32>,
        tpu.vector_store %arg14[%parallel_loop3A_618, %parallel_loop3A_619], %parallel_loop3A_616 {strides = array<i32>} : memref<16x768xf32, #tpu.memory_space<vmem>>, vector<16xf32>,
        %parallel_loop3A_621 = arith.constant 14 : i32
        %parallel_loop3A_622 = arith.index_cast %parallel_loop3A_621 : i32 to index
        %parallel_loop3A_623 = arith.index_cast %parallel_loop3A_420 : i32 to index
        %parallel_loop3A_624 = tpu.vector_load %arg14[%parallel_loop3A_622, %parallel_loop3A_623] {strides = array<i32>} : memref<16x768xf32, #tpu.memory_space<vmem>>, vector<16xf32>,
        %parallel_loop3A_625 = vector.broadcast %get3A_131 : f32 to vector<16xf32>
        %parallel_loop3A_626 = arith.mulf %parallel_loop3A_624, %parallel_loop3A_625 : vector<16xf32>
        %parallel_loop3A_627 = vector.broadcast %get3A_211 : f32 to vector<16xf32>
        %parallel_loop3A_628 = arith.addf %parallel_loop3A_626, %parallel_loop3A_627 : vector<16xf32>
        %parallel_loop3A_629 = arith.mulf %parallel_loop3A_628, %parallel_loop3A_422 : vector<16xf32>
        %parallel_loop3A_630 = arith.addf %parallel_loop3A_629, %parallel_loop3A_424 : vector<16xf32>
        %parallel_loop3A_631 = arith.constant 14 : i32
        %parallel_loop3A_632 = arith.index_cast %parallel_loop3A_631 : i32 to index
        %parallel_loop3A_633 = arith.index_cast %parallel_loop3A_420 : i32 to index
        %parallel_loop3A_634 = tpu.vector_load %arg14[%parallel_loop3A_632, %parallel_loop3A_633] {strides = array<i32>} : memref<16x768xf32, #tpu.memory_space<vmem>>, vector<16xf32>,
        tpu.vector_store %arg14[%parallel_loop3A_632, %parallel_loop3A_633], %parallel_loop3A_630 {strides = array<i32>} : memref<16x768xf32, #tpu.memory_space<vmem>>, vector<16xf32>,
        %parallel_loop3A_635 = arith.constant 15 : i32
        %parallel_loop3A_636 = arith.index_cast %parallel_loop3A_635 : i32 to index
        %parallel_loop3A_637 = arith.index_cast %parallel_loop3A_420 : i32 to index
        %parallel_loop3A_638 = tpu.vector_load %arg14[%parallel_loop3A_636, %parallel_loop3A_637] {strides = array<i32>} : memref<16x768xf32, #tpu.memory_space<vmem>>, vector<16xf32>,
        %parallel_loop3A_639 = vector.broadcast %get3A_136 : f32 to vector<16xf32>
        %parallel_loop3A_640 = arith.mulf %parallel_loop3A_638, %parallel_loop3A_639 : vector<16xf32>
        %parallel_loop3A_641 = vector.broadcast %get3A_216 : f32 to vector<16xf32>
        %parallel_loop3A_642 = arith.addf %parallel_loop3A_640, %parallel_loop3A_641 : vector<16xf32>
        %parallel_loop3A_643 = arith.mulf %parallel_loop3A_642, %parallel_loop3A_422 : vector<16xf32>
        %parallel_loop3A_644 = arith.addf %parallel_loop3A_643, %parallel_loop3A_424 : vector<16xf32>
        %parallel_loop3A_645 = arith.constant 15 : i32
        %parallel_loop3A_646 = arith.index_cast %parallel_loop3A_645 : i32 to index
        %parallel_loop3A_647 = arith.index_cast %parallel_loop3A_420 : i32 to index
        %parallel_loop3A_648 = tpu.vector_load %arg14[%parallel_loop3A_646, %parallel_loop3A_647] {strides = array<i32>} : memref<16x768xf32, #tpu.memory_space<vmem>>, vector<16xf32>,
        tpu.vector_store %arg14[%parallel_loop3A_646, %parallel_loop3A_647], %parallel_loop3A_644 {strides = array<i32>} : memref<16x768xf32, #tpu.memory_space<vmem>>, vector<16xf32>,
      } {sc.loop_unroll_factor = 1 : i64, sc.parallel_access}
      %dma_start3A_220 = arith.constant 0 : i32
      %dma_start3A_221 = tpu.memref_slice %arg7[%add3A_43, %mul3A_2, %dma_start3A_220] : memref<64x512x768xf32, #tpu.memory_space<hbm>> -> memref<1x16x768xf32, #tpu.memory_space<hbm>>
      %dma_start3A_222 = tpu.memref_squeeze %dma_start3A_221 : memref<1x16x768xf32, #tpu.memory_space<hbm>> -> memref<16x768xf32, #tpu.memory_space<hbm>>
      %dma_start3A_223 = arith.constant 0 : i32
      %dma_start3A_224 = tpu.memref_slice %arg7[%add3A_43, %mul3A_2, %dma_start3A_223] : memref<64x512x768xf32, #tpu.memory_space<hbm>> -> memref<1x16x768xf32, #tpu.memory_space<hbm>>
      %dma_start3A_225 = tpu.memref_squeeze %dma_start3A_224 : memref<1x16x768xf32, #tpu.memory_space<hbm>> -> memref<16x768xf32, #tpu.memory_space<hbm>>
      tpu.enqueue_dma source(%arg14 : memref<16x768xf32, #tpu.memory_space<vmem>>) target(%dma_start3A_225 : memref<16x768xf32, #tpu.memory_space<hbm>>) target_semaphore(%arg19 : memref<!tpu.dma_semaphore, #tpu.memory_space<semaphore_mem>>)
      %mul3A_226 = arith.constant 2 : i32
      %mul3A_227 = arith.muli %mul3A_226, %scan3A_39 : i32
      %add3A_228 = arith.constant 1 : i32
      %add3A_229 = arith.addi %mul3A_227, %add3A_228 : i32
      %mul3A_230 = arith.constant 16 : i32
      %mul3A_231 = arith.muli %add3A_229, %mul3A_230 : i32
      %dma_wait3A_232 = tpu.memref_slice %arg8[%mul3A_231] : memref<1024xi32, #tpu.memory_space<vmem>> -> memref<16xi32, #tpu.memory_space<vmem>>
      %dma_wait3A_233 = arith.constant 0 : i32
      %dma_wait3A_234 = arith.constant 0 : i32
      %dma_wait3A_235 = tpu.memref_slice %arg3[%dma_wait3A_233, %dma_wait3A_234] : memref<30522x768xf32, #tpu.memory_space<hbm>> -> memref<30522x768xf32, #tpu.memory_space<hbm>>
      tpu.wait_indirect_dma semaphore(%arg18 : memref<!tpu.dma_semaphore, #tpu.memory_space<semaphore_mem>>) src(%dma_wait3A_235 : memref<30522x768xf32, #tpu.memory_space<hbm>>) dst(%arg13 : memref<16x768xf32, #tpu.memory_space<vmem>>)
      %ge3A_236 = arith.constant 1 : i32
      %ge3A_237 = arith.cmpi sge, %scan3A_39, %ge3A_236 : i32
      %convert_element_type3A_238 = arith.extui %ge3A_237 : i1 to i32
      %cond3A_239 = arith.constant 0 : i32
      %cond3A_240 = arith.cmpi ne, %convert_element_type3A_238, %cond3A_239 : i32
      scf.if %cond3A_240 {
        %sub3A = arith.constant 2 : i32
        %sub3A_418 = arith.subi %add3A_229, %sub3A : i32
        %dma_wait3A_419 = arith.constant 0 : i32
        %dma_wait3A_420 = tpu.memref_slice %arg7[%sub3A_418, %mul3A_2, %dma_wait3A_419] : memref<64x512x768xf32, #tpu.memory_space<hbm>> -> memref<1x16x768xf32, #tpu.memory_space<hbm>>
        %dma_wait3A_421 = tpu.memref_squeeze %dma_wait3A_420 : memref<1x16x768xf32, #tpu.memory_space<hbm>> -> memref<16x768xf32, #tpu.memory_space<hbm>>
        %dma_wait3A_422 = arith.constant 0 : i32
        %dma_wait3A_423 = tpu.memref_slice %arg7[%sub3A_418, %mul3A_2, %dma_wait3A_422] : memref<64x512x768xf32, #tpu.memory_space<hbm>> -> memref<1x16x768xf32, #tpu.memory_space<hbm>>
        %dma_wait3A_424 = tpu.memref_squeeze %dma_wait3A_423 : memref<1x16x768xf32, #tpu.memory_space<hbm>> -> memref<16x768xf32, #tpu.memory_space<hbm>>
        tpu.wait_dma2 semaphore(%arg20 : memref<!tpu.dma_semaphore, #tpu.memory_space<semaphore_mem>>) src(%arg15 : memref<16x768xf32, #tpu.memory_space<vmem>>) dst(%dma_wait3A_424 : memref<16x768xf32, #tpu.memory_space<hbm>>)
      } else {
      }
      %parallel_loop3A_241 = arith.constant 0 : i32
      %parallel_loop3A_242 = arith.constant 16 : i32
      %parallel_loop3A_243 = arith.constant 1 : i32
      scf.for %parallel_loop3A_418 = %parallel_loop3A_241 to %parallel_loop3A_242 step %parallel_loop3A_243  : i32 {
        %parallel_loop3A_419 = arith.index_cast %parallel_loop3A_418 : i32 to index
        %parallel_loop3A_420 = arith.constant 0 : index
        %parallel_loop3A_421 = tpu.vector_load %arg13[%parallel_loop3A_419, %parallel_loop3A_420] {strides = array<i32>} : memref<16x768xf32, #tpu.memory_space<vmem>>, vector<16xf32>,
        %parallel_loop3A_422 = arith.index_cast %parallel_loop3A_418 : i32 to index
        %parallel_loop3A_423 = arith.constant 0 : index
        %parallel_loop3A_424 = tpu.vector_load %arg9[%parallel_loop3A_422, %parallel_loop3A_423] {strides = array<i32>} : memref<16x768xf32, #tpu.memory_space<vmem>>, vector<16xf32>,
        %parallel_loop3A_425 = arith.addf %parallel_loop3A_421, %parallel_loop3A_424 : vector<16xf32>
        %parallel_loop3A_426 = arith.index_cast %parallel_loop3A_418 : i32 to index
        %parallel_loop3A_427 = arith.constant 0 : index
        %parallel_loop3A_428 = tpu.vector_load %arg15[%parallel_loop3A_426, %parallel_loop3A_427] {strides = array<i32>} : memref<16x768xf32, #tpu.memory_space<vmem>>, vector<16xf32>,
        tpu.vector_store %arg15[%parallel_loop3A_426, %parallel_loop3A_427], %parallel_loop3A_425 {strides = array<i32>} : memref<16x768xf32, #tpu.memory_space<vmem>>, vector<16xf32>,
        %parallel_loop3A_429 = arith.mulf %parallel_loop3A_425, %parallel_loop3A_425 : vector<16xf32>
        %parallel_loop3A_430 = arith.index_cast %parallel_loop3A_418 : i32 to index
        %parallel_loop3A_431 = arith.constant 16 : index
        %parallel_loop3A_432 = tpu.vector_load %arg13[%parallel_loop3A_430, %parallel_loop3A_431] {strides = array<i32>} : memref<16x768xf32, #tpu.memory_space<vmem>>, vector<16xf32>,
        %parallel_loop3A_433 = arith.index_cast %parallel_loop3A_418 : i32 to index
        %parallel_loop3A_434 = arith.constant 16 : index
        %parallel_loop3A_435 = tpu.vector_load %arg9[%parallel_loop3A_433, %parallel_loop3A_434] {strides = array<i32>} : memref<16x768xf32, #tpu.memory_space<vmem>>, vector<16xf32>,
        %parallel_loop3A_436 = arith.addf %parallel_loop3A_432, %parallel_loop3A_435 : vector<16xf32>
        %parallel_loop3A_437 = arith.index_cast %parallel_loop3A_418 : i32 to index
        %parallel_loop3A_438 = arith.constant 16 : index
        %parallel_loop3A_439 = tpu.vector_load %arg15[%parallel_loop3A_437, %parallel_loop3A_438] {strides = array<i32>} : memref<16x768xf32, #tpu.memory_space<vmem>>, vector<16xf32>,
        tpu.vector_store %arg15[%parallel_loop3A_437, %parallel_loop3A_438], %parallel_loop3A_436 {strides = array<i32>} : memref<16x768xf32, #tpu.memory_space<vmem>>, vector<16xf32>,
        %parallel_loop3A_440 = arith.mulf %parallel_loop3A_436, %parallel_loop3A_436 : vector<16xf32>
        %parallel_loop3A_441 = arith.index_cast %parallel_loop3A_418 : i32 to index
        %parallel_loop3A_442 = arith.constant 32 : index
        %parallel_loop3A_443 = tpu.vector_load %arg13[%parallel_loop3A_441, %parallel_loop3A_442] {strides = array<i32>} : memref<16x768xf32, #tpu.memory_space<vmem>>, vector<16xf32>,
        %parallel_loop3A_444 = arith.index_cast %parallel_loop3A_418 : i32 to index
        %parallel_loop3A_445 = arith.constant 32 : index
        %parallel_loop3A_446 = tpu.vector_load %arg9[%parallel_loop3A_444, %parallel_loop3A_445] {strides = array<i32>} : memref<16x768xf32, #tpu.memory_space<vmem>>, vector<16xf32>,
        %parallel_loop3A_447 = arith.addf %parallel_loop3A_443, %parallel_loop3A_446 : vector<16xf32>
        %parallel_loop3A_448 = arith.index_cast %parallel_loop3A_418 : i32 to index
        %parallel_loop3A_449 = arith.constant 32 : index
        %parallel_loop3A_450 = tpu.vector_load %arg15[%parallel_loop3A_448, %parallel_loop3A_449] {strides = array<i32>} : memref<16x768xf32, #tpu.memory_space<vmem>>, vector<16xf32>,
        tpu.vector_store %arg15[%parallel_loop3A_448, %parallel_loop3A_449], %parallel_loop3A_447 {strides = array<i32>} : memref<16x768xf32, #tpu.memory_space<vmem>>, vector<16xf32>,
        %parallel_loop3A_451 = arith.mulf %parallel_loop3A_447, %parallel_loop3A_447 : vector<16xf32>
        %parallel_loop3A_452 = arith.index_cast %parallel_loop3A_418 : i32 to index
        %parallel_loop3A_453 = arith.constant 48 : index
        %parallel_loop3A_454 = tpu.vector_load %arg13[%parallel_loop3A_452, %parallel_loop3A_453] {strides = array<i32>} : memref<16x768xf32, #tpu.memory_space<vmem>>, vector<16xf32>,
        %parallel_loop3A_455 = arith.index_cast %parallel_loop3A_418 : i32 to index
        %parallel_loop3A_456 = arith.constant 48 : index
        %parallel_loop3A_457 = tpu.vector_load %arg9[%parallel_loop3A_455, %parallel_loop3A_456] {strides = array<i32>} : memref<16x768xf32, #tpu.memory_space<vmem>>, vector<16xf32>,
        %parallel_loop3A_458 = arith.addf %parallel_loop3A_454, %parallel_loop3A_457 : vector<16xf32>
        %parallel_loop3A_459 = arith.index_cast %parallel_loop3A_418 : i32 to index
        %parallel_loop3A_460 = arith.constant 48 : index
        %parallel_loop3A_461 = tpu.vector_load %arg15[%parallel_loop3A_459, %parallel_loop3A_460] {strides = array<i32>} : memref<16x768xf32, #tpu.memory_space<vmem>>, vector<16xf32>,
        tpu.vector_store %arg15[%parallel_loop3A_459, %parallel_loop3A_460], %parallel_loop3A_458 {strides = array<i32>} : memref<16x768xf32, #tpu.memory_space<vmem>>, vector<16xf32>,
        %parallel_loop3A_462 = arith.mulf %parallel_loop3A_458, %parallel_loop3A_458 : vector<16xf32>
        %parallel_loop3A_463 = arith.index_cast %parallel_loop3A_418 : i32 to index
        %parallel_loop3A_464 = arith.constant 64 : index
        %parallel_loop3A_465 = tpu.vector_load %arg13[%parallel_loop3A_463, %parallel_loop3A_464] {strides = array<i32>} : memref<16x768xf32, #tpu.memory_space<vmem>>, vector<16xf32>,
        %parallel_loop3A_466 = arith.index_cast %parallel_loop3A_418 : i32 to index
        %parallel_loop3A_467 = arith.constant 64 : index
        %parallel_loop3A_468 = tpu.vector_load %arg9[%parallel_loop3A_466, %parallel_loop3A_467] {strides = array<i32>} : memref<16x768xf32, #tpu.memory_space<vmem>>, vector<16xf32>,
        %parallel_loop3A_469 = arith.addf %parallel_loop3A_465, %parallel_loop3A_468 : vector<16xf32>
        %parallel_loop3A_470 = arith.index_cast %parallel_loop3A_418 : i32 to index
        %parallel_loop3A_471 = arith.constant 64 : index
        %parallel_loop3A_472 = tpu.vector_load %arg15[%parallel_loop3A_470, %parallel_loop3A_471] {strides = array<i32>} : memref<16x768xf32, #tpu.memory_space<vmem>>, vector<16xf32>,
        tpu.vector_store %arg15[%parallel_loop3A_470, %parallel_loop3A_471], %parallel_loop3A_469 {strides = array<i32>} : memref<16x768xf32, #tpu.memory_space<vmem>>, vector<16xf32>,
        %parallel_loop3A_473 = arith.addf %parallel_loop3A_425, %parallel_loop3A_469 : vector<16xf32>
        %parallel_loop3A_474 = arith.mulf %parallel_loop3A_469, %parallel_loop3A_469 : vector<16xf32>
        %parallel_loop3A_475 = arith.addf %parallel_loop3A_429, %parallel_loop3A_474 : vector<16xf32>
        %parallel_loop3A_476 = arith.index_cast %parallel_loop3A_418 : i32 to index
        %parallel_loop3A_477 = arith.constant 80 : index
        %parallel_loop3A_478 = tpu.vector_load %arg13[%parallel_loop3A_476, %parallel_loop3A_477] {strides = array<i32>} : memref<16x768xf32, #tpu.memory_space<vmem>>, vector<16xf32>,
        %parallel_loop3A_479 = arith.index_cast %parallel_loop3A_418 : i32 to index
        %parallel_loop3A_480 = arith.constant 80 : index
        %parallel_loop3A_481 = tpu.vector_load %arg9[%parallel_loop3A_479, %parallel_loop3A_480] {strides = array<i32>} : memref<16x768xf32, #tpu.memory_space<vmem>>, vector<16xf32>,
        %parallel_loop3A_482 = arith.addf %parallel_loop3A_478, %parallel_loop3A_481 : vector<16xf32>
        %parallel_loop3A_483 = arith.index_cast %parallel_loop3A_418 : i32 to index
        %parallel_loop3A_484 = arith.constant 80 : index
        %parallel_loop3A_485 = tpu.vector_load %arg15[%parallel_loop3A_483, %parallel_loop3A_484] {strides = array<i32>} : memref<16x768xf32, #tpu.memory_space<vmem>>, vector<16xf32>,
        tpu.vector_store %arg15[%parallel_loop3A_483, %parallel_loop3A_484], %parallel_loop3A_482 {strides = array<i32>} : memref<16x768xf32, #tpu.memory_space<vmem>>, vector<16xf32>,
        %parallel_loop3A_486 = arith.addf %parallel_loop3A_436, %parallel_loop3A_482 : vector<16xf32>
        %parallel_loop3A_487 = arith.mulf %parallel_loop3A_482, %parallel_loop3A_482 : vector<16xf32>
        %parallel_loop3A_488 = arith.addf %parallel_loop3A_440, %parallel_loop3A_487 : vector<16xf32>
        %parallel_loop3A_489 = arith.index_cast %parallel_loop3A_418 : i32 to index
        %parallel_loop3A_490 = arith.constant 96 : index
        %parallel_loop3A_491 = tpu.vector_load %arg13[%parallel_loop3A_489, %parallel_loop3A_490] {strides = array<i32>} : memref<16x768xf32, #tpu.memory_space<vmem>>, vector<16xf32>,
        %parallel_loop3A_492 = arith.index_cast %parallel_loop3A_418 : i32 to index
        %parallel_loop3A_493 = arith.constant 96 : index
        %parallel_loop3A_494 = tpu.vector_load %arg9[%parallel_loop3A_492, %parallel_loop3A_493] {strides = array<i32>} : memref<16x768xf32, #tpu.memory_space<vmem>>, vector<16xf32>,
        %parallel_loop3A_495 = arith.addf %parallel_loop3A_491, %parallel_loop3A_494 : vector<16xf32>
        %parallel_loop3A_496 = arith.index_cast %parallel_loop3A_418 : i32 to index
        %parallel_loop3A_497 = arith.constant 96 : index
        %parallel_loop3A_498 = tpu.vector_load %arg15[%parallel_loop3A_496, %parallel_loop3A_497] {strides = array<i32>} : memref<16x768xf32, #tpu.memory_space<vmem>>, vector<16xf32>,
        tpu.vector_store %arg15[%parallel_loop3A_496, %parallel_loop3A_497], %parallel_loop3A_495 {strides = array<i32>} : memref<16x768xf32, #tpu.memory_space<vmem>>, vector<16xf32>,
        %parallel_loop3A_499 = arith.addf %parallel_loop3A_447, %parallel_loop3A_495 : vector<16xf32>
        %parallel_loop3A_500 = arith.mulf %parallel_loop3A_495, %parallel_loop3A_495 : vector<16xf32>
        %parallel_loop3A_501 = arith.addf %parallel_loop3A_451, %parallel_loop3A_500 : vector<16xf32>
        %parallel_loop3A_502 = arith.index_cast %parallel_loop3A_418 : i32 to index
        %parallel_loop3A_503 = arith.constant 112 : index
        %parallel_loop3A_504 = tpu.vector_load %arg13[%parallel_loop3A_502, %parallel_loop3A_503] {strides = array<i32>} : memref<16x768xf32, #tpu.memory_space<vmem>>, vector<16xf32>,
        %parallel_loop3A_505 = arith.index_cast %parallel_loop3A_418 : i32 to index
        %parallel_loop3A_506 = arith.constant 112 : index
        %parallel_loop3A_507 = tpu.vector_load %arg9[%parallel_loop3A_505, %parallel_loop3A_506] {strides = array<i32>} : memref<16x768xf32, #tpu.memory_space<vmem>>, vector<16xf32>,
        %parallel_loop3A_508 = arith.addf %parallel_loop3A_504, %parallel_loop3A_507 : vector<16xf32>
        %parallel_loop3A_509 = arith.index_cast %parallel_loop3A_418 : i32 to index
        %parallel_loop3A_510 = arith.constant 112 : index
        %parallel_loop3A_511 = tpu.vector_load %arg15[%parallel_loop3A_509, %parallel_loop3A_510] {strides = array<i32>} : memref<16x768xf32, #tpu.memory_space<vmem>>, vector<16xf32>,
        tpu.vector_store %arg15[%parallel_loop3A_509, %parallel_loop3A_510], %parallel_loop3A_508 {strides = array<i32>} : memref<16x768xf32, #tpu.memory_space<vmem>>, vector<16xf32>,
        %parallel_loop3A_512 = arith.addf %parallel_loop3A_458, %parallel_loop3A_508 : vector<16xf32>
        %parallel_loop3A_513 = arith.mulf %parallel_loop3A_508, %parallel_loop3A_508 : vector<16xf32>
        %parallel_loop3A_514 = arith.addf %parallel_loop3A_462, %parallel_loop3A_513 : vector<16xf32>
        %parallel_loop3A_515 = arith.index_cast %parallel_loop3A_418 : i32 to index
        %parallel_loop3A_516 = arith.constant 128 : index
        %parallel_loop3A_517 = tpu.vector_load %arg13[%parallel_loop3A_515, %parallel_loop3A_516] {strides = array<i32>} : memref<16x768xf32, #tpu.memory_space<vmem>>, vector<16xf32>,
        %parallel_loop3A_518 = arith.index_cast %parallel_loop3A_418 : i32 to index
        %parallel_loop3A_519 = arith.constant 128 : index
        %parallel_loop3A_520 = tpu.vector_load %arg9[%parallel_loop3A_518, %parallel_loop3A_519] {strides = array<i32>} : memref<16x768xf32, #tpu.memory_space<vmem>>, vector<16xf32>,
        %parallel_loop3A_521 = arith.addf %parallel_loop3A_517, %parallel_loop3A_520 : vector<16xf32>
        %parallel_loop3A_522 = arith.index_cast %parallel_loop3A_418 : i32 to index
        %parallel_loop3A_523 = arith.constant 128 : index
        %parallel_loop3A_524 = tpu.vector_load %arg15[%parallel_loop3A_522, %parallel_loop3A_523] {strides = array<i32>} : memref<16x768xf32, #tpu.memory_space<vmem>>, vector<16xf32>,
        tpu.vector_store %arg15[%parallel_loop3A_522, %parallel_loop3A_523], %parallel_loop3A_521 {strides = array<i32>} : memref<16x768xf32, #tpu.memory_space<vmem>>, vector<16xf32>,
        %parallel_loop3A_525 = arith.addf %parallel_loop3A_473, %parallel_loop3A_521 : vector<16xf32>
        %parallel_loop3A_526 = arith.mulf %parallel_loop3A_521, %parallel_loop3A_521 : vector<16xf32>
        %parallel_loop3A_527 = arith.addf %parallel_loop3A_475, %parallel_loop3A_526 : vector<16xf32>
        %parallel_loop3A_528 = arith.index_cast %parallel_loop3A_418 : i32 to index
        %parallel_loop3A_529 = arith.constant 144 : index
        %parallel_loop3A_530 = tpu.vector_load %arg13[%parallel_loop3A_528, %parallel_loop3A_529] {strides = array<i32>} : memref<16x768xf32, #tpu.memory_space<vmem>>, vector<16xf32>,
        %parallel_loop3A_531 = arith.index_cast %parallel_loop3A_418 : i32 to index
        %parallel_loop3A_532 = arith.constant 144 : index
        %parallel_loop3A_533 = tpu.vector_load %arg9[%parallel_loop3A_531, %parallel_loop3A_532] {strides = array<i32>} : memref<16x768xf32, #tpu.memory_space<vmem>>, vector<16xf32>,
        %parallel_loop3A_534 = arith.addf %parallel_loop3A_530, %parallel_loop3A_533 : vector<16xf32>
        %parallel_loop3A_535 = arith.index_cast %parallel_loop3A_418 : i32 to index
        %parallel_loop3A_536 = arith.constant 144 : index
        %parallel_loop3A_537 = tpu.vector_load %arg15[%parallel_loop3A_535, %parallel_loop3A_536] {strides = array<i32>} : memref<16x768xf32, #tpu.memory_space<vmem>>, vector<16xf32>,
        tpu.vector_store %arg15[%parallel_loop3A_535, %parallel_loop3A_536], %parallel_loop3A_534 {strides = array<i32>} : memref<16x768xf32, #tpu.memory_space<vmem>>, vector<16xf32>,
        %parallel_loop3A_538 = arith.addf %parallel_loop3A_486, %parallel_loop3A_534 : vector<16xf32>
        %parallel_loop3A_539 = arith.mulf %parallel_loop3A_534, %parallel_loop3A_534 : vector<16xf32>
        %parallel_loop3A_540 = arith.addf %parallel_loop3A_488, %parallel_loop3A_539 : vector<16xf32>
        %parallel_loop3A_541 = arith.index_cast %parallel_loop3A_418 : i32 to index
        %parallel_loop3A_542 = arith.constant 160 : index
        %parallel_loop3A_543 = tpu.vector_load %arg13[%parallel_loop3A_541, %parallel_loop3A_542] {strides = array<i32>} : memref<16x768xf32, #tpu.memory_space<vmem>>, vector<16xf32>,
        %parallel_loop3A_544 = arith.index_cast %parallel_loop3A_418 : i32 to index
        %parallel_loop3A_545 = arith.constant 160 : index
        %parallel_loop3A_546 = tpu.vector_load %arg9[%parallel_loop3A_544, %parallel_loop3A_545] {strides = array<i32>} : memref<16x768xf32, #tpu.memory_space<vmem>>, vector<16xf32>,
        %parallel_loop3A_547 = arith.addf %parallel_loop3A_543, %parallel_loop3A_546 : vector<16xf32>
        %parallel_loop3A_548 = arith.index_cast %parallel_loop3A_418 : i32 to index
        %parallel_loop3A_549 = arith.constant 160 : index
        %parallel_loop3A_550 = tpu.vector_load %arg15[%parallel_loop3A_548, %parallel_loop3A_549] {strides = array<i32>} : memref<16x768xf32, #tpu.memory_space<vmem>>, vector<16xf32>,
        tpu.vector_store %arg15[%parallel_loop3A_548, %parallel_loop3A_549], %parallel_loop3A_547 {strides = array<i32>} : memref<16x768xf32, #tpu.memory_space<vmem>>, vector<16xf32>,
        %parallel_loop3A_551 = arith.addf %parallel_loop3A_499, %parallel_loop3A_547 : vector<16xf32>
        %parallel_loop3A_552 = arith.mulf %parallel_loop3A_547, %parallel_loop3A_547 : vector<16xf32>
        %parallel_loop3A_553 = arith.addf %parallel_loop3A_501, %parallel_loop3A_552 : vector<16xf32>
        %parallel_loop3A_554 = arith.index_cast %parallel_loop3A_418 : i32 to index
        %parallel_loop3A_555 = arith.constant 176 : index
        %parallel_loop3A_556 = tpu.vector_load %arg13[%parallel_loop3A_554, %parallel_loop3A_555] {strides = array<i32>} : memref<16x768xf32, #tpu.memory_space<vmem>>, vector<16xf32>,
        %parallel_loop3A_557 = arith.index_cast %parallel_loop3A_418 : i32 to index
        %parallel_loop3A_558 = arith.constant 176 : index
        %parallel_loop3A_559 = tpu.vector_load %arg9[%parallel_loop3A_557, %parallel_loop3A_558] {strides = array<i32>} : memref<16x768xf32, #tpu.memory_space<vmem>>, vector<16xf32>,
        %parallel_loop3A_560 = arith.addf %parallel_loop3A_556, %parallel_loop3A_559 : vector<16xf32>
        %parallel_loop3A_561 = arith.index_cast %parallel_loop3A_418 : i32 to index
        %parallel_loop3A_562 = arith.constant 176 : index
        %parallel_loop3A_563 = tpu.vector_load %arg15[%parallel_loop3A_561, %parallel_loop3A_562] {strides = array<i32>} : memref<16x768xf32, #tpu.memory_space<vmem>>, vector<16xf32>,
        tpu.vector_store %arg15[%parallel_loop3A_561, %parallel_loop3A_562], %parallel_loop3A_560 {strides = array<i32>} : memref<16x768xf32, #tpu.memory_space<vmem>>, vector<16xf32>,
        %parallel_loop3A_564 = arith.addf %parallel_loop3A_512, %parallel_loop3A_560 : vector<16xf32>
        %parallel_loop3A_565 = arith.mulf %parallel_loop3A_560, %parallel_loop3A_560 : vector<16xf32>
        %parallel_loop3A_566 = arith.addf %parallel_loop3A_514, %parallel_loop3A_565 : vector<16xf32>
        %parallel_loop3A_567 = arith.index_cast %parallel_loop3A_418 : i32 to index
        %parallel_loop3A_568 = arith.constant 192 : index
        %parallel_loop3A_569 = tpu.vector_load %arg13[%parallel_loop3A_567, %parallel_loop3A_568] {strides = array<i32>} : memref<16x768xf32, #tpu.memory_space<vmem>>, vector<16xf32>,
        %parallel_loop3A_570 = arith.index_cast %parallel_loop3A_418 : i32 to index
        %parallel_loop3A_571 = arith.constant 192 : index
        %parallel_loop3A_572 = tpu.vector_load %arg9[%parallel_loop3A_570, %parallel_loop3A_571] {strides = array<i32>} : memref<16x768xf32, #tpu.memory_space<vmem>>, vector<16xf32>,
        %parallel_loop3A_573 = arith.addf %parallel_loop3A_569, %parallel_loop3A_572 : vector<16xf32>
        %parallel_loop3A_574 = arith.index_cast %parallel_loop3A_418 : i32 to index
        %parallel_loop3A_575 = arith.constant 192 : index
        %parallel_loop3A_576 = tpu.vector_load %arg15[%parallel_loop3A_574, %parallel_loop3A_575] {strides = array<i32>} : memref<16x768xf32, #tpu.memory_space<vmem>>, vector<16xf32>,
        tpu.vector_store %arg15[%parallel_loop3A_574, %parallel_loop3A_575], %parallel_loop3A_573 {strides = array<i32>} : memref<16x768xf32, #tpu.memory_space<vmem>>, vector<16xf32>,
        %parallel_loop3A_577 = arith.addf %parallel_loop3A_525, %parallel_loop3A_573 : vector<16xf32>
        %parallel_loop3A_578 = arith.mulf %parallel_loop3A_573, %parallel_loop3A_573 : vector<16xf32>
        %parallel_loop3A_579 = arith.addf %parallel_loop3A_527, %parallel_loop3A_578 : vector<16xf32>
        %parallel_loop3A_580 = arith.index_cast %parallel_loop3A_418 : i32 to index
        %parallel_loop3A_581 = arith.constant 208 : index
        %parallel_loop3A_582 = tpu.vector_load %arg13[%parallel_loop3A_580, %parallel_loop3A_581] {strides = array<i32>} : memref<16x768xf32, #tpu.memory_space<vmem>>, vector<16xf32>,
        %parallel_loop3A_583 = arith.index_cast %parallel_loop3A_418 : i32 to index
        %parallel_loop3A_584 = arith.constant 208 : index
        %parallel_loop3A_585 = tpu.vector_load %arg9[%parallel_loop3A_583, %parallel_loop3A_584] {strides = array<i32>} : memref<16x768xf32, #tpu.memory_space<vmem>>, vector<16xf32>,
        %parallel_loop3A_586 = arith.addf %parallel_loop3A_582, %parallel_loop3A_585 : vector<16xf32>
        %parallel_loop3A_587 = arith.index_cast %parallel_loop3A_418 : i32 to index
        %parallel_loop3A_588 = arith.constant 208 : index
        %parallel_loop3A_589 = tpu.vector_load %arg15[%parallel_loop3A_587, %parallel_loop3A_588] {strides = array<i32>} : memref<16x768xf32, #tpu.memory_space<vmem>>, vector<16xf32>,
        tpu.vector_store %arg15[%parallel_loop3A_587, %parallel_loop3A_588], %parallel_loop3A_586 {strides = array<i32>} : memref<16x768xf32, #tpu.memory_space<vmem>>, vector<16xf32>,
        %parallel_loop3A_590 = arith.addf %parallel_loop3A_538, %parallel_loop3A_586 : vector<16xf32>
        %parallel_loop3A_591 = arith.mulf %parallel_loop3A_586, %parallel_loop3A_586 : vector<16xf32>
        %parallel_loop3A_592 = arith.addf %parallel_loop3A_540, %parallel_loop3A_591 : vector<16xf32>
        %parallel_loop3A_593 = arith.index_cast %parallel_loop3A_418 : i32 to index
        %parallel_loop3A_594 = arith.constant 224 : index
        %parallel_loop3A_595 = tpu.vector_load %arg13[%parallel_loop3A_593, %parallel_loop3A_594] {strides = array<i32>} : memref<16x768xf32, #tpu.memory_space<vmem>>, vector<16xf32>,
        %parallel_loop3A_596 = arith.index_cast %parallel_loop3A_418 : i32 to index
        %parallel_loop3A_597 = arith.constant 224 : index
        %parallel_loop3A_598 = tpu.vector_load %arg9[%parallel_loop3A_596, %parallel_loop3A_597] {strides = array<i32>} : memref<16x768xf32, #tpu.memory_space<vmem>>, vector<16xf32>,
        %parallel_loop3A_599 = arith.addf %parallel_loop3A_595, %parallel_loop3A_598 : vector<16xf32>
        %parallel_loop3A_600 = arith.index_cast %parallel_loop3A_418 : i32 to index
        %parallel_loop3A_601 = arith.constant 224 : index
        %parallel_loop3A_602 = tpu.vector_load %arg15[%parallel_loop3A_600, %parallel_loop3A_601] {strides = array<i32>} : memref<16x768xf32, #tpu.memory_space<vmem>>, vector<16xf32>,
        tpu.vector_store %arg15[%parallel_loop3A_600, %parallel_loop3A_601], %parallel_loop3A_599 {strides = array<i32>} : memref<16x768xf32, #tpu.memory_space<vmem>>, vector<16xf32>,
        %parallel_loop3A_603 = arith.addf %parallel_loop3A_551, %parallel_loop3A_599 : vector<16xf32>
        %parallel_loop3A_604 = arith.mulf %parallel_loop3A_599, %parallel_loop3A_599 : vector<16xf32>
        %parallel_loop3A_605 = arith.addf %parallel_loop3A_553, %parallel_loop3A_604 : vector<16xf32>
        %parallel_loop3A_606 = arith.index_cast %parallel_loop3A_418 : i32 to index
        %parallel_loop3A_607 = arith.constant 240 : index
        %parallel_loop3A_608 = tpu.vector_load %arg13[%parallel_loop3A_606, %parallel_loop3A_607] {strides = array<i32>} : memref<16x768xf32, #tpu.memory_space<vmem>>, vector<16xf32>,
        %parallel_loop3A_609 = arith.index_cast %parallel_loop3A_418 : i32 to index
        %parallel_loop3A_610 = arith.constant 240 : index
        %parallel_loop3A_611 = tpu.vector_load %arg9[%parallel_loop3A_609, %parallel_loop3A_610] {strides = array<i32>} : memref<16x768xf32, #tpu.memory_space<vmem>>, vector<16xf32>,
        %parallel_loop3A_612 = arith.addf %parallel_loop3A_608, %parallel_loop3A_611 : vector<16xf32>
        %parallel_loop3A_613 = arith.index_cast %parallel_loop3A_418 : i32 to index
        %parallel_loop3A_614 = arith.constant 240 : index
        %parallel_loop3A_615 = tpu.vector_load %arg15[%parallel_loop3A_613, %parallel_loop3A_614] {strides = array<i32>} : memref<16x768xf32, #tpu.memory_space<vmem>>, vector<16xf32>,
        tpu.vector_store %arg15[%parallel_loop3A_613, %parallel_loop3A_614], %parallel_loop3A_612 {strides = array<i32>} : memref<16x768xf32, #tpu.memory_space<vmem>>, vector<16xf32>,
        %parallel_loop3A_616 = arith.addf %parallel_loop3A_564, %parallel_loop3A_612 : vector<16xf32>
        %parallel_loop3A_617 = arith.mulf %parallel_loop3A_612, %parallel_loop3A_612 : vector<16xf32>
        %parallel_loop3A_618 = arith.addf %parallel_loop3A_566, %parallel_loop3A_617 : vector<16xf32>
        %parallel_loop3A_619 = arith.index_cast %parallel_loop3A_418 : i32 to index
        %parallel_loop3A_620 = arith.constant 256 : index
        %parallel_loop3A_621 = tpu.vector_load %arg13[%parallel_loop3A_619, %parallel_loop3A_620] {strides = array<i32>} : memref<16x768xf32, #tpu.memory_space<vmem>>, vector<16xf32>,
        %parallel_loop3A_622 = arith.index_cast %parallel_loop3A_418 : i32 to index
        %parallel_loop3A_623 = arith.constant 256 : index
        %parallel_loop3A_624 = tpu.vector_load %arg9[%parallel_loop3A_622, %parallel_loop3A_623] {strides = array<i32>} : memref<16x768xf32, #tpu.memory_space<vmem>>, vector<16xf32>,
        %parallel_loop3A_625 = arith.addf %parallel_loop3A_621, %parallel_loop3A_624 : vector<16xf32>
        %parallel_loop3A_626 = arith.index_cast %parallel_loop3A_418 : i32 to index
        %parallel_loop3A_627 = arith.constant 256 : index
        %parallel_loop3A_628 = tpu.vector_load %arg15[%parallel_loop3A_626, %parallel_loop3A_627] {strides = array<i32>} : memref<16x768xf32, #tpu.memory_space<vmem>>, vector<16xf32>,
        tpu.vector_store %arg15[%parallel_loop3A_626, %parallel_loop3A_627], %parallel_loop3A_625 {strides = array<i32>} : memref<16x768xf32, #tpu.memory_space<vmem>>, vector<16xf32>,
        %parallel_loop3A_629 = arith.addf %parallel_loop3A_577, %parallel_loop3A_625 : vector<16xf32>
        %parallel_loop3A_630 = arith.mulf %parallel_loop3A_625, %parallel_loop3A_625 : vector<16xf32>
        %parallel_loop3A_631 = arith.addf %parallel_loop3A_579, %parallel_loop3A_630 : vector<16xf32>
        %parallel_loop3A_632 = arith.index_cast %parallel_loop3A_418 : i32 to index
        %parallel_loop3A_633 = arith.constant 272 : index
        %parallel_loop3A_634 = tpu.vector_load %arg13[%parallel_loop3A_632, %parallel_loop3A_633] {strides = array<i32>} : memref<16x768xf32, #tpu.memory_space<vmem>>, vector<16xf32>,
        %parallel_loop3A_635 = arith.index_cast %parallel_loop3A_418 : i32 to index
        %parallel_loop3A_636 = arith.constant 272 : index
        %parallel_loop3A_637 = tpu.vector_load %arg9[%parallel_loop3A_635, %parallel_loop3A_636] {strides = array<i32>} : memref<16x768xf32, #tpu.memory_space<vmem>>, vector<16xf32>,
        %parallel_loop3A_638 = arith.addf %parallel_loop3A_634, %parallel_loop3A_637 : vector<16xf32>
        %parallel_loop3A_639 = arith.index_cast %parallel_loop3A_418 : i32 to index
        %parallel_loop3A_640 = arith.constant 272 : index
        %parallel_loop3A_641 = tpu.vector_load %arg15[%parallel_loop3A_639, %parallel_loop3A_640] {strides = array<i32>} : memref<16x768xf32, #tpu.memory_space<vmem>>, vector<16xf32>,
        tpu.vector_store %arg15[%parallel_loop3A_639, %parallel_loop3A_640], %parallel_loop3A_638 {strides = array<i32>} : memref<16x768xf32, #tpu.memory_space<vmem>>, vector<16xf32>,
        %parallel_loop3A_642 = arith.addf %parallel_loop3A_590, %parallel_loop3A_638 : vector<16xf32>
        %parallel_loop3A_643 = arith.mulf %parallel_loop3A_638, %parallel_loop3A_638 : vector<16xf32>
        %parallel_loop3A_644 = arith.addf %parallel_loop3A_592, %parallel_loop3A_643 : vector<16xf32>
        %parallel_loop3A_645 = arith.index_cast %parallel_loop3A_418 : i32 to index
        %parallel_loop3A_646 = arith.constant 288 : index
        %parallel_loop3A_647 = tpu.vector_load %arg13[%parallel_loop3A_645, %parallel_loop3A_646] {strides = array<i32>} : memref<16x768xf32, #tpu.memory_space<vmem>>, vector<16xf32>,
        %parallel_loop3A_648 = arith.index_cast %parallel_loop3A_418 : i32 to index
        %parallel_loop3A_649 = arith.constant 288 : index
        %parallel_loop3A_650 = tpu.vector_load %arg9[%parallel_loop3A_648, %parallel_loop3A_649] {strides = array<i32>} : memref<16x768xf32, #tpu.memory_space<vmem>>, vector<16xf32>,
        %parallel_loop3A_651 = arith.addf %parallel_loop3A_647, %parallel_loop3A_650 : vector<16xf32>
        %parallel_loop3A_652 = arith.index_cast %parallel_loop3A_418 : i32 to index
        %parallel_loop3A_653 = arith.constant 288 : index
        %parallel_loop3A_654 = tpu.vector_load %arg15[%parallel_loop3A_652, %parallel_loop3A_653] {strides = array<i32>} : memref<16x768xf32, #tpu.memory_space<vmem>>, vector<16xf32>,
        tpu.vector_store %arg15[%parallel_loop3A_652, %parallel_loop3A_653], %parallel_loop3A_651 {strides = array<i32>} : memref<16x768xf32, #tpu.memory_space<vmem>>, vector<16xf32>,
        %parallel_loop3A_655 = arith.addf %parallel_loop3A_603, %parallel_loop3A_651 : vector<16xf32>
        %parallel_loop3A_656 = arith.mulf %parallel_loop3A_651, %parallel_loop3A_651 : vector<16xf32>
        %parallel_loop3A_657 = arith.addf %parallel_loop3A_605, %parallel_loop3A_656 : vector<16xf32>
        %parallel_loop3A_658 = arith.index_cast %parallel_loop3A_418 : i32 to index
        %parallel_loop3A_659 = arith.constant 304 : index
        %parallel_loop3A_660 = tpu.vector_load %arg13[%parallel_loop3A_658, %parallel_loop3A_659] {strides = array<i32>} : memref<16x768xf32, #tpu.memory_space<vmem>>, vector<16xf32>,
        %parallel_loop3A_661 = arith.index_cast %parallel_loop3A_418 : i32 to index
        %parallel_loop3A_662 = arith.constant 304 : index
        %parallel_loop3A_663 = tpu.vector_load %arg9[%parallel_loop3A_661, %parallel_loop3A_662] {strides = array<i32>} : memref<16x768xf32, #tpu.memory_space<vmem>>, vector<16xf32>,
        %parallel_loop3A_664 = arith.addf %parallel_loop3A_660, %parallel_loop3A_663 : vector<16xf32>
        %parallel_loop3A_665 = arith.index_cast %parallel_loop3A_418 : i32 to index
        %parallel_loop3A_666 = arith.constant 304 : index
        %parallel_loop3A_667 = tpu.vector_load %arg15[%parallel_loop3A_665, %parallel_loop3A_666] {strides = array<i32>} : memref<16x768xf32, #tpu.memory_space<vmem>>, vector<16xf32>,
        tpu.vector_store %arg15[%parallel_loop3A_665, %parallel_loop3A_666], %parallel_loop3A_664 {strides = array<i32>} : memref<16x768xf32, #tpu.memory_space<vmem>>, vector<16xf32>,
        %parallel_loop3A_668 = arith.addf %parallel_loop3A_616, %parallel_loop3A_664 : vector<16xf32>
        %parallel_loop3A_669 = arith.mulf %parallel_loop3A_664, %parallel_loop3A_664 : vector<16xf32>
        %parallel_loop3A_670 = arith.addf %parallel_loop3A_618, %parallel_loop3A_669 : vector<16xf32>
        %parallel_loop3A_671 = arith.index_cast %parallel_loop3A_418 : i32 to index
        %parallel_loop3A_672 = arith.constant 320 : index
        %parallel_loop3A_673 = tpu.vector_load %arg13[%parallel_loop3A_671, %parallel_loop3A_672] {strides = array<i32>} : memref<16x768xf32, #tpu.memory_space<vmem>>, vector<16xf32>,
        %parallel_loop3A_674 = arith.index_cast %parallel_loop3A_418 : i32 to index
        %parallel_loop3A_675 = arith.constant 320 : index
        %parallel_loop3A_676 = tpu.vector_load %arg9[%parallel_loop3A_674, %parallel_loop3A_675] {strides = array<i32>} : memref<16x768xf32, #tpu.memory_space<vmem>>, vector<16xf32>,
        %parallel_loop3A_677 = arith.addf %parallel_loop3A_673, %parallel_loop3A_676 : vector<16xf32>
        %parallel_loop3A_678 = arith.index_cast %parallel_loop3A_418 : i32 to index
        %parallel_loop3A_679 = arith.constant 320 : index
        %parallel_loop3A_680 = tpu.vector_load %arg15[%parallel_loop3A_678, %parallel_loop3A_679] {strides = array<i32>} : memref<16x768xf32, #tpu.memory_space<vmem>>, vector<16xf32>,
        tpu.vector_store %arg15[%parallel_loop3A_678, %parallel_loop3A_679], %parallel_loop3A_677 {strides = array<i32>} : memref<16x768xf32, #tpu.memory_space<vmem>>, vector<16xf32>,
        %parallel_loop3A_681 = arith.addf %parallel_loop3A_629, %parallel_loop3A_677 : vector<16xf32>
        %parallel_loop3A_682 = arith.mulf %parallel_loop3A_677, %parallel_loop3A_677 : vector<16xf32>
        %parallel_loop3A_683 = arith.addf %parallel_loop3A_631, %parallel_loop3A_682 : vector<16xf32>
        %parallel_loop3A_684 = arith.index_cast %parallel_loop3A_418 : i32 to index
        %parallel_loop3A_685 = arith.constant 336 : index
        %parallel_loop3A_686 = tpu.vector_load %arg13[%parallel_loop3A_684, %parallel_loop3A_685] {strides = array<i32>} : memref<16x768xf32, #tpu.memory_space<vmem>>, vector<16xf32>,
        %parallel_loop3A_687 = arith.index_cast %parallel_loop3A_418 : i32 to index
        %parallel_loop3A_688 = arith.constant 336 : index
        %parallel_loop3A_689 = tpu.vector_load %arg9[%parallel_loop3A_687, %parallel_loop3A_688] {strides = array<i32>} : memref<16x768xf32, #tpu.memory_space<vmem>>, vector<16xf32>,
        %parallel_loop3A_690 = arith.addf %parallel_loop3A_686, %parallel_loop3A_689 : vector<16xf32>
        %parallel_loop3A_691 = arith.index_cast %parallel_loop3A_418 : i32 to index
        %parallel_loop3A_692 = arith.constant 336 : index
        %parallel_loop3A_693 = tpu.vector_load %arg15[%parallel_loop3A_691, %parallel_loop3A_692] {strides = array<i32>} : memref<16x768xf32, #tpu.memory_space<vmem>>, vector<16xf32>,
        tpu.vector_store %arg15[%parallel_loop3A_691, %parallel_loop3A_692], %parallel_loop3A_690 {strides = array<i32>} : memref<16x768xf32, #tpu.memory_space<vmem>>, vector<16xf32>,
        %parallel_loop3A_694 = arith.addf %parallel_loop3A_642, %parallel_loop3A_690 : vector<16xf32>
        %parallel_loop3A_695 = arith.mulf %parallel_loop3A_690, %parallel_loop3A_690 : vector<16xf32>
        %parallel_loop3A_696 = arith.addf %parallel_loop3A_644, %parallel_loop3A_695 : vector<16xf32>
        %parallel_loop3A_697 = arith.index_cast %parallel_loop3A_418 : i32 to index
        %parallel_loop3A_698 = arith.constant 352 : index
        %parallel_loop3A_699 = tpu.vector_load %arg13[%parallel_loop3A_697, %parallel_loop3A_698] {strides = array<i32>} : memref<16x768xf32, #tpu.memory_space<vmem>>, vector<16xf32>,
        %parallel_loop3A_700 = arith.index_cast %parallel_loop3A_418 : i32 to index
        %parallel_loop3A_701 = arith.constant 352 : index
        %parallel_loop3A_702 = tpu.vector_load %arg9[%parallel_loop3A_700, %parallel_loop3A_701] {strides = array<i32>} : memref<16x768xf32, #tpu.memory_space<vmem>>, vector<16xf32>,
        %parallel_loop3A_703 = arith.addf %parallel_loop3A_699, %parallel_loop3A_702 : vector<16xf32>
        %parallel_loop3A_704 = arith.index_cast %parallel_loop3A_418 : i32 to index
        %parallel_loop3A_705 = arith.constant 352 : index
        %parallel_loop3A_706 = tpu.vector_load %arg15[%parallel_loop3A_704, %parallel_loop3A_705] {strides = array<i32>} : memref<16x768xf32, #tpu.memory_space<vmem>>, vector<16xf32>,
        tpu.vector_store %arg15[%parallel_loop3A_704, %parallel_loop3A_705], %parallel_loop3A_703 {strides = array<i32>} : memref<16x768xf32, #tpu.memory_space<vmem>>, vector<16xf32>,
        %parallel_loop3A_707 = arith.addf %parallel_loop3A_655, %parallel_loop3A_703 : vector<16xf32>
        %parallel_loop3A_708 = arith.mulf %parallel_loop3A_703, %parallel_loop3A_703 : vector<16xf32>
        %parallel_loop3A_709 = arith.addf %parallel_loop3A_657, %parallel_loop3A_708 : vector<16xf32>
        %parallel_loop3A_710 = arith.index_cast %parallel_loop3A_418 : i32 to index
        %parallel_loop3A_711 = arith.constant 368 : index
        %parallel_loop3A_712 = tpu.vector_load %arg13[%parallel_loop3A_710, %parallel_loop3A_711] {strides = array<i32>} : memref<16x768xf32, #tpu.memory_space<vmem>>, vector<16xf32>,
        %parallel_loop3A_713 = arith.index_cast %parallel_loop3A_418 : i32 to index
        %parallel_loop3A_714 = arith.constant 368 : index
        %parallel_loop3A_715 = tpu.vector_load %arg9[%parallel_loop3A_713, %parallel_loop3A_714] {strides = array<i32>} : memref<16x768xf32, #tpu.memory_space<vmem>>, vector<16xf32>,
        %parallel_loop3A_716 = arith.addf %parallel_loop3A_712, %parallel_loop3A_715 : vector<16xf32>
        %parallel_loop3A_717 = arith.index_cast %parallel_loop3A_418 : i32 to index
        %parallel_loop3A_718 = arith.constant 368 : index
        %parallel_loop3A_719 = tpu.vector_load %arg15[%parallel_loop3A_717, %parallel_loop3A_718] {strides = array<i32>} : memref<16x768xf32, #tpu.memory_space<vmem>>, vector<16xf32>,
        tpu.vector_store %arg15[%parallel_loop3A_717, %parallel_loop3A_718], %parallel_loop3A_716 {strides = array<i32>} : memref<16x768xf32, #tpu.memory_space<vmem>>, vector<16xf32>,
        %parallel_loop3A_720 = arith.addf %parallel_loop3A_668, %parallel_loop3A_716 : vector<16xf32>
        %parallel_loop3A_721 = arith.mulf %parallel_loop3A_716, %parallel_loop3A_716 : vector<16xf32>
        %parallel_loop3A_722 = arith.addf %parallel_loop3A_670, %parallel_loop3A_721 : vector<16xf32>
        %parallel_loop3A_723 = arith.index_cast %parallel_loop3A_418 : i32 to index
        %parallel_loop3A_724 = arith.constant 384 : index
        %parallel_loop3A_725 = tpu.vector_load %arg13[%parallel_loop3A_723, %parallel_loop3A_724] {strides = array<i32>} : memref<16x768xf32, #tpu.memory_space<vmem>>, vector<16xf32>,
        %parallel_loop3A_726 = arith.index_cast %parallel_loop3A_418 : i32 to index
        %parallel_loop3A_727 = arith.constant 384 : index
        %parallel_loop3A_728 = tpu.vector_load %arg9[%parallel_loop3A_726, %parallel_loop3A_727] {strides = array<i32>} : memref<16x768xf32, #tpu.memory_space<vmem>>, vector<16xf32>,
        %parallel_loop3A_729 = arith.addf %parallel_loop3A_725, %parallel_loop3A_728 : vector<16xf32>
        %parallel_loop3A_730 = arith.index_cast %parallel_loop3A_418 : i32 to index
        %parallel_loop3A_731 = arith.constant 384 : index
        %parallel_loop3A_732 = tpu.vector_load %arg15[%parallel_loop3A_730, %parallel_loop3A_731] {strides = array<i32>} : memref<16x768xf32, #tpu.memory_space<vmem>>, vector<16xf32>,
        tpu.vector_store %arg15[%parallel_loop3A_730, %parallel_loop3A_731], %parallel_loop3A_729 {strides = array<i32>} : memref<16x768xf32, #tpu.memory_space<vmem>>, vector<16xf32>,
        %parallel_loop3A_733 = arith.addf %parallel_loop3A_681, %parallel_loop3A_729 : vector<16xf32>
        %parallel_loop3A_734 = arith.mulf %parallel_loop3A_729, %parallel_loop3A_729 : vector<16xf32>
        %parallel_loop3A_735 = arith.addf %parallel_loop3A_683, %parallel_loop3A_734 : vector<16xf32>
        %parallel_loop3A_736 = arith.index_cast %parallel_loop3A_418 : i32 to index
        %parallel_loop3A_737 = arith.constant 400 : index
        %parallel_loop3A_738 = tpu.vector_load %arg13[%parallel_loop3A_736, %parallel_loop3A_737] {strides = array<i32>} : memref<16x768xf32, #tpu.memory_space<vmem>>, vector<16xf32>,
        %parallel_loop3A_739 = arith.index_cast %parallel_loop3A_418 : i32 to index
        %parallel_loop3A_740 = arith.constant 400 : index
        %parallel_loop3A_741 = tpu.vector_load %arg9[%parallel_loop3A_739, %parallel_loop3A_740] {strides = array<i32>} : memref<16x768xf32, #tpu.memory_space<vmem>>, vector<16xf32>,
        %parallel_loop3A_742 = arith.addf %parallel_loop3A_738, %parallel_loop3A_741 : vector<16xf32>
        %parallel_loop3A_743 = arith.index_cast %parallel_loop3A_418 : i32 to index
        %parallel_loop3A_744 = arith.constant 400 : index
        %parallel_loop3A_745 = tpu.vector_load %arg15[%parallel_loop3A_743, %parallel_loop3A_744] {strides = array<i32>} : memref<16x768xf32, #tpu.memory_space<vmem>>, vector<16xf32>,
        tpu.vector_store %arg15[%parallel_loop3A_743, %parallel_loop3A_744], %parallel_loop3A_742 {strides = array<i32>} : memref<16x768xf32, #tpu.memory_space<vmem>>, vector<16xf32>,
        %parallel_loop3A_746 = arith.addf %parallel_loop3A_694, %parallel_loop3A_742 : vector<16xf32>
        %parallel_loop3A_747 = arith.mulf %parallel_loop3A_742, %parallel_loop3A_742 : vector<16xf32>
        %parallel_loop3A_748 = arith.addf %parallel_loop3A_696, %parallel_loop3A_747 : vector<16xf32>
        %parallel_loop3A_749 = arith.index_cast %parallel_loop3A_418 : i32 to index
        %parallel_loop3A_750 = arith.constant 416 : index
        %parallel_loop3A_751 = tpu.vector_load %arg13[%parallel_loop3A_749, %parallel_loop3A_750] {strides = array<i32>} : memref<16x768xf32, #tpu.memory_space<vmem>>, vector<16xf32>,
        %parallel_loop3A_752 = arith.index_cast %parallel_loop3A_418 : i32 to index
        %parallel_loop3A_753 = arith.constant 416 : index
        %parallel_loop3A_754 = tpu.vector_load %arg9[%parallel_loop3A_752, %parallel_loop3A_753] {strides = array<i32>} : memref<16x768xf32, #tpu.memory_space<vmem>>, vector<16xf32>,
        %parallel_loop3A_755 = arith.addf %parallel_loop3A_751, %parallel_loop3A_754 : vector<16xf32>
        %parallel_loop3A_756 = arith.index_cast %parallel_loop3A_418 : i32 to index
        %parallel_loop3A_757 = arith.constant 416 : index
        %parallel_loop3A_758 = tpu.vector_load %arg15[%parallel_loop3A_756, %parallel_loop3A_757] {strides = array<i32>} : memref<16x768xf32, #tpu.memory_space<vmem>>, vector<16xf32>,
        tpu.vector_store %arg15[%parallel_loop3A_756, %parallel_loop3A_757], %parallel_loop3A_755 {strides = array<i32>} : memref<16x768xf32, #tpu.memory_space<vmem>>, vector<16xf32>,
        %parallel_loop3A_759 = arith.addf %parallel_loop3A_707, %parallel_loop3A_755 : vector<16xf32>
        %parallel_loop3A_760 = arith.mulf %parallel_loop3A_755, %parallel_loop3A_755 : vector<16xf32>
        %parallel_loop3A_761 = arith.addf %parallel_loop3A_709, %parallel_loop3A_760 : vector<16xf32>
        %parallel_loop3A_762 = arith.index_cast %parallel_loop3A_418 : i32 to index
        %parallel_loop3A_763 = arith.constant 432 : index
        %parallel_loop3A_764 = tpu.vector_load %arg13[%parallel_loop3A_762, %parallel_loop3A_763] {strides = array<i32>} : memref<16x768xf32, #tpu.memory_space<vmem>>, vector<16xf32>,
        %parallel_loop3A_765 = arith.index_cast %parallel_loop3A_418 : i32 to index
        %parallel_loop3A_766 = arith.constant 432 : index
        %parallel_loop3A_767 = tpu.vector_load %arg9[%parallel_loop3A_765, %parallel_loop3A_766] {strides = array<i32>} : memref<16x768xf32, #tpu.memory_space<vmem>>, vector<16xf32>,
        %parallel_loop3A_768 = arith.addf %parallel_loop3A_764, %parallel_loop3A_767 : vector<16xf32>
        %parallel_loop3A_769 = arith.index_cast %parallel_loop3A_418 : i32 to index
        %parallel_loop3A_770 = arith.constant 432 : index
        %parallel_loop3A_771 = tpu.vector_load %arg15[%parallel_loop3A_769, %parallel_loop3A_770] {strides = array<i32>} : memref<16x768xf32, #tpu.memory_space<vmem>>, vector<16xf32>,
        tpu.vector_store %arg15[%parallel_loop3A_769, %parallel_loop3A_770], %parallel_loop3A_768 {strides = array<i32>} : memref<16x768xf32, #tpu.memory_space<vmem>>, vector<16xf32>,
        %parallel_loop3A_772 = arith.addf %parallel_loop3A_720, %parallel_loop3A_768 : vector<16xf32>
        %parallel_loop3A_773 = arith.mulf %parallel_loop3A_768, %parallel_loop3A_768 : vector<16xf32>
        %parallel_loop3A_774 = arith.addf %parallel_loop3A_722, %parallel_loop3A_773 : vector<16xf32>
        %parallel_loop3A_775 = arith.index_cast %parallel_loop3A_418 : i32 to index
        %parallel_loop3A_776 = arith.constant 448 : index
        %parallel_loop3A_777 = tpu.vector_load %arg13[%parallel_loop3A_775, %parallel_loop3A_776] {strides = array<i32>} : memref<16x768xf32, #tpu.memory_space<vmem>>, vector<16xf32>,
        %parallel_loop3A_778 = arith.index_cast %parallel_loop3A_418 : i32 to index
        %parallel_loop3A_779 = arith.constant 448 : index
        %parallel_loop3A_780 = tpu.vector_load %arg9[%parallel_loop3A_778, %parallel_loop3A_779] {strides = array<i32>} : memref<16x768xf32, #tpu.memory_space<vmem>>, vector<16xf32>,
        %parallel_loop3A_781 = arith.addf %parallel_loop3A_777, %parallel_loop3A_780 : vector<16xf32>
        %parallel_loop3A_782 = arith.index_cast %parallel_loop3A_418 : i32 to index
        %parallel_loop3A_783 = arith.constant 448 : index
        %parallel_loop3A_784 = tpu.vector_load %arg15[%parallel_loop3A_782, %parallel_loop3A_783] {strides = array<i32>} : memref<16x768xf32, #tpu.memory_space<vmem>>, vector<16xf32>,
        tpu.vector_store %arg15[%parallel_loop3A_782, %parallel_loop3A_783], %parallel_loop3A_781 {strides = array<i32>} : memref<16x768xf32, #tpu.memory_space<vmem>>, vector<16xf32>,
        %parallel_loop3A_785 = arith.addf %parallel_loop3A_733, %parallel_loop3A_781 : vector<16xf32>
        %parallel_loop3A_786 = arith.mulf %parallel_loop3A_781, %parallel_loop3A_781 : vector<16xf32>
        %parallel_loop3A_787 = arith.addf %parallel_loop3A_735, %parallel_loop3A_786 : vector<16xf32>
        %parallel_loop3A_788 = arith.index_cast %parallel_loop3A_418 : i32 to index
        %parallel_loop3A_789 = arith.constant 464 : index
        %parallel_loop3A_790 = tpu.vector_load %arg13[%parallel_loop3A_788, %parallel_loop3A_789] {strides = array<i32>} : memref<16x768xf32, #tpu.memory_space<vmem>>, vector<16xf32>,
        %parallel_loop3A_791 = arith.index_cast %parallel_loop3A_418 : i32 to index
        %parallel_loop3A_792 = arith.constant 464 : index
        %parallel_loop3A_793 = tpu.vector_load %arg9[%parallel_loop3A_791, %parallel_loop3A_792] {strides = array<i32>} : memref<16x768xf32, #tpu.memory_space<vmem>>, vector<16xf32>,
        %parallel_loop3A_794 = arith.addf %parallel_loop3A_790, %parallel_loop3A_793 : vector<16xf32>
        %parallel_loop3A_795 = arith.index_cast %parallel_loop3A_418 : i32 to index
        %parallel_loop3A_796 = arith.constant 464 : index
        %parallel_loop3A_797 = tpu.vector_load %arg15[%parallel_loop3A_795, %parallel_loop3A_796] {strides = array<i32>} : memref<16x768xf32, #tpu.memory_space<vmem>>, vector<16xf32>,
        tpu.vector_store %arg15[%parallel_loop3A_795, %parallel_loop3A_796], %parallel_loop3A_794 {strides = array<i32>} : memref<16x768xf32, #tpu.memory_space<vmem>>, vector<16xf32>,
        %parallel_loop3A_798 = arith.addf %parallel_loop3A_746, %parallel_loop3A_794 : vector<16xf32>
        %parallel_loop3A_799 = arith.mulf %parallel_loop3A_794, %parallel_loop3A_794 : vector<16xf32>
        %parallel_loop3A_800 = arith.addf %parallel_loop3A_748, %parallel_loop3A_799 : vector<16xf32>
        %parallel_loop3A_801 = arith.index_cast %parallel_loop3A_418 : i32 to index
        %parallel_loop3A_802 = arith.constant 480 : index
        %parallel_loop3A_803 = tpu.vector_load %arg13[%parallel_loop3A_801, %parallel_loop3A_802] {strides = array<i32>} : memref<16x768xf32, #tpu.memory_space<vmem>>, vector<16xf32>,
        %parallel_loop3A_804 = arith.index_cast %parallel_loop3A_418 : i32 to index
        %parallel_loop3A_805 = arith.constant 480 : index
        %parallel_loop3A_806 = tpu.vector_load %arg9[%parallel_loop3A_804, %parallel_loop3A_805] {strides = array<i32>} : memref<16x768xf32, #tpu.memory_space<vmem>>, vector<16xf32>,
        %parallel_loop3A_807 = arith.addf %parallel_loop3A_803, %parallel_loop3A_806 : vector<16xf32>
        %parallel_loop3A_808 = arith.index_cast %parallel_loop3A_418 : i32 to index
        %parallel_loop3A_809 = arith.constant 480 : index
        %parallel_loop3A_810 = tpu.vector_load %arg15[%parallel_loop3A_808, %parallel_loop3A_809] {strides = array<i32>} : memref<16x768xf32, #tpu.memory_space<vmem>>, vector<16xf32>,
        tpu.vector_store %arg15[%parallel_loop3A_808, %parallel_loop3A_809], %parallel_loop3A_807 {strides = array<i32>} : memref<16x768xf32, #tpu.memory_space<vmem>>, vector<16xf32>,
        %parallel_loop3A_811 = arith.addf %parallel_loop3A_759, %parallel_loop3A_807 : vector<16xf32>
        %parallel_loop3A_812 = arith.mulf %parallel_loop3A_807, %parallel_loop3A_807 : vector<16xf32>
        %parallel_loop3A_813 = arith.addf %parallel_loop3A_761, %parallel_loop3A_812 : vector<16xf32>
        %parallel_loop3A_814 = arith.index_cast %parallel_loop3A_418 : i32 to index
        %parallel_loop3A_815 = arith.constant 496 : index
        %parallel_loop3A_816 = tpu.vector_load %arg13[%parallel_loop3A_814, %parallel_loop3A_815] {strides = array<i32>} : memref<16x768xf32, #tpu.memory_space<vmem>>, vector<16xf32>,
        %parallel_loop3A_817 = arith.index_cast %parallel_loop3A_418 : i32 to index
        %parallel_loop3A_818 = arith.constant 496 : index
        %parallel_loop3A_819 = tpu.vector_load %arg9[%parallel_loop3A_817, %parallel_loop3A_818] {strides = array<i32>} : memref<16x768xf32, #tpu.memory_space<vmem>>, vector<16xf32>,
        %parallel_loop3A_820 = arith.addf %parallel_loop3A_816, %parallel_loop3A_819 : vector<16xf32>
        %parallel_loop3A_821 = arith.index_cast %parallel_loop3A_418 : i32 to index
        %parallel_loop3A_822 = arith.constant 496 : index
        %parallel_loop3A_823 = tpu.vector_load %arg15[%parallel_loop3A_821, %parallel_loop3A_822] {strides = array<i32>} : memref<16x768xf32, #tpu.memory_space<vmem>>, vector<16xf32>,
        tpu.vector_store %arg15[%parallel_loop3A_821, %parallel_loop3A_822], %parallel_loop3A_820 {strides = array<i32>} : memref<16x768xf32, #tpu.memory_space<vmem>>, vector<16xf32>,
        %parallel_loop3A_824 = arith.addf %parallel_loop3A_772, %parallel_loop3A_820 : vector<16xf32>
        %parallel_loop3A_825 = arith.mulf %parallel_loop3A_820, %parallel_loop3A_820 : vector<16xf32>
        %parallel_loop3A_826 = arith.addf %parallel_loop3A_774, %parallel_loop3A_825 : vector<16xf32>
        %parallel_loop3A_827 = arith.index_cast %parallel_loop3A_418 : i32 to index
        %parallel_loop3A_828 = arith.constant 512 : index
        %parallel_loop3A_829 = tpu.vector_load %arg13[%parallel_loop3A_827, %parallel_loop3A_828] {strides = array<i32>} : memref<16x768xf32, #tpu.memory_space<vmem>>, vector<16xf32>,
        %parallel_loop3A_830 = arith.index_cast %parallel_loop3A_418 : i32 to index
        %parallel_loop3A_831 = arith.constant 512 : index
        %parallel_loop3A_832 = tpu.vector_load %arg9[%parallel_loop3A_830, %parallel_loop3A_831] {strides = array<i32>} : memref<16x768xf32, #tpu.memory_space<vmem>>, vector<16xf32>,
        %parallel_loop3A_833 = arith.addf %parallel_loop3A_829, %parallel_loop3A_832 : vector<16xf32>
        %parallel_loop3A_834 = arith.index_cast %parallel_loop3A_418 : i32 to index
        %parallel_loop3A_835 = arith.constant 512 : index
        %parallel_loop3A_836 = tpu.vector_load %arg15[%parallel_loop3A_834, %parallel_loop3A_835] {strides = array<i32>} : memref<16x768xf32, #tpu.memory_space<vmem>>, vector<16xf32>,
        tpu.vector_store %arg15[%parallel_loop3A_834, %parallel_loop3A_835], %parallel_loop3A_833 {strides = array<i32>} : memref<16x768xf32, #tpu.memory_space<vmem>>, vector<16xf32>,
        %parallel_loop3A_837 = arith.addf %parallel_loop3A_785, %parallel_loop3A_833 : vector<16xf32>
        %parallel_loop3A_838 = arith.mulf %parallel_loop3A_833, %parallel_loop3A_833 : vector<16xf32>
        %parallel_loop3A_839 = arith.addf %parallel_loop3A_787, %parallel_loop3A_838 : vector<16xf32>
        %parallel_loop3A_840 = arith.index_cast %parallel_loop3A_418 : i32 to index
        %parallel_loop3A_841 = arith.constant 528 : index
        %parallel_loop3A_842 = tpu.vector_load %arg13[%parallel_loop3A_840, %parallel_loop3A_841] {strides = array<i32>} : memref<16x768xf32, #tpu.memory_space<vmem>>, vector<16xf32>,
        %parallel_loop3A_843 = arith.index_cast %parallel_loop3A_418 : i32 to index
        %parallel_loop3A_844 = arith.constant 528 : index
        %parallel_loop3A_845 = tpu.vector_load %arg9[%parallel_loop3A_843, %parallel_loop3A_844] {strides = array<i32>} : memref<16x768xf32, #tpu.memory_space<vmem>>, vector<16xf32>,
        %parallel_loop3A_846 = arith.addf %parallel_loop3A_842, %parallel_loop3A_845 : vector<16xf32>
        %parallel_loop3A_847 = arith.index_cast %parallel_loop3A_418 : i32 to index
        %parallel_loop3A_848 = arith.constant 528 : index
        %parallel_loop3A_849 = tpu.vector_load %arg15[%parallel_loop3A_847, %parallel_loop3A_848] {strides = array<i32>} : memref<16x768xf32, #tpu.memory_space<vmem>>, vector<16xf32>,
        tpu.vector_store %arg15[%parallel_loop3A_847, %parallel_loop3A_848], %parallel_loop3A_846 {strides = array<i32>} : memref<16x768xf32, #tpu.memory_space<vmem>>, vector<16xf32>,
        %parallel_loop3A_850 = arith.addf %parallel_loop3A_798, %parallel_loop3A_846 : vector<16xf32>
        %parallel_loop3A_851 = arith.mulf %parallel_loop3A_846, %parallel_loop3A_846 : vector<16xf32>
        %parallel_loop3A_852 = arith.addf %parallel_loop3A_800, %parallel_loop3A_851 : vector<16xf32>
        %parallel_loop3A_853 = arith.index_cast %parallel_loop3A_418 : i32 to index
        %parallel_loop3A_854 = arith.constant 544 : index
        %parallel_loop3A_855 = tpu.vector_load %arg13[%parallel_loop3A_853, %parallel_loop3A_854] {strides = array<i32>} : memref<16x768xf32, #tpu.memory_space<vmem>>, vector<16xf32>,
        %parallel_loop3A_856 = arith.index_cast %parallel_loop3A_418 : i32 to index
        %parallel_loop3A_857 = arith.constant 544 : index
        %parallel_loop3A_858 = tpu.vector_load %arg9[%parallel_loop3A_856, %parallel_loop3A_857] {strides = array<i32>} : memref<16x768xf32, #tpu.memory_space<vmem>>, vector<16xf32>,
        %parallel_loop3A_859 = arith.addf %parallel_loop3A_855, %parallel_loop3A_858 : vector<16xf32>
        %parallel_loop3A_860 = arith.index_cast %parallel_loop3A_418 : i32 to index
        %parallel_loop3A_861 = arith.constant 544 : index
        %parallel_loop3A_862 = tpu.vector_load %arg15[%parallel_loop3A_860, %parallel_loop3A_861] {strides = array<i32>} : memref<16x768xf32, #tpu.memory_space<vmem>>, vector<16xf32>,
        tpu.vector_store %arg15[%parallel_loop3A_860, %parallel_loop3A_861], %parallel_loop3A_859 {strides = array<i32>} : memref<16x768xf32, #tpu.memory_space<vmem>>, vector<16xf32>,
        %parallel_loop3A_863 = arith.addf %parallel_loop3A_811, %parallel_loop3A_859 : vector<16xf32>
        %parallel_loop3A_864 = arith.mulf %parallel_loop3A_859, %parallel_loop3A_859 : vector<16xf32>
        %parallel_loop3A_865 = arith.addf %parallel_loop3A_813, %parallel_loop3A_864 : vector<16xf32>
        %parallel_loop3A_866 = arith.index_cast %parallel_loop3A_418 : i32 to index
        %parallel_loop3A_867 = arith.constant 560 : index
        %parallel_loop3A_868 = tpu.vector_load %arg13[%parallel_loop3A_866, %parallel_loop3A_867] {strides = array<i32>} : memref<16x768xf32, #tpu.memory_space<vmem>>, vector<16xf32>,
        %parallel_loop3A_869 = arith.index_cast %parallel_loop3A_418 : i32 to index
        %parallel_loop3A_870 = arith.constant 560 : index
        %parallel_loop3A_871 = tpu.vector_load %arg9[%parallel_loop3A_869, %parallel_loop3A_870] {strides = array<i32>} : memref<16x768xf32, #tpu.memory_space<vmem>>, vector<16xf32>,
        %parallel_loop3A_872 = arith.addf %parallel_loop3A_868, %parallel_loop3A_871 : vector<16xf32>
        %parallel_loop3A_873 = arith.index_cast %parallel_loop3A_418 : i32 to index
        %parallel_loop3A_874 = arith.constant 560 : index
        %parallel_loop3A_875 = tpu.vector_load %arg15[%parallel_loop3A_873, %parallel_loop3A_874] {strides = array<i32>} : memref<16x768xf32, #tpu.memory_space<vmem>>, vector<16xf32>,
        tpu.vector_store %arg15[%parallel_loop3A_873, %parallel_loop3A_874], %parallel_loop3A_872 {strides = array<i32>} : memref<16x768xf32, #tpu.memory_space<vmem>>, vector<16xf32>,
        %parallel_loop3A_876 = arith.addf %parallel_loop3A_824, %parallel_loop3A_872 : vector<16xf32>
        %parallel_loop3A_877 = arith.mulf %parallel_loop3A_872, %parallel_loop3A_872 : vector<16xf32>
        %parallel_loop3A_878 = arith.addf %parallel_loop3A_826, %parallel_loop3A_877 : vector<16xf32>
        %parallel_loop3A_879 = arith.index_cast %parallel_loop3A_418 : i32 to index
        %parallel_loop3A_880 = arith.constant 576 : index
        %parallel_loop3A_881 = tpu.vector_load %arg13[%parallel_loop3A_879, %parallel_loop3A_880] {strides = array<i32>} : memref<16x768xf32, #tpu.memory_space<vmem>>, vector<16xf32>,
        %parallel_loop3A_882 = arith.index_cast %parallel_loop3A_418 : i32 to index
        %parallel_loop3A_883 = arith.constant 576 : index
        %parallel_loop3A_884 = tpu.vector_load %arg9[%parallel_loop3A_882, %parallel_loop3A_883] {strides = array<i32>} : memref<16x768xf32, #tpu.memory_space<vmem>>, vector<16xf32>,
        %parallel_loop3A_885 = arith.addf %parallel_loop3A_881, %parallel_loop3A_884 : vector<16xf32>
        %parallel_loop3A_886 = arith.index_cast %parallel_loop3A_418 : i32 to index
        %parallel_loop3A_887 = arith.constant 576 : index
        %parallel_loop3A_888 = tpu.vector_load %arg15[%parallel_loop3A_886, %parallel_loop3A_887] {strides = array<i32>} : memref<16x768xf32, #tpu.memory_space<vmem>>, vector<16xf32>,
        tpu.vector_store %arg15[%parallel_loop3A_886, %parallel_loop3A_887], %parallel_loop3A_885 {strides = array<i32>} : memref<16x768xf32, #tpu.memory_space<vmem>>, vector<16xf32>,
        %parallel_loop3A_889 = arith.addf %parallel_loop3A_837, %parallel_loop3A_885 : vector<16xf32>
        %parallel_loop3A_890 = arith.mulf %parallel_loop3A_885, %parallel_loop3A_885 : vector<16xf32>
        %parallel_loop3A_891 = arith.addf %parallel_loop3A_839, %parallel_loop3A_890 : vector<16xf32>
        %parallel_loop3A_892 = arith.index_cast %parallel_loop3A_418 : i32 to index
        %parallel_loop3A_893 = arith.constant 592 : index
        %parallel_loop3A_894 = tpu.vector_load %arg13[%parallel_loop3A_892, %parallel_loop3A_893] {strides = array<i32>} : memref<16x768xf32, #tpu.memory_space<vmem>>, vector<16xf32>,
        %parallel_loop3A_895 = arith.index_cast %parallel_loop3A_418 : i32 to index
        %parallel_loop3A_896 = arith.constant 592 : index
        %parallel_loop3A_897 = tpu.vector_load %arg9[%parallel_loop3A_895, %parallel_loop3A_896] {strides = array<i32>} : memref<16x768xf32, #tpu.memory_space<vmem>>, vector<16xf32>,
        %parallel_loop3A_898 = arith.addf %parallel_loop3A_894, %parallel_loop3A_897 : vector<16xf32>
        %parallel_loop3A_899 = arith.index_cast %parallel_loop3A_418 : i32 to index
        %parallel_loop3A_900 = arith.constant 592 : index
        %parallel_loop3A_901 = tpu.vector_load %arg15[%parallel_loop3A_899, %parallel_loop3A_900] {strides = array<i32>} : memref<16x768xf32, #tpu.memory_space<vmem>>, vector<16xf32>,
        tpu.vector_store %arg15[%parallel_loop3A_899, %parallel_loop3A_900], %parallel_loop3A_898 {strides = array<i32>} : memref<16x768xf32, #tpu.memory_space<vmem>>, vector<16xf32>,
        %parallel_loop3A_902 = arith.addf %parallel_loop3A_850, %parallel_loop3A_898 : vector<16xf32>
        %parallel_loop3A_903 = arith.mulf %parallel_loop3A_898, %parallel_loop3A_898 : vector<16xf32>
        %parallel_loop3A_904 = arith.addf %parallel_loop3A_852, %parallel_loop3A_903 : vector<16xf32>
        %parallel_loop3A_905 = arith.index_cast %parallel_loop3A_418 : i32 to index
        %parallel_loop3A_906 = arith.constant 608 : index
        %parallel_loop3A_907 = tpu.vector_load %arg13[%parallel_loop3A_905, %parallel_loop3A_906] {strides = array<i32>} : memref<16x768xf32, #tpu.memory_space<vmem>>, vector<16xf32>,
        %parallel_loop3A_908 = arith.index_cast %parallel_loop3A_418 : i32 to index
        %parallel_loop3A_909 = arith.constant 608 : index
        %parallel_loop3A_910 = tpu.vector_load %arg9[%parallel_loop3A_908, %parallel_loop3A_909] {strides = array<i32>} : memref<16x768xf32, #tpu.memory_space<vmem>>, vector<16xf32>,
        %parallel_loop3A_911 = arith.addf %parallel_loop3A_907, %parallel_loop3A_910 : vector<16xf32>
        %parallel_loop3A_912 = arith.index_cast %parallel_loop3A_418 : i32 to index
        %parallel_loop3A_913 = arith.constant 608 : index
        %parallel_loop3A_914 = tpu.vector_load %arg15[%parallel_loop3A_912, %parallel_loop3A_913] {strides = array<i32>} : memref<16x768xf32, #tpu.memory_space<vmem>>, vector<16xf32>,
        tpu.vector_store %arg15[%parallel_loop3A_912, %parallel_loop3A_913], %parallel_loop3A_911 {strides = array<i32>} : memref<16x768xf32, #tpu.memory_space<vmem>>, vector<16xf32>,
        %parallel_loop3A_915 = arith.addf %parallel_loop3A_863, %parallel_loop3A_911 : vector<16xf32>
        %parallel_loop3A_916 = arith.mulf %parallel_loop3A_911, %parallel_loop3A_911 : vector<16xf32>
        %parallel_loop3A_917 = arith.addf %parallel_loop3A_865, %parallel_loop3A_916 : vector<16xf32>
        %parallel_loop3A_918 = arith.index_cast %parallel_loop3A_418 : i32 to index
        %parallel_loop3A_919 = arith.constant 624 : index
        %parallel_loop3A_920 = tpu.vector_load %arg13[%parallel_loop3A_918, %parallel_loop3A_919] {strides = array<i32>} : memref<16x768xf32, #tpu.memory_space<vmem>>, vector<16xf32>,
        %parallel_loop3A_921 = arith.index_cast %parallel_loop3A_418 : i32 to index
        %parallel_loop3A_922 = arith.constant 624 : index
        %parallel_loop3A_923 = tpu.vector_load %arg9[%parallel_loop3A_921, %parallel_loop3A_922] {strides = array<i32>} : memref<16x768xf32, #tpu.memory_space<vmem>>, vector<16xf32>,
        %parallel_loop3A_924 = arith.addf %parallel_loop3A_920, %parallel_loop3A_923 : vector<16xf32>
        %parallel_loop3A_925 = arith.index_cast %parallel_loop3A_418 : i32 to index
        %parallel_loop3A_926 = arith.constant 624 : index
        %parallel_loop3A_927 = tpu.vector_load %arg15[%parallel_loop3A_925, %parallel_loop3A_926] {strides = array<i32>} : memref<16x768xf32, #tpu.memory_space<vmem>>, vector<16xf32>,
        tpu.vector_store %arg15[%parallel_loop3A_925, %parallel_loop3A_926], %parallel_loop3A_924 {strides = array<i32>} : memref<16x768xf32, #tpu.memory_space<vmem>>, vector<16xf32>,
        %parallel_loop3A_928 = arith.addf %parallel_loop3A_876, %parallel_loop3A_924 : vector<16xf32>
        %parallel_loop3A_929 = arith.mulf %parallel_loop3A_924, %parallel_loop3A_924 : vector<16xf32>
        %parallel_loop3A_930 = arith.addf %parallel_loop3A_878, %parallel_loop3A_929 : vector<16xf32>
        %parallel_loop3A_931 = arith.index_cast %parallel_loop3A_418 : i32 to index
        %parallel_loop3A_932 = arith.constant 640 : index
        %parallel_loop3A_933 = tpu.vector_load %arg13[%parallel_loop3A_931, %parallel_loop3A_932] {strides = array<i32>} : memref<16x768xf32, #tpu.memory_space<vmem>>, vector<16xf32>,
        %parallel_loop3A_934 = arith.index_cast %parallel_loop3A_418 : i32 to index
        %parallel_loop3A_935 = arith.constant 640 : index
        %parallel_loop3A_936 = tpu.vector_load %arg9[%parallel_loop3A_934, %parallel_loop3A_935] {strides = array<i32>} : memref<16x768xf32, #tpu.memory_space<vmem>>, vector<16xf32>,
        %parallel_loop3A_937 = arith.addf %parallel_loop3A_933, %parallel_loop3A_936 : vector<16xf32>
        %parallel_loop3A_938 = arith.index_cast %parallel_loop3A_418 : i32 to index
        %parallel_loop3A_939 = arith.constant 640 : index
        %parallel_loop3A_940 = tpu.vector_load %arg15[%parallel_loop3A_938, %parallel_loop3A_939] {strides = array<i32>} : memref<16x768xf32, #tpu.memory_space<vmem>>, vector<16xf32>,
        tpu.vector_store %arg15[%parallel_loop3A_938, %parallel_loop3A_939], %parallel_loop3A_937 {strides = array<i32>} : memref<16x768xf32, #tpu.memory_space<vmem>>, vector<16xf32>,
        %parallel_loop3A_941 = arith.addf %parallel_loop3A_889, %parallel_loop3A_937 : vector<16xf32>
        %parallel_loop3A_942 = arith.mulf %parallel_loop3A_937, %parallel_loop3A_937 : vector<16xf32>
        %parallel_loop3A_943 = arith.addf %parallel_loop3A_891, %parallel_loop3A_942 : vector<16xf32>
        %parallel_loop3A_944 = arith.index_cast %parallel_loop3A_418 : i32 to index
        %parallel_loop3A_945 = arith.constant 656 : index
        %parallel_loop3A_946 = tpu.vector_load %arg13[%parallel_loop3A_944, %parallel_loop3A_945] {strides = array<i32>} : memref<16x768xf32, #tpu.memory_space<vmem>>, vector<16xf32>,
        %parallel_loop3A_947 = arith.index_cast %parallel_loop3A_418 : i32 to index
        %parallel_loop3A_948 = arith.constant 656 : index
        %parallel_loop3A_949 = tpu.vector_load %arg9[%parallel_loop3A_947, %parallel_loop3A_948] {strides = array<i32>} : memref<16x768xf32, #tpu.memory_space<vmem>>, vector<16xf32>,
        %parallel_loop3A_950 = arith.addf %parallel_loop3A_946, %parallel_loop3A_949 : vector<16xf32>
        %parallel_loop3A_951 = arith.index_cast %parallel_loop3A_418 : i32 to index
        %parallel_loop3A_952 = arith.constant 656 : index
        %parallel_loop3A_953 = tpu.vector_load %arg15[%parallel_loop3A_951, %parallel_loop3A_952] {strides = array<i32>} : memref<16x768xf32, #tpu.memory_space<vmem>>, vector<16xf32>,
        tpu.vector_store %arg15[%parallel_loop3A_951, %parallel_loop3A_952], %parallel_loop3A_950 {strides = array<i32>} : memref<16x768xf32, #tpu.memory_space<vmem>>, vector<16xf32>,
        %parallel_loop3A_954 = arith.addf %parallel_loop3A_902, %parallel_loop3A_950 : vector<16xf32>
        %parallel_loop3A_955 = arith.mulf %parallel_loop3A_950, %parallel_loop3A_950 : vector<16xf32>
        %parallel_loop3A_956 = arith.addf %parallel_loop3A_904, %parallel_loop3A_955 : vector<16xf32>
        %parallel_loop3A_957 = arith.index_cast %parallel_loop3A_418 : i32 to index
        %parallel_loop3A_958 = arith.constant 672 : index
        %parallel_loop3A_959 = tpu.vector_load %arg13[%parallel_loop3A_957, %parallel_loop3A_958] {strides = array<i32>} : memref<16x768xf32, #tpu.memory_space<vmem>>, vector<16xf32>,
        %parallel_loop3A_960 = arith.index_cast %parallel_loop3A_418 : i32 to index
        %parallel_loop3A_961 = arith.constant 672 : index
        %parallel_loop3A_962 = tpu.vector_load %arg9[%parallel_loop3A_960, %parallel_loop3A_961] {strides = array<i32>} : memref<16x768xf32, #tpu.memory_space<vmem>>, vector<16xf32>,
        %parallel_loop3A_963 = arith.addf %parallel_loop3A_959, %parallel_loop3A_962 : vector<16xf32>
        %parallel_loop3A_964 = arith.index_cast %parallel_loop3A_418 : i32 to index
        %parallel_loop3A_965 = arith.constant 672 : index
        %parallel_loop3A_966 = tpu.vector_load %arg15[%parallel_loop3A_964, %parallel_loop3A_965] {strides = array<i32>} : memref<16x768xf32, #tpu.memory_space<vmem>>, vector<16xf32>,
        tpu.vector_store %arg15[%parallel_loop3A_964, %parallel_loop3A_965], %parallel_loop3A_963 {strides = array<i32>} : memref<16x768xf32, #tpu.memory_space<vmem>>, vector<16xf32>,
        %parallel_loop3A_967 = arith.addf %parallel_loop3A_915, %parallel_loop3A_963 : vector<16xf32>
        %parallel_loop3A_968 = arith.mulf %parallel_loop3A_963, %parallel_loop3A_963 : vector<16xf32>
        %parallel_loop3A_969 = arith.addf %parallel_loop3A_917, %parallel_loop3A_968 : vector<16xf32>
        %parallel_loop3A_970 = arith.index_cast %parallel_loop3A_418 : i32 to index
        %parallel_loop3A_971 = arith.constant 688 : index
        %parallel_loop3A_972 = tpu.vector_load %arg13[%parallel_loop3A_970, %parallel_loop3A_971] {strides = array<i32>} : memref<16x768xf32, #tpu.memory_space<vmem>>, vector<16xf32>,
        %parallel_loop3A_973 = arith.index_cast %parallel_loop3A_418 : i32 to index
        %parallel_loop3A_974 = arith.constant 688 : index
        %parallel_loop3A_975 = tpu.vector_load %arg9[%parallel_loop3A_973, %parallel_loop3A_974] {strides = array<i32>} : memref<16x768xf32, #tpu.memory_space<vmem>>, vector<16xf32>,
        %parallel_loop3A_976 = arith.addf %parallel_loop3A_972, %parallel_loop3A_975 : vector<16xf32>
        %parallel_loop3A_977 = arith.index_cast %parallel_loop3A_418 : i32 to index
        %parallel_loop3A_978 = arith.constant 688 : index
        %parallel_loop3A_979 = tpu.vector_load %arg15[%parallel_loop3A_977, %parallel_loop3A_978] {strides = array<i32>} : memref<16x768xf32, #tpu.memory_space<vmem>>, vector<16xf32>,
        tpu.vector_store %arg15[%parallel_loop3A_977, %parallel_loop3A_978], %parallel_loop3A_976 {strides = array<i32>} : memref<16x768xf32, #tpu.memory_space<vmem>>, vector<16xf32>,
        %parallel_loop3A_980 = arith.addf %parallel_loop3A_928, %parallel_loop3A_976 : vector<16xf32>
        %parallel_loop3A_981 = arith.mulf %parallel_loop3A_976, %parallel_loop3A_976 : vector<16xf32>
        %parallel_loop3A_982 = arith.addf %parallel_loop3A_930, %parallel_loop3A_981 : vector<16xf32>
        %parallel_loop3A_983 = arith.index_cast %parallel_loop3A_418 : i32 to index
        %parallel_loop3A_984 = arith.constant 704 : index
        %parallel_loop3A_985 = tpu.vector_load %arg13[%parallel_loop3A_983, %parallel_loop3A_984] {strides = array<i32>} : memref<16x768xf32, #tpu.memory_space<vmem>>, vector<16xf32>,
        %parallel_loop3A_986 = arith.index_cast %parallel_loop3A_418 : i32 to index
        %parallel_loop3A_987 = arith.constant 704 : index
        %parallel_loop3A_988 = tpu.vector_load %arg9[%parallel_loop3A_986, %parallel_loop3A_987] {strides = array<i32>} : memref<16x768xf32, #tpu.memory_space<vmem>>, vector<16xf32>,
        %parallel_loop3A_989 = arith.addf %parallel_loop3A_985, %parallel_loop3A_988 : vector<16xf32>
        %parallel_loop3A_990 = arith.index_cast %parallel_loop3A_418 : i32 to index
        %parallel_loop3A_991 = arith.constant 704 : index
        %parallel_loop3A_992 = tpu.vector_load %arg15[%parallel_loop3A_990, %parallel_loop3A_991] {strides = array<i32>} : memref<16x768xf32, #tpu.memory_space<vmem>>, vector<16xf32>,
        tpu.vector_store %arg15[%parallel_loop3A_990, %parallel_loop3A_991], %parallel_loop3A_989 {strides = array<i32>} : memref<16x768xf32, #tpu.memory_space<vmem>>, vector<16xf32>,
        %parallel_loop3A_993 = arith.addf %parallel_loop3A_941, %parallel_loop3A_989 : vector<16xf32>
        %parallel_loop3A_994 = arith.mulf %parallel_loop3A_989, %parallel_loop3A_989 : vector<16xf32>
        %parallel_loop3A_995 = arith.addf %parallel_loop3A_943, %parallel_loop3A_994 : vector<16xf32>
        %parallel_loop3A_996 = arith.index_cast %parallel_loop3A_418 : i32 to index
        %parallel_loop3A_997 = arith.constant 720 : index
        %parallel_loop3A_998 = tpu.vector_load %arg13[%parallel_loop3A_996, %parallel_loop3A_997] {strides = array<i32>} : memref<16x768xf32, #tpu.memory_space<vmem>>, vector<16xf32>,
        %parallel_loop3A_999 = arith.index_cast %parallel_loop3A_418 : i32 to index
        %parallel_loop3A_1000 = arith.constant 720 : index
        %parallel_loop3A_1001 = tpu.vector_load %arg9[%parallel_loop3A_999, %parallel_loop3A_1000] {strides = array<i32>} : memref<16x768xf32, #tpu.memory_space<vmem>>, vector<16xf32>,
        %parallel_loop3A_1002 = arith.addf %parallel_loop3A_998, %parallel_loop3A_1001 : vector<16xf32>
        %parallel_loop3A_1003 = arith.index_cast %parallel_loop3A_418 : i32 to index
        %parallel_loop3A_1004 = arith.constant 720 : index
        %parallel_loop3A_1005 = tpu.vector_load %arg15[%parallel_loop3A_1003, %parallel_loop3A_1004] {strides = array<i32>} : memref<16x768xf32, #tpu.memory_space<vmem>>, vector<16xf32>,
        tpu.vector_store %arg15[%parallel_loop3A_1003, %parallel_loop3A_1004], %parallel_loop3A_1002 {strides = array<i32>} : memref<16x768xf32, #tpu.memory_space<vmem>>, vector<16xf32>,
        %parallel_loop3A_1006 = arith.addf %parallel_loop3A_954, %parallel_loop3A_1002 : vector<16xf32>
        %parallel_loop3A_1007 = arith.mulf %parallel_loop3A_1002, %parallel_loop3A_1002 : vector<16xf32>
        %parallel_loop3A_1008 = arith.addf %parallel_loop3A_956, %parallel_loop3A_1007 : vector<16xf32>
        %parallel_loop3A_1009 = arith.index_cast %parallel_loop3A_418 : i32 to index
        %parallel_loop3A_1010 = arith.constant 736 : index
        %parallel_loop3A_1011 = tpu.vector_load %arg13[%parallel_loop3A_1009, %parallel_loop3A_1010] {strides = array<i32>} : memref<16x768xf32, #tpu.memory_space<vmem>>, vector<16xf32>,
        %parallel_loop3A_1012 = arith.index_cast %parallel_loop3A_418 : i32 to index
        %parallel_loop3A_1013 = arith.constant 736 : index
        %parallel_loop3A_1014 = tpu.vector_load %arg9[%parallel_loop3A_1012, %parallel_loop3A_1013] {strides = array<i32>} : memref<16x768xf32, #tpu.memory_space<vmem>>, vector<16xf32>,
        %parallel_loop3A_1015 = arith.addf %parallel_loop3A_1011, %parallel_loop3A_1014 : vector<16xf32>
        %parallel_loop3A_1016 = arith.index_cast %parallel_loop3A_418 : i32 to index
        %parallel_loop3A_1017 = arith.constant 736 : index
        %parallel_loop3A_1018 = tpu.vector_load %arg15[%parallel_loop3A_1016, %parallel_loop3A_1017] {strides = array<i32>} : memref<16x768xf32, #tpu.memory_space<vmem>>, vector<16xf32>,
        tpu.vector_store %arg15[%parallel_loop3A_1016, %parallel_loop3A_1017], %parallel_loop3A_1015 {strides = array<i32>} : memref<16x768xf32, #tpu.memory_space<vmem>>, vector<16xf32>,
        %parallel_loop3A_1019 = arith.addf %parallel_loop3A_967, %parallel_loop3A_1015 : vector<16xf32>
        %parallel_loop3A_1020 = arith.mulf %parallel_loop3A_1015, %parallel_loop3A_1015 : vector<16xf32>
        %parallel_loop3A_1021 = arith.addf %parallel_loop3A_969, %parallel_loop3A_1020 : vector<16xf32>
        %parallel_loop3A_1022 = arith.index_cast %parallel_loop3A_418 : i32 to index
        %parallel_loop3A_1023 = arith.constant 752 : index
        %parallel_loop3A_1024 = tpu.vector_load %arg13[%parallel_loop3A_1022, %parallel_loop3A_1023] {strides = array<i32>} : memref<16x768xf32, #tpu.memory_space<vmem>>, vector<16xf32>,
        %parallel_loop3A_1025 = arith.index_cast %parallel_loop3A_418 : i32 to index
        %parallel_loop3A_1026 = arith.constant 752 : index
        %parallel_loop3A_1027 = tpu.vector_load %arg9[%parallel_loop3A_1025, %parallel_loop3A_1026] {strides = array<i32>} : memref<16x768xf32, #tpu.memory_space<vmem>>, vector<16xf32>,
        %parallel_loop3A_1028 = arith.addf %parallel_loop3A_1024, %parallel_loop3A_1027 : vector<16xf32>
        %parallel_loop3A_1029 = arith.index_cast %parallel_loop3A_418 : i32 to index
        %parallel_loop3A_1030 = arith.constant 752 : index
        %parallel_loop3A_1031 = tpu.vector_load %arg15[%parallel_loop3A_1029, %parallel_loop3A_1030] {strides = array<i32>} : memref<16x768xf32, #tpu.memory_space<vmem>>, vector<16xf32>,
        tpu.vector_store %arg15[%parallel_loop3A_1029, %parallel_loop3A_1030], %parallel_loop3A_1028 {strides = array<i32>} : memref<16x768xf32, #tpu.memory_space<vmem>>, vector<16xf32>,
        %parallel_loop3A_1032 = arith.addf %parallel_loop3A_980, %parallel_loop3A_1028 : vector<16xf32>
        %parallel_loop3A_1033 = arith.mulf %parallel_loop3A_1028, %parallel_loop3A_1028 : vector<16xf32>
        %parallel_loop3A_1034 = arith.addf %parallel_loop3A_982, %parallel_loop3A_1033 : vector<16xf32>
        %parallel_loop3A_1035 = arith.addf %parallel_loop3A_993, %parallel_loop3A_1006 : vector<16xf32>
        %parallel_loop3A_1036 = arith.addf %parallel_loop3A_1019, %parallel_loop3A_1032 : vector<16xf32>
        %parallel_loop3A_1037 = arith.addf %parallel_loop3A_1035, %parallel_loop3A_1036 : vector<16xf32>
        %parallel_loop3A_1038 = arith.constant true
        %parallel_loop3A_1039 = vector.broadcast %parallel_loop3A_1038 : i1 to vector<16xi1>
        %parallel_loop3A_1040 = tpu.scan <sum>, %parallel_loop3A_1037 masked %parallel_loop3A_1039 : vector<16xf32>, vector<16xi1> -> vector<16xf32>
        %parallel_loop3A_1041 = vector.extract %parallel_loop3A_1040[15] : f32 from vector<16xf32>
        %parallel_loop3A_1042 = arith.mulf %parallel_loop3A_1041, %scan3A_19 : f32
        %parallel_loop3A_1043 = arith.addf %parallel_loop3A_995, %parallel_loop3A_1008 : vector<16xf32>
        %parallel_loop3A_1044 = arith.addf %parallel_loop3A_1021, %parallel_loop3A_1034 : vector<16xf32>
        %parallel_loop3A_1045 = arith.addf %parallel_loop3A_1043, %parallel_loop3A_1044 : vector<16xf32>
        %parallel_loop3A_1046 = arith.constant true
        %parallel_loop3A_1047 = vector.broadcast %parallel_loop3A_1046 : i1 to vector<16xi1>
        %parallel_loop3A_1048 = tpu.scan <sum>, %parallel_loop3A_1045 masked %parallel_loop3A_1047 : vector<16xf32>, vector<16xi1> -> vector<16xf32>
        %parallel_loop3A_1049 = vector.extract %parallel_loop3A_1048[15] : f32 from vector<16xf32>
        %parallel_loop3A_1050 = arith.mulf %parallel_loop3A_1049, %scan3A_19 : f32
        %parallel_loop3A_1051 = arith.mulf %parallel_loop3A_1042, %parallel_loop3A_1042 : f32
        %parallel_loop3A_1052 = arith.subf %parallel_loop3A_1050, %parallel_loop3A_1051 : f32
        %parallel_loop3A_1053 = arith.constant 9.99999997E-7 : f32
        %parallel_loop3A_1054 = arith.addf %parallel_loop3A_1052, %parallel_loop3A_1053 : f32
        %parallel_loop3A_1055 = arith.bitcast %parallel_loop3A_1054 : f32 to i32
        %parallel_loop3A_1056 = arith.constant 1 : i32
        %parallel_loop3A_1057 = arith.shrsi %parallel_loop3A_1055, %parallel_loop3A_1056 : i32
        %parallel_loop3A_1058 = arith.constant 1597463007 : i32
        %parallel_loop3A_1059 = arith.subi %parallel_loop3A_1058, %parallel_loop3A_1057 : i32
        %parallel_loop3A_1060 = arith.bitcast %parallel_loop3A_1059 : i32 to f32
        %parallel_loop3A_1061 = arith.constant 5.000000e-01 : f32
        %parallel_loop3A_1062 = arith.mulf %parallel_loop3A_1061, %parallel_loop3A_1054 : f32
        %parallel_loop3A_1063 = arith.mulf %parallel_loop3A_1062, %parallel_loop3A_1060 : f32
        %parallel_loop3A_1064 = arith.mulf %parallel_loop3A_1063, %parallel_loop3A_1060 : f32
        %parallel_loop3A_1065 = arith.constant 1.500000e+00 : f32
        %parallel_loop3A_1066 = arith.subf %parallel_loop3A_1065, %parallel_loop3A_1064 : f32
        %parallel_loop3A_1067 = arith.mulf %parallel_loop3A_1060, %parallel_loop3A_1066 : f32
        %parallel_loop3A_1068 = arith.constant 5.000000e-01 : f32
        %parallel_loop3A_1069 = arith.mulf %parallel_loop3A_1068, %parallel_loop3A_1054 : f32
        %parallel_loop3A_1070 = arith.mulf %parallel_loop3A_1069, %parallel_loop3A_1067 : f32
        %parallel_loop3A_1071 = arith.mulf %parallel_loop3A_1070, %parallel_loop3A_1067 : f32
        %parallel_loop3A_1072 = arith.constant 1.500000e+00 : f32
        %parallel_loop3A_1073 = arith.subf %parallel_loop3A_1072, %parallel_loop3A_1071 : f32
        %parallel_loop3A_1074 = arith.mulf %parallel_loop3A_1067, %parallel_loop3A_1073 : f32
        %parallel_loop3A_1075 = arith.constant 5.000000e-01 : f32
        %parallel_loop3A_1076 = arith.mulf %parallel_loop3A_1075, %parallel_loop3A_1054 : f32
        %parallel_loop3A_1077 = arith.mulf %parallel_loop3A_1076, %parallel_loop3A_1074 : f32
        %parallel_loop3A_1078 = arith.mulf %parallel_loop3A_1077, %parallel_loop3A_1074 : f32
        %parallel_loop3A_1079 = arith.constant 1.500000e+00 : f32
        %parallel_loop3A_1080 = arith.subf %parallel_loop3A_1079, %parallel_loop3A_1078 : f32
        %parallel_loop3A_1081 = arith.mulf %parallel_loop3A_1074, %parallel_loop3A_1080 : f32
        %parallel_loop3A_1082 = arith.constant 0 : i32
        %parallel_loop3A_1083 = arith.index_cast %parallel_loop3A_1082 : i32 to index
        %parallel_loop3A_1084 = arith.index_cast %parallel_loop3A_418 : i32 to index
        %parallel_loop3A_1085 = memref.load %arg16[%parallel_loop3A_1083, %parallel_loop3A_1084] : memref<2x16xf32, #tpu.memory_space<smem>>
        memref.store %parallel_loop3A_1081, %arg16[%parallel_loop3A_1083, %parallel_loop3A_1084] : memref<2x16xf32, #tpu.memory_space<smem>>
        %parallel_loop3A_1086 = arith.mulf %parallel_loop3A_1042, %parallel_loop3A_1081 : f32
        %parallel_loop3A_1087 = arith.constant 0.000000e+00 : f32
        %parallel_loop3A_1088 = arith.subf %parallel_loop3A_1087, %parallel_loop3A_1086 : f32
        %parallel_loop3A_1089 = arith.constant 1 : i32
        %parallel_loop3A_1090 = arith.index_cast %parallel_loop3A_1089 : i32 to index
        %parallel_loop3A_1091 = arith.index_cast %parallel_loop3A_418 : i32 to index
        %parallel_loop3A_1092 = memref.load %arg16[%parallel_loop3A_1090, %parallel_loop3A_1091] : memref<2x16xf32, #tpu.memory_space<smem>>
        memref.store %parallel_loop3A_1088, %arg16[%parallel_loop3A_1090, %parallel_loop3A_1091] : memref<2x16xf32, #tpu.memory_space<smem>>
      } {sc.loop_unroll_factor = 1 : i64, sc.parallel_access}
      %lt3A_244 = arith.constant 31 : i32
      %lt3A_245 = arith.cmpi slt, %scan3A_39, %lt3A_244 : i32
      %convert_element_type3A_246 = arith.extui %lt3A_245 : i1 to i32
      %cond3A_247 = arith.constant 0 : i32
      %cond3A_248 = arith.cmpi ne, %convert_element_type3A_246, %cond3A_247 : i32
      scf.if %cond3A_248 {
        %add3A_418 = arith.constant 2 : i32
        %add3A_419 = arith.addi %add3A_229, %add3A_418 : i32
        %mul3A_420 = arith.constant 16 : i32
        %mul3A_421 = arith.muli %add3A_419, %mul3A_420 : i32
        %dma_start3A_422 = tpu.memref_slice %arg8[%mul3A_421] : memref<1024xi32, #tpu.memory_space<vmem>> -> memref<16xi32, #tpu.memory_space<vmem>>
        %dma_start3A_423 = arith.constant 0 : i32
        %dma_start3A_424 = arith.constant 0 : i32
        %dma_start3A_425 = tpu.memref_slice %arg3[%dma_start3A_423, %dma_start3A_424] : memref<30522x768xf32, #tpu.memory_space<hbm>> -> memref<30522x768xf32, #tpu.memory_space<hbm>>
        tpu.enqueue_indirect_dma source(%dma_start3A_425 : memref<30522x768xf32, #tpu.memory_space<hbm>>) target(%arg13 : memref<16x768xf32, #tpu.memory_space<vmem>>) offsets(%dma_start3A_422 : memref<16xi32, #tpu.memory_space<vmem>>) semaphore(%arg18 : memref<!tpu.dma_semaphore, #tpu.memory_space<semaphore_mem>>)
      } else {
      }
      %get3A_249 = arith.constant 0 : i32
      %get3A_250 = arith.constant 0 : i32
      %get3A_251 = arith.index_cast %get3A_249 : i32 to index
      %get3A_252 = arith.index_cast %get3A_250 : i32 to index
      %get3A_253 = memref.load %arg16[%get3A_251, %get3A_252] : memref<2x16xf32, #tpu.memory_space<smem>>
      %get3A_254 = arith.constant 0 : i32
      %get3A_255 = arith.constant 1 : i32
      %get3A_256 = arith.index_cast %get3A_254 : i32 to index
      %get3A_257 = arith.index_cast %get3A_255 : i32 to index
      %get3A_258 = memref.load %arg16[%get3A_256, %get3A_257] : memref<2x16xf32, #tpu.memory_space<smem>>
      %get3A_259 = arith.constant 0 : i32
      %get3A_260 = arith.constant 2 : i32
      %get3A_261 = arith.index_cast %get3A_259 : i32 to index
      %get3A_262 = arith.index_cast %get3A_260 : i32 to index
      %get3A_263 = memref.load %arg16[%get3A_261, %get3A_262] : memref<2x16xf32, #tpu.memory_space<smem>>
      %get3A_264 = arith.constant 0 : i32
      %get3A_265 = arith.constant 3 : i32
      %get3A_266 = arith.index_cast %get3A_264 : i32 to index
      %get3A_267 = arith.index_cast %get3A_265 : i32 to index
      %get3A_268 = memref.load %arg16[%get3A_266, %get3A_267] : memref<2x16xf32, #tpu.memory_space<smem>>
      %get3A_269 = arith.constant 0 : i32
      %get3A_270 = arith.constant 4 : i32
      %get3A_271 = arith.index_cast %get3A_269 : i32 to index
      %get3A_272 = arith.index_cast %get3A_270 : i32 to index
      %get3A_273 = memref.load %arg16[%get3A_271, %get3A_272] : memref<2x16xf32, #tpu.memory_space<smem>>
      %get3A_274 = arith.constant 0 : i32
      %get3A_275 = arith.constant 5 : i32
      %get3A_276 = arith.index_cast %get3A_274 : i32 to index
      %get3A_277 = arith.index_cast %get3A_275 : i32 to index
      %get3A_278 = memref.load %arg16[%get3A_276, %get3A_277] : memref<2x16xf32, #tpu.memory_space<smem>>
      %get3A_279 = arith.constant 0 : i32
      %get3A_280 = arith.constant 6 : i32
      %get3A_281 = arith.index_cast %get3A_279 : i32 to index
      %get3A_282 = arith.index_cast %get3A_280 : i32 to index
      %get3A_283 = memref.load %arg16[%get3A_281, %get3A_282] : memref<2x16xf32, #tpu.memory_space<smem>>
      %get3A_284 = arith.constant 0 : i32
      %get3A_285 = arith.constant 7 : i32
      %get3A_286 = arith.index_cast %get3A_284 : i32 to index
      %get3A_287 = arith.index_cast %get3A_285 : i32 to index
      %get3A_288 = memref.load %arg16[%get3A_286, %get3A_287] : memref<2x16xf32, #tpu.memory_space<smem>>
      %get3A_289 = arith.constant 0 : i32
      %get3A_290 = arith.constant 8 : i32
      %get3A_291 = arith.index_cast %get3A_289 : i32 to index
      %get3A_292 = arith.index_cast %get3A_290 : i32 to index
      %get3A_293 = memref.load %arg16[%get3A_291, %get3A_292] : memref<2x16xf32, #tpu.memory_space<smem>>
      %get3A_294 = arith.constant 0 : i32
      %get3A_295 = arith.constant 9 : i32
      %get3A_296 = arith.index_cast %get3A_294 : i32 to index
      %get3A_297 = arith.index_cast %get3A_295 : i32 to index
      %get3A_298 = memref.load %arg16[%get3A_296, %get3A_297] : memref<2x16xf32, #tpu.memory_space<smem>>
      %get3A_299 = arith.constant 0 : i32
      %get3A_300 = arith.constant 10 : i32
      %get3A_301 = arith.index_cast %get3A_299 : i32 to index
      %get3A_302 = arith.index_cast %get3A_300 : i32 to index
      %get3A_303 = memref.load %arg16[%get3A_301, %get3A_302] : memref<2x16xf32, #tpu.memory_space<smem>>
      %get3A_304 = arith.constant 0 : i32
      %get3A_305 = arith.constant 11 : i32
      %get3A_306 = arith.index_cast %get3A_304 : i32 to index
      %get3A_307 = arith.index_cast %get3A_305 : i32 to index
      %get3A_308 = memref.load %arg16[%get3A_306, %get3A_307] : memref<2x16xf32, #tpu.memory_space<smem>>
      %get3A_309 = arith.constant 0 : i32
      %get3A_310 = arith.constant 12 : i32
      %get3A_311 = arith.index_cast %get3A_309 : i32 to index
      %get3A_312 = arith.index_cast %get3A_310 : i32 to index
      %get3A_313 = memref.load %arg16[%get3A_311, %get3A_312] : memref<2x16xf32, #tpu.memory_space<smem>>
      %get3A_314 = arith.constant 0 : i32
      %get3A_315 = arith.constant 13 : i32
      %get3A_316 = arith.index_cast %get3A_314 : i32 to index
      %get3A_317 = arith.index_cast %get3A_315 : i32 to index
      %get3A_318 = memref.load %arg16[%get3A_316, %get3A_317] : memref<2x16xf32, #tpu.memory_space<smem>>
      %get3A_319 = arith.constant 0 : i32
      %get3A_320 = arith.constant 14 : i32
      %get3A_321 = arith.index_cast %get3A_319 : i32 to index
      %get3A_322 = arith.index_cast %get3A_320 : i32 to index
      %get3A_323 = memref.load %arg16[%get3A_321, %get3A_322] : memref<2x16xf32, #tpu.memory_space<smem>>
      %get3A_324 = arith.constant 0 : i32
      %get3A_325 = arith.constant 15 : i32
      %get3A_326 = arith.index_cast %get3A_324 : i32 to index
      %get3A_327 = arith.index_cast %get3A_325 : i32 to index
      %get3A_328 = memref.load %arg16[%get3A_326, %get3A_327] : memref<2x16xf32, #tpu.memory_space<smem>>
      %get3A_329 = arith.constant 1 : i32
      %get3A_330 = arith.constant 0 : i32
      %get3A_331 = arith.index_cast %get3A_329 : i32 to index
      %get3A_332 = arith.index_cast %get3A_330 : i32 to index
      %get3A_333 = memref.load %arg16[%get3A_331, %get3A_332] : memref<2x16xf32, #tpu.memory_space<smem>>
      %get3A_334 = arith.constant 1 : i32
      %get3A_335 = arith.constant 1 : i32
      %get3A_336 = arith.index_cast %get3A_334 : i32 to index
      %get3A_337 = arith.index_cast %get3A_335 : i32 to index
      %get3A_338 = memref.load %arg16[%get3A_336, %get3A_337] : memref<2x16xf32, #tpu.memory_space<smem>>
      %get3A_339 = arith.constant 1 : i32
      %get3A_340 = arith.constant 2 : i32
      %get3A_341 = arith.index_cast %get3A_339 : i32 to index
      %get3A_342 = arith.index_cast %get3A_340 : i32 to index
      %get3A_343 = memref.load %arg16[%get3A_341, %get3A_342] : memref<2x16xf32, #tpu.memory_space<smem>>
      %get3A_344 = arith.constant 1 : i32
      %get3A_345 = arith.constant 3 : i32
      %get3A_346 = arith.index_cast %get3A_344 : i32 to index
      %get3A_347 = arith.index_cast %get3A_345 : i32 to index
      %get3A_348 = memref.load %arg16[%get3A_346, %get3A_347] : memref<2x16xf32, #tpu.memory_space<smem>>
      %get3A_349 = arith.constant 1 : i32
      %get3A_350 = arith.constant 4 : i32
      %get3A_351 = arith.index_cast %get3A_349 : i32 to index
      %get3A_352 = arith.index_cast %get3A_350 : i32 to index
      %get3A_353 = memref.load %arg16[%get3A_351, %get3A_352] : memref<2x16xf32, #tpu.memory_space<smem>>
      %get3A_354 = arith.constant 1 : i32
      %get3A_355 = arith.constant 5 : i32
      %get3A_356 = arith.index_cast %get3A_354 : i32 to index
      %get3A_357 = arith.index_cast %get3A_355 : i32 to index
      %get3A_358 = memref.load %arg16[%get3A_356, %get3A_357] : memref<2x16xf32, #tpu.memory_space<smem>>
      %get3A_359 = arith.constant 1 : i32
      %get3A_360 = arith.constant 6 : i32
      %get3A_361 = arith.index_cast %get3A_359 : i32 to index
      %get3A_362 = arith.index_cast %get3A_360 : i32 to index
      %get3A_363 = memref.load %arg16[%get3A_361, %get3A_362] : memref<2x16xf32, #tpu.memory_space<smem>>
      %get3A_364 = arith.constant 1 : i32
      %get3A_365 = arith.constant 7 : i32
      %get3A_366 = arith.index_cast %get3A_364 : i32 to index
      %get3A_367 = arith.index_cast %get3A_365 : i32 to index
      %get3A_368 = memref.load %arg16[%get3A_366, %get3A_367] : memref<2x16xf32, #tpu.memory_space<smem>>
      %get3A_369 = arith.constant 1 : i32
      %get3A_370 = arith.constant 8 : i32
      %get3A_371 = arith.index_cast %get3A_369 : i32 to index
      %get3A_372 = arith.index_cast %get3A_370 : i32 to index
      %get3A_373 = memref.load %arg16[%get3A_371, %get3A_372] : memref<2x16xf32, #tpu.memory_space<smem>>
      %get3A_374 = arith.constant 1 : i32
      %get3A_375 = arith.constant 9 : i32
      %get3A_376 = arith.index_cast %get3A_374 : i32 to index
      %get3A_377 = arith.index_cast %get3A_375 : i32 to index
      %get3A_378 = memref.load %arg16[%get3A_376, %get3A_377] : memref<2x16xf32, #tpu.memory_space<smem>>
      %get3A_379 = arith.constant 1 : i32
      %get3A_380 = arith.constant 10 : i32
      %get3A_381 = arith.index_cast %get3A_379 : i32 to index
      %get3A_382 = arith.index_cast %get3A_380 : i32 to index
      %get3A_383 = memref.load %arg16[%get3A_381, %get3A_382] : memref<2x16xf32, #tpu.memory_space<smem>>
      %get3A_384 = arith.constant 1 : i32
      %get3A_385 = arith.constant 11 : i32
      %get3A_386 = arith.index_cast %get3A_384 : i32 to index
      %get3A_387 = arith.index_cast %get3A_385 : i32 to index
      %get3A_388 = memref.load %arg16[%get3A_386, %get3A_387] : memref<2x16xf32, #tpu.memory_space<smem>>
      %get3A_389 = arith.constant 1 : i32
      %get3A_390 = arith.constant 12 : i32
      %get3A_391 = arith.index_cast %get3A_389 : i32 to index
      %get3A_392 = arith.index_cast %get3A_390 : i32 to index
      %get3A_393 = memref.load %arg16[%get3A_391, %get3A_392] : memref<2x16xf32, #tpu.memory_space<smem>>
      %get3A_394 = arith.constant 1 : i32
      %get3A_395 = arith.constant 13 : i32
      %get3A_396 = arith.index_cast %get3A_394 : i32 to index
      %get3A_397 = arith.index_cast %get3A_395 : i32 to index
      %get3A_398 = memref.load %arg16[%get3A_396, %get3A_397] : memref<2x16xf32, #tpu.memory_space<smem>>
      %get3A_399 = arith.constant 1 : i32
      %get3A_400 = arith.constant 14 : i32
      %get3A_401 = arith.index_cast %get3A_399 : i32 to index
      %get3A_402 = arith.index_cast %get3A_400 : i32 to index
      %get3A_403 = memref.load %arg16[%get3A_401, %get3A_402] : memref<2x16xf32, #tpu.memory_space<smem>>
      %get3A_404 = arith.constant 1 : i32
      %get3A_405 = arith.constant 15 : i32
      %get3A_406 = arith.index_cast %get3A_404 : i32 to index
      %get3A_407 = arith.index_cast %get3A_405 : i32 to index
      %get3A_408 = memref.load %arg16[%get3A_406, %get3A_407] : memref<2x16xf32, #tpu.memory_space<smem>>
      %parallel_loop3A_409 = arith.constant 0 : i32
      %parallel_loop3A_410 = arith.constant 48 : i32
      %parallel_loop3A_411 = arith.constant 1 : i32
      scf.for %parallel_loop3A_418 = %parallel_loop3A_409 to %parallel_loop3A_410 step %parallel_loop3A_411  : i32 {
        %parallel_loop3A_419 = arith.constant 16 : i32
        %parallel_loop3A_420 = arith.muli %parallel_loop3A_418, %parallel_loop3A_419 : i32
        %parallel_loop3A_421 = arith.index_cast %parallel_loop3A_420 : i32 to index
        %parallel_loop3A_422 = tpu.vector_load %arg10[%parallel_loop3A_421] {strides = array<i32>} : memref<768xf32, #tpu.memory_space<vmem>>, vector<16xf32>,
        %parallel_loop3A_423 = arith.index_cast %parallel_loop3A_420 : i32 to index
        %parallel_loop3A_424 = tpu.vector_load %arg11[%parallel_loop3A_423] {strides = array<i32>} : memref<768xf32, #tpu.memory_space<vmem>>, vector<16xf32>,
        %parallel_loop3A_425 = arith.constant 0 : i32
        %parallel_loop3A_426 = arith.index_cast %parallel_loop3A_425 : i32 to index
        %parallel_loop3A_427 = arith.index_cast %parallel_loop3A_420 : i32 to index
        %parallel_loop3A_428 = tpu.vector_load %arg15[%parallel_loop3A_426, %parallel_loop3A_427] {strides = array<i32>} : memref<16x768xf32, #tpu.memory_space<vmem>>, vector<16xf32>,
        %parallel_loop3A_429 = vector.broadcast %get3A_253 : f32 to vector<16xf32>
        %parallel_loop3A_430 = arith.mulf %parallel_loop3A_428, %parallel_loop3A_429 : vector<16xf32>
        %parallel_loop3A_431 = vector.broadcast %get3A_333 : f32 to vector<16xf32>
        %parallel_loop3A_432 = arith.addf %parallel_loop3A_430, %parallel_loop3A_431 : vector<16xf32>
        %parallel_loop3A_433 = arith.mulf %parallel_loop3A_432, %parallel_loop3A_422 : vector<16xf32>
        %parallel_loop3A_434 = arith.addf %parallel_loop3A_433, %parallel_loop3A_424 : vector<16xf32>
        %parallel_loop3A_435 = arith.constant 0 : i32
        %parallel_loop3A_436 = arith.index_cast %parallel_loop3A_435 : i32 to index
        %parallel_loop3A_437 = arith.index_cast %parallel_loop3A_420 : i32 to index
        %parallel_loop3A_438 = tpu.vector_load %arg15[%parallel_loop3A_436, %parallel_loop3A_437] {strides = array<i32>} : memref<16x768xf32, #tpu.memory_space<vmem>>, vector<16xf32>,
        tpu.vector_store %arg15[%parallel_loop3A_436, %parallel_loop3A_437], %parallel_loop3A_434 {strides = array<i32>} : memref<16x768xf32, #tpu.memory_space<vmem>>, vector<16xf32>,
        %parallel_loop3A_439 = arith.constant 1 : i32
        %parallel_loop3A_440 = arith.index_cast %parallel_loop3A_439 : i32 to index
        %parallel_loop3A_441 = arith.index_cast %parallel_loop3A_420 : i32 to index
        %parallel_loop3A_442 = tpu.vector_load %arg15[%parallel_loop3A_440, %parallel_loop3A_441] {strides = array<i32>} : memref<16x768xf32, #tpu.memory_space<vmem>>, vector<16xf32>,
        %parallel_loop3A_443 = vector.broadcast %get3A_258 : f32 to vector<16xf32>
        %parallel_loop3A_444 = arith.mulf %parallel_loop3A_442, %parallel_loop3A_443 : vector<16xf32>
        %parallel_loop3A_445 = vector.broadcast %get3A_338 : f32 to vector<16xf32>
        %parallel_loop3A_446 = arith.addf %parallel_loop3A_444, %parallel_loop3A_445 : vector<16xf32>
        %parallel_loop3A_447 = arith.mulf %parallel_loop3A_446, %parallel_loop3A_422 : vector<16xf32>
        %parallel_loop3A_448 = arith.addf %parallel_loop3A_447, %parallel_loop3A_424 : vector<16xf32>
        %parallel_loop3A_449 = arith.constant 1 : i32
        %parallel_loop3A_450 = arith.index_cast %parallel_loop3A_449 : i32 to index
        %parallel_loop3A_451 = arith.index_cast %parallel_loop3A_420 : i32 to index
        %parallel_loop3A_452 = tpu.vector_load %arg15[%parallel_loop3A_450, %parallel_loop3A_451] {strides = array<i32>} : memref<16x768xf32, #tpu.memory_space<vmem>>, vector<16xf32>,
        tpu.vector_store %arg15[%parallel_loop3A_450, %parallel_loop3A_451], %parallel_loop3A_448 {strides = array<i32>} : memref<16x768xf32, #tpu.memory_space<vmem>>, vector<16xf32>,
        %parallel_loop3A_453 = arith.constant 2 : i32
        %parallel_loop3A_454 = arith.index_cast %parallel_loop3A_453 : i32 to index
        %parallel_loop3A_455 = arith.index_cast %parallel_loop3A_420 : i32 to index
        %parallel_loop3A_456 = tpu.vector_load %arg15[%parallel_loop3A_454, %parallel_loop3A_455] {strides = array<i32>} : memref<16x768xf32, #tpu.memory_space<vmem>>, vector<16xf32>,
        %parallel_loop3A_457 = vector.broadcast %get3A_263 : f32 to vector<16xf32>
        %parallel_loop3A_458 = arith.mulf %parallel_loop3A_456, %parallel_loop3A_457 : vector<16xf32>
        %parallel_loop3A_459 = vector.broadcast %get3A_343 : f32 to vector<16xf32>
        %parallel_loop3A_460 = arith.addf %parallel_loop3A_458, %parallel_loop3A_459 : vector<16xf32>
        %parallel_loop3A_461 = arith.mulf %parallel_loop3A_460, %parallel_loop3A_422 : vector<16xf32>
        %parallel_loop3A_462 = arith.addf %parallel_loop3A_461, %parallel_loop3A_424 : vector<16xf32>
        %parallel_loop3A_463 = arith.constant 2 : i32
        %parallel_loop3A_464 = arith.index_cast %parallel_loop3A_463 : i32 to index
        %parallel_loop3A_465 = arith.index_cast %parallel_loop3A_420 : i32 to index
        %parallel_loop3A_466 = tpu.vector_load %arg15[%parallel_loop3A_464, %parallel_loop3A_465] {strides = array<i32>} : memref<16x768xf32, #tpu.memory_space<vmem>>, vector<16xf32>,
        tpu.vector_store %arg15[%parallel_loop3A_464, %parallel_loop3A_465], %parallel_loop3A_462 {strides = array<i32>} : memref<16x768xf32, #tpu.memory_space<vmem>>, vector<16xf32>,
        %parallel_loop3A_467 = arith.constant 3 : i32
        %parallel_loop3A_468 = arith.index_cast %parallel_loop3A_467 : i32 to index
        %parallel_loop3A_469 = arith.index_cast %parallel_loop3A_420 : i32 to index
        %parallel_loop3A_470 = tpu.vector_load %arg15[%parallel_loop3A_468, %parallel_loop3A_469] {strides = array<i32>} : memref<16x768xf32, #tpu.memory_space<vmem>>, vector<16xf32>,
        %parallel_loop3A_471 = vector.broadcast %get3A_268 : f32 to vector<16xf32>
        %parallel_loop3A_472 = arith.mulf %parallel_loop3A_470, %parallel_loop3A_471 : vector<16xf32>
        %parallel_loop3A_473 = vector.broadcast %get3A_348 : f32 to vector<16xf32>
        %parallel_loop3A_474 = arith.addf %parallel_loop3A_472, %parallel_loop3A_473 : vector<16xf32>
        %parallel_loop3A_475 = arith.mulf %parallel_loop3A_474, %parallel_loop3A_422 : vector<16xf32>
        %parallel_loop3A_476 = arith.addf %parallel_loop3A_475, %parallel_loop3A_424 : vector<16xf32>
        %parallel_loop3A_477 = arith.constant 3 : i32
        %parallel_loop3A_478 = arith.index_cast %parallel_loop3A_477 : i32 to index
        %parallel_loop3A_479 = arith.index_cast %parallel_loop3A_420 : i32 to index
        %parallel_loop3A_480 = tpu.vector_load %arg15[%parallel_loop3A_478, %parallel_loop3A_479] {strides = array<i32>} : memref<16x768xf32, #tpu.memory_space<vmem>>, vector<16xf32>,
        tpu.vector_store %arg15[%parallel_loop3A_478, %parallel_loop3A_479], %parallel_loop3A_476 {strides = array<i32>} : memref<16x768xf32, #tpu.memory_space<vmem>>, vector<16xf32>,
        %parallel_loop3A_481 = arith.constant 4 : i32
        %parallel_loop3A_482 = arith.index_cast %parallel_loop3A_481 : i32 to index
        %parallel_loop3A_483 = arith.index_cast %parallel_loop3A_420 : i32 to index
        %parallel_loop3A_484 = tpu.vector_load %arg15[%parallel_loop3A_482, %parallel_loop3A_483] {strides = array<i32>} : memref<16x768xf32, #tpu.memory_space<vmem>>, vector<16xf32>,
        %parallel_loop3A_485 = vector.broadcast %get3A_273 : f32 to vector<16xf32>
        %parallel_loop3A_486 = arith.mulf %parallel_loop3A_484, %parallel_loop3A_485 : vector<16xf32>
        %parallel_loop3A_487 = vector.broadcast %get3A_353 : f32 to vector<16xf32>
        %parallel_loop3A_488 = arith.addf %parallel_loop3A_486, %parallel_loop3A_487 : vector<16xf32>
        %parallel_loop3A_489 = arith.mulf %parallel_loop3A_488, %parallel_loop3A_422 : vector<16xf32>
        %parallel_loop3A_490 = arith.addf %parallel_loop3A_489, %parallel_loop3A_424 : vector<16xf32>
        %parallel_loop3A_491 = arith.constant 4 : i32
        %parallel_loop3A_492 = arith.index_cast %parallel_loop3A_491 : i32 to index
        %parallel_loop3A_493 = arith.index_cast %parallel_loop3A_420 : i32 to index
        %parallel_loop3A_494 = tpu.vector_load %arg15[%parallel_loop3A_492, %parallel_loop3A_493] {strides = array<i32>} : memref<16x768xf32, #tpu.memory_space<vmem>>, vector<16xf32>,
        tpu.vector_store %arg15[%parallel_loop3A_492, %parallel_loop3A_493], %parallel_loop3A_490 {strides = array<i32>} : memref<16x768xf32, #tpu.memory_space<vmem>>, vector<16xf32>,
        %parallel_loop3A_495 = arith.constant 5 : i32
        %parallel_loop3A_496 = arith.index_cast %parallel_loop3A_495 : i32 to index
        %parallel_loop3A_497 = arith.index_cast %parallel_loop3A_420 : i32 to index
        %parallel_loop3A_498 = tpu.vector_load %arg15[%parallel_loop3A_496, %parallel_loop3A_497] {strides = array<i32>} : memref<16x768xf32, #tpu.memory_space<vmem>>, vector<16xf32>,
        %parallel_loop3A_499 = vector.broadcast %get3A_278 : f32 to vector<16xf32>
        %parallel_loop3A_500 = arith.mulf %parallel_loop3A_498, %parallel_loop3A_499 : vector<16xf32>
        %parallel_loop3A_501 = vector.broadcast %get3A_358 : f32 to vector<16xf32>
        %parallel_loop3A_502 = arith.addf %parallel_loop3A_500, %parallel_loop3A_501 : vector<16xf32>
        %parallel_loop3A_503 = arith.mulf %parallel_loop3A_502, %parallel_loop3A_422 : vector<16xf32>
        %parallel_loop3A_504 = arith.addf %parallel_loop3A_503, %parallel_loop3A_424 : vector<16xf32>
        %parallel_loop3A_505 = arith.constant 5 : i32
        %parallel_loop3A_506 = arith.index_cast %parallel_loop3A_505 : i32 to index
        %parallel_loop3A_507 = arith.index_cast %parallel_loop3A_420 : i32 to index
        %parallel_loop3A_508 = tpu.vector_load %arg15[%parallel_loop3A_506, %parallel_loop3A_507] {strides = array<i32>} : memref<16x768xf32, #tpu.memory_space<vmem>>, vector<16xf32>,
        tpu.vector_store %arg15[%parallel_loop3A_506, %parallel_loop3A_507], %parallel_loop3A_504 {strides = array<i32>} : memref<16x768xf32, #tpu.memory_space<vmem>>, vector<16xf32>,
        %parallel_loop3A_509 = arith.constant 6 : i32
        %parallel_loop3A_510 = arith.index_cast %parallel_loop3A_509 : i32 to index
        %parallel_loop3A_511 = arith.index_cast %parallel_loop3A_420 : i32 to index
        %parallel_loop3A_512 = tpu.vector_load %arg15[%parallel_loop3A_510, %parallel_loop3A_511] {strides = array<i32>} : memref<16x768xf32, #tpu.memory_space<vmem>>, vector<16xf32>,
        %parallel_loop3A_513 = vector.broadcast %get3A_283 : f32 to vector<16xf32>
        %parallel_loop3A_514 = arith.mulf %parallel_loop3A_512, %parallel_loop3A_513 : vector<16xf32>
        %parallel_loop3A_515 = vector.broadcast %get3A_363 : f32 to vector<16xf32>
        %parallel_loop3A_516 = arith.addf %parallel_loop3A_514, %parallel_loop3A_515 : vector<16xf32>
        %parallel_loop3A_517 = arith.mulf %parallel_loop3A_516, %parallel_loop3A_422 : vector<16xf32>
        %parallel_loop3A_518 = arith.addf %parallel_loop3A_517, %parallel_loop3A_424 : vector<16xf32>
        %parallel_loop3A_519 = arith.constant 6 : i32
        %parallel_loop3A_520 = arith.index_cast %parallel_loop3A_519 : i32 to index
        %parallel_loop3A_521 = arith.index_cast %parallel_loop3A_420 : i32 to index
        %parallel_loop3A_522 = tpu.vector_load %arg15[%parallel_loop3A_520, %parallel_loop3A_521] {strides = array<i32>} : memref<16x768xf32, #tpu.memory_space<vmem>>, vector<16xf32>,
        tpu.vector_store %arg15[%parallel_loop3A_520, %parallel_loop3A_521], %parallel_loop3A_518 {strides = array<i32>} : memref<16x768xf32, #tpu.memory_space<vmem>>, vector<16xf32>,
        %parallel_loop3A_523 = arith.constant 7 : i32
        %parallel_loop3A_524 = arith.index_cast %parallel_loop3A_523 : i32 to index
        %parallel_loop3A_525 = arith.index_cast %parallel_loop3A_420 : i32 to index
        %parallel_loop3A_526 = tpu.vector_load %arg15[%parallel_loop3A_524, %parallel_loop3A_525] {strides = array<i32>} : memref<16x768xf32, #tpu.memory_space<vmem>>, vector<16xf32>,
        %parallel_loop3A_527 = vector.broadcast %get3A_288 : f32 to vector<16xf32>
        %parallel_loop3A_528 = arith.mulf %parallel_loop3A_526, %parallel_loop3A_527 : vector<16xf32>
        %parallel_loop3A_529 = vector.broadcast %get3A_368 : f32 to vector<16xf32>
        %parallel_loop3A_530 = arith.addf %parallel_loop3A_528, %parallel_loop3A_529 : vector<16xf32>
        %parallel_loop3A_531 = arith.mulf %parallel_loop3A_530, %parallel_loop3A_422 : vector<16xf32>
        %parallel_loop3A_532 = arith.addf %parallel_loop3A_531, %parallel_loop3A_424 : vector<16xf32>
        %parallel_loop3A_533 = arith.constant 7 : i32
        %parallel_loop3A_534 = arith.index_cast %parallel_loop3A_533 : i32 to index
        %parallel_loop3A_535 = arith.index_cast %parallel_loop3A_420 : i32 to index
        %parallel_loop3A_536 = tpu.vector_load %arg15[%parallel_loop3A_534, %parallel_loop3A_535] {strides = array<i32>} : memref<16x768xf32, #tpu.memory_space<vmem>>, vector<16xf32>,
        tpu.vector_store %arg15[%parallel_loop3A_534, %parallel_loop3A_535], %parallel_loop3A_532 {strides = array<i32>} : memref<16x768xf32, #tpu.memory_space<vmem>>, vector<16xf32>,
        %parallel_loop3A_537 = arith.constant 8 : i32
        %parallel_loop3A_538 = arith.index_cast %parallel_loop3A_537 : i32 to index
        %parallel_loop3A_539 = arith.index_cast %parallel_loop3A_420 : i32 to index
        %parallel_loop3A_540 = tpu.vector_load %arg15[%parallel_loop3A_538, %parallel_loop3A_539] {strides = array<i32>} : memref<16x768xf32, #tpu.memory_space<vmem>>, vector<16xf32>,
        %parallel_loop3A_541 = vector.broadcast %get3A_293 : f32 to vector<16xf32>
        %parallel_loop3A_542 = arith.mulf %parallel_loop3A_540, %parallel_loop3A_541 : vector<16xf32>
        %parallel_loop3A_543 = vector.broadcast %get3A_373 : f32 to vector<16xf32>
        %parallel_loop3A_544 = arith.addf %parallel_loop3A_542, %parallel_loop3A_543 : vector<16xf32>
        %parallel_loop3A_545 = arith.mulf %parallel_loop3A_544, %parallel_loop3A_422 : vector<16xf32>
        %parallel_loop3A_546 = arith.addf %parallel_loop3A_545, %parallel_loop3A_424 : vector<16xf32>
        %parallel_loop3A_547 = arith.constant 8 : i32
        %parallel_loop3A_548 = arith.index_cast %parallel_loop3A_547 : i32 to index
        %parallel_loop3A_549 = arith.index_cast %parallel_loop3A_420 : i32 to index
        %parallel_loop3A_550 = tpu.vector_load %arg15[%parallel_loop3A_548, %parallel_loop3A_549] {strides = array<i32>} : memref<16x768xf32, #tpu.memory_space<vmem>>, vector<16xf32>,
        tpu.vector_store %arg15[%parallel_loop3A_548, %parallel_loop3A_549], %parallel_loop3A_546 {strides = array<i32>} : memref<16x768xf32, #tpu.memory_space<vmem>>, vector<16xf32>,
        %parallel_loop3A_551 = arith.constant 9 : i32
        %parallel_loop3A_552 = arith.index_cast %parallel_loop3A_551 : i32 to index
        %parallel_loop3A_553 = arith.index_cast %parallel_loop3A_420 : i32 to index
        %parallel_loop3A_554 = tpu.vector_load %arg15[%parallel_loop3A_552, %parallel_loop3A_553] {strides = array<i32>} : memref<16x768xf32, #tpu.memory_space<vmem>>, vector<16xf32>,
        %parallel_loop3A_555 = vector.broadcast %get3A_298 : f32 to vector<16xf32>
        %parallel_loop3A_556 = arith.mulf %parallel_loop3A_554, %parallel_loop3A_555 : vector<16xf32>
        %parallel_loop3A_557 = vector.broadcast %get3A_378 : f32 to vector<16xf32>
        %parallel_loop3A_558 = arith.addf %parallel_loop3A_556, %parallel_loop3A_557 : vector<16xf32>
        %parallel_loop3A_559 = arith.mulf %parallel_loop3A_558, %parallel_loop3A_422 : vector<16xf32>
        %parallel_loop3A_560 = arith.addf %parallel_loop3A_559, %parallel_loop3A_424 : vector<16xf32>
        %parallel_loop3A_561 = arith.constant 9 : i32
        %parallel_loop3A_562 = arith.index_cast %parallel_loop3A_561 : i32 to index
        %parallel_loop3A_563 = arith.index_cast %parallel_loop3A_420 : i32 to index
        %parallel_loop3A_564 = tpu.vector_load %arg15[%parallel_loop3A_562, %parallel_loop3A_563] {strides = array<i32>} : memref<16x768xf32, #tpu.memory_space<vmem>>, vector<16xf32>,
        tpu.vector_store %arg15[%parallel_loop3A_562, %parallel_loop3A_563], %parallel_loop3A_560 {strides = array<i32>} : memref<16x768xf32, #tpu.memory_space<vmem>>, vector<16xf32>,
        %parallel_loop3A_565 = arith.constant 10 : i32
        %parallel_loop3A_566 = arith.index_cast %parallel_loop3A_565 : i32 to index
        %parallel_loop3A_567 = arith.index_cast %parallel_loop3A_420 : i32 to index
        %parallel_loop3A_568 = tpu.vector_load %arg15[%parallel_loop3A_566, %parallel_loop3A_567] {strides = array<i32>} : memref<16x768xf32, #tpu.memory_space<vmem>>, vector<16xf32>,
        %parallel_loop3A_569 = vector.broadcast %get3A_303 : f32 to vector<16xf32>
        %parallel_loop3A_570 = arith.mulf %parallel_loop3A_568, %parallel_loop3A_569 : vector<16xf32>
        %parallel_loop3A_571 = vector.broadcast %get3A_383 : f32 to vector<16xf32>
        %parallel_loop3A_572 = arith.addf %parallel_loop3A_570, %parallel_loop3A_571 : vector<16xf32>
        %parallel_loop3A_573 = arith.mulf %parallel_loop3A_572, %parallel_loop3A_422 : vector<16xf32>
        %parallel_loop3A_574 = arith.addf %parallel_loop3A_573, %parallel_loop3A_424 : vector<16xf32>
        %parallel_loop3A_575 = arith.constant 10 : i32
        %parallel_loop3A_576 = arith.index_cast %parallel_loop3A_575 : i32 to index
        %parallel_loop3A_577 = arith.index_cast %parallel_loop3A_420 : i32 to index
        %parallel_loop3A_578 = tpu.vector_load %arg15[%parallel_loop3A_576, %parallel_loop3A_577] {strides = array<i32>} : memref<16x768xf32, #tpu.memory_space<vmem>>, vector<16xf32>,
        tpu.vector_store %arg15[%parallel_loop3A_576, %parallel_loop3A_577], %parallel_loop3A_574 {strides = array<i32>} : memref<16x768xf32, #tpu.memory_space<vmem>>, vector<16xf32>,
        %parallel_loop3A_579 = arith.constant 11 : i32
        %parallel_loop3A_580 = arith.index_cast %parallel_loop3A_579 : i32 to index
        %parallel_loop3A_581 = arith.index_cast %parallel_loop3A_420 : i32 to index
        %parallel_loop3A_582 = tpu.vector_load %arg15[%parallel_loop3A_580, %parallel_loop3A_581] {strides = array<i32>} : memref<16x768xf32, #tpu.memory_space<vmem>>, vector<16xf32>,
        %parallel_loop3A_583 = vector.broadcast %get3A_308 : f32 to vector<16xf32>
        %parallel_loop3A_584 = arith.mulf %parallel_loop3A_582, %parallel_loop3A_583 : vector<16xf32>
        %parallel_loop3A_585 = vector.broadcast %get3A_388 : f32 to vector<16xf32>
        %parallel_loop3A_586 = arith.addf %parallel_loop3A_584, %parallel_loop3A_585 : vector<16xf32>
        %parallel_loop3A_587 = arith.mulf %parallel_loop3A_586, %parallel_loop3A_422 : vector<16xf32>
        %parallel_loop3A_588 = arith.addf %parallel_loop3A_587, %parallel_loop3A_424 : vector<16xf32>
        %parallel_loop3A_589 = arith.constant 11 : i32
        %parallel_loop3A_590 = arith.index_cast %parallel_loop3A_589 : i32 to index
        %parallel_loop3A_591 = arith.index_cast %parallel_loop3A_420 : i32 to index
        %parallel_loop3A_592 = tpu.vector_load %arg15[%parallel_loop3A_590, %parallel_loop3A_591] {strides = array<i32>} : memref<16x768xf32, #tpu.memory_space<vmem>>, vector<16xf32>,
        tpu.vector_store %arg15[%parallel_loop3A_590, %parallel_loop3A_591], %parallel_loop3A_588 {strides = array<i32>} : memref<16x768xf32, #tpu.memory_space<vmem>>, vector<16xf32>,
        %parallel_loop3A_593 = arith.constant 12 : i32
        %parallel_loop3A_594 = arith.index_cast %parallel_loop3A_593 : i32 to index
        %parallel_loop3A_595 = arith.index_cast %parallel_loop3A_420 : i32 to index
        %parallel_loop3A_596 = tpu.vector_load %arg15[%parallel_loop3A_594, %parallel_loop3A_595] {strides = array<i32>} : memref<16x768xf32, #tpu.memory_space<vmem>>, vector<16xf32>,
        %parallel_loop3A_597 = vector.broadcast %get3A_313 : f32 to vector<16xf32>
        %parallel_loop3A_598 = arith.mulf %parallel_loop3A_596, %parallel_loop3A_597 : vector<16xf32>
        %parallel_loop3A_599 = vector.broadcast %get3A_393 : f32 to vector<16xf32>
        %parallel_loop3A_600 = arith.addf %parallel_loop3A_598, %parallel_loop3A_599 : vector<16xf32>
        %parallel_loop3A_601 = arith.mulf %parallel_loop3A_600, %parallel_loop3A_422 : vector<16xf32>
        %parallel_loop3A_602 = arith.addf %parallel_loop3A_601, %parallel_loop3A_424 : vector<16xf32>
        %parallel_loop3A_603 = arith.constant 12 : i32
        %parallel_loop3A_604 = arith.index_cast %parallel_loop3A_603 : i32 to index
        %parallel_loop3A_605 = arith.index_cast %parallel_loop3A_420 : i32 to index
        %parallel_loop3A_606 = tpu.vector_load %arg15[%parallel_loop3A_604, %parallel_loop3A_605] {strides = array<i32>} : memref<16x768xf32, #tpu.memory_space<vmem>>, vector<16xf32>,
        tpu.vector_store %arg15[%parallel_loop3A_604, %parallel_loop3A_605], %parallel_loop3A_602 {strides = array<i32>} : memref<16x768xf32, #tpu.memory_space<vmem>>, vector<16xf32>,
        %parallel_loop3A_607 = arith.constant 13 : i32
        %parallel_loop3A_608 = arith.index_cast %parallel_loop3A_607 : i32 to index
        %parallel_loop3A_609 = arith.index_cast %parallel_loop3A_420 : i32 to index
        %parallel_loop3A_610 = tpu.vector_load %arg15[%parallel_loop3A_608, %parallel_loop3A_609] {strides = array<i32>} : memref<16x768xf32, #tpu.memory_space<vmem>>, vector<16xf32>,
        %parallel_loop3A_611 = vector.broadcast %get3A_318 : f32 to vector<16xf32>
        %parallel_loop3A_612 = arith.mulf %parallel_loop3A_610, %parallel_loop3A_611 : vector<16xf32>
        %parallel_loop3A_613 = vector.broadcast %get3A_398 : f32 to vector<16xf32>
        %parallel_loop3A_614 = arith.addf %parallel_loop3A_612, %parallel_loop3A_613 : vector<16xf32>
        %parallel_loop3A_615 = arith.mulf %parallel_loop3A_614, %parallel_loop3A_422 : vector<16xf32>
        %parallel_loop3A_616 = arith.addf %parallel_loop3A_615, %parallel_loop3A_424 : vector<16xf32>
        %parallel_loop3A_617 = arith.constant 13 : i32
        %parallel_loop3A_618 = arith.index_cast %parallel_loop3A_617 : i32 to index
        %parallel_loop3A_619 = arith.index_cast %parallel_loop3A_420 : i32 to index
        %parallel_loop3A_620 = tpu.vector_load %arg15[%parallel_loop3A_618, %parallel_loop3A_619] {strides = array<i32>} : memref<16x768xf32, #tpu.memory_space<vmem>>, vector<16xf32>,
        tpu.vector_store %arg15[%parallel_loop3A_618, %parallel_loop3A_619], %parallel_loop3A_616 {strides = array<i32>} : memref<16x768xf32, #tpu.memory_space<vmem>>, vector<16xf32>,
        %parallel_loop3A_621 = arith.constant 14 : i32
        %parallel_loop3A_622 = arith.index_cast %parallel_loop3A_621 : i32 to index
        %parallel_loop3A_623 = arith.index_cast %parallel_loop3A_420 : i32 to index
        %parallel_loop3A_624 = tpu.vector_load %arg15[%parallel_loop3A_622, %parallel_loop3A_623] {strides = array<i32>} : memref<16x768xf32, #tpu.memory_space<vmem>>, vector<16xf32>,
        %parallel_loop3A_625 = vector.broadcast %get3A_323 : f32 to vector<16xf32>
        %parallel_loop3A_626 = arith.mulf %parallel_loop3A_624, %parallel_loop3A_625 : vector<16xf32>
        %parallel_loop3A_627 = vector.broadcast %get3A_403 : f32 to vector<16xf32>
        %parallel_loop3A_628 = arith.addf %parallel_loop3A_626, %parallel_loop3A_627 : vector<16xf32>
        %parallel_loop3A_629 = arith.mulf %parallel_loop3A_628, %parallel_loop3A_422 : vector<16xf32>
        %parallel_loop3A_630 = arith.addf %parallel_loop3A_629, %parallel_loop3A_424 : vector<16xf32>
        %parallel_loop3A_631 = arith.constant 14 : i32
        %parallel_loop3A_632 = arith.index_cast %parallel_loop3A_631 : i32 to index
        %parallel_loop3A_633 = arith.index_cast %parallel_loop3A_420 : i32 to index
        %parallel_loop3A_634 = tpu.vector_load %arg15[%parallel_loop3A_632, %parallel_loop3A_633] {strides = array<i32>} : memref<16x768xf32, #tpu.memory_space<vmem>>, vector<16xf32>,
        tpu.vector_store %arg15[%parallel_loop3A_632, %parallel_loop3A_633], %parallel_loop3A_630 {strides = array<i32>} : memref<16x768xf32, #tpu.memory_space<vmem>>, vector<16xf32>,
        %parallel_loop3A_635 = arith.constant 15 : i32
        %parallel_loop3A_636 = arith.index_cast %parallel_loop3A_635 : i32 to index
        %parallel_loop3A_637 = arith.index_cast %parallel_loop3A_420 : i32 to index
        %parallel_loop3A_638 = tpu.vector_load %arg15[%parallel_loop3A_636, %parallel_loop3A_637] {strides = array<i32>} : memref<16x768xf32, #tpu.memory_space<vmem>>, vector<16xf32>,
        %parallel_loop3A_639 = vector.broadcast %get3A_328 : f32 to vector<16xf32>
        %parallel_loop3A_640 = arith.mulf %parallel_loop3A_638, %parallel_loop3A_639 : vector<16xf32>
        %parallel_loop3A_641 = vector.broadcast %get3A_408 : f32 to vector<16xf32>
        %parallel_loop3A_642 = arith.addf %parallel_loop3A_640, %parallel_loop3A_641 : vector<16xf32>
        %parallel_loop3A_643 = arith.mulf %parallel_loop3A_642, %parallel_loop3A_422 : vector<16xf32>
        %parallel_loop3A_644 = arith.addf %parallel_loop3A_643, %parallel_loop3A_424 : vector<16xf32>
        %parallel_loop3A_645 = arith.constant 15 : i32
        %parallel_loop3A_646 = arith.index_cast %parallel_loop3A_645 : i32 to index
        %parallel_loop3A_647 = arith.index_cast %parallel_loop3A_420 : i32 to index
        %parallel_loop3A_648 = tpu.vector_load %arg15[%parallel_loop3A_646, %parallel_loop3A_647] {strides = array<i32>} : memref<16x768xf32, #tpu.memory_space<vmem>>, vector<16xf32>,
        tpu.vector_store %arg15[%parallel_loop3A_646, %parallel_loop3A_647], %parallel_loop3A_644 {strides = array<i32>} : memref<16x768xf32, #tpu.memory_space<vmem>>, vector<16xf32>,
      } {sc.loop_unroll_factor = 1 : i64, sc.parallel_access}
      %dma_start3A_412 = arith.constant 0 : i32
      %dma_start3A_413 = tpu.memref_slice %arg7[%add3A_229, %mul3A_2, %dma_start3A_412] : memref<64x512x768xf32, #tpu.memory_space<hbm>> -> memref<1x16x768xf32, #tpu.memory_space<hbm>>
      %dma_start3A_414 = tpu.memref_squeeze %dma_start3A_413 : memref<1x16x768xf32, #tpu.memory_space<hbm>> -> memref<16x768xf32, #tpu.memory_space<hbm>>
      %dma_start3A_415 = arith.constant 0 : i32
      %dma_start3A_416 = tpu.memref_slice %arg7[%add3A_229, %mul3A_2, %dma_start3A_415] : memref<64x512x768xf32, #tpu.memory_space<hbm>> -> memref<1x16x768xf32, #tpu.memory_space<hbm>>
      %dma_start3A_417 = tpu.memref_squeeze %dma_start3A_416 : memref<1x16x768xf32, #tpu.memory_space<hbm>> -> memref<16x768xf32, #tpu.memory_space<hbm>>
      tpu.enqueue_dma source(%arg15 : memref<16x768xf32, #tpu.memory_space<vmem>>) target(%dma_start3A_417 : memref<16x768xf32, #tpu.memory_space<hbm>>) target_semaphore(%arg20 : memref<!tpu.dma_semaphore, #tpu.memory_space<semaphore_mem>>)
    }
    %scan3A_24 = arith.constant 32 : i32
    %dma_wait3A_25 = arith.constant 62 : i32
    %dma_wait3A_26 = arith.constant 0 : i32
    %dma_wait3A_27 = tpu.memref_slice %arg7[%dma_wait3A_25, %mul3A_2, %dma_wait3A_26] : memref<64x512x768xf32, #tpu.memory_space<hbm>> -> memref<1x16x768xf32, #tpu.memory_space<hbm>>
    %dma_wait3A_28 = tpu.memref_squeeze %dma_wait3A_27 : memref<1x16x768xf32, #tpu.memory_space<hbm>> -> memref<16x768xf32, #tpu.memory_space<hbm>>
    %dma_wait3A_29 = arith.constant 0 : i32
    %dma_wait3A_30 = tpu.memref_slice %arg7[%dma_wait3A_25, %mul3A_2, %dma_wait3A_29] : memref<64x512x768xf32, #tpu.memory_space<hbm>> -> memref<1x16x768xf32, #tpu.memory_space<hbm>>
    %dma_wait3A_31 = tpu.memref_squeeze %dma_wait3A_30 : memref<1x16x768xf32, #tpu.memory_space<hbm>> -> memref<16x768xf32, #tpu.memory_space<hbm>>
    tpu.wait_dma2 semaphore(%arg19 : memref<!tpu.dma_semaphore, #tpu.memory_space<semaphore_mem>>) src(%arg14 : memref<16x768xf32, #tpu.memory_space<vmem>>) dst(%dma_wait3A_31 : memref<16x768xf32, #tpu.memory_space<hbm>>)
    %dma_wait3A_32 = arith.constant 63 : i32
    %dma_wait3A_33 = arith.constant 0 : i32
    %dma_wait3A_34 = tpu.memref_slice %arg7[%dma_wait3A_32, %mul3A_2, %dma_wait3A_33] : memref<64x512x768xf32, #tpu.memory_space<hbm>> -> memref<1x16x768xf32, #tpu.memory_space<hbm>>
    %dma_wait3A_35 = tpu.memref_squeeze %dma_wait3A_34 : memref<1x16x768xf32, #tpu.memory_space<hbm>> -> memref<16x768xf32, #tpu.memory_space<hbm>>
    %dma_wait3A_36 = arith.constant 0 : i32
    %dma_wait3A_37 = tpu.memref_slice %arg7[%dma_wait3A_32, %mul3A_2, %dma_wait3A_36] : memref<64x512x768xf32, #tpu.memory_space<hbm>> -> memref<1x16x768xf32, #tpu.memory_space<hbm>>
    %dma_wait3A_38 = tpu.memref_squeeze %dma_wait3A_37 : memref<1x16x768xf32, #tpu.memory_space<hbm>> -> memref<16x768xf32, #tpu.memory_space<hbm>>
    tpu.wait_dma2 semaphore(%arg20 : memref<!tpu.dma_semaphore, #tpu.memory_space<semaphore_mem>>) src(%arg15 : memref<16x768xf32, #tpu.memory_space<vmem>>) dst(%dma_wait3A_38 : memref<16x768xf32, #tpu.memory_space<hbm>>)
    return
  }
}

</mosaic_0001>

<sc_bundles>
// kernel: kernel.3.cloned.1.call-start
scs
__scs_entry_jumppad:
0x0: {  	(pc) =	sbr.rel $0x88, $3  }
0x1: {  	(tag) =	ssettag $0x0;
	lr =	simm.s32 $0x1  }
0x2: {  	[smem:$0x3F9C] =	sst lr;
	_ =	strace $0xD0000000  }
0x3: {  	_ = 	snop  }
0x4: {  	_ = 	snop  }
0x5: {  	_ = 	snop  }
0x6: {  	_ = 	snop  }
0x7: {  	_ = 	snop  }
__scs_overlays_trampoline_lowered:
0x8: {  	[smem:$0x3FAB] =	sst s0  }
0x9: {  	[smem:$0x3FAC] =	sst s1  }
0xa: {  	[smem:$0x3FAD] =	sst s2  }
0xb: {  	[smem:$0x3FAE] =	sst s3  }
0xc: {  	[smem:$0x3FAF] =	sst s4  }
0xd: {  	[smem:$0x3FB0] =	sst s5  }
0xe: {  	[smem:$0x3FB1] =	sst s6  }
0xf: {  	[smem:$0x3FB2] =	sst s7  }
0x10: {  	[smem:$0x3FB3] =	sst s8  }
0x11: {  	[smem:$0x3FB4] =	sst s9;
	s0 =	simm.s32 @!p0 $0x0  }
0x12: {  	s1 =	sld [smem:$0x3F9A];
	s0 =	simm.s32 @p0 $0x1  }
0x13: {  	[smem:$0x3FB5] =	sst s0;
	s0 =	simm.s32 @!p1 $0x0  }
0x14: {  	s2 =	sld [smem:$0x3F99];
	s0 =	simm.s32 @p1 $0x1  }
0x15: {  	[smem:$0x3FB6] =	sst s0;
	s0 =	simm.s32 @!p2 $0x0  }
0x16: {  	s3 =	sld [smem:$0x3FDB];
	s0 =	simm.s32 @p2 $0x1  }
0x17: {  	s4 =	simm.s32 $0x1BF5;
	[smem:$0x3FB8] =	sst s0  }
0x18: {  	s0 =	sld [smem:$0x3F9B];
	_ =	swait.ge [sflag:s4], $0x0  }
0x19: {  	s7 =	sld [smem:$0x3F9C]  }
0x1a: {  	s8 =	sadd.s32 $0xFFFFE003, lr  }
0x1b: {  	s9 =	sadd.s32 $0xFFFFFEF7, lr;
	s5 =	simm.s32 $0xFFFFFFFF;
	p2 =	slt.u32 s8, $0xFFFFF086  }
0x1c: {  	p1 =	slt.u32 s9, $0xF7A;
	s5 =	simm.s32 @!p2 $0x0  }
0x1d: {  	s5 =	simm.s32 @p1 $0x1;
	p0 =	seq.s32 s7, s2  }
0x1e: {  	s7 =	smul.u32 @!p0 $0xF7A, s2;
	p2 =	seq.s32 @!p0 s5, $0x0  }
0x1f: {  	s9 =	smul.u32 $0xF7A, s1;
	s8 =	simm.s32 @!p0 $0x1BF5;
	p2 =	por !p2, p0  }
0x20: {  	[sflag:s8] =	ssyncset.s32 @!p0 $0xFFFFF086;
	s6 =	sadd.s32 @!p0 s3, s7;
	s7 =	simm.s32 @!p0 $0x108  }
0x21: {  	s3 =	sadd.s32 s3, s9;
	s6 =	sadd.s32 @!p0 $0x88, s6;
	s7 =	simm.s32 @p2 $0x1082  }
0x22: {  	[simem:s7], [sflag:s8] =	dma.local @!p0 [hbm:s6], $0xF7A  }
0x23: {  	s9 =	sor.u32 $0xD0000000, s2;
	s6 =	simm.s32 $0x108;
	_ =	swait.ge @!p0 [sflag:s8], $0x0  }
0x24: {  	s3 =	sadd.s32 $0x88, s3;
	s6 =	simm.s32 @!p1 $0x1082;
	[sflag:s4] =	ssyncset.s32 $0xFFFFF086  }
0x25: {  	[simem:s6], [sflag:s4] =	dma.local [hbm:s3], $0xF7A  }
0x26: {  	[smem:$0x3F9C] =	sst s1;
	(tag) =	ssettag s2;
	_ =	strace s9  }
0x27: {  	s1 =	sld [smem:$0x3FAC]  }
0x28: {  	s2 =	sld [smem:$0x3FAD]  }
0x29: {  	s4 =	sld [smem:$0x3FAF]  }
0x2a: {  	p0 =	seq.s32 s5, $0x0;
	s5 =	sld [smem:$0x3FB0]  }
0x2b: {  	s6 =	sld [smem:$0x3FB1]  }
0x2c: {  	s7 =	sld [smem:$0x3FB2]  }
0x2d: {  	s3 =	simm.s32 $0x108;
	s8 =	sld [smem:$0x3FB3]  }
0x2e: {  	s3 =	simm.s32 @!p0 $0x1082;
	s9 =	sld [smem:$0x3FB4]  }
0x2f: {  	lr =	sadd.s32 s0, s3;
	s0 =	sld [smem:$0x3FAB]  }
0x30: {  	s3 =	sld [smem:$0x3FAE]  }
0x31: {  	[smem:$0x3FB7] =	sst s10  }
0x32: {  	s10 =	sld [smem:$0x3FB5];
	_ =	sdelay $0x3  }
0x33: {  	p0 =	seq.s32 s10, $0x1;
	s10 =	sld [smem:$0x3FB7];
	_ =	sdelay $0x3  }
0x34: {  	[smem:$0x3FB7] =	sst s10  }
0x35: {  	s10 =	sld [smem:$0x3FB6];
	_ =	sdelay $0x3  }
0x36: {  	p1 =	seq.s32 s10, $0x1;
	s10 =	sld [smem:$0x3FB7];
	_ =	sdelay $0x3  }
0x37: {  	[smem:$0x3FB7] =	sst s10  }
0x38: {  	s10 =	sld [smem:$0x3FB8]  }
0x39: {  	_ = 	snop;
	(pc) =	sbr.ind lr, $3  }
0x3a: {  	_ = 	snop  }
0x3b: {  	_ = 	snop  }
0x3c: {  	p2 =	seq.s32 s10, $0x1;
	s10 =	sld [smem:$0x3FB7]  }
0x3d: {  	_ =	shalt  }
0x3e: {  	_ =	shalt  }
0x3f: {  	_ =	shalt  }
0x40: {  	_ =	shalt  }
0x41: {  	_ =	shalt  }
0x42: {  	_ =	shalt  }
0x43: {  	_ =	shalt  }
0x44: {  	_ =	shalt  }
0x45: {  	_ =	shalt  }
0x46: {  	_ =	shalt  }
0x47: {  	_ =	shalt  }
0x48: {  	_ =	shalt  }
0x49: {  	_ =	shalt  }
0x4a: {  	_ =	shalt  }
0x4b: {  	_ =	shalt  }
0x4c: {  	_ =	shalt  }
0x4d: {  	_ =	shalt  }
0x4e: {  	_ =	shalt  }
0x4f: {  	_ =	shalt  }
0x50: {  	_ =	shalt  }
0x51: {  	_ =	shalt  }
0x52: {  	_ =	shalt  }
0x53: {  	_ =	shalt  }
0x54: {  	_ =	shalt  }
0x55: {  	_ =	shalt  }
0x56: {  	_ =	shalt  }
0x57: {  	_ =	shalt  }
0x58: {  	_ =	shalt  }
0x59: {  	_ =	shalt  }
0x5a: {  	_ =	shalt  }
0x5b: {  	_ =	shalt  }
0x5c: {  	_ =	shalt  }
0x5d: {  	_ =	shalt  }
0x5e: {  	_ =	shalt  }
0x5f: {  	_ =	shalt  }
0x60: {  	_ =	shalt  }
0x61: {  	_ =	shalt  }
0x62: {  	_ =	shalt  }
0x63: {  	_ =	shalt  }
0x64: {  	_ =	shalt  }
0x65: {  	_ =	shalt  }
0x66: {  	_ =	shalt  }
0x67: {  	_ =	shalt  }
0x68: {  	_ =	shalt  }
0x69: {  	_ =	shalt  }
0x6a: {  	_ =	shalt  }
0x6b: {  	_ =	shalt  }
0x6c: {  	_ =	shalt  }
0x6d: {  	_ =	shalt  }
0x6e: {  	_ =	shalt  }
0x6f: {  	_ =	shalt  }
0x70: {  	_ =	shalt  }
0x71: {  	_ =	shalt  }
0x72: {  	_ =	shalt  }
0x73: {  	_ =	shalt  }
0x74: {  	_ =	shalt  }
0x75: {  	_ =	shalt  }
0x76: {  	_ =	shalt  }
0x77: {  	_ =	shalt  }
0x78: {  	_ =	shalt  }
0x79: {  	_ =	shalt  }
0x7a: {  	_ =	shalt  }
0x7b: {  	_ =	shalt  }
0x7c: {  	_ =	shalt  }
0x7d: {  	_ =	shalt  }
0x7e: {  	_ =	shalt  }
0x7f: {  	_ =	shalt  }
0x80: {  	_ =	shalt  }
0x81: {  	_ =	shalt  }
0x82: {  	_ =	shalt  }
0x83: {  	_ =	shalt  }
0x84: {  	_ =	shalt  }
0x85: {  	_ =	shalt  }
0x86: {  	_ =	shalt  }
0x87: {  	_ =	shalt  }
.Lfunc_end0:
.L_simem_size_0:
called_computation_lowered:
.L_overlay_start_0:
0x88: {  	s2 =	sld [smem:$0x3FD9]  }
0x89: {  	s3 =	sld [smem:$0x3FFE];
	_ =	sdelay $0x1  }
0x8a: {  	s1 =	srdreg.scid  }
0x8b: {  	s0 =	sand.u32 $0x1, s1  }
0x8c: {  	s17 =	sshll.u32 s0, $0xA;
	s2 =	sadd.s32 s3, s2  }
0x8d: {  	s2 =	sadd.s32 s2, s17  }
0x8e: {  	[smem:$0x3FC3] =	sst s2  }
0x8f: {  	_ = 	snop  }
0x90: {  	s2 =	sld [smem:$0x3FC8]  }
0x91: {  	s18 =	sld [smem:$0x3FC7]  }
0x92: {  	s4 =	sld [smem:$0x3FC6]  }
0x93: {  	s5 =	sld [smem:$0x3FC5]  }
0x94: {  	s6 =	sld [smem:$0x3FD0];
	(tm) =	ssettm $0x1  }
0x95: {  	s7 =	sld [smem:$0x3FFB];
	_ =	sdelay $0x3  }
0x96: {  	_ =	strace s7  }
0x97: {  	s7 =	sld [smem:$0x3FFC];
	_ =	sdelay $0x3  }
0x98: {  	_ =	strace s7  }
0x99: {  	s7 =	sld [smem:$0x3FFD];
	_ =	sdelay $0x3  }
0x9a: {  	_ =	strace s7  }
0x9b: {  	_ =	strace $0x8FFFFFFF  }
0x9c: {  	s19 =	sld [smem:$0x3FDB];
	_ =	sdelay $0x1  }
0x9d: {  	s8 =	simm.s32 $_scs_section_size  }
0x9e: {  	s9 =	simm.s32 $_size__tile_overlayer_lowered;
	s10 =	simm.s32 $_tile_overlayer_lowered  }
0x9f: {  	s22 =	simm.s32 $0x1BFF;
	s21 =	sshll.u32 s10, $0x1;
	s7 =	sadd.s32 s8, s19  }
0xa0: {  	s11 =	simm.s32 $0x0;
	s20 =	sshll.u32 s9, $0x1;
	s9 =	sadd.s32 s21, s7  }
0xa1: {  	[timem:s11], [sflag:s22] =	dma.local [hbm:s9], s20  }
0xa2: {  	_ =	swait.ge [sflag:s22], s20  }
0xa3: {  	s8 =	ssub.s32 $0x0, s20;
	[sflag:s22] =	ssyncset.done $0x0  }
0xa4: {  	[sflag:s22] =	ssyncadd.s32 s8;
	_ =	sdelay $0x1  }
0xa5: {  	s23 =	simm.s32 $0x1B8B  }
0xa6: {  	_ =	swait.ge [sflag:s23], $0x1  }
0xa7: {  	[sflag:s23] =	ssyncset.done $0x0  }
0xa8: {  	s25 =	simm.s32 $0x1B8E;
	s24 =	sld [smem:$0x3FFE];
	[sflag:s23] =	ssyncadd.s32 $0xFFFFFFFF  }
0xa9: {  	s26 =	simm.s32 $execute0_lowered;
	[smem:$0x3FD2] =	sst s25  }
0xaa: {  	s9 =	sshll.u32 s26, $0x1;
	_ =	strace $0x80000046;
	[dreg:$0x1] =	wrdreg $0xFFFFFFFF  }
0xab: {  	s28 =	simm.s32 $_size_execute0_lowered;
	s7 =	sadd.s32 s7, s9;
	[dreg:$0x0] =	wrdreg $0x0  }
0xac: {  	s9 =	sshll.u32 s28, $0x1;
	[dreg:$0x2] =	wrdreg s7  }
0xad: {  	[dreg:$0x3] =	wrdreg s9  }
0xae: {  	[dreg:$0x4] =	wrdreg $0xC0  }
0xaf: {  	_ =	task [dreg:s11], $0x5FFFF  }
0xb0: {  	[dreg:$0x1] =	wrdreg $0xFFFFFFFF  }
0xb1: {  	[dreg:$0x0] =	wrdreg $0x60  }
0xb2: {  	[dreg:$0x2] =	wrdreg s24  }
0xb3: {  	[dreg:$0x3] =	wrdreg s2  }
0xb4: {  	[dreg:$0x4] =	wrdreg s18  }
0xb5: {  	[dreg:$0x5] =	wrdreg s4  }
0xb6: {  	[dreg:$0x6] =	wrdreg s5  }
0xb7: {  	[dreg:$0x7] =	wrdreg s6  }
0xb8: {  	[dreg:$0x8] =	wrdreg $0x9  }
0xb9: {  	_ =	task.clear_ibuf [dreg:s11], $0x9FFFF;
	_ =	strace $0x90000046  }
0xba: {  	s29 =	simm.s32 $0x9;
	_ =	strace $0x80000048  }
0xbb: {  	_ =	swait.ge [sflag:s29], $0x1  }
0xbc: {  	[sflag:s29] =	ssyncadd.s32 $0xFFFFFFFF  }
0xbd: {  	_ =	strace $0x90000048  }
0xbe: {  	_ =	sfence  }
0xbf: {  	s30 =	sld [smem:$0x0];
	_ =	sdelay $0x2  }
0xc0: {  	s31 =	sshll.u32 s1, $0xD;
	s1 =	sshrl.u32 s1, $0x2  }
0xc1: {  	s3 =	sand.u32 $0x4000, s31;
	s1 =	sadd.s32 s1, s30  }
0xc2: {  	s0 =	sor.u32 s3, s0;
	s1 =	sshll.u32 s1, $0x11  }
0xc3: {  	s0 =	sor.u32 s1, s0  }
0xc4: {  	s0 =	sadd.s32 $0x8F2B, s0  }
0xc5: {  	[sflag:s0] =	ssyncadd.remote.s32 $0x1  }
0xc6: {  	_ =	sfence.sel $0xFFFF  }
0xc7: {  	[dreg:$0x0] =	wrdreg $0xFFFFFFFF;
	(pc) =	sbr.abs _section_cstart, $3  }
0xc8: {  	[dreg:$0x1] =	wrdreg $0xFFFFFFFF  }
0xc9: {  	_ =	task.clear_ibuf [dreg:s11], $0x2FFFF;
	_ =	strace $0x9FFFFFFF  }
0xca: {  	(tm) =	ssettm $0x7FFFFFFF  }
0xcb: {  	_ =	shalt  }
tec
execute0_lowered:
.L_overlay_start_1:
0x0: {  	(tag) =	ssettag $0x1  }
0x1: {  	s0 =	rddreg [dreg:$0x0]  }
0x2: {  	s1 =	rddreg [dreg:$0x1]  }
0x3: {  	s2 =	rddreg [dreg:$0x2]  }
0x4: {  	s5 =	rddreg [dreg:$0x5];
	s6 =	simm.s32 $0x0;
	s7 =	stileid.u32  }
0x5: {  	s3 =	srdreg.scid;
	s16 =	simm.s32 $0x5;
	s14 =	simm.s32 $0xCA00  }
0x6: {  	s17 =	simm.s32 $0x4;
	s18 =	simm.s32 $0x0;
	[smem:$0x7FF] =	sst s6  }
0x7: {  	s4 =	sshll.u32 s7, $0x8;
	s3 =	sand.u32 $0x1, s3;
	s7 =	sshll.u32 s7, $0x1  }
0x8: {  	s10 =	sadd.s32 $0x100, s1;
	s11 =	sadd.s32 $0x200, s1;
	_ =	strace $0x80000047  }
0x9: {  	s4 =	sand.u32 $0xC00, s4;
	s7 =	sor.u32 s3, s7;
	s3 =	ssub.s32 $0x2, s3  }
0xa: {  	s8 =	sshll.u32 s7, $0x4;
	s7 =	smul.u32 $0x3000, s7;
	s0 =	sadd.s32 s4, s0  }
0xb: {  	v0 =	vlaneseq.u32;
	s29 =	sshrl.u32 s3, $0x1;
	s4 =	simm.s32 $0x1;
	s8 =	sand.u32 $0x70, s8  }
0xc: {  	v1 =	vand.u32 $0x7, v0;
	v63 =	vshrl.u32 v0, $0x3;
	s3 =	ssub.s32 s3, s29;
	s0 =	sadd.s32 s8, s0;
	s30 =	sshrl.u32 s7, $0x3  }
0xd: {  	v0 =	vor.u32 $0x8, v0;
	[tilespmem:$0x1FFD0] =	vst v1;
	v1 =	vmul.u32 $0x8, v63;
	s12 =	sadd.s32 $0x60000, s7;
	s13 =	smax.u32 s3, $0x1;
	s0 =	sadd.s32 $0x400, s0  }
0xe: {  	[tilespmem:$0x1FFF0] =	vst v0;
	s3 =	simm.s32 $0x2;
	s31 =	sadd.s32 s2, s30;
	[dreg:$0x7] =	wrdreg s0  }
0xf: {  	vm0 =	vmmov $0xffff;
	[tilespmem:$0x1FFE0] =	vst v1;
	s2 =	simm.s32 $0x9A00;
	[dreg:$0x8] =	wrdreg s31;
	s0 =	simm.s32 $0x3  }
.LBB2_1:
0x10: {  	s8 =	rddreg [dreg:$0x7];
	s9 =	simm.s32 $0x80;
	s15 =	simm.s32 $0x400  }
0x11: {  	[tilespmem:s6], [sflag:$0x5] =	stream.strided.gather [hbm4b:s8+s9], $0x400, s15, s9, $0x38;
	[tilespmem:$0xFA00] =	vst v63  }
0x12: {  	_ =	swait.ge [sflag:s16], $0x400  }
0x13: {  	[sflag:s16] =	ssyncset.done $0x0  }
0x14: {  	s29 =	rddreg [dreg:$0x8];
	[sflag:s16] =	ssyncadd.s32 $0xFFFFFC00  }
0x15: {  	[tilespmem:s15], [sflag:$0x3] =	stream.linear.gather [hbm4b:s29+s6], $0x3000, $0x38;
	[tilespmem:$0xFA00] =	vst v63  }
0x16: {  	s31 =	simm.s32 $0x3400;
	s30 =	rddreg [dreg:$0x3]  }
0x17: {  	[tilespmem:s31], [sflag:$0x3] =	stream.linear.gather [hbm4b:s30+s6], $0x300, $0x38;
	[tilespmem:$0xFA00] =	vst v63  }
0x18: {  	s9 =	rddreg [dreg:$0x4];
	s15 =	simm.s32 $0x3700  }
0x19: {  	[tilespmem:s15], [sflag:$0x3] =	stream.linear.gather [hbm4b:s9+s6], $0x300, $0x38;
	[tilespmem:$0xFA00] =	vst v63  }
0x1a: {  	v0 =	vld [tilespmem:$0x0];
	_ =	sdelay $0x3  }
0x1b: {  	v2 =	vld [tilespmem:$0x1FFD0]  }
0x1c: {  	v1 =	vshrl.u32 v0, $0x3  }
0x1d: {  	v3 =	vld [tilespmem:$0x1FFE0];
	v1 =	vmul.u32 $0x30, v1  }
0x1e: {  	v0 =	vand.u32 $0x7, v0  }
0x1f: {  	v0 =	vor.u32 v0, v1  }
0x20: {  	v1 =	vperm.xlane v0, v2  }
0x21: {  	v4 =	vld [tilespmem:$0x1FFF0]  }
0x22: {  	v1 =	vadd.s32 v3, v1;
	_ =	sdelay $0x3  }
0x23: {  	s19 =	simm.s32 $0x3A00;
	v0 =	vperm.xlane v0, v4  }
0x24: {  	[tilespmem:s19], [sflag:$0x1] =	stream.indirect_vreg.gather [hbm4b:s1+s6], $0x80, v1, vm0, $0xb8;
	[tilespmem:$0xFA00] =	vst v63  }
0x25: {  	s20 =	simm.s32 $0x4200;
	v0 =	vadd.s32 v3, v0  }
0x26: {  	[tilespmem:s20], [sflag:$0x1] =	stream.indirect_vreg.gather [hbm4b:s10+s6], $0x80, v1, vm0, $0xb8;
	[tilespmem:$0xFA00] =	vst v63  }
0x27: {  	s21 =	simm.s32 $0x4A00  }
0x28: {  	[tilespmem:s21], [sflag:$0x1] =	stream.indirect_vreg.gather [hbm4b:s11+s6], $0x80, v1, vm0, $0xb8;
	[tilespmem:$0xFA00] =	vst v63  }
0x29: {  	s22 =	simm.s32 $0x5200  }
0x2a: {  	[tilespmem:s22], [sflag:$0x1] =	stream.indirect_vreg.gather [hbm4b:s1+s6], $0x80, v0, vm0, $0xb8;
	[tilespmem:$0xFA00] =	vst v63  }
0x2b: {  	s23 =	simm.s32 $0x5A00  }
0x2c: {  	[tilespmem:s23], [sflag:$0x1] =	stream.indirect_vreg.gather [hbm4b:s10+s6], $0x80, v0, vm0, $0xb8;
	[tilespmem:$0xFA00] =	vst v63  }
0x2d: {  	s24 =	simm.s32 $0x6200  }
0x2e: {  	[tilespmem:s24], [sflag:$0x1] =	stream.indirect_vreg.gather [hbm4b:s11+s6], $0x80, v0, vm0, $0xb8;
	[tilespmem:$0xFA00] =	vst v63  }
0x2f: {  	v0 =	vld [tilespmem:$0x10];
	_ =	sdelay $0x4  }
0x30: {  	v63 =	vshrl.u32 v0, $0x3  }
0x31: {  	v1 =	vmul.u32 $0x30, v63  }
0x32: {  	v0 =	vand.u32 $0x7, v0  }
0x33: {  	v0 =	vor.u32 v0, v1  }
0x34: {  	v1 =	vperm.xlane v0, v2;
	_ =	sdelay $0x1  }
0x35: {  	v1 =	vadd.s32 v3, v1;
	_ =	sdelay $0x3  }
0x36: {  	s25 =	simm.s32 $0x6A00;
	v0 =	vperm.xlane v0, v4  }
0x37: {  	[tilespmem:s25], [sflag:$0x2] =	stream.indirect_vreg.gather [hbm4b:s1+s6], $0x80, v1, vm0, $0xb8;
	[tilespmem:$0xFA00] =	vst v63  }
0x38: {  	s26 =	simm.s32 $0x7200;
	v0 =	vadd.s32 v3, v0  }
0x39: {  	[tilespmem:s26], [sflag:$0x2] =	stream.indirect_vreg.gather [hbm4b:s10+s6], $0x80, v1, vm0, $0xb8;
	[tilespmem:$0xFA00] =	vst v63  }
0x3a: {  	s28 =	simm.s32 $0x7A00  }
0x3b: {  	[tilespmem:s28], [sflag:$0x2] =	stream.indirect_vreg.gather [hbm4b:s11+s6], $0x80, v1, vm0, $0xb8;
	[tilespmem:$0xFA00] =	vst v63  }
0x3c: {  	s29 =	simm.s32 $0x8200  }
0x3d: {  	[tilespmem:s29], [sflag:$0x2] =	stream.indirect_vreg.gather [hbm4b:s1+s6], $0x80, v0, vm0, $0xb8;
	[tilespmem:$0xFA00] =	vst v63  }
0x3e: {  	s30 =	simm.s32 $0x8A00  }
0x3f: {  	[tilespmem:s30], [sflag:$0x2] =	stream.indirect_vreg.gather [hbm4b:s10+s6], $0x80, v0, vm0, $0xb8;
	[tilespmem:$0xFA00] =	vst v63  }
0x40: {  	s31 =	simm.s32 $0x9200  }
0x41: {  	[tilespmem:s31], [sflag:$0x2] =	stream.indirect_vreg.gather [hbm4b:s11+s6], $0x80, v0, vm0, $0xb8;
	[tilespmem:$0xFA00] =	vst v63  }
0x42: {  	_ =	swait.ge [sflag:s0], $0x3000  }
0x43: {  	[sflag:s0] =	ssyncset.done $0x0  }
0x44: {  	[sflag:s0] =	ssyncadd.s32 $0xFFFFD000  }
0x45: {  	_ =	swait.ge [sflag:s0], $0x300  }
0x46: {  	[sflag:s0] =	ssyncset.done $0x0  }
0x47: {  	[sflag:s0] =	ssyncadd.s32 $0xFFFFFD00  }
0x48: {  	_ =	swait.ge [sflag:s0], $0x300  }
0x49: {  	[sflag:s0] =	ssyncset.done $0x0  }
0x4a: {  	s19 =	simm.s32 $0x0;
	[sflag:s0] =	ssyncadd.s32 $0xFFFFFD00  }
.LBB2_2:
0x4b: {  	_ =	swait.ge [sflag:s4], $0x3000  }
0x4c: {  	p1 =	seq.s32 s19, $0x0;
	[sflag:s4] =	ssyncset.done $0x0  }
0x4d: {  	s21 =	simm.s32 $0x0;
	s20 =	simm.s32 @!p1 $0x3;
	[sflag:s4] =	ssyncadd.s32 $0xFFFFD000  }
0x4e: {  	s22 =	simm.s32 $0x0;
	s21 =	smul.u32 $0x1800, s21;
	_ =	swait.ge @!p1 [sflag:s20], $0x3000  }
0x4f: {  	s22 =	sand.u32 $0x380, s22;
	[sflag:s20] =	ssyncset.done @!p1 $0x0  }
0x50: {  	s22 =	sor.u32 s22, s21;
	[sflag:s20] =	ssyncadd.s32 @!p1 $0xFFFFD000  }
0x51: {  	v0 =	vld [tilespmem:s22+$0x1470];
	_ =	sdelay $0x4  }
0x52: {  	[tilespmem:$0x1FC10] =	vst v0  }
0x53: {  	v0 =	vld [tilespmem:s22+$0x1460];
	_ =	sdelay $0x4  }
0x54: {  	[tilespmem:$0x1FC00] =	vst v0  }
0x55: {  	v0 =	vld [tilespmem:s22+$0x1430];
	_ =	sdelay $0x4  }
0x56: {  	[tilespmem:$0x1FBE0] =	vst v0  }
0x57: {  	v0 =	vld [tilespmem:s22+$0x4A20];
	_ =	sdelay $0x4  }
0x58: {  	[tilespmem:$0x1FD20] =	vst v0  }
0x59: {  	v0 =	vld [tilespmem:s22+$0x1050];
	_ =	sdelay $0x3  }
0x5a: {  	v3 =	vld [tilespmem:s22+$0x3A70]  }
0x5b: {  	v4 =	vld [tilespmem:s22+$0x1070];
	[tilespmem:$0x1FBF0] =	vst v0  }
0x5c: {  	v0 =	vld [tilespmem:s22+$0x3A60];
	_ =	sdelay $0x2  }
0x5d: {  	v6 =	vld [tilespmem:s22+$0x450]  }
0x5e: {  	v7 =	vld [tilespmem:s22+$0x4670]  }
0x5f: {  	v8 =	vld [tilespmem:s22+$0x3A50];
	[tilespmem:$0x1FC90] =	vst v0  }
0x60: {  	v0 =	vld [tilespmem:s22+$0x430]  }
0x61: {  	v10 =	vld [tilespmem:s22+$0x3A30]  }
0x62: {  	v11 =	vld [tilespmem:s22+$0x420]  }
0x63: {  	v14 =	vld [tilespmem:s22+$0x3A20]  }
0x64: {  	v15 =	vld [tilespmem:s22+$0x470]  }
0x65: {  	v18 =	vld [tilespmem:s22+$0x3E00]  }
0x66: {  	v20 =	vld [tilespmem:s22+$0x800]  }
0x67: {  	v21 =	vld [tilespmem:s22+$0x3E10]  }
0x68: {  	v22 =	vld [tilespmem:s22+$0x810]  }
0x69: {  	v23 =	vld [tilespmem:s22+$0x3E20]  }
0x6a: {  	v24 =	vld [tilespmem:s22+$0x820]  }
0x6b: {  	v25 =	vld [tilespmem:s22+$0x3E30]  }
0x6c: {  	v26 =	vld [tilespmem:s22+$0x830]  }
0x6d: {  	v27 =	vld [tilespmem:s22+$0x3E40]  }
0x6e: {  	v28 =	vld [tilespmem:s22+$0x840]  }
0x6f: {  	v29 =	vld [tilespmem:s22+$0x3E50]  }
0x70: {  	v30 =	vld [tilespmem:s22+$0x850]  }
0x71: {  	v31 =	vld [tilespmem:s22+$0x3E60]  }
0x72: {  	v32 =	vld [tilespmem:s22+$0x860]  }
0x73: {  	v35 =	vld [tilespmem:s22+$0x3E70]  }
0x74: {  	v37 =	vld [tilespmem:s22+$0x870]  }
0x75: {  	v40 =	vld [tilespmem:s22+$0x4200]  }
0x76: {  	v41 =	vld [tilespmem:s22+$0xC00]  }
0x77: {  	v13 =	vld [tilespmem:s22+$0x4210]  }
0x78: {  	v43 =	vld [tilespmem:s22+$0xC10]  }
0x79: {  	v44 =	vld [tilespmem:s22+$0x4220]  }
0x7a: {  	v45 =	vld [tilespmem:s22+$0xC20]  }
0x7b: {  	v46 =	vld [tilespmem:s22+$0x4230]  }
0x7c: {  	v47 =	vld [tilespmem:s22+$0xC30]  }
0x7d: {  	v48 =	vld [tilespmem:s22+$0x4240]  }
0x7e: {  	v49 =	vld [tilespmem:s22+$0xC40]  }
0x7f: {  	v51 =	vld [tilespmem:s22+$0x4250]  }
0x80: {  	v57 =	vld [tilespmem:s22+$0xC50]  }
0x81: {  	v60 =	vld [tilespmem:s22+$0x4260]  }
0x82: {  	v62 =	vld [tilespmem:s22+$0xC60]  }
0x83: {  	v50 =	vld [tilespmem:s22+$0x4270]  }
0x84: {  	v63 =	vld [tilespmem:s22+$0xC70]  }
0x85: {  	v17 =	vld [tilespmem:s22+$0x4600]  }
0x86: {  	v12 =	vld [tilespmem:s22+$0x1000]  }
0x87: {  	v16 =	vld [tilespmem:s22+$0x4610]  }
0x88: {  	v5 =	vld [tilespmem:s22+$0x1010]  }
0x89: {  	v33 =	vld [tilespmem:s22+$0x4620]  }
0x8a: {  	v19 =	vld [tilespmem:s22+$0x1020]  }
0x8b: {  	v1 =	vld [tilespmem:s22+$0x4630]  }
0x8c: {  	v42 =	vld [tilespmem:s22+$0x1030]  }
0x8d: {  	v36 =	vld [tilespmem:s22+$0x4640]  }
0x8e: {  	v9 =	vld [tilespmem:s22+$0x4E30]  }
0x8f: {  	v34 =	vld [tilespmem:s22+$0x1040]  }
0x90: {  	v38 =	vld [tilespmem:s22+$0x4650]  }
0x91: {  	v2 =	vld [tilespmem:s22+$0x4A30]  }
0x92: {  	v55 =	vld [tilespmem:s22+$0x4A60]  }
0x93: {  	v56 =	vld [tilespmem:s22+$0x4A70];
	[tilespmem:$0x1FC20] =	vst v9  }
0x94: {  	v9 =	vld [tilespmem:s22+$0x4E70];
	_ =	sdelay $0x4  }
0x95: {  	v59 =	vld [tilespmem:s22+$0x1830];
	[tilespmem:$0x1FC50] =	vst v9  }
0x96: {  	v9 =	vld [tilespmem:s22+$0x1870];
	_ =	sdelay $0x4  }
0x97: {  	[tilespmem:$0x1FC60] =	vst v9  }
0x98: {  	v9 =	vld [tilespmem:s22+$0x3A00];
	_ =	sdelay $0x4  }
0x99: {  	[tilespmem:$0x1FC30] =	vst v9  }
0x9a: {  	v9 =	vld [tilespmem:s22+$0x400];
	_ =	sdelay $0x4  }
0x9b: {  	[tilespmem:$0x1FC40] =	vst v9  }
0x9c: {  	v9 =	vld [tilespmem:s22+$0x4A10];
	_ =	sdelay $0x1  }
0x9d: {  	v54 =	vld [tilespmem:s22+$0x3A10]  }
0x9e: {  	v39 =	vld [tilespmem:s22+$0x410]  }
0x9f: {  	v61 =	vld [tilespmem:s22+$0x3A40]  }
0xa0: {  	v58 =	vld [tilespmem:s22+$0x440];
	[tilespmem:$0x1FC70] =	vst v9  }
0xa1: {  	v9 =	vld [tilespmem:s22+$0x1410];
	_ =	sdelay $0x4  }
0xa2: {  	[tilespmem:$0x1FC80] =	vst v9  }
0xa3: {  	v9 =	vld [tilespmem:s22+$0x4A00];
	_ =	sdelay $0x4  }
0xa4: {  	[tilespmem:$0x1FCB0] =	vst v9  }
0xa5: {  	v9 =	vld [tilespmem:s22+$0x1400];
	_ =	sdelay $0x4  }
0xa6: {  	[tilespmem:$0x1FCC0] =	vst v9  }
0xa7: {  	v9 =	vld [tilespmem:s22+$0x4A50];
	_ =	sdelay $0x4  }
0xa8: {  	[tilespmem:$0x1FCD0] =	vst v9  }
0xa9: {  	v9 =	vld [tilespmem:s22+$0x1450];
	_ =	sdelay $0x4  }
0xaa: {  	[tilespmem:$0x1FCE0] =	vst v9  }
0xab: {  	v9 =	vld [tilespmem:s22+$0x4A40];
	_ =	sdelay $0x4  }
0xac: {  	[tilespmem:$0x1FD30] =	vst v9  }
0xad: {  	v9 =	vld [tilespmem:s22+$0x1440];
	_ =	sdelay $0x4  }
0xae: {  	[tilespmem:$0x1FD40] =	vst v9  }
0xaf: {  	v9 =	vld [tilespmem:s22+$0x4E10];
	_ =	sdelay $0x4  }
0xb0: {  	[tilespmem:$0x1FCF0] =	vst v9  }
0xb1: {  	v9 =	vld [tilespmem:s22+$0x1810];
	_ =	sdelay $0x4  }
0xb2: {  	[tilespmem:$0x1FD00] =	vst v9;
	v9 =	vadd.f32 v4, v7  }
0xb3: {  	v4 =	vadd.f32 v6, v8  }
0xb4: {  	[tilespmem:$0x1FDF0] =	vst v9  }
0xb5: {  	[tilespmem:$0x1FDA0] =	vst v4  }
0xb6: {  	v6 =	vld [tilespmem:s22+$0x460];
	_ =	sdelay $0x4  }
0xb7: {  	[tilespmem:$0x1FCA0] =	vst v6;
	v6 =	vadd.f32 v0, v10;
	_ =	sdelay $0x1  }
0xb8: {  	[tilespmem:$0x1FD60] =	vst v6  }
0xb9: {  	v0 =	vld [tilespmem:s22+$0x4660];
	_ =	sdelay $0x1  }
0xba: {  	s28 =	simm.s32 $0x0;
	v3 =	vadd.f32 v15, v3  }
0xbb: {  	s21 =	simm.s32 $0x80;
	s20 =	smul.u32 $0x1800, s28  }
0xbc: {  	s23 =	sand.u32 $0x380, s21;
	[tilespmem:$0x1FD50] =	vst v3  }
0xbd: {  	s20 =	sor.u32 s23, s20;
	[tilespmem:$0x1FD10] =	vst v0  }
0xbe: {  	v0 =	vld [tilespmem:s20+$0x1470];
	_ =	sdelay $0x1  }
0xbf: {  	v21 =	vadd.f32 v22, v21;
	_ =	sdelay $0x1  }
0xc0: {  	[tilespmem:$0x1FDC0] =	vst v21  }
0xc1: {  	[tilespmem:$0x1FE60] =	vst v0  }
0xc2: {  	v0 =	vld [tilespmem:s20+$0x1460];
	_ =	sdelay $0x1  }
0xc3: {  	v7 =	vadd.f32 v26, v25;
	_ =	sdelay $0x1  }
0xc4: {  	[tilespmem:$0x1FD70] =	vst v7  }
0xc5: {  	[tilespmem:$0x1FE40] =	vst v0  }
0xc6: {  	v0 =	vld [tilespmem:s20+$0x1430];
	_ =	sdelay $0x1  }
0xc7: {  	v53 =	vadd.f32 v28, v27;
	_ =	sdelay $0x1  }
0xc8: {  	v52 =	vadd.f32 v20, v18;
	v20 =	vmul.f32 v6, v6;
	v6 =	vadd.f32 v37, v35;
	[tilespmem:$0x1FDE0] =	vst v53  }
0xc9: {  	v11 =	vadd.f32 v11, v14;
	v18 =	vmul.f32 v3, v3;
	[tilespmem:$0x1FE30] =	vst v0  }
0xca: {  	v14 =	vadd.f32 v24, v23;
	v24 =	vmul.f32 v7, v7;
	v7 =	vadd.f32 v47, v46;
	v3 =	vld [tilespmem:s20+$0x4A20];
	[tilespmem:$0x1FD80] =	vst v6  }
0xcb: {  	v22 =	vadd.f32 v18, v20;
	v0 =	vld [tilespmem:s20+$0x3A70]  }
0xcc: {  	v28 =	vld [tilespmem:s20+$0x1070];
	[tilespmem:$0x1FD90] =	vst v7  }
0xcd: {  	v22 =	vadd.f32 v24, v22;
	v24 =	vmul.f32 v6, v6;
	v6 =	vld [tilespmem:s20+$0x1050];
	_ =	sdelay $0x4  }
0xce: {  	[tilespmem:$0x1FE20] =	vst v6;
	v6 =	vadd.f32 v63, v50  }
0xcf: {  	v30 =	vadd.f32 v30, v29  }
0xd0: {  	v22 =	vadd.f32 v24, v22;
	v24 =	vmul.f32 v7, v7;
	v7 =	vadd.f32 v42, v1;
	v29 =	vld [tilespmem:s20+$0x450];
	[tilespmem:$0x1FDB0] =	vst v6  }
0xd1: {  	v63 =	vld [tilespmem:s20+$0x4670]  }
0xd2: {  	v37 =	vadd.f32 v57, v51;
	v57 =	vld [tilespmem:s20+$0x3A50];
	[tilespmem:$0x1FDD0] =	vst v7  }
0xd3: {  	v1 =	vadd.f32 v24, v22;
	v22 =	vmul.f32 v6, v6;
	v6 =	vld [tilespmem:s20+$0x3A60];
	_ =	sdelay $0x4  }
0xd4: {  	[tilespmem:$0x1FF90] =	vst v6;
	v6 =	vld [tilespmem:$0x1FBE0];
	_ =	sdelay $0x3  }
0xd5: {  	v25 =	vadd.f32 v45, v44  }
0xd6: {  	v44 =	vadd.f32 v12, v17;
	v8 =	vadd.f32 v6, v2  }
0xd7: {  	v46 =	vadd.f32 v5, v16;
	v5 =	vmul.f32 v7, v7;
	v7 =	vadd.f32 v28, v63;
	v12 =	vld [tilespmem:s20+$0x430]  }
0xd8: {  	v47 =	vadd.f32 v43, v13;
	v13 =	vld [tilespmem:s20+$0x3A30];
	v6 =	vadd.f32 v29, v57;
	[tilespmem:$0x1FE00] =	vst v8  }
0xd9: {  	v1 =	vadd.f32 v22, v1;
	v2 =	vld [tilespmem:s20+$0x420];
	[tilespmem:$0x1FE80] =	vst v7  }
0xda: {  	v17 =	vld [tilespmem:s20+$0x3A20];
	[tilespmem:$0x1FEE0] =	vst v6  }
0xdb: {  	v1 =	vadd.f32 v5, v1;
	v5 =	vmul.f32 v9, v9;
	v9 =	vld [tilespmem:$0x1FBF0];
	[tilespmem:s20+$0xA670] =	vst v7  }
0xdc: {  	v7 =	vld [tilespmem:$0x1FC00];
	_ =	sdelay $0x2  }
0xdd: {  	v63 =	vld [tilespmem:s20+$0x470]  }
0xde: {  	v27 =	vadd.f32 v41, v40;
	v41 =	vld [tilespmem:s22+$0x1060]  }
0xdf: {  	v29 =	vadd.f32 v7, v55;
	v7 =	vld [tilespmem:$0x1FC10];
	[tilespmem:s20+$0x9A50] =	vst v6  }
0xe0: {  	v15 =	vld [tilespmem:$0x1FC50]  }
0xe1: {  	v18 =	vld [tilespmem:$0x1FC60]  }
0xe2: {  	v45 =	vld [tilespmem:s22+$0x1420]  }
0xe3: {  	v6 =	vld [tilespmem:$0x1FC20]  }
0xe4: {  	v1 =	vadd.f32 v5, v1;
	v12 =	vadd.f32 v12, v13;
	v5 =	vmul.f32 v8, v8;
	v8 =	vld [tilespmem:$0x1FC40]  }
0xe5: {  	v35 =	vadd.f32 v7, v56;
	v7 =	vld [tilespmem:$0x1FC30]  }
0xe6: {  	v1 =	vadd.f32 v5, v1;
	v5 =	vld [tilespmem:s20+$0x3E00];
	[tilespmem:$0x1FE50] =	vst v12;
	v15 =	vadd.f32 v18, v15  }
0xe7: {  	v13 =	vld [tilespmem:s20+$0x800]  }
0xe8: {  	v16 =	vadd.f32 v34, v36;
	v43 =	vadd.f32 v39, v54;
	v34 =	vld [tilespmem:s20+$0x3E10];
	[tilespmem:$0x1FE10] =	vst v15  }
0xe9: {  	v24 =	vadd.f32 v59, v6;
	v6 =	vadd.f32 v2, v17;
	[tilespmem:s20+$0x9A30] =	vst v12  }
0xea: {  	v8 =	vadd.f32 v8, v7;
	[tilespmem:$0x1FEC0] =	vst v43  }
0xeb: {  	v7 =	vadd.f32 v58, v61;
	v59 =	vld [tilespmem:s22+$0x4E00];
	[tilespmem:$0x1FF80] =	vst v6  }
0xec: {  	[tilespmem:$0x1FEB0] =	vst v8  }
0xed: {  	[tilespmem:$0x1FED0] =	vst v7  }
0xee: {  	v10 =	vadd.f32 v9, v38;
	v61 =	vmul.f32 v35, v35;
	v38 =	vld [tilespmem:s20+$0x810];
	[tilespmem:$0x1FE90] =	vst v35  }
0xef: {  	v2 =	vmul.f32 v8, v8;
	v17 =	vmul.f32 v7, v7;
	[tilespmem:s20+$0x9A20] =	vst v6  }
0xf0: {  	v55 =	vadd.f32 v63, v0;
	v23 =	vadd.f32 v61, v1;
	v1 =	vld [tilespmem:$0x1FC70]  }
0xf1: {  	v0 =	vmul.f32 v52, v52;
	v12 =	vmul.f32 v4, v4;
	v2 =	vadd.f32 v17, v2;
	v4 =	vld [tilespmem:$0x1FC80]  }
0xf2: {  	v50 =	vadd.f32 v49, v48;
	v49 =	vld [tilespmem:s20+$0x3E20]  }
0xf3: {  	v17 =	vld [tilespmem:s22+$0x1800];
	v0 =	vadd.f32 v0, v2;
	v2 =	vmul.f32 v53, v53  }
0xf4: {  	v40 =	vld [tilespmem:s20+$0x820];
	[tilespmem:s20+$0x9A70] =	vst v55  }
0xf5: {  	v6 =	vadd.f32 v13, v5;
	v0 =	vadd.f32 v2, v0;
	v2 =	vld [tilespmem:$0x1FCA0]  }
0xf6: {  	v18 =	vmov v8;
	v8 =	vadd.f32 v4, v1;
	v1 =	vld [tilespmem:$0x1FC90]  }
0xf7: {  	v26 =	vadd.f32 v62, v60;
	v60 =	vmul.f32 v43, v43;
	v58 =	vld [tilespmem:s22+$0x4E20];
	[tilespmem:$0x1FF20] =	vst v6  }
0xf8: {  	v13 =	vld [tilespmem:s20+$0x3E30]  }
0xf9: {  	v36 =	vadd.f32 v12, v60;
	v60 =	vld [tilespmem:s22+$0x1820];
	[tilespmem:s20+$0x9E00] =	vst v6  }
0xfa: {  	v15 =	vmov v7;
	v6 =	vadd.f32 v38, v34;
	v7 =	vld [tilespmem:$0x1FCC0]  }
0xfb: {  	v62 =	vmul.f32 v21, v21;
	v12 =	vadd.f32 v2, v1;
	v1 =	vld [tilespmem:$0x1FCB0]  }
0xfc: {  	v48 =	vmul.f32 v30, v30;
	v2 =	vld [tilespmem:s20+$0x830];
	[tilespmem:$0x1FF10] =	vst v6  }
0xfd: {  	v57 =	vmul.f32 v27, v27;
	v63 =	vadd.f32 v62, v36;
	[tilespmem:$0x1FF50] =	vst v12  }
0xfe: {  	v20 =	vadd.f32 v19, v33;
	v42 =	vld [tilespmem:s20+$0x3E40]  }
0xff: {  	v5 =	vmul.f32 v47, v47;
	v33 =	vadd.f32 v48, v63;
	v0 =	vadd.f32 v57, v0;
	v57 =	vld [tilespmem:s20+$0x840]  }
0x100: {  	v48 =	vmov v27;
	[tilespmem:s20+$0x9E10] =	vst v6;
	v61 =	vld [tilespmem:s22+$0x4E60];
	v27 =	vadd.f32 v7, v1;
	v1 =	vadd.f32 v40, v49  }
0x101: {  	v6 =	vld [tilespmem:$0x1FCD0]  }
0x102: {  	v63 =	vmul.f32 v37, v37;
	v4 =	vadd.f32 v5, v33;
	v7 =	vld [tilespmem:$0x1FCE0];
	[tilespmem:$0x1FFB0] =	vst v1  }
0x103: {  	v51 =	vmov v47;
	v5 =	vmul.f32 v11, v11;
	v47 =	vmul.f32 v12, v12;
	v49 =	vld [tilespmem:s20+$0x3E50];
	[tilespmem:s20+$0x9E20] =	vst v1  }
0x104: {  	v4 =	vadd.f32 v63, v4;
	v1 =	vld [tilespmem:$0x1FCF0]  }
0x105: {  	v5 =	vadd.f32 v47, v5;
	v47 =	vmul.f32 v46, v46;
	v39 =	vadd.f32 v2, v13;
	v2 =	vld [tilespmem:$0x1FD00]  }
0x106: {  	v31 =	vadd.f32 v32, v31;
	v62 =	vld [tilespmem:s20+$0x850]  }
0x107: {  	v54 =	vmul.f32 v50, v50;
	v13 =	vmul.f32 v10, v10;
	v4 =	vadd.f32 v47, v4;
	v63 =	vld [tilespmem:s22+$0x1860]  }
0x108: {  	v32 =	vmul.f32 v14, v14;
	v21 =	vmov v11;
	v34 =	vmul.f32 v44, v44;
	v19 =	vld [tilespmem:s20+$0x860]  }
0x109: {  	v28 =	vmovc v31;
	v0 =	vadd.f32 v54, v0;
	v54 =	vmul.f32 v31, v31;
	v4 =	vadd.f32 v13, v4;
	v13 =	vld [tilespmem:s22+$0x4E40]  }
0x10a: {  	v33 =	vmovc v14;
	v11 =	vmov v8;
	[tilespmem:s20+$0x9E30] =	vst v39;
	v14 =	vadd.f32 v7, v6;
	v7 =	vld [tilespmem:s20+$0x3E60];
	v31 =	vadd.f32 v2, v1  }
0x10b: {  	[tilespmem:$0x1FEF0] =	vst v8;
	v1 =	vadd.f32 v34, v0;
	v2 =	vadd.f32 v57, v42;
	v0 =	vmul.f32 v8, v8;
	v8 =	vld [tilespmem:$0x1FD10]  }
0x10c: {  	v5 =	vadd.f32 v32, v5  }
0x10d: {  	[tilespmem:$0x1FF40] =	vst v2  }
0x10e: {  	v40 =	vmul.f32 v25, v25;
	v5 =	vadd.f32 v54, v5;
	v9 =	vld [tilespmem:s20+$0x3E70];
	[tilespmem:s20+$0x9E40] =	vst v2  }
0x10f: {  	v32 =	vmul.f32 v26, v26;
	v6 =	vadd.f32 v62, v49;
	v2 =	vld [tilespmem:$0x1FD20]  }
0x110: {  	v54 =	vmul.f32 v16, v16;
	v5 =	vadd.f32 v40, v5;
	v34 =	vadd.f32 v41, v8;
	v41 =	vld [tilespmem:s20+$0x870]  }
0x111: {  	v53 =	vmov v37;
	v8 =	vld [tilespmem:s22+$0x1840];
	[tilespmem:$0x1FF30] =	vst v6  }
0x112: {  	v5 =	vadd.f32 v32, v5;
	v42 =	vmul.f32 v20, v20;
	v1 =	vadd.f32 v54, v1;
	v54 =	vld [tilespmem:s20+$0x4200];
	[tilespmem:s20+$0x9E50] =	vst v6  }
0x113: {  	v37 =	vmovc v16;
	v47 =	vmov v10;
	v0 =	vadd.f32 v0, v4;
	v4 =	vmul.f32 v14, v14;
	v10 =	vld [tilespmem:s20+$0xC00];
	[tilespmem:$0x1FEA0] =	vst v24  }
0x114: {  	v40 =	vmul.f32 v24, v24;
	v5 =	vadd.f32 v42, v5;
	v42 =	vmul.f32 v27, v27;
	[tilespmem:$0x1FF00] =	vst v27  }
0x115: {  	v0 =	vadd.f32 v4, v0;
	v4 =	vadd.f32 v19, v7;
	v7 =	vmul.f32 v31, v31;
	v16 =	vld [tilespmem:s22+$0x4E50];
	[tilespmem:$0x1FF60] =	vst v34  }
0x116: {  	v38 =	vadd.f32 v40, v23;
	v19 =	vmul.f32 v34, v34;
	v6 =	vld [tilespmem:s20+$0x4210]  }
0x117: {  	v40 =	vadd.f32 v42, v1;
	v42 =	vadd.f32 v7, v0;
	v1 =	vld [tilespmem:s20+$0xC10]  }
0x118: {  	v56 =	vmovc v52;
	v52 =	vmov v30;
	v30 =	vadd.f32 v45, v2;
	v0 =	vadd.f32 v19, v5;
	[tilespmem:s20+$0x9E60] =	vst v4;
	v5 =	vld [tilespmem:s22+$0x1850]  }
0x119: {  	v19 =	vld [tilespmem:$0x1FD30]  }
0x11a: {  	v36 =	vmov v20;
	v20 =	vld [tilespmem:$0x1FD40];
	v41 =	vadd.f32 v41, v9;
	[tilespmem:$0x1FF70] =	vst v30  }
0x11b: {  	v9 =	vld [tilespmem:s20+$0x4220];
	[tilespmem:$0x1FE70] =	vst v29  }
0x11c: {  	[tilespmem:s20+$0x9E70] =	vst v41  }
0x11d: {  	v23 =	vld [tilespmem:$0x1FD50]  }
0x11e: {  	v2 =	vmov v24;
	v24 =	vadd.f32 v5, v16;
	v16 =	vld [tilespmem:$0x1FD70]  }
0x11f: {  	v7 =	vmul.f32 v30, v30;
	v57 =	vadd.f32 v20, v19;
	v19 =	vadd.f32 v60, v58;
	v60 =	vld [tilespmem:s20+$0xC20]  }
0x120: {  	v32 =	vmov v21;
	v58 =	vadd.f32 v17, v59;
	v20 =	vld [tilespmem:$0x1FD60];
	v17 =	vadd.f32 v12, v21  }
0x121: {  	v62 =	vadd.f32 v10, v54;
	v0 =	vadd.f32 v7, v0;
	v7 =	vmul.f32 v29, v29;
	v21 =	vld [tilespmem:$0x1FD80];
	[tilespmem:$0x1FFA0] =	vst v19  }
0x122: {  	v59 =	vadd.f32 v8, v13;
	v5 =	vadd.f32 v33, v17;
	v8 =	vld [tilespmem:s20+$0x4230]  }
0x123: {  	v54 =	vadd.f32 v1, v6;
	v0 =	vadd.f32 v7, v0;
	v49 =	vld [tilespmem:s20+$0xC30]  }
0x124: {  	v7 =	vmul.f32 v19, v19;
	v6 =	vadd.f32 v28, v5;
	v5 =	vadd.f32 v60, v9;
	v9 =	vld [tilespmem:$0x1FDA0]  }
0x125: {  	v22 =	vmov v25;
	v25 =	vld [tilespmem:$0x1FD90];
	v13 =	vadd.f32 v23, v20  }
0x126: {  	v45 =	vmov v28;
	v12 =	vadd.f32 v7, v0;
	v28 =	vld [tilespmem:$0x1FDC0]  }
0x127: {  	v6 =	vadd.f32 v22, v6;
	v0 =	vadd.f32 v16, v13  }
0x128: {  	v17 =	vadd.f32 v49, v8;
	v49 =	vmov v22;
	v8 =	vadd.f32 v15, v18;
	v22 =	vld [tilespmem:$0x1FDB0]  }
0x129: {  	v1 =	vadd.f32 v21, v0;
	v7 =	vadd.f32 v9, v43  }
0x12a: {  	v6 =	vadd.f32 v26, v6;
	v18 =	vmov v56;
	v8 =	vadd.f32 v56, v8;
	v56 =	vld [tilespmem:$0x1FDD0]  }
0x12b: {  	v43 =	vmov v26;
	v26 =	vld [tilespmem:$0x1FDE0];
	v1 =	vadd.f32 v25, v1;
	v7 =	vadd.f32 v28, v7  }
0x12c: {  	v15 =	vld [tilespmem:$0x1FDF0];
	v6 =	vadd.f32 v36, v6  }
0x12d: {  	v1 =	vadd.f32 v22, v1;
	v7 =	vadd.f32 v52, v7  }
0x12e: {  	v61 =	vadd.f32 v63, v61;
	v6 =	vadd.f32 v34, v6;
	v34 =	vld [tilespmem:$0x1FE00]  }
0x12f: {  	v1 =	vadd.f32 v56, v1;
	v7 =	vadd.f32 v51, v7  }
0x130: {  	v6 =	vadd.f32 v30, v6;
	v8 =	vadd.f32 v26, v8  }
0x131: {  	v1 =	vadd.f32 v15, v1;
	v7 =	vadd.f32 v53, v7  }
0x132: {  	v10 =	vld [tilespmem:s20+$0xC40];
	v6 =	vadd.f32 v29, v6;
	v8 =	vadd.f32 v48, v8  }
0x133: {  	v60 =	vld [tilespmem:s20+$0xC50];
	[tilespmem:s20+$0xA200] =	vst v62;
	v1 =	vadd.f32 v34, v1;
	v7 =	vadd.f32 v46, v7  }
0x134: {  	[tilespmem:s20+$0xA210] =	vst v54;
	v30 =	vld [tilespmem:s20+$0x4240];
	v6 =	vadd.f32 v19, v6;
	v8 =	vadd.f32 v50, v8  }
0x135: {  	v1 =	vadd.f32 v35, v1;
	v35 =	vld [tilespmem:$0x1FE10];
	v7 =	vadd.f32 v47, v7  }
0x136: {  	v13 =	vld [tilespmem:s20+$0x4250];
	v8 =	vadd.f32 v44, v8;
	[tilespmem:s20+$0xA220] =	vst v5  }
0x137: {  	v6 =	vadd.f32 v61, v6;
	[tilespmem:s20+$0xA230] =	vst v17;
	v7 =	vadd.f32 v11, v7  }
0x138: {  	v29 =	vmovc v44;
	v44 =	vmov v47;
	[tilespmem:s22+$0xA670] =	vst v15;
	v1 =	vadd.f32 v2, v1;
	v8 =	vadd.f32 v37, v8  }
0x139: {  	v63 =	vld [tilespmem:s20+$0xC60];
	[tilespmem:s22+$0x9A50] =	vst v9;
	v47 =	vmul.f32 v61, v61;
	v0 =	vadd.f32 v14, v7;
	v7 =	vadd.f32 v10, v30  }
0x13a: {  	v19 =	vld [tilespmem:s20+$0x4270];
	[tilespmem:s22+$0x9A30] =	vst v20;
	v8 =	vadd.f32 v27, v8;
	v1 =	vadd.f32 v35, v1  }
0x13b: {  	v13 =	vadd.f32 v60, v13;
	v11 =	vld [tilespmem:s20+$0x4260];
	v27 =	vadd.f32 v47, v12;
	[tilespmem:s20+$0xA240] =	vst v7  }
0x13c: {  	v10 =	vld [tilespmem:s20+$0xC70];
	v8 =	vadd.f32 v57, v8;
	v12 =	vadd.f32 v1, v6;
	v6 =	vmul.f32 v57, v57;
	[tilespmem:$0x1FFC0] =	vst v24  }
0x13d: {  	v60 =	vmul.f32 v58, v58;
	v0 =	vadd.f32 v31, v0;
	[tilespmem:s22+$0x9A20] =	vst v32  }
0x13e: {  	v47 =	vmov v14;
	v8 =	vadd.f32 v58, v8;
	v6 =	vadd.f32 v6, v40;
	[tilespmem:s20+$0xA250] =	vst v13  }
0x13f: {  	v14 =	vmul.f32 v35, v35;
	v1 =	vadd.f32 v24, v0;
	v0 =	vmul.f32 v24, v24;
	[tilespmem:s22+$0x9A70] =	vst v23  }
0x140: {  	v20 =	vmul.f32 v59, v59;
	[tilespmem:s22+$0x9E00] =	vst v18;
	v8 =	vadd.f32 v59, v8;
	v6 =	vadd.f32 v60, v6  }
0x141: {  	v14 =	vadd.f32 v14, v38;
	[tilespmem:s22+$0x9E10] =	vst v28;
	v0 =	vadd.f32 v0, v42  }
0x142: {  	[tilespmem:s22+$0x9E20] =	vst v33;
	v1 =	vadd.f32 v1, v8;
	v8 =	vadd.f32 v20, v6  }
0x143: {  	[tilespmem:s22+$0x9E30] =	vst v16  }
0x144: {  	v2 =	vld [tilespmem:s20+$0x4600];
	v14 =	vadd.f32 v14, v27;
	[tilespmem:s22+$0x9E40] =	vst v26;
	v0 =	vadd.f32 v0, v8  }
0x145: {  	v38 =	vld [tilespmem:s20+$0x1000];
	[tilespmem:s22+$0x9E50] =	vst v52;
	v1 =	vadd.f32 v12, v1  }
0x146: {  	v9 =	vld [tilespmem:s20+$0x1020];
	[tilespmem:s22+$0x9E60] =	vst v45;
	v0 =	vadd.f32 v14, v0  }
0x147: {  	[tilespmem:s22+$0x9E70] =	vst v21;
	v6 =	vadd.f32 v63, v11;
	v11 =	vld [tilespmem:s20+$0x4610];
	(xrf2) =	vadd.scan.msk.f32 $0xffff, v1  }
0x148: {  	[tilespmem:s22+$0xA200] =	vst v48;
	v12 =	vld [tilespmem:s20+$0x1010];
	(xrf2) =	vadd.scan.msk.f32 $0xffff, v0  }
0x149: {  	[tilespmem:s22+$0xA210] =	vst v51;
	v8 =	vld [tilespmem:s20+$0x4620]  }
0x14a: {  	[tilespmem:s22+$0xA220] =	vst v49;
	v1 =	vadd.f32 v10, v19;
	v10 =	vadd.f32 v38, v2;
	v2 =	vld [tilespmem:s20+$0x1030]  }
0x14b: {  	[tilespmem:s22+$0xA230] =	vst v25;
	v0 =	vld [tilespmem:s20+$0x4630]  }
0x14c: {  	[tilespmem:s22+$0xA240] =	vst v50  }
0x14d: {  	[tilespmem:s20+$0xA260] =	vst v6;
	v14 =	vadd.f32 v12, v11;
	v11 =	vld [tilespmem:s20+$0x4640]  }
0x14e: {  	[tilespmem:s20+$0xA270] =	vst v1;
	v12 =	vld [tilespmem:s20+$0x1040]  }
0x14f: {  	[tilespmem:s20+$0xA600] =	vst v10;
	v9 =	vadd.f32 v9, v8  }
0x150: {  	[tilespmem:s20+$0xA610] =	vst v14;
	v0 =	vadd.f32 v2, v0  }
0x151: {  	[tilespmem:s20+$0xA620] =	vst v9;
	v15, _, _ =	vpop (xrf2)  }
0x152: {  	v8 =	vld [tilespmem:s20+$0x4650];
	[tilespmem:s20+$0xA630] =	vst v0;
	(v2sf) =	vpush v15, $0xF;
	v15, _, _ =	vpop (xrf2)  }
0x153: {  	(v2sf) =	vpush v15, $0xF;
	v15 =	vadd.f32 v12, v11;
	v11 =	vld [tilespmem:$0x1FE20];
	_ =	sdelay $0x3  }
0x154: {  	[tilespmem:s22+$0xA250] =	vst v53  }
0x155: {  	[tilespmem:s22+$0xA260] =	vst v43;
	v8 =	vadd.f32 v11, v8  }
0x156: {  	[tilespmem:s20+$0xA640] =	vst v15  }
0x157: {  	v20 =	vld [tilespmem:s20+$0x4A30];
	[tilespmem:s20+$0xA650] =	vst v8  }
0x158: {  	v11 =	vld [tilespmem:$0x1FE30];
	_ =	sdelay $0x4  }
0x159: {  	v21 =	vld [tilespmem:s20+$0x4A70];
	[tilespmem:s22+$0xA270] =	vst v22;
	v20 =	vadd.f32 v11, v20  }
0x15a: {  	v11 =	vld [tilespmem:$0x1FE40];
	[tilespmem:s22+$0xA600] =	vst v29  }
0x15b: {  	v2 =	vld [tilespmem:s20+$0x4A60];
	[tilespmem:s20+$0xAA30] =	vst v20  }
0x15c: {  	v16 =	vld [tilespmem:$0x1FE50]  }
0x15d: {  	v25 =	vld [tilespmem:s20+$0x1830]  }
0x15e: {  	v23 =	vld [tilespmem:$0x1FE60]  }
0x15f: {  	v30 =	vld [tilespmem:s20+$0x3A00]  }
0x160: {  	v40 =	vmov v31;
	v45 =	vld [tilespmem:s20+$0x400]  }
0x161: {  	v12 =	vld [tilespmem:s20+$0x4E30];
	[tilespmem:s22+$0xA610] =	vst v46;
	v11 =	vadd.f32 v11, v2;
	v2 =	vmul.f32 v55, v55;
	v31 =	vmul.f32 v16, v16  }
0x162: {  	[tilespmem:s22+$0xA620] =	vst v36;
	v22 =	vadd.f32 v55, v16  }
0x163: {  	v26 =	vld [tilespmem:s20+$0x4E70];
	[tilespmem:s22+$0xA630] =	vst v56;
	v21 =	vadd.f32 v23, v21;
	v23 =	vmul.f32 v39, v39;
	v2 =	vadd.f32 v2, v31  }
0x164: {  	v27 =	vld [tilespmem:s20+$0x1870];
	[tilespmem:s22+$0xA640] =	vst v37;
	v18 =	vadd.f32 v39, v22  }
0x165: {  	v28 =	vadd.f32 v45, v30;
	[tilespmem:s22+$0xA650] =	vst v44;
	v2 =	vadd.f32 v23, v2  }
0x166: {  	[tilespmem:s22+$0xAA30] =	vst v34;
	v23 =	vadd.f32 v25, v12;
	v12 =	vadd.f32 v41, v18  }
0x167: {  	[tilespmem:s20+$0x9A00] =	vst v28  }
0x168: {  	[tilespmem:s20+$0xAA60] =	vst v11;
	v16 =	vadd.f32 v17, v12  }
0x169: {  	[tilespmem:s20+$0xAA70] =	vst v21;
	v12 =	vadd.f32 v27, v26  }
0x16a: {  	[tilespmem:s20+$0xAE30] =	vst v23;
	v27 =	vmul.f32 v1, v1;
	v1 =	vadd.f32 v1, v16  }
0x16b: {  	v22 =	vmul.f32 v41, v41;
	[tilespmem:s20+$0xAE70] =	vst v12  }
0x16c: {  	v16 =	vmul.f32 v0, v0;
	v0 =	vadd.f32 v0, v1;
	v1 =	vld [tilespmem:$0x1FE70]  }
0x16d: {  	v2 =	vadd.f32 v22, v2;
	v22 =	vmul.f32 v17, v17  }
0x16e: {  	v24 =	vld [tilespmem:s20+$0x3A10]  }
0x16f: {  	v25 =	vld [tilespmem:s20+$0x410];
	v2 =	vadd.f32 v22, v2;
	_ =	sdelay $0x1  }
0x170: {  	v2 =	vadd.f32 v27, v2;
	[tilespmem:s22+$0xAA60] =	vst v1  }
0x171: {  	v17 =	vld [tilespmem:$0x1FE90]  }
0x172: {  	v1 =	vadd.f32 v16, v2;
	v16 =	vld [tilespmem:$0x1FE80]  }
0x173: {  	v18 =	vld [tilespmem:s20+$0x3A40];
	v25 =	vadd.f32 v25, v24  }
0x174: {  	v26 =	vld [tilespmem:s20+$0x440]  }
0x175: {  	[tilespmem:s20+$0x9A10] =	vst v25  }
0x176: {  	[tilespmem:s22+$0xAA70] =	vst v17  }
0x177: {  	v2 =	vmul.f32 v16, v16;
	v0 =	vadd.f32 v16, v0;
	v16 =	vld [tilespmem:$0x1FEA0];
	_ =	sdelay $0x1  }
0x178: {  	v18 =	vadd.f32 v26, v18  }
0x179: {  	[tilespmem:s22+$0xAE70] =	vst v35  }
0x17a: {  	[tilespmem:s20+$0x9A40] =	vst v18  }
0x17b: {  	[tilespmem:s22+$0xAE30] =	vst v16  }
0x17c: {  	v16 =	vld [tilespmem:$0x1FEB0];
	_ =	sdelay $0x4  }
0x17d: {  	[tilespmem:s22+$0x9A00] =	vst v16  }
0x17e: {  	v17 =	vld [tilespmem:$0x1FEC0];
	_ =	sdelay $0x2  }
0x17f: {  	v22 =	vld [tilespmem:s20+$0x4A10]  }
0x180: {  	v27 =	vld [tilespmem:s20+$0x1410]  }
0x181: {  	[tilespmem:s22+$0x9A10] =	vst v17  }
0x182: {  	v17 =	vld [tilespmem:$0x1FED0];
	_ =	sdelay $0x2  }
0x183: {  	v22 =	vadd.f32 v27, v22  }
0x184: {  	v1 =	vadd.f32 v2, v1;
	v2 =	vmul.f32 v20, v20;
	v0 =	vadd.f32 v20, v0  }
0x185: {  	[tilespmem:s22+$0x9A40] =	vst v17  }
0x186: {  	v1 =	vadd.f32 v2, v1;
	v2 =	vmul.f32 v21, v21;
	v0 =	vadd.f32 v21, v0;
	v21 =	vld [tilespmem:$0x1FEE0];
	[tilespmem:s20+$0xAA10] =	vst v22  }
0x187: {  	v17 =	vld [tilespmem:$0x1FEF0];
	_ =	sdelay $0x4  }
0x188: {  	[tilespmem:s22+$0xAA10] =	vst v17  }
0x189: {  	v17 =	vld [tilespmem:$0x1FF00]  }
0x18a: {  	v30 =	vld [tilespmem:s20+$0x1400]  }
0x18b: {  	v29 =	vld [tilespmem:s20+$0x4A00];
	_ =	sdelay $0x2  }
0x18c: {  	[tilespmem:s22+$0xAA00] =	vst v17  }
0x18d: {  	v2 =	vadd.f32 v2, v1;
	v17 =	vld [tilespmem:$0x1FF10]  }
0x18e: {  	v0 =	vadd.f32 v23, v0;
	v16 =	vmul.f32 v23, v23;
	v23 =	vadd.f32 v30, v29  }
0x18f: {  	v20 =	vmul.f32 v25, v25  }
0x190: {  	v16 =	vadd.f32 v16, v2;
	v2 =	vmul.f32 v21, v21;
	v21 =	vadd.f32 v21, v25;
	v30 =	vld [tilespmem:$0x1FF20];
	[tilespmem:s20+$0xAA00] =	vst v23  }
0x191: {  	[tilespmem:s22+$0xAA50] =	vst v47  }
0x192: {  	v2 =	vadd.f32 v2, v20;
	v20 =	vadd.f32 v17, v21;
	v21 =	vmul.f32 v17, v17;
	v17 =	vld [tilespmem:$0x1FF30];
	_ =	sdelay $0x1  }
0x193: {  	s29 =	spop (v2sf)  }
0x194: {  	s23 =	smul.f32 $1.302083370e-03, s29  }
0x195: {  	[tilespmem:s22+$0xAE10] =	vst v40  }
0x196: {  	s24 =	smul.f32 s23, s23;
	s25 =	spop (v2sf);
	v2 =	vadd.f32 v21, v2;
	v20 =	vadd.f32 v17, v20;
	v21 =	vmul.f32 v17, v17;
	v17 =	vld [tilespmem:$0x1FF50]  }
0x197: {  	s25 =	smul.f32 $1.302083370e-03, s25;
	_ =	sdelay $0x1  }
0x198: {  	s24 =	ssub.f32 s25, s24;
	v31 =	vld [tilespmem:s20+$0x1450]  }
0x199: {  	v26 =	vld [tilespmem:s20+$0x4A50]  }
0x19a: {  	s24 =	sadd.f32 $9.999999970e-07, s24;
	v19 =	vld [tilespmem:$0x1FF40];
	[tilespmem:s22+$0x9A60] =	vst v17  }
0x19b: {  	v51 =	vadd.f32 v21, v2;
	v2 =	vld [tilespmem:$0x1FF60]  }
0x19c: {  	s30 =	sshra.s32 s24, $0x1;
	s24 =	smul.f32 $5.000000000e-01, s24  }
0x19d: {  	s25 =	ssub.s32 $0x5F3759DF, s30;
	v27 =	vld [tilespmem:s20+$0x4E10]  }
0x19e: {  	s26 =	smul.f32 s25, s24;
	v46 =	vmul.f32 v18, v18;
	v29 =	vld [tilespmem:s20+$0x1810];
	v25 =	vmul.f32 v28, v28  }
0x19f: {  	v18 =	vadd.f32 v18, v28;
	[tilespmem:s22+$0xAA40] =	vst v57  }
0x1a0: {  	s26 =	smul.f32 s25, s26;
	v25 =	vadd.f32 v46, v25;
	v28 =	vmul.f32 v30, v30;
	[tilespmem:s22+$0xA660] =	vst v2;
	v2 =	vadd.f32 v31, v26  }
0x1a1: {  	v18 =	vadd.f32 v30, v18;
	[tilespmem:s22+$0xAE00] =	vst v58  }
0x1a2: {  	s26 =	ssub.f32 $1.500000000e+00, s26;
	v25 =	vadd.f32 v28, v25;
	[tilespmem:s20+$0xAA50] =	vst v2  }
0x1a3: {  	v28 =	vmul.f32 v19, v19;
	v53 =	vadd.f32 v19, v18;
	v19 =	vadd.f32 v29, v27;
	v27 =	vld [tilespmem:$0x1FF70]  }
0x1a4: {  	s25 =	smul.f32 s25, s26  }
0x1a5: {  	v48 =	vld [tilespmem:s20+$0x460]  }
0x1a6: {  	v49 =	vld [tilespmem:s20+$0x4660];
	s26 =	smul.f32 s25, s24;
	v17 =	vmul.f32 v54, v54;
	[tilespmem:s20+$0xAE10] =	vst v19  }
0x1a7: {  	v50 =	vld [tilespmem:s20+$0x1060];
	v52 =	vadd.f32 v54, v20;
	[tilespmem:s22+$0xAE40] =	vst v59  }
0x1a8: {  	v32 =	vld [tilespmem:s20+$0x4E40];
	s26 =	smul.f32 s26, s25;
	v17 =	vadd.f32 v17, v51;
	v31 =	vmul.f32 v13, v13;
	[tilespmem:s22+$0xAA20] =	vst v27  }
0x1a9: {  	v27 =	vadd.f32 v13, v52;
	v13 =	vld [tilespmem:$0x1FF90]  }
0x1aa: {  	s26 =	ssub.f32 $1.500000000e+00, s26;
	v17 =	vadd.f32 v31, v17;
	v31 =	vld [tilespmem:$0x1FFA0]  }
0x1ab: {  	v34 =	vld [tilespmem:s20+$0x1840]  }
0x1ac: {  	v24 =	vld [tilespmem:s20+$0x1440];
	s25 =	smul.f32 s26, s25  }
0x1ad: {  	v1 =	vld [tilespmem:s20+$0x4A40];
	v25 =	vadd.f32 v28, v25;
	v28 =	vmul.f32 v62, v62  }
0x1ae: {  	s24 =	smul.f32 s25, s24;
	v30 =	vld [tilespmem:s20+$0x1800];
	v18 =	vadd.f32 v12, v0  }
0x1af: {  	v0 =	vmul.f32 v7, v7;
	v25 =	vadd.f32 v28, v25;
	v40 =	vld [tilespmem:$0x1FF80];
	v55 =	vadd.f32 v48, v13;
	[tilespmem:s22+$0xAE20] =	vst v31  }
0x1b0: {  	s24 =	smul.f32 s24, s25;
	v29 =	vmul.f32 v14, v14;
	v31 =	vadd.f32 v50, v49;
	v57 =	vld [tilespmem:$0x1FFB0];
	[tilespmem:s22+$0xAE60] =	vst v61  }
0x1b1: {  	v20 =	vld [tilespmem:s20+$0x1420];
	v0 =	vadd.f32 v0, v25;
	v25 =	vmul.f32 v10, v10;
	[tilespmem:s20+$0x9A60] =	vst v55  }
0x1b2: {  	v56 =	vmul.f32 v8, v8;
	s24 =	ssub.f32 $1.500000000e+00, s24;
	v21 =	vld [tilespmem:s20+$0x4E00];
	v17 =	vadd.f32 v29, v17;
	[tilespmem:s20+$0xA660] =	vst v31  }
0x1b3: {  	v58 =	vmul.f32 v15, v15;
	v25 =	vadd.f32 v25, v0;
	v61 =	vld [tilespmem:$0x1FFC0]  }
0x1b4: {  	s24 =	smul.f32 s24, s25;
	v28 =	vld [tilespmem:s20+$0x1820];
	v27 =	vadd.f32 v14, v27;
	v14 =	vadd.f32 v56, v17;
	v17 =	vmul.f32 v22, v22  }
0x1b5: {  	v35 =	vmul.f32 v4, v4;
	v60 =	vmul.f32 v23, v23;
	v33 =	vadd.f32 v62, v53;
	v26 =	vld [tilespmem:s20+$0x4E20]  }
0x1b6: {  	s23 =	smul.f32 s24, s23;
	v25 =	vadd.f32 v58, v25;
	v63 =	vmul.f32 v2, v2;
	v29 =	vld [tilespmem:s20+$0x1860];
	v17 =	vadd.f32 v17, v14  }
0x1b7: {  	v14 =	vld [tilespmem:s20+$0x4E50];
	v54 =	vmul.f32 v40, v40;
	v59 =	vmul.f32 v55, v55;
	v62 =	vadd.f32 v55, v40  }
0x1b8: {  	s31 =	simm.s32 $0x0;
	s26 =	simm.s32 $0x2;
	s25 =	ssub.f32 $0.0e+00, s23;
	v39 =	vmul.f32 v19, v19;
	v25 =	vadd.f32 v60, v25;
	v13 =	vld [tilespmem:s20+$0x4E60];
	v37 =	vadd.f32 v63, v17;
	[tilespmem:s22+$0xAE50] =	vst v61  }
0x1b9: {  	s23 =	simm.s32 $0x80;
	v17 =	vld [tilespmem:s20+$0x1850];
	v36 =	vadd.f32 v59, v54;
	v0 =	vmul.f32 v57, v57;
	v38 =	vadd.f32 v57, v62;
	s22 =	simm.s32 $0x80;
	[smem:s31] =	sst s24  }
.LBB2_3:
0x1ba: {  	s24 =	smov.u32 s26  }
0x1bb: {  	s28 =	sshrl.u32 s26, $0x3;
	v0 =	vadd.f32 v0, v36;
	v7 =	vadd.f32 v7, v33;
	s22 =	sadd.s32 $0x1, s22;
	s24 =	sadd.s32 $0x1, s26  }
0x1bc: {  	v33 =	vmul.f32 v5, v5;
	s21 =	sadd.s32 $0x80, s21;
	s28 =	smul.u32 $0x1800, s28;
	v4 =	vadd.f32 v4, v38;
	v36 =	vadd.f32 v39, v37;
	[smem:s23] =	sst s25  }
0x1bd: {  	p0 =	sne.s32 s26, $0xF;
	s25 =	sand.u32 $0x380, s21;
	v35 =	vadd.f32 v35, v0;
	v7 =	vadd.f32 v10, v7;
	s23 =	smov.u32 s22  }
0x1be: {  	v10 =	vadd.f32 v24, v1;
	s25 =	sor.u32 s25, s28;
	v4 =	vadd.f32 v5, v4;
	v5 =	vmul.f32 v6, v6  }
0x1bf: {  	v24 =	vadd.f32 v33, v35;
	v7 =	vadd.f32 v15, v7;
	v0 =	vld [tilespmem:s25+$0x1470]  }
0x1c0: {  	v15 =	vadd.f32 v30, v21;
	v4 =	vadd.f32 v6, v4;
	v6 =	vmul.f32 v9, v9;
	v1 =	vld [tilespmem:s25+$0x1460];
	[tilespmem:s20+$0xAA40] =	vst v10  }
0x1c1: {  	v5 =	vadd.f32 v5, v24;
	v7 =	vadd.f32 v23, v7;
	v21 =	vld [tilespmem:s25+$0x1430]  }
0x1c2: {  	v20 =	vadd.f32 v20, v3;
	v4 =	vadd.f32 v9, v4;
	v9 =	vmul.f32 v31, v31;
	v3 =	vld [tilespmem:s25+$0x4A20];
	[tilespmem:s20+$0xAE00] =	vst v15  }
0x1c3: {  	v5 =	vadd.f32 v6, v5;
	v6 =	vadd.f32 v10, v7;
	v24 =	vld [tilespmem:s25+$0x3A70]  }
0x1c4: {  	v30 =	vmul.f32 v20, v20;
	v4 =	vadd.f32 v31, v4;
	v31 =	vadd.f32 v34, v32;
	v7 =	vld [tilespmem:s25+$0x1070];
	[tilespmem:s20+$0xAA20] =	vst v20  }
0x1c5: {  	v5 =	vadd.f32 v9, v5;
	v6 =	vadd.f32 v15, v6;
	v23 =	vld [tilespmem:s25+$0x1050]  }
0x1c6: {  	v26 =	vadd.f32 v28, v26;
	v4 =	vadd.f32 v20, v4;
	v20 =	vmul.f32 v11, v11;
	v9 =	vld [tilespmem:s25+$0x450];
	[tilespmem:s20+$0xAE40] =	vst v31  }
0x1c7: {  	v5 =	vadd.f32 v30, v5;
	v6 =	vadd.f32 v31, v6;
	v28 =	vld [tilespmem:s25+$0x4670]  }
0x1c8: {  	v29 =	vadd.f32 v29, v13;
	v4 =	vadd.f32 v11, v4;
	v11 =	vmul.f32 v26, v26;
	v30 =	vld [tilespmem:s25+$0x3A50];
	[tilespmem:s20+$0xAE20] =	vst v26  }
0x1c9: {  	v17 =	vadd.f32 v17, v14;
	v5 =	vadd.f32 v20, v5;
	v13 =	vld [tilespmem:s25+$0x3A60]  }
0x1ca: {  	v8 =	vadd.f32 v8, v27;
	v4 =	vadd.f32 v26, v4;
	v26 =	vmul.f32 v29, v29;
	v14 =	vld [tilespmem:s25+$0x430];
	[tilespmem:s20+$0xAE60] =	vst v29  }
0x1cb: {  	v5 =	vadd.f32 v11, v5;
	v27 =	vld [tilespmem:s25+$0x3A30];
	[tilespmem:s20+$0xAE50] =	vst v17;
	s20 =	smov.u32 s25  }
0x1cc: {  	v4 =	vadd.f32 v29, v4;
	v32 =	vld [tilespmem:s20+$0x420];
	v11 =	vadd.f32 v7, v28  }
0x1cd: {  	v5 =	vadd.f32 v26, v5;
	v7 =	vld [tilespmem:s20+$0x3A20];
	v20 =	vadd.f32 v9, v30  }
0x1ce: {  	v22 =	vadd.f32 v22, v8;
	v4 =	vadd.f32 v18, v4;
	v9 =	vld [tilespmem:s20+$0x470];
	[tilespmem:s20+$0xA670] =	vst v11  }
0x1cf: {  	[tilespmem:s20+$0x9A50] =	vst v20;
	v18 =	vld [tilespmem:s20+$0x3E00]  }
0x1d0: {  	v2 =	vadd.f32 v2, v22;
	v8 =	vadd.f32 v14, v27;
	v26 =	vld [tilespmem:s20+$0x800]  }
0x1d1: {  	v22 =	vld [tilespmem:s20+$0x3E10]  }
0x1d2: {  	v19 =	vadd.f32 v19, v2;
	v2 =	vmul.f32 v12, v12;
	v14 =	vadd.f32 v32, v7;
	[tilespmem:s20+$0x9A30] =	vst v8;
	v7 =	vld [tilespmem:s20+$0x810]  }
0x1d3: {  	v9 =	vadd.f32 v9, v24;
	v12 =	vld [tilespmem:s20+$0x3E20]  }
0x1d4: {  	v10 =	vmul.f32 v10, v10;
	v16 =	vadd.f32 v2, v16;
	v27 =	vmul.f32 v17, v17;
	[tilespmem:s20+$0x9A20] =	vst v14;
	v24 =	vld [tilespmem:s20+$0x820]  }
0x1d5: {  	[tilespmem:s20+$0x9A70] =	vst v9;
	v29 =	vmul.f32 v9, v9;
	v2 =	vadd.f32 v26, v18;
	v18 =	vld [tilespmem:s20+$0x3E30]  }
0x1d6: {  	v10 =	vadd.f32 v10, v25;
	v15 =	vmul.f32 v15, v15;
	v25 =	vadd.f32 v27, v36;
	v26 =	vld [tilespmem:s20+$0x830]  }
0x1d7: {  	[tilespmem:s20+$0x9E00] =	vst v2;
	v22 =	vadd.f32 v7, v22;
	v7 =	vld [tilespmem:s20+$0x3E40]  }
0x1d8: {  	v19 =	vadd.f32 v17, v19;
	v10 =	vadd.f32 v15, v10;
	v15 =	vmul.f32 v31, v31;
	v27 =	vld [tilespmem:s20+$0x840]  }
0x1d9: {  	[tilespmem:s20+$0x9E10] =	vst v22;
	v17 =	vadd.f32 v24, v12;
	v12 =	vld [tilespmem:s20+$0x3E50]  }
0x1da: {  	v10 =	vadd.f32 v15, v10;
	v6 =	vadd.f32 v19, v6;
	v24 =	vld [tilespmem:s20+$0x850]  }
0x1db: {  	v5 =	vadd.f32 v16, v5;
	[tilespmem:s20+$0x9E20] =	vst v17;
	v15 =	vadd.f32 v26, v18;
	v18 =	vld [tilespmem:s20+$0x3E60]  }
0x1dc: {  	v4 =	vadd.f32 v4, v6;
	v6 =	vadd.f32 v25, v10;
	v16 =	vld [tilespmem:s20+$0x860]  }
0x1dd: {  	[tilespmem:s20+$0x9E30] =	vst v15;
	v30 =	vmul.f32 v15, v15;
	v19 =	vadd.f32 v27, v7;
	v7 =	vld [tilespmem:s20+$0x3E70]  }
0x1de: {  	v5 =	vadd.f32 v5, v6;
	v10 =	vld [tilespmem:s20+$0x870];
	(xrf2) =	vadd.scan.msk.f32 $0xffff, v4  }
0x1df: {  	[tilespmem:s20+$0x9E40] =	vst v19;
	v26 =	vadd.f32 v24, v12;
	v6 =	vld [tilespmem:s20+$0x4200]  }
0x1e0: {  	v12 =	vld [tilespmem:s20+$0xC00]  }
0x1e1: {  	[tilespmem:s20+$0x9E50] =	vst v26;
	v4 =	vadd.f32 v16, v18;
	v16 =	vld [tilespmem:s20+$0x4210];
	(xrf2) =	vadd.scan.msk.f32 $0xffff, v5  }
0x1e2: {  	v5 =	vld [tilespmem:s20+$0xC10]  }
0x1e3: {  	[tilespmem:s20+$0x9E60] =	vst v4;
	v10 =	vadd.f32 v10, v7;
	v7 =	vld [tilespmem:s20+$0x4220]  }
0x1e4: {  	v18 =	vld [tilespmem:s20+$0xC20]  }
0x1e5: {  	[tilespmem:s20+$0x9E70] =	vst v10;
	v24 =	vmul.f32 v10, v10;
	v25 =	vadd.f32 v12, v6;
	v6 =	vld [tilespmem:s20+$0x4230]  }
0x1e6: {  	v12 =	vld [tilespmem:s20+$0xC30]  }
0x1e7: {  	[tilespmem:s20+$0xA200] =	vst v25;
	v27 =	vadd.f32 v5, v16;
	v16 =	vld [tilespmem:s20+$0x4240]  }
0x1e8: {  	v28 =	vld [tilespmem:s20+$0xC40];
	v31, _, _ =	vpop (xrf2)  }
0x1e9: {  	[tilespmem:s20+$0xA210] =	vst v27;
	v5 =	vadd.f32 v18, v7;
	v18 =	vld [tilespmem:s20+$0x4250];
	(v2sf) =	vpush v31, $0xF  }
0x1ea: {  	v31 =	vld [tilespmem:s20+$0xC50]  }
0x1eb: {  	[tilespmem:s20+$0xA220] =	vst v5;
	v12 =	vadd.f32 v12, v6;
	v6 =	vld [tilespmem:s20+$0x4260];
	v7, _, _ =	vpop (xrf2)  }
0x1ec: {  	v32 =	vld [tilespmem:s20+$0xC60];
	(v2sf) =	vpush v7, $0xF  }
0x1ed: {  	[tilespmem:s20+$0xA230] =	vst v12;
	v33 =	vmul.f32 v12, v12;
	v7 =	vadd.f32 v28, v16;
	v16 =	vld [tilespmem:s20+$0x4270]  }
0x1ee: {  	v34 =	vld [tilespmem:s20+$0xC70]  }
0x1ef: {  	[tilespmem:s20+$0xA240] =	vst v7;
	v28 =	vadd.f32 v31, v18;
	v18 =	vld [tilespmem:s20+$0x4600]  }
0x1f0: {  	v9 =	vadd.f32 v9, v8;
	v31 =	vld [tilespmem:s20+$0x1000]  }
0x1f1: {  	[tilespmem:s20+$0xA250] =	vst v28;
	v6 =	vadd.f32 v32, v6;
	v32 =	vld [tilespmem:s20+$0x4610]  }
0x1f2: {  	v9 =	vadd.f32 v15, v9;
	v15 =	vld [tilespmem:s20+$0x1010]  }
0x1f3: {  	[tilespmem:s20+$0xA260] =	vst v6;
	v16 =	vadd.f32 v34, v16;
	v34 =	vld [tilespmem:s20+$0x4620]  }
0x1f4: {  	v8 =	vmul.f32 v8, v8;
	v35 =	vld [tilespmem:s20+$0x1020]  }
0x1f5: {  	v9 =	vadd.f32 v10, v9;
	[tilespmem:s20+$0xA270] =	vst v16;
	v36 =	vmul.f32 v16, v16;
	v10 =	vadd.f32 v31, v18;
	v18 =	vld [tilespmem:s20+$0x4630]  }
0x1f6: {  	v8 =	vadd.f32 v29, v8;
	v31 =	vld [tilespmem:s20+$0x1030]  }
0x1f7: {  	[tilespmem:s20+$0xA600] =	vst v10;
	v29 =	vadd.f32 v15, v32;
	v15 =	vld [tilespmem:s20+$0x4640]  }
0x1f8: {  	v8 =	vadd.f32 v30, v8;
	v12 =	vadd.f32 v12, v9;
	v30 =	vld [tilespmem:s20+$0x1040];
	s25 =	spop (v2sf)  }
0x1f9: {  	[tilespmem:s20+$0xA610] =	vst v29;
	v9 =	vadd.f32 v35, v34;
	v32 =	vld [tilespmem:s20+$0x4650];
	s25 =	smul.f32 $1.302083370e-03, s25  }
0x1fa: {  	v8 =	vadd.f32 v24, v8;
	v12 =	vadd.f32 v16, v12;
	v16 =	vld [tilespmem:s20+$0x4A30]  }
0x1fb: {  	s26 =	smul.f32 s25, s25;
	s28 =	spop (v2sf)  }
0x1fc: {  	[tilespmem:s20+$0xA620] =	vst v9;
	v18 =	vadd.f32 v31, v18;
	v24 =	vld [tilespmem:s20+$0x4A60];
	s28 =	smul.f32 $1.302083370e-03, s28  }
0x1fd: {  	v8 =	vadd.f32 v33, v8;
	v31 =	vld [tilespmem:s20+$0x4A70]  }
0x1fe: {  	[tilespmem:s20+$0xA630] =	vst v18;
	v12 =	vadd.f32 v18, v12;
	v18 =	vmul.f32 v18, v18;
	v15 =	vadd.f32 v30, v15;
	v30 =	vld [tilespmem:s20+$0x4E30];
	s26 =	ssub.f32 s28, s26  }
0x1ff: {  	v33 =	vadd.f32 v36, v8;
	v8 =	vadd.f32 v23, v32;
	v23 =	vld [tilespmem:s20+$0x1830]  }
0x200: {  	[tilespmem:s20+$0xA640] =	vst v15;
	v12 =	vadd.f32 v11, v12;
	v16 =	vadd.f32 v21, v16;
	v21 =	vld [tilespmem:s20+$0x4E70];
	s26 =	sadd.f32 $9.999999970e-07, s26  }
0x201: {  	v32 =	vmul.f32 v11, v11;
	v18 =	vadd.f32 v18, v33;
	[tilespmem:s20+$0xA650] =	vst v8;
	v11 =	vadd.f32 v1, v24;
	v1 =	vld [tilespmem:s20+$0x1870]  }
0x202: {  	v24 =	vld [tilespmem:s20+$0x3A00];
	[tilespmem:s20+$0xAA30] =	vst v16;
	v12 =	vadd.f32 v16, v12;
	v16 =	vmul.f32 v16, v16;
	v0 =	vadd.f32 v0, v31;
	s28 =	sshra.s32 s26, $0x1;
	s26 =	smul.f32 $5.000000000e-01, s26  }
0x203: {  	v18 =	vadd.f32 v32, v18;
	v31 =	vld [tilespmem:s20+$0x400];
	[tilespmem:s20+$0xAA60] =	vst v11;
	s28 =	ssub.s32 $0x5F3759DF, s28  }
0x204: {  	v32 =	vld [tilespmem:s20+$0x3A10];
	[tilespmem:s20+$0xAA70] =	vst v0;
	v12 =	vadd.f32 v0, v12;
	v23 =	vadd.f32 v23, v30;
	s29 =	smul.f32 s28, s26  }
0x205: {  	v16 =	vadd.f32 v16, v18;
	v0 =	vmul.f32 v0, v0;
	v30 =	vld [tilespmem:s20+$0x410]  }
0x206: {  	v33 =	vld [tilespmem:s20+$0x3A40];
	[tilespmem:s20+$0xAE30] =	vst v23;
	v18 =	vadd.f32 v23, v12;
	v12 =	vadd.f32 v1, v21;
	s29 =	smul.f32 s28, s29  }
0x207: {  	v0 =	vadd.f32 v0, v16;
	v16 =	vmul.f32 v23, v23;
	v1 =	vld [tilespmem:s20+$0x440]  }
0x208: {  	v21 =	vadd.f32 v31, v24;
	v23 =	vld [tilespmem:s20+$0x4A10];
	[tilespmem:s20+$0xAE70] =	vst v12;
	v18 =	vadd.f32 v12, v18;
	s29 =	ssub.f32 $1.500000000e+00, s29  }
0x209: {  	v16 =	vadd.f32 v16, v0;
	v24 =	vld [tilespmem:s20+$0x1410]  }
0x20a: {  	[tilespmem:s20+$0x9A00] =	vst v21;
	v0 =	vadd.f32 v30, v32;
	v30 =	vld [tilespmem:s20+$0x4A00];
	s28 =	smul.f32 s28, s29  }
0x20b: {  	v35 =	vmul.f32 v14, v14;
	v31 =	vmul.f32 v20, v20;
	v32 =	vld [tilespmem:s20+$0x1400]  }
0x20c: {  	[tilespmem:s20+$0x9A10] =	vst v0;
	v34 =	vmul.f32 v0, v0;
	v1 =	vadd.f32 v1, v33;
	v20 =	vadd.f32 v20, v0;
	v36 =	vld [tilespmem:s20+$0x4A50];
	s29 =	smul.f32 s28, s26  }
0x20d: {  	v33 =	vmul.f32 v21, v21;
	v0 =	vmul.f32 v17, v17;
	v37 =	vld [tilespmem:s20+$0x1450]  }
0x20e: {  	[tilespmem:s20+$0x9A40] =	vst v1;
	v21 =	vadd.f32 v1, v21;
	v38 =	vmul.f32 v1, v1;
	v31 =	vadd.f32 v31, v34;
	v1 =	vld [tilespmem:s20+$0x4A40];
	s29 =	smul.f32 s29, s28  }
0x20f: {  	v20 =	vadd.f32 v22, v20;
	v34 =	vmul.f32 v22, v22;
	v22 =	vadd.f32 v24, v23;
	v24 =	vld [tilespmem:s20+$0x1440]  }
0x210: {  	v33 =	vadd.f32 v38, v33;
	v38 =	vmul.f32 v2, v2;
	v23 =	vadd.f32 v32, v30;
	v32 =	vld [tilespmem:s20+$0x4E10];
	s29 =	ssub.f32 $1.500000000e+00, s29  }
0x211: {  	v30 =	vadd.f32 v34, v31;
	v20 =	vadd.f32 v26, v20;
	v26 =	vmul.f32 v26, v26;
	[tilespmem:s20+$0xAA10] =	vst v22;
	v31 =	vld [tilespmem:s20+$0x1810]  }
0x212: {  	v2 =	vadd.f32 v2, v21;
	v34 =	vld [tilespmem:s20+$0x460];
	v21 =	vadd.f32 v38, v33;
	v33 =	vmul.f32 v19, v19;
	[tilespmem:s20+$0xAA00] =	vst v23;
	s28 =	smul.f32 s29, s28  }
0x213: {  	v26 =	vadd.f32 v26, v30;
	v20 =	vadd.f32 v27, v20;
	v27 =	vmul.f32 v27, v27;
	v38 =	vld [tilespmem:s20+$0x4660]  }
0x214: {  	v2 =	vadd.f32 v19, v2;
	v19 =	vadd.f32 v33, v21;
	v21 =	vmul.f32 v25, v25;
	v39 =	vld [tilespmem:s20+$0x1060];
	s26 =	smul.f32 s28, s26  }
0x215: {  	v26 =	vadd.f32 v27, v26;
	v27 =	vadd.f32 v28, v20;
	v28 =	vmul.f32 v28, v28;
	v20 =	vld [tilespmem:s20+$0x1420]  }
0x216: {  	v33 =	vadd.f32 v25, v2;
	v25 =	vmul.f32 v7, v7;
	v19 =	vadd.f32 v21, v19;
	v21 =	vld [tilespmem:s20+$0x4E00];
	s26 =	smul.f32 s26, s28  }
0x217: {  	v40 =	vmul.f32 v29, v29;
	v2 =	vadd.f32 v37, v36;
	v28 =	vadd.f32 v28, v26;
	v30 =	vld [tilespmem:s20+$0x1800]  }
0x218: {  	v36 =	vmul.f32 v10, v10;
	v25 =	vadd.f32 v25, v19;
	v19 =	vadd.f32 v31, v32;
	v26 =	vld [tilespmem:s20+$0x4E20];
	s26 =	ssub.f32 $1.500000000e+00, s26  }
0x219: {  	v27 =	vadd.f32 v29, v27;
	v29 =	vadd.f32 v40, v28;
	v31 =	vmul.f32 v8, v8;
	[tilespmem:s20+$0xAA50] =	vst v2;
	v28 =	vld [tilespmem:s20+$0x1820]  }
0x21a: {  	v34 =	vadd.f32 v34, v13;
	v32 =	vmul.f32 v15, v15;
	v25 =	vadd.f32 v36, v25;
	[tilespmem:s20+$0xAE10] =	vst v19;
	v13 =	vld [tilespmem:s20+$0x4E60];
	s26 =	smul.f32 s26, s28  }
.Ltmp0:
0x21b: {  	v37 =	vmul.f32 v22, v22;
	v36 =	vadd.f32 v31, v29;
	v31 =	vadd.f32 v39, v38;
	v29 =	vld [tilespmem:s20+$0x1860];
	(pc) =	sbr.rel @p0 .LBB2_3-.Ltmp0, $4  }
0x21c: {  	v38 =	vmul.f32 v34, v34;
	v39 =	vmul.f32 v23, v23;
	s28 =	sadd.s32 $0xFFFFFF80, s22;
	[tilespmem:s20+$0x9A60] =	vst v34;
	v25 =	vadd.f32 v32, v25;
	v32 =	vld [tilespmem:s20+$0x4E40]  }
0x21d: {  	v41 =	vmul.f32 v2, v2;
	v40 =	vadd.f32 v34, v14;
	v37 =	vadd.f32 v37, v36;
	[tilespmem:s20+$0xA660] =	vst v31;
	v34 =	vld [tilespmem:s20+$0x1840];
	[smem:s28] =	sst s26;
	s25 =	smul.f32 s26, s25  }
0x21e: {  	v36 =	vadd.f32 v38, v35;
	v35 =	vmul.f32 v4, v4;
	v25 =	vadd.f32 v39, v25;
	v14 =	vld [tilespmem:s20+$0x4E50]  }
0x21f: {  	v38 =	vadd.f32 v17, v40;
	s26 =	smov.u32 s24;
	v37 =	vadd.f32 v41, v37;
	v39 =	vmul.f32 v19, v19;
	v17 =	vld [tilespmem:s20+$0x1850];
	s25 =	ssub.f32 $0.0e+00, s25  }
0x220: {  	v0 =	vadd.f32 v0, v36;
	v7 =	vadd.f32 v7, v33  }
0x221: {  	v1 =	vadd.f32 v24, v1;
	v3 =	vadd.f32 v20, v3  }
0x222: {  	v8 =	vadd.f32 v8, v27;
	v4 =	vadd.f32 v4, v38  }
0x223: {  	v52 =	vmul.f32 v5, v5;
	v51 =	vadd.f32 v39, v37;
	v0 =	vadd.f32 v35, v0  }
0x224: {  	v12 =	vmul.f32 v12, v12;
	v7 =	vadd.f32 v10, v7;
	v4 =	vadd.f32 v5, v4  }
0x225: {  	v8 =	vadd.f32 v22, v8;
	v5 =	vmul.f32 v6, v6;
	v0 =	vadd.f32 v52, v0  }
0x226: {  	v12 =	vadd.f32 v12, v16;
	v4 =	vadd.f32 v6, v4  }
0x227: {  	v10 =	vmul.f32 v9, v9;
	v7 =	vadd.f32 v15, v7;
	v0 =	vadd.f32 v5, v0  }
0x228: {  	v2 =	vadd.f32 v2, v8;
	v4 =	vadd.f32 v9, v4  }
0x229: {  	v5 =	vadd.f32 v23, v7;
	v7 =	vmul.f32 v31, v31;
	v0 =	vadd.f32 v10, v0  }
0x22a: {  	v6 =	vadd.f32 v30, v21;
	v4 =	vadd.f32 v31, v4  }
0x22b: {  	v9 =	vadd.f32 v34, v32;
	v10 =	vmul.f32 v3, v3;
	v0 =	vadd.f32 v7, v0  }
0x22c: {  	v5 =	vadd.f32 v1, v5;
	v4 =	vadd.f32 v3, v4  }
0x22d: {  	v7 =	vadd.f32 v28, v26;
	v0 =	vadd.f32 v10, v0;
	v10 =	vmul.f32 v11, v11  }
0x22e: {  	v5 =	vadd.f32 v6, v5;
	v4 =	vadd.f32 v11, v4  }
0x22f: {  	v11 =	vadd.f32 v29, v13;
	v13 =	vmul.f32 v7, v7;
	v0 =	vadd.f32 v10, v0  }
0x230: {  	v2 =	vadd.f32 v19, v2;
	v5 =	vadd.f32 v9, v5  }
0x231: {  	v8 =	vmul.f32 v11, v11;
	v0 =	vadd.f32 v13, v0;
	v13 =	vmul.f32 v1, v1  }
0x232: {  	v10 =	vadd.f32 v17, v14;
	v4 =	vadd.f32 v7, v4  }
0x233: {  	v0 =	vadd.f32 v8, v0;
	v8 =	vadd.f32 v13, v25;
	v13 =	vmul.f32 v6, v6  }
0x234: {  	v2 =	vadd.f32 v10, v2;
	v4 =	vadd.f32 v11, v4  }
0x235: {  	v14 =	vmul.f32 v10, v10;
	v8 =	vadd.f32 v13, v8;
	v13 =	vmul.f32 v9, v9  }
0x236: {  	v2 =	vadd.f32 v2, v5;
	v4 =	vadd.f32 v18, v4  }
0x237: {  	v5 =	vadd.f32 v14, v51;
	v8 =	vadd.f32 v13, v8  }
0x238: {  	v2 =	vadd.f32 v4, v2  }
0x239: {  	v0 =	vadd.f32 v12, v0;
	v4 =	vadd.f32 v5, v8  }
0x23a: {  	(xrf2) =	vadd.scan.msk.f32 $0xffff, v2  }
0x23b: {  	v0 =	vadd.f32 v0, v4;
	_ =	sdelay $0x1  }
0x23c: {  	(xrf2) =	vadd.scan.msk.f32 $0xffff, v0;
	_ =	sdelay $0x6  }
0x23d: {  	v0, _, _ =	vpop (xrf2)  }
0x23e: {  	(v2sf) =	vpush v0, $0xF;
	_ =	sdelay $0x1  }
0x23f: {  	v0, _, _ =	vpop (xrf2)  }
0x240: {  	(v2sf) =	vpush v0, $0xF;
	_ =	sdelay $0xb  }
0x241: {  	s21 =	spop (v2sf)  }
0x242: {  	s24 =	smul.f32 $1.302083370e-03, s21;
	_ =	sdelay $0x1  }
0x243: {  	s21 =	smul.f32 s24, s24;
	s26 =	spop (v2sf)  }
0x244: {  	s26 =	smul.f32 $1.302083370e-03, s26;
	_ =	sdelay $0x1  }
0x245: {  	s21 =	ssub.f32 s26, s21;
	_ =	sdelay $0x1  }
0x246: {  	[tilespmem:s20+$0xAA40] =	vst v1;
	s21 =	sadd.f32 $9.999999970e-07, s21  }
0x247: {  	[tilespmem:s20+$0xAA20] =	vst v3  }
0x248: {  	[tilespmem:s20+$0xAE00] =	vst v6;
	s8 =	sshra.s32 s21, $0x1;
	s28 =	smul.f32 $5.000000000e-01, s21  }
0x249: {  	[tilespmem:s20+$0xAE40] =	vst v9;
	s26 =	ssub.s32 $0x5F3759DF, s8  }
0x24a: {  	p0 =	seq.s32 s19, $0x1F;
	[tilespmem:s20+$0xAE20] =	vst v7;
	s21 =	smul.f32 s26, s28  }
0x24b: {  	s29 =	sshll.u32 @!p0 s19, $0x5;
	[tilespmem:s20+$0xAE60] =	vst v11  }
0x24c: {  	[tilespmem:s20+$0xAE50] =	vst v10;
	s9 =	smul.f32 s26, s21;
	s21 =	sand.u32 @!p0 $0x3FFFFFE0, s29  }
0x24d: {  	v0 =	vld @!p0 [tilespmem:s21+$0x20]  }
0x24e: {  	s20 =	ssub.f32 $1.500000000e+00, s9;
	_ =	sdelay $0x1  }
0x24f: {  	s20 =	smul.f32 s26, s20;
	_ =	sdelay $0x1  }
0x250: {  	s26 =	smul.f32 s20, s28;
	v1 =	vshrl.u32 @!p0 v0, $0x3  }
0x251: {  	v1 =	vmul.u32 @!p0 $0x30, v1  }
0x252: {  	v2 =	vlaneseq.u32 @!p0;
	v0 =	vand.u32 @!p0 $0x7, v0;
	s26 =	smul.f32 s26, s20  }
0x253: {  	v3 =	vshrl.u32 @!p0 v2, $0x3;
	v0 =	vor.u32 @!p0 v0, v1;
	v1 =	vand.u32 @!p0 $0x7, v2  }
0x254: {  	v3 =	vmul.u32 @!p0 $0x8, v3;
	s26 =	ssub.f32 $1.500000000e+00, s26;
	v1 =	vperm.xlane @!p0 v0, v1;
	_ =	sdelay $0x1  }
0x255: {  	s20 =	smul.f32 s26, s20;
	v1 =	vadd.s32 @!p0 v3, v1;
	_ =	sdelay $0x1  }
0x256: {  	s26 =	smul.f32 s20, s28  }
0x257: {  	[smem:s23] =	sst s25;
	v2 =	vor.u32 @!p0 $0x8, v2  }
0x258: {  	vm1 =	vmmov @!p0 $0xffff;
	s25 =	simm.s32 @!p0 $0x0;
	v0 =	vperm.xlane @!p0 v0, v2;
	s15 =	smul.f32 s26, s20;
	s26 =	simm.s32 @!p0 $0x3A00  }
0x259: {  	[tilespmem:s26], [sflag:$0x1] =	stream.indirect_vreg.gather @!p0 [hbm4b:s1+s25], $0x80, v1, vm1, $0xb8;
	[tilespmem:$0xFA00] =	vst v63  }
0x25a: {  	s22 =	sadd.s32 $0x1, s22;
	v0 =	vadd.s32 @!p0 v3, v0;
	s26 =	simm.s32 @!p0 $0x4200;
	s23 =	ssub.f32 $1.500000000e+00, s15  }
0x25b: {  	[tilespmem:s26], [sflag:$0x1] =	stream.indirect_vreg.gather @!p0 [hbm4b:s10+s25], $0x80, v1, vm1, $0xb8;
	[tilespmem:$0xFA00] =	vst v63  }
0x25c: {  	s8 =	sadd.s32 $0xFFFFFF80, s22;
	s26 =	simm.s32 @!p0 $0x4A00;
	s20 =	smul.f32 s23, s20  }
0x25d: {  	[tilespmem:s26], [sflag:$0x1] =	stream.indirect_vreg.gather @!p0 [hbm4b:s11+s25], $0x80, v1, vm1, $0xb8;
	[tilespmem:$0xFA00] =	vst v63  }
0x25e: {  	s23 =	simm.s32 @!p0 $0x5200;
	[smem:s8] =	sst s20;
	s20 =	smul.f32 s20, s24  }
0x25f: {  	[tilespmem:s23], [sflag:$0x1] =	stream.indirect_vreg.gather @!p0 [hbm4b:s1+s25], $0x80, v0, vm1, $0xb8;
	[tilespmem:$0xFA00] =	vst v63  }
0x260: {  	s23 =	simm.s32 @!p0 $0x5A00;
	s20 =	ssub.f32 $0.0e+00, s20  }
0x261: {  	[tilespmem:s23], [sflag:$0x1] =	stream.indirect_vreg.gather @!p0 [hbm4b:s10+s25], $0x80, v0, vm1, $0xb8;
	[tilespmem:$0xFA00] =	vst v63  }
0x262: {  	[smem:s22] =	sst s20;
	s20 =	simm.s32 @!p0 $0x6200  }
0x263: {  	[tilespmem:s20], [sflag:$0x1] =	stream.indirect_vreg.gather @!p0 [hbm4b:s11+s25], $0x80, v0, vm1, $0xb8;
	[tilespmem:$0xFA00] =	vst v63  }
0x264: {  	s22 =	sld [smem:$0x0]  }
0x265: {  	s24 =	sld [smem:$0x1]  }
0x266: {  	s25 =	sld [smem:$0x2]  }
0x267: {  	s26 =	sld [smem:$0x3]  }
0x268: {  	s23 =	simm.s32 $0x0;
	s28 =	sld [smem:$0x4]  }
0x269: {  	s9 =	sand.u32 $0x70, s23;
	s30 =	sand.u32 $0x1C00, s23;
	s29 =	sld [smem:$0x5]  }
0x26a: {  	s31 =	sld [smem:$0x6];
	s20 =	sor.u32 s9, s30  }
0x26b: {  	s30 =	sld [smem:$0x80];
	v0 =	vld [tilespmem:s20+$0x9A00]  }
0x26c: {  	s15 =	sld [smem:$0x81];
	v1 =	vld [tilespmem:s20+$0x9A80]  }
0x26d: {  	s8 =	sld [smem:$0x82];
	v2 =	vld [tilespmem:s20+$0x9B00]  }
0x26e: {  	s9 =	sld [smem:$0x83];
	v5 =	vld [tilespmem:s20+$0x9B80]  }
0x26f: {  	v6 =	vld [tilespmem:s20+$0x9C00];
	v19 =	vmov s22;
	s22 =	sld [smem:$0x84];
	v11 =	vmov s30;
	v17 =	vmov s24  }
0x270: {  	v7 =	vld [tilespmem:s20+$0x9C80];
	s24 =	sld [smem:$0x85];
	v14 =	vmov s15;
	v22 =	vmov s25;
	v12 =	vmov s8;
	s15 =	simm.s32 $0x3400  }
0x271: {  	s25 =	sld [smem:$0x86];
	v26 =	vmov s26;
	v18 =	vmov s9;
	v27 =	vmov s28;
	v3 =	vld [tilespmem:s15+$0x0]  }
0x272: {  	v8 =	vld [tilespmem:s20+$0x9D00];
	v29 =	vmov s29;
	s9 =	simm.s32 $0x3700;
	v30 =	vmov s31;
	v0 =	vmul.f32 v0, v19  }
0x273: {  	v4 =	vld [tilespmem:s9+$0x0];
	v15 =	vmov s22;
	v20 =	vmov s24;
	v1 =	vmul.f32 v1, v17  }
0x274: {  	v21 =	vmov s25;
	v2 =	vmul.f32 v2, v22;
	v0 =	vadd.f32 v0, v11  }
0x275: {  	v5 =	vmul.f32 v5, v26;
	v6 =	vmul.f32 v6, v27;
	v1 =	vadd.f32 v1, v14  }
0x276: {  	v7 =	vmul.f32 v7, v29;
	v2 =	vadd.f32 v2, v12;
	v0 =	vmul.f32 v0, v3  }
0x277: {  	v8 =	vmul.f32 v8, v30;
	v5 =	vadd.f32 v5, v18;
	v1 =	vmul.f32 v1, v3  }
0x278: {  	v6 =	vadd.f32 v6, v15;
	v2 =	vmul.f32 v2, v3;
	v0 =	vadd.f32 v0, v4  }
0x279: {  	v7 =	vadd.f32 v7, v20;
	v5 =	vmul.f32 v5, v3;
	v1 =	vadd.f32 v1, v4  }
0x27a: {  	[tilespmem:s20+$0x9A00] =	vst v0;
	v0 =	vadd.f32 v2, v4;
	v2 =	vmul.f32 v6, v3;
	v6 =	vadd.f32 v8, v21  }
0x27b: {  	[tilespmem:s20+$0x9A80] =	vst v1;
	v1 =	vadd.f32 v5, v4;
	v5 =	vmul.f32 v7, v3  }
0x27c: {  	[tilespmem:s20+$0x9B00] =	vst v0;
	v0 =	vadd.f32 v2, v4;
	v2 =	vmul.f32 v6, v3  }
0x27d: {  	s28 =	simm.s32 $0x10;
	s29 =	simm.s32 $0x80;
	[tilespmem:s20+$0x9B80] =	vst v1;
	v1 =	vadd.f32 v5, v4  }
0x27e: {  	s15 =	sand.u32 $0x70, s28;
	s22 =	sand.u32 $0x1C00, s29;
	[tilespmem:s20+$0x9C00] =	vst v0;
	v0 =	vadd.f32 v2, v4  }
0x27f: {  	s23 =	sor.u32 s23, s23;
	s22 =	sor.u32 s15, s22;
	[tilespmem:s20+$0x9C80] =	vst v1  }
0x280: {  	s9 =	sor.u32 $0x380, s23;
	v10 =	vld [tilespmem:s22+$0x9B00];
	[tilespmem:s20+$0x9D00] =	vst v0  }
0x281: {  	v0 =	vld [tilespmem:s9+$0x9A00]  }
0x282: {  	s8 =	sld [smem:$0x7];
	v24 =	vld [tilespmem:s22+$0x9B80]  }
0x283: {  	s26 =	sld [smem:$0x88];
	v53 =	vld [tilespmem:s22+$0x9D00]  }
0x284: {  	s25 =	sld [smem:$0x87];
	v2 =	vld [tilespmem:s22+$0x9A80]  }
0x285: {  	s30 =	sld [smem:$0x89];
	v36 =	vmov s8;
	v1 =	vld [tilespmem:s22+$0x9A00]  }
0x286: {  	s24 =	sld [smem:$0x8];
	v25 =	vld [tilespmem:s22+$0x9C00];
	v0 =	vmul.f32 v0, v36  }
0x287: {  	v13 =	vmov s26;
	s26 =	simm.s32 $0x3410;
	s15 =	sld [smem:$0x9];
	v31 =	vld [tilespmem:s22+$0x9C80];
	v35 =	vmov s25  }
0x288: {  	v16 =	vmov s30;
	v10 =	vmul.f32 v10, v22;
	v5 =	vld [tilespmem:s26+$0x0];
	v0 =	vadd.f32 v0, v35  }
0x289: {  	v23 =	vmov s24;
	s24 =	simm.s32 $0x3710;
	v32 =	vmul.f32 v53, v30;
	v2 =	vmul.f32 v2, v17  }
0x28a: {  	s31 =	sld [smem:$0x8A];
	v28 =	vmov s15;
	v9 =	vld [tilespmem:s24+$0x0];
	v1 =	vmul.f32 v1, v19;
	v0 =	vmul.f32 v0, v3  }
0x28b: {  	s23 =	sld [smem:$0xA];
	v24 =	vmul.f32 v24, v26;
	v32 =	vadd.f32 v32, v21;
	v2 =	vadd.f32 v2, v14  }
0x28c: {  	s8 =	sld [smem:$0xC];
	v25 =	vmul.f32 v25, v27;
	v1 =	vadd.f32 v1, v11;
	v0 =	vadd.f32 v0, v4  }
0x28d: {  	s25 =	sld [smem:$0xB];
	v31 =	vmul.f32 v31, v29;
	v24 =	vadd.f32 v24, v18;
	v2 =	vmul.f32 v2, v5  }
0x28e: {  	s30 =	sld [smem:$0x8D];
	v10 =	vadd.f32 v10, v12;
	v58 =	vmul.f32 v32, v5;
	v1 =	vmul.f32 v1, v5;
	[tilespmem:s9+$0x9A00] =	vst v0  }
0x28f: {  	s15 =	sld [smem:$0xD];
	v0 =	vadd.f32 v2, v9;
	v2 =	vmul.f32 v24, v5;
	v24 =	vadd.f32 v31, v20;
	v31 =	vld [tilespmem:s20+$0xB580]  }
0x290: {  	v8 =	vmov s25;
	s25 =	sld [smem:$0x8B];
	v10 =	vmul.f32 v10, v5;
	v1 =	vadd.f32 v1, v9;
	v55 =	vld [tilespmem:s20+$0xB200]  }
0x291: {  	v25 =	vadd.f32 v25, v15;
	s26 =	sld [smem:$0x8C];
	v33 =	vadd.f32 v58, v9;
	v57 =	vld [tilespmem:s20+$0xB280]  }
0x292: {  	v7 =	vmov s23;
	[tilespmem:s22+$0x9A00] =	vst v1;
	v1 =	vadd.f32 v10, v9;
	s9 =	sld [smem:$0xF];
	v59 =	vld [tilespmem:s20+$0xB300]  }
0x293: {  	v6 =	vmov s31;
	v54 =	vmul.f32 v25, v5;
	v25 =	vmov s8;
	s8 =	sld [smem:$0xE];
	[tilespmem:s22+$0x9D00] =	vst v33;
	v60 =	vld [tilespmem:s20+$0xB380]  }
0x294: {  	s23 =	sld [smem:$0x8F];
	v10 =	vmov s25;
	[tilespmem:s22+$0x9B00] =	vst v1;
	v40 =	vld [tilespmem:s20+$0xB400];
	v2 =	vadd.f32 v2, v9;
	v56 =	vmul.f32 v24, v5  }
0x295: {  	s25 =	simm.s32 $0x20;
	v1 =	vadd.f32 v54, v9;
	v44 =	vld [tilespmem:s20+$0xB480];
	[tilespmem:s22+$0x9A80] =	vst v0;
	v24 =	vmov s26;
	s26 =	simm.s32 $0x100;
	v0 =	vmov s9;
	s9 =	sld [smem:$0x8E]  }
0x296: {  	v32 =	vmov s15;
	v34 =	vmov s8;
	s15 =	sand.u32 $0x70, s25;
	s31 =	sand.u32 $0x1C00, s26;
	[tilespmem:s22+$0x9B80] =	vst v2;
	v2 =	vadd.f32 v56, v9  }
0x297: {  	[tilespmem:s22+$0x9C00] =	vst v1;
	v1 =	vmov s23;
	s23 =	sor.u32 s15, s31;
	s15 =	sor.u32 s29, s28;
	v41 =	vmul.f32 v31, v0;
	v31 =	vmov s30  }
0x298: {  	v42 =	vld [tilespmem:s23+$0x9A00];
	s29 =	sor.u32 $0x380, s15;
	[tilespmem:s22+$0x9C80] =	vst v2;
	v2 =	vmul.f32 v55, v23;
	v38 =	vmul.f32 v57, v28;
	v33 =	vmov s9  }
0x299: {  	v39 =	vmul.f32 v59, v7;
	v37 =	vmul.f32 v60, v8;
	v47 =	vld [tilespmem:s29+$0x9A00];
	v41 =	vadd.f32 v41, v1  }
0x29a: {  	v43 =	vld [tilespmem:s23+$0x9A80];
	v61 =	vmul.f32 v40, v25;
	v62 =	vmul.f32 v44, v32;
	v2 =	vadd.f32 v2, v13  }
0x29b: {  	v45 =	vld [tilespmem:s23+$0x9B00];
	v38 =	vadd.f32 v38, v16;
	v37 =	vadd.f32 v37, v10;
	v41 =	vmul.f32 v41, v3  }
0x29c: {  	v46 =	vld [tilespmem:s23+$0x9B80];
	v53 =	vadd.f32 v61, v24;
	v51 =	vmul.f32 v2, v3;
	v2 =	vadd.f32 v39, v6  }
0x29d: {  	v49 =	vld [tilespmem:s23+$0x9C00];
	v52 =	vmul.f32 v38, v3;
	v38 =	vmul.f32 v37, v3;
	v63 =	vadd.f32 v41, v4  }
0x29e: {  	v50 =	vld [tilespmem:s23+$0x9C80];
	s30 =	simm.s32 $0x3420;
	v39 =	vadd.f32 v62, v31;
	v37 =	vmul.f32 v53, v3;
	v48 =	vmul.f32 v47, v36  }
0x29f: {  	s31 =	simm.s32 $0x30;
	s28 =	simm.s32 $0x100;
	v41 =	vmul.f32 v2, v3;
	v2 =	vld [tilespmem:s30+$0x0];
	v47 =	vadd.f32 v51, v4;
	v44 =	vadd.f32 v52, v4;
	[tilespmem:s20+$0xB580] =	vst v63  }
.LBB2_5:
0x2a0: {  	p2 =	sne.s32 s31, $0x2F0;
	v42 =	vmul.f32 v42, v19;
	v51 =	vld [tilespmem:s23+$0x9D00];
	v48 =	vadd.f32 v48, v35;
	s24 =	sadd.s32 $0x10, s24;
	v39 =	vmul.f32 v39, v3  }
0x2a1: {  	v43 =	vmul.f32 v43, v17;
	v45 =	vmul.f32 v45, v22;
	v41 =	vadd.f32 v41, v4;
	v40 =	vld [tilespmem:s24+$0x0];
	[tilespmem:s20+$0xB200] =	vst v47  }
0x2a2: {  	v46 =	vmul.f32 v46, v26;
	v42 =	vadd.f32 v42, v11;
	v47 =	vmul.f32 v48, v5;
	[tilespmem:s20+$0xB280] =	vst v44;
	v44 =	vld [tilespmem:s20+$0xB500]  }
0x2a3: {  	v43 =	vadd.f32 v43, v14;
	v48 =	vmul.f32 v49, v27;
	v49 =	vmul.f32 v50, v29;
	[tilespmem:s20+$0xB300] =	vst v41  }
0x2a4: {  	v41 =	vmul.f32 v42, v2;
	v42 =	vadd.f32 v45, v12;
	v45 =	vadd.f32 v47, v9  }
0x2a5: {  	v46 =	vadd.f32 v46, v18;
	v43 =	vmul.f32 v43, v2;
	v47 =	vmul.f32 v51, v30  }
0x2a6: {  	v48 =	vadd.f32 v48, v15;
	v41 =	vadd.f32 v41, v40;
	v42 =	vmul.f32 v42, v2;
	[tilespmem:s29+$0x9A00] =	vst v45  }
0x2a7: {  	v43 =	vadd.f32 v43, v40;
	v45 =	vmul.f32 v46, v2;
	v46 =	vadd.f32 v49, v20;
	v49 =	vld [tilespmem:s22+$0xB580]  }
0x2a8: {  	v47 =	vadd.f32 v47, v21;
	[tilespmem:s23+$0x9A00] =	vst v41;
	v41 =	vadd.f32 v42, v40;
	v42 =	vmul.f32 v48, v2;
	v48 =	vld [tilespmem:s22+$0xB200]  }
0x2a9: {  	v44 =	vmul.f32 v44, v34;
	[tilespmem:s23+$0x9A80] =	vst v43;
	v43 =	vadd.f32 v45, v40;
	v45 =	vmul.f32 v46, v2;
	v46 =	vld [tilespmem:s22+$0xB280]  }
0x2aa: {  	v38 =	vadd.f32 v38, v4;
	[tilespmem:s23+$0x9B00] =	vst v41;
	v41 =	vadd.f32 v42, v40;
	v42 =	vmul.f32 v47, v2;
	v47 =	vld [tilespmem:s22+$0xB300]  }
0x2ab: {  	s26 =	sadd.s32 $0x80, s26;
	v44 =	vadd.f32 v44, v33;
	[tilespmem:s23+$0x9B80] =	vst v43;
	v43 =	vadd.f32 v45, v40;
	v45 =	vld [tilespmem:s22+$0xB380]  }
0x2ac: {  	s8 =	sand.u32 $0x70, s31;
	s9 =	sand.u32 $0x1C00, s26;
	v37 =	vadd.f32 v37, v4;
	[tilespmem:s23+$0x9C00] =	vst v41;
	v41 =	vadd.f32 v42, v40;
	v50 =	vld [tilespmem:s22+$0xB400];
	v49 =	vmul.f32 v49, v0  }
0x2ad: {  	s8 =	sor.u32 s8, s9;
	s9 =	sor.u32 s28, s25;
	v39 =	vadd.f32 v39, v4;
	s28 =	smov.u32 s26;
	v44 =	vmul.f32 v44, v3;
	[tilespmem:s23+$0x9C80] =	vst v43;
	v43 =	vmul.f32 v48, v23;
	v48 =	vld [tilespmem:s22+$0xB480]  }
0x2ae: {  	s25 =	smov.u32 s31;
	s29 =	sor.u32 $0x380, s9;
	v3 =	vmovc v5;
	v5 =	vmov v2;
	v42 =	vld [tilespmem:s8+$0x9A00];
	[tilespmem:s23+$0x9D00] =	vst v41;
	v41 =	vmul.f32 v46, v28;
	v46 =	vadd.f32 v49, v1  }
0x2af: {  	v4 =	vadd.f32 v44, v4;
	v2 =	vld [tilespmem:s29+$0x9A00];
	v49 =	vadd.f32 v43, v13;
	v47 =	vmul.f32 v47, v7;
	[tilespmem:s20+$0xB380] =	vst v38  }
0x2b0: {  	v43 =	vld [tilespmem:s8+$0x9A80];
	v38 =	vadd.f32 v41, v16;
	v41 =	vmul.f32 v45, v8;
	v44 =	vmul.f32 v46, v3;
	[tilespmem:s20+$0xB400] =	vst v37  }
.Ltmp1:
0x2b1: {  	v45 =	vld [tilespmem:s8+$0x9B00];
	v37 =	vmul.f32 v49, v3;
	v47 =	vadd.f32 v47, v6;
	v50 =	vmul.f32 v50, v25;
	[tilespmem:s20+$0xB480] =	vst v39;
	(pc) =	sbr.rel @p2 .LBB2_5-.Ltmp1, $4  }
0x2b2: {  	v46 =	vld [tilespmem:s8+$0x9B80];
	v39 =	vadd.f32 v41, v10;
	v51 =	vmul.f32 v48, v32;
	v44 =	vadd.f32 v44, v9;
	[tilespmem:s20+$0xB500] =	vst v4;
	s20 =	smov.u32 s22;
	s22 =	smov.u32 s23;
	s23 =	smov.u32 s8  }
0x2b3: {  	v52 =	vmul.f32 v38, v3;
	v4 =	vmovc v9;
	v49 =	vld [tilespmem:s23+$0x9C00];
	v41 =	vmul.f32 v47, v3;
	v53 =	vadd.f32 v50, v24  }
0x2b4: {  	s30 =	sadd.s32 $0x10, s30;
	v50 =	vld [tilespmem:s23+$0x9C80];
	v48 =	vmul.f32 v2, v36;
	v38 =	vmul.f32 v39, v3;
	v39 =	vadd.f32 v51, v31;
	[tilespmem:s20+$0xB580] =	vst v44  }
0x2b5: {  	s31 =	sadd.s32 $0x10, s31;
	v9 =	vmovc v40;
	v47 =	vadd.f32 v37, v4;
	v44 =	vadd.f32 v52, v4;
	v2 =	vld [tilespmem:s30+$0x0];
	v37 =	vmul.f32 v53, v3  }
0x2b6: {  	v40 =	vmul.f32 v42, v19;
	v63 =	vld [tilespmem:s23+$0x9D00];
	s8 =	sadd.s32 $0x10, s24  }
0x2b7: {  	v17 =	vmul.f32 v43, v17;
	v22 =	vmul.f32 v45, v22;
	v19 =	vld [tilespmem:s8+$0x0]  }
0x2b8: {  	v26 =	vmul.f32 v46, v26;
	v11 =	vadd.f32 v40, v11  }
0x2b9: {  	v14 =	vadd.f32 v17, v14;
	v17 =	vmul.f32 v49, v27;
	v12 =	vadd.f32 v22, v12  }
0x2ba: {  	v27 =	vmul.f32 v50, v29;
	v11 =	vmul.f32 v11, v2  }
0x2bb: {  	v18 =	vadd.f32 v26, v18;
	v14 =	vmul.f32 v14, v2;
	v12 =	vmul.f32 v12, v2  }
0x2bc: {  	v15 =	vadd.f32 v17, v15;
	v22 =	vmul.f32 v63, v30;
	v11 =	vadd.f32 v11, v19  }
0x2bd: {  	v17 =	vmul.f32 v18, v2;
	v18 =	vadd.f32 v27, v20;
	v14 =	vadd.f32 v14, v19  }
0x2be: {  	[tilespmem:s23+$0x9A00] =	vst v11;
	v11 =	vadd.f32 v12, v19;
	v12 =	vmul.f32 v15, v2;
	v15 =	vadd.f32 v22, v21  }
0x2bf: {  	[tilespmem:s23+$0x9A80] =	vst v14;
	v14 =	vadd.f32 v17, v19;
	v17 =	vmul.f32 v18, v2  }
0x2c0: {  	[tilespmem:s23+$0x9B00] =	vst v11;
	v11 =	vadd.f32 v12, v19;
	v12 =	vmul.f32 v15, v2  }
0x2c1: {  	[tilespmem:s23+$0x9B80] =	vst v14;
	v14 =	vadd.f32 v17, v19  }
0x2c2: {  	[tilespmem:s23+$0x9C00] =	vst v11;
	v11 =	vadd.f32 v12, v19  }
0x2c3: {  	s15 =	sor.u32 s28, s25;
	[tilespmem:s23+$0x9C80] =	vst v14  }
0x2c4: {  	s8 =	sor.u32 $0x380, s15;
	v12 =	vadd.f32 v48, v35;
	[tilespmem:s23+$0x9D00] =	vst v11  }
0x2c5: {  	v11 =	vld [tilespmem:s8+$0x9A00]  }
0x2c6: {  	v12 =	vmul.f32 v12, v5;
	_ =	sdelay $0x1  }
0x2c7: {  	v12 =	vadd.f32 v12, v9;
	_ =	sdelay $0x1  }
0x2c8: {  	[tilespmem:s29+$0x9A00] =	vst v12;
	v11 =	vmul.f32 v11, v36  }
0x2c9: {  	v12 =	vld [tilespmem:s22+$0xB580]  }
0x2ca: {  	v14 =	vld [tilespmem:s22+$0xB200];
	v11 =	vadd.f32 v11, v35  }
0x2cb: {  	v15 =	vld [tilespmem:s22+$0xB280]  }
0x2cc: {  	v11 =	vmul.f32 v11, v2;
	_ =	sdelay $0x1  }
0x2cd: {  	v12 =	vmul.f32 v12, v0;
	v11 =	vadd.f32 v11, v19  }
0x2ce: {  	v14 =	vmul.f32 v14, v23  }
0x2cf: {  	v17 =	vld [tilespmem:s20+$0xB500];
	v15 =	vmul.f32 v15, v28;
	v12 =	vadd.f32 v12, v1;
	[tilespmem:s8+$0x9A00] =	vst v11  }
0x2d0: {  	v11 =	vadd.f32 v14, v13;
	v14 =	vld [tilespmem:s23+$0xB580]  }
0x2d1: {  	v15 =	vadd.f32 v15, v16;
	v12 =	vmul.f32 v12, v5;
	v21 =	vld [tilespmem:s23+$0xB200]  }
0x2d2: {  	v22 =	vld [tilespmem:s23+$0xB280];
	v11 =	vmul.f32 v11, v5  }
0x2d3: {  	v26 =	vld [tilespmem:s22+$0xB400];
	v15 =	vmul.f32 v15, v5;
	v12 =	vadd.f32 v12, v9  }
0x2d4: {  	v18 =	vld [tilespmem:s22+$0xB300];
	v11 =	vadd.f32 v11, v9  }
0x2d5: {  	v20 =	vld [tilespmem:s22+$0xB380];
	[tilespmem:s22+$0xB580] =	vst v12;
	v12 =	vadd.f32 v15, v9;
	v0 =	vmul.f32 v14, v0  }
0x2d6: {  	v15 =	vmul.f32 v17, v34;
	v17 =	vadd.f32 v38, v4;
	[tilespmem:s22+$0xB200] =	vst v11;
	v11 =	vmul.f32 v21, v23  }
0x2d7: {  	v27 =	vld [tilespmem:s22+$0xB480];
	v14 =	vadd.f32 v41, v4;
	[tilespmem:s22+$0xB280] =	vst v12;
	v12 =	vmul.f32 v22, v28;
	v0 =	vadd.f32 v0, v1  }
0x2d8: {  	v22 =	vmul.f32 v26, v25;
	v1 =	vadd.f32 v15, v33;
	v11 =	vadd.f32 v11, v13  }
0x2d9: {  	v15 =	vmul.f32 v18, v7;
	v13 =	vadd.f32 v37, v4;
	v12 =	vadd.f32 v12, v16  }
0x2da: {  	[tilespmem:s20+$0xB200] =	vst v47;
	v16 =	vmul.f32 v20, v8;
	v22 =	vadd.f32 v22, v24;
	v0 =	vmul.f32 v0, v2  }
0x2db: {  	[tilespmem:s20+$0xB280] =	vst v44;
	v18 =	vld [tilespmem:s22+$0xB500];
	v15 =	vadd.f32 v15, v6;
	v11 =	vmul.f32 v11, v2;
	v12 =	vmul.f32 v12, v2  }
0x2dc: {  	v21 =	vld [tilespmem:s23+$0xB300];
	[tilespmem:s20+$0xB300] =	vst v14;
	v14 =	vadd.f32 v16, v10;
	v16 =	vmul.f32 v27, v32;
	v0 =	vadd.f32 v0, v19  }
0x2dd: {  	[tilespmem:s20+$0xB380] =	vst v17;
	v20 =	vld [tilespmem:s23+$0xB380];
	v27 =	vmul.f32 v39, v3;
	v1 =	vmul.f32 v1, v3;
	v11 =	vadd.f32 v11, v19  }
0x2de: {  	v23 =	vld [tilespmem:s23+$0xB400];
	v3 =	vmul.f32 v15, v5;
	[tilespmem:s23+$0xB580] =	vst v0;
	v0 =	vadd.f32 v12, v19;
	v12 =	vadd.f32 v16, v31  }
0x2df: {  	v26 =	vld [tilespmem:s23+$0xB480];
	v14 =	vmul.f32 v14, v5;
	v15 =	vmul.f32 v22, v5;
	[tilespmem:s23+$0xB200] =	vst v11;
	v11 =	vadd.f32 v27, v4  }
0x2e0: {  	[tilespmem:s23+$0xB280] =	vst v0;
	v0 =	vadd.f32 v1, v4;
	v1 =	vmul.f32 v12, v5;
	v4 =	vmul.f32 v18, v34;
	v12 =	vld [tilespmem:s23+$0xB500]  }
0x2e1: {  	[tilespmem:s20+$0xB400] =	vst v13;
	v7 =	vmul.f32 v21, v7;
	v3 =	vadd.f32 v3, v9;
	v13 =	vadd.f32 v14, v9  }
0x2e2: {  	v8 =	vmul.f32 v20, v8;
	[tilespmem:s20+$0xB480] =	vst v11;
	v11 =	vadd.f32 v15, v9;
	v4 =	vadd.f32 v4, v33  }
0x2e3: {  	[tilespmem:s20+$0xB500] =	vst v0;
	v0 =	vadd.f32 v1, v9;
	v1 =	vadd.f32 v7, v6;
	v6 =	vmul.f32 v23, v25  }
0x2e4: {  	[tilespmem:s22+$0xB300] =	vst v3;
	v3 =	vmul.f32 v4, v5;
	v4 =	vadd.f32 v8, v10;
	v5 =	vmul.f32 v26, v32  }
0x2e5: {  	[tilespmem:s22+$0xB380] =	vst v13;
	v1 =	vmul.f32 v1, v2;
	v6 =	vadd.f32 v6, v24;
	v7 =	vmul.f32 v12, v34  }
0x2e6: {  	[tilespmem:s22+$0xB400] =	vst v11;
	v3 =	vadd.f32 v3, v9;
	v4 =	vmul.f32 v4, v2;
	v5 =	vadd.f32 v5, v31  }
0x2e7: {  	[tilespmem:s22+$0xB480] =	vst v0;
	v0 =	vmul.f32 v6, v2;
	v1 =	vadd.f32 v1, v19;
	v6 =	vadd.f32 v7, v33  }
0x2e8: {  	[tilespmem:s22+$0xB500] =	vst v3;
	v3 =	vmul.f32 v5, v2;
	v4 =	vadd.f32 v4, v19  }
0x2e9: {  	s20 =	smul.u32 $0xC0000, s19;
	[tilespmem:s23+$0xB300] =	vst v1;
	v0 =	vadd.f32 v0, v19;
	v1 =	vmul.f32 v6, v2  }
0x2ea: {  	v2 =	vadd.f32 v3, v19;
	[tilespmem:s23+$0xB380] =	vst v4  }
0x2eb: {  	s22 =	sadd.s32 s7, s20;
	[tilespmem:s23+$0xB400] =	vst v0;
	v1 =	vadd.f32 v1, v19  }
0x2ec: {  	s8 =	sshrl.u32 s22, $0x3;
	[tilespmem:s23+$0xB480] =	vst v2  }
0x2ed: {  	s8 =	sadd.s32 s5, s8;
	[tilespmem:s23+$0xB500] =	vst v1  }
0x2ee: {  	[hbm4b:s8+s6] =	stream.linear.scatter [tilespmem:s2], [sflag:$0x3], $0x3000, $0x38;
	[tilespmem:$0xFA00] =	vst v63  }
0x2ef: {  	_ =	swait.ge [sflag:s3], $0x3000  }
0x2f0: {  	[sflag:s3] =	ssyncset.done $0x0  }
0x2f1: {  	s9 =	simm.s32 $0x0;
	s8 =	simm.s32 @!p1 $0x4;
	[sflag:s3] =	ssyncadd.s32 $0xFFFFD000  }
0x2f2: {  	s15 =	simm.s32 $0x0;
	s9 =	smul.u32 $0x1800, s9;
	_ =	swait.ge @!p1 [sflag:s8], $0x3000  }
0x2f3: {  	s15 =	sand.u32 $0x380, s15;
	[sflag:s8] =	ssyncset.done @!p1 $0x0  }
0x2f4: {  	s24 =	sor.u32 s15, s9;
	[sflag:s8] =	ssyncadd.s32 @!p1 $0xFFFFD000  }
0x2f5: {  	v0 =	vld [tilespmem:s24+$0x1470];
	_ =	sdelay $0x4  }
0x2f6: {  	[tilespmem:$0x1F7F0] =	vst v0  }
0x2f7: {  	v0 =	vld [tilespmem:s24+$0x1460];
	_ =	sdelay $0x4  }
0x2f8: {  	[tilespmem:$0x1F7E0] =	vst v0  }
0x2f9: {  	v0 =	vld [tilespmem:s24+$0x1430];
	_ =	sdelay $0x4  }
0x2fa: {  	[tilespmem:$0x1F7C0] =	vst v0  }
0x2fb: {  	v0 =	vld [tilespmem:s24+$0x7A20];
	_ =	sdelay $0x4  }
0x2fc: {  	[tilespmem:$0x1F910] =	vst v0  }
0x2fd: {  	v0 =	vld [tilespmem:s24+$0x1050];
	_ =	sdelay $0x3  }
0x2fe: {  	v3 =	vld [tilespmem:s24+$0x6A70]  }
0x2ff: {  	v6 =	vld [tilespmem:s24+$0x1070];
	[tilespmem:$0x1F7D0] =	vst v0  }
0x300: {  	v0 =	vld [tilespmem:s24+$0x6A60];
	_ =	sdelay $0x2  }
0x301: {  	v8 =	vld [tilespmem:s24+$0x450]  }
0x302: {  	v7 =	vld [tilespmem:s24+$0x7670]  }
0x303: {  	v9 =	vld [tilespmem:s24+$0x6A50];
	[tilespmem:$0x1F860] =	vst v0  }
0x304: {  	v10 =	vld [tilespmem:s24+$0x430]  }
0x305: {  	v1 =	vld [tilespmem:s24+$0x6A30]  }
0x306: {  	v15 =	vld [tilespmem:s24+$0x420]  }
0x307: {  	v17 =	vld [tilespmem:s24+$0x6A20]  }
0x308: {  	v18 =	vld [tilespmem:s24+$0x470]  }
0x309: {  	v19 =	vld [tilespmem:s24+$0x6E00]  }
0x30a: {  	v20 =	vld [tilespmem:s24+$0x800]  }
0x30b: {  	v21 =	vld [tilespmem:s24+$0x6E10]  }
0x30c: {  	v22 =	vld [tilespmem:s24+$0x810]  }
0x30d: {  	v23 =	vld [tilespmem:s24+$0x6E20]  }
0x30e: {  	v24 =	vld [tilespmem:s24+$0x820]  }
0x30f: {  	v25 =	vld [tilespmem:s24+$0x6E30]  }
0x310: {  	v27 =	vld [tilespmem:s24+$0x830]  }
0x311: {  	v28 =	vld [tilespmem:s24+$0x6E40]  }
0x312: {  	v29 =	vld [tilespmem:s24+$0x840]  }
0x313: {  	v30 =	vld [tilespmem:s24+$0x6E50]  }
0x314: {  	v31 =	vld [tilespmem:s24+$0x850]  }
0x315: {  	v54 =	vld [tilespmem:s24+$0x6E60]  }
0x316: {  	v33 =	vld [tilespmem:s24+$0x860]  }
0x317: {  	v35 =	vld [tilespmem:s24+$0x6E70]  }
0x318: {  	v38 =	vld [tilespmem:s24+$0x870]  }
0x319: {  	v41 =	vld [tilespmem:s24+$0x7200]  }
0x31a: {  	v43 =	vld [tilespmem:s24+$0xC00]  }
0x31b: {  	v53 =	vld [tilespmem:s24+$0x7210]  }
0x31c: {  	v55 =	vld [tilespmem:s24+$0xC10]  }
0x31d: {  	v46 =	vld [tilespmem:s24+$0x7220]  }
0x31e: {  	v47 =	vld [tilespmem:s24+$0xC20]  }
0x31f: {  	v48 =	vld [tilespmem:s24+$0x7230]  }
0x320: {  	v49 =	vld [tilespmem:s24+$0xC30]  }
0x321: {  	v50 =	vld [tilespmem:s24+$0x7240]  }
0x322: {  	v51 =	vld [tilespmem:s24+$0xC40]  }
0x323: {  	v52 =	vld [tilespmem:s24+$0x7250]  }
0x324: {  	v56 =	vld [tilespmem:s24+$0xC50]  }
0x325: {  	v62 =	vld [tilespmem:s24+$0x7260]  }
0x326: {  	v63 =	vld [tilespmem:s24+$0xC60]  }
0x327: {  	v0 =	vld [tilespmem:s24+$0x7270]  }
0x328: {  	v44 =	vld [tilespmem:s24+$0xC70]  }
0x329: {  	v5 =	vld [tilespmem:s24+$0x7600]  }
0x32a: {  	v4 =	vld [tilespmem:s24+$0x1000]  }
0x32b: {  	v13 =	vld [tilespmem:s24+$0x7610]  }
0x32c: {  	v2 =	vld [tilespmem:s24+$0x1010]  }
0x32d: {  	v26 =	vld [tilespmem:s24+$0x7620]  }
0x32e: {  	v16 =	vld [tilespmem:s24+$0x1020]  }
0x32f: {  	v32 =	vld [tilespmem:s24+$0x7630]  }
0x330: {  	v45 =	vld [tilespmem:s24+$0x1030]  }
0x331: {  	v36 =	vld [tilespmem:s24+$0x7640]  }
0x332: {  	v12 =	vld [tilespmem:s24+$0x7E30]  }
0x333: {  	v34 =	vld [tilespmem:s24+$0x1040]  }
0x334: {  	v37 =	vld [tilespmem:s24+$0x7650]  }
0x335: {  	v11 =	vld [tilespmem:s24+$0x7A30]  }
0x336: {  	v57 =	vld [tilespmem:s24+$0x7A60]  }
0x337: {  	v58 =	vld [tilespmem:s24+$0x7A70];
	[tilespmem:$0x1F800] =	vst v12  }
0x338: {  	v12 =	vld [tilespmem:s24+$0x7E70];
	_ =	sdelay $0x4  }
0x339: {  	v60 =	vld [tilespmem:s24+$0x1830];
	[tilespmem:$0x1F830] =	vst v12  }
0x33a: {  	v12 =	vld [tilespmem:s24+$0x1870];
	_ =	sdelay $0x4  }
0x33b: {  	[tilespmem:$0x1F840] =	vst v12  }
0x33c: {  	v12 =	vld [tilespmem:s24+$0x6A00];
	_ =	sdelay $0x4  }
0x33d: {  	[tilespmem:$0x1F810] =	vst v12  }
0x33e: {  	v12 =	vld [tilespmem:s24+$0x400];
	_ =	sdelay $0x4  }
0x33f: {  	[tilespmem:$0x1F820] =	vst v12  }
0x340: {  	v12 =	vld [tilespmem:s24+$0x1410]  }
0x341: {  	v40 =	vld [tilespmem:s24+$0x6A10]  }
0x342: {  	v39 =	vld [tilespmem:s24+$0x410]  }
0x343: {  	v59 =	vld [tilespmem:s24+$0x6A40]  }
0x344: {  	v42 =	vld [tilespmem:s24+$0x440]  }
0x345: {  	v61 =	vld [tilespmem:s24+$0x7A10];
	[tilespmem:$0x1F850] =	vst v12  }
0x346: {  	v12 =	vld [tilespmem:s24+$0x7A00];
	_ =	sdelay $0x4  }
0x347: {  	[tilespmem:$0x1F890] =	vst v12  }
0x348: {  	v12 =	vld [tilespmem:s24+$0x1400];
	_ =	sdelay $0x4  }
0x349: {  	[tilespmem:$0x1F8A0] =	vst v12  }
0x34a: {  	v12 =	vld [tilespmem:s24+$0x7A50];
	_ =	sdelay $0x4  }
0x34b: {  	[tilespmem:$0x1F8B0] =	vst v12  }
0x34c: {  	v12 =	vld [tilespmem:s24+$0x1450];
	_ =	sdelay $0x4  }
0x34d: {  	[tilespmem:$0x1F8C0] =	vst v12  }
0x34e: {  	v12 =	vld [tilespmem:s24+$0x7A40];
	_ =	sdelay $0x4  }
0x34f: {  	[tilespmem:$0x1F920] =	vst v12  }
0x350: {  	v12 =	vld [tilespmem:s24+$0x1440];
	_ =	sdelay $0x4  }
0x351: {  	[tilespmem:$0x1F930] =	vst v12  }
0x352: {  	v12 =	vld [tilespmem:s24+$0x7E10];
	_ =	sdelay $0x4  }
0x353: {  	[tilespmem:$0x1F8E0] =	vst v12  }
0x354: {  	v12 =	vld [tilespmem:s24+$0x1810];
	_ =	sdelay $0x3  }
0x355: {  	v6 =	vadd.f32 v6, v7  }
0x356: {  	[tilespmem:$0x1F8F0] =	vst v12;
	v12 =	vadd.f32 v8, v9  }
0x357: {  	[tilespmem:$0x1F9F0] =	vst v6  }
0x358: {  	[tilespmem:$0x1F990] =	vst v12  }
0x359: {  	v7 =	vld [tilespmem:s24+$0x460]  }
0x35a: {  	v8 =	vadd.f32 v10, v1  }
0x35b: {  	v1 =	vadd.f32 v15, v17  }
0x35c: {  	[tilespmem:$0x1F950] =	vst v8  }
0x35d: {  	[tilespmem:$0x1F880] =	vst v1  }
0x35e: {  	[tilespmem:$0x1F870] =	vst v7  }
0x35f: {  	v1 =	vld [tilespmem:s24+$0x7660];
	_ =	sdelay $0x3  }
0x360: {  	s23 =	simm.s32 $0x0  }
0x361: {  	s8 =	smul.u32 $0x1800, s23;
	s23 =	simm.s32 $0x80;
	[tilespmem:$0x1F900] =	vst v1;
	v1 =	vadd.f32 v18, v3  }
0x362: {  	s25 =	sand.u32 $0x380, s23  }
0x363: {  	s22 =	sor.u32 s25, s8;
	[tilespmem:$0x1F940] =	vst v1  }
0x364: {  	v3 =	vld [tilespmem:s22+$0x1470];
	_ =	sdelay $0x1  }
0x365: {  	v17 =	vadd.f32 v22, v21;
	_ =	sdelay $0x1  }
0x366: {  	[tilespmem:$0x1F9B0] =	vst v17  }
0x367: {  	[tilespmem:$0x1FA50] =	vst v3  }
0x368: {  	v3 =	vld [tilespmem:s22+$0x1460];
	_ =	sdelay $0x1  }
0x369: {  	v7 =	vadd.f32 v27, v25;
	_ =	sdelay $0x1  }
0x36a: {  	[tilespmem:$0x1F960] =	vst v7  }
0x36b: {  	[tilespmem:$0x1FA40] =	vst v3  }
0x36c: {  	v3 =	vld [tilespmem:s22+$0x1430]  }
0x36d: {  	v27 =	vadd.f32 v29, v28  }
0x36e: {  	v14 =	vadd.f32 v31, v30  }
0x36f: {  	[tilespmem:$0x1F9E0] =	vst v27  }
0x370: {  	v21 =	vmul.f32 v1, v1;
	v1 =	vadd.f32 v38, v35;
	[tilespmem:$0x1F9D0] =	vst v14  }
0x371: {  	v23 =	vadd.f32 v24, v23;
	v24 =	vmul.f32 v7, v7;
	v7 =	vadd.f32 v33, v54;
	[tilespmem:$0x1FA30] =	vst v3  }
0x372: {  	v22 =	vmul.f32 v8, v8;
	v8 =	vadd.f32 v49, v48;
	v3 =	vld [tilespmem:s22+$0x7A20];
	[tilespmem:$0x1F970] =	vst v1  }
0x373: {  	v29 =	vld [tilespmem:s22+$0x6A70];
	[tilespmem:$0x1F8D0] =	vst v7  }
0x374: {  	v30 =	vld [tilespmem:s22+$0x1070];
	[tilespmem:$0x1F980] =	vst v8  }
0x375: {  	v7 =	vld [tilespmem:s22+$0x1050]  }
0x376: {  	v22 =	vadd.f32 v21, v22;
	_ =	sdelay $0x1  }
0x377: {  	v22 =	vadd.f32 v24, v22;
	v24 =	vmul.f32 v1, v1;
	_ =	sdelay $0x1  }
0x378: {  	v1 =	vadd.f32 v44, v0;
	v0 =	vadd.f32 v24, v22;
	v22 =	vmul.f32 v8, v8;
	[tilespmem:$0x1FA20] =	vst v7  }
0x379: {  	v31 =	vld [tilespmem:s22+$0x450]  }
0x37a: {  	v8 =	vadd.f32 v45, v32;
	v0 =	vadd.f32 v22, v0;
	v22 =	vmul.f32 v1, v1;
	[tilespmem:$0x1F9A0] =	vst v1;
	v1 =	vld [tilespmem:$0x1F7C0]  }
0x37b: {  	v24 =	vld [tilespmem:s22+$0x7670]  }
0x37c: {  	v38 =	vadd.f32 v43, v41;
	v43 =	vld [tilespmem:s22+$0x6A50];
	[tilespmem:$0x1F9C0] =	vst v8  }
0x37d: {  	v7 =	vld [tilespmem:s22+$0x6A60];
	_ =	sdelay $0x1  }
0x37e: {  	v41 =	vadd.f32 v47, v46  }
0x37f: {  	v47 =	vadd.f32 v2, v13;
	v0 =	vadd.f32 v22, v0;
	v2 =	vmul.f32 v8, v8  }
0x380: {  	v20 =	vadd.f32 v20, v19;
	v19 =	vadd.f32 v55, v53  }
0x381: {  	v0 =	vadd.f32 v2, v0;
	v2 =	vmul.f32 v6, v6;
	v6 =	vld [tilespmem:$0x1F7D0];
	v9 =	vadd.f32 v1, v11;
	[tilespmem:$0x1FBC0] =	vst v7  }
0x382: {  	v55 =	vadd.f32 v4, v5;
	v8 =	vadd.f32 v30, v24;
	v4 =	vld [tilespmem:s22+$0x430]  }
0x383: {  	v7 =	vadd.f32 v31, v43;
	v5 =	vld [tilespmem:s22+$0x6A30];
	[tilespmem:$0x1FA00] =	vst v9  }
0x384: {  	v1 =	vld [tilespmem:s22+$0x420];
	[tilespmem:$0x1FAB0] =	vst v8  }
0x385: {  	v11 =	vld [tilespmem:s22+$0x6A20];
	[tilespmem:$0x1FB20] =	vst v7  }
0x386: {  	[tilespmem:s22+$0xD670] =	vst v8  }
0x387: {  	v22 =	vadd.f32 v6, v37;
	v6 =	vld [tilespmem:$0x1F7E0];
	_ =	sdelay $0x4  }
0x388: {  	v54 =	vadd.f32 v6, v57;
	v6 =	vld [tilespmem:$0x1F7F0];
	_ =	sdelay $0x3  }
0x389: {  	[tilespmem:s22+$0xCA50] =	vst v7  }
0x38a: {  	v53 =	vadd.f32 v51, v50;
	v51 =	vadd.f32 v6, v58;
	v6 =	vld [tilespmem:$0x1F800]  }
0x38b: {  	v13 =	vld [tilespmem:s22+$0x470]  }
0x38c: {  	v24 =	vld [tilespmem:$0x1F830]  }
0x38d: {  	v25 =	vld [tilespmem:$0x1F840]  }
0x38e: {  	v8 =	vld [tilespmem:$0x1F820]  }
0x38f: {  	v35 =	vadd.f32 v60, v6;
	v6 =	vadd.f32 v4, v5;
	v5 =	vld [tilespmem:$0x1F810]  }
0x390: {  	v0 =	vadd.f32 v2, v0;
	v2 =	vmul.f32 v9, v9;
	v30 =	vld [tilespmem:s24+$0x1060]  }
0x391: {  	v50 =	vadd.f32 v16, v26;
	v16 =	vld [tilespmem:s24+$0x1420]  }
0x392: {  	v0 =	vadd.f32 v2, v0;
	v2 =	vld [tilespmem:s22+$0x6E00];
	v24 =	vadd.f32 v25, v24;
	[tilespmem:$0x1FA60] =	vst v6  }
0x393: {  	v4 =	vld [tilespmem:s22+$0x800]  }
0x394: {  	v32 =	vadd.f32 v39, v40;
	v9 =	vadd.f32 v8, v5;
	v5 =	vld [tilespmem:s22+$0x6E10];
	[tilespmem:$0x1FA10] =	vst v24  }
0x395: {  	v7 =	vadd.f32 v1, v11;
	[tilespmem:s22+$0xCA30] =	vst v6  }
0x396: {  	[tilespmem:$0x1FAE0] =	vst v32  }
0x397: {  	v28 =	vadd.f32 v42, v59;
	v45 =	vld [tilespmem:s24+$0x7E00];
	[tilespmem:$0x1FB10] =	vst v7  }
0x398: {  	[tilespmem:$0x1FAD0] =	vst v9  }
0x399: {  	v6 =	vadd.f32 v13, v29;
	[tilespmem:$0x1FAF0] =	vst v28  }
0x39a: {  	v21 =	vadd.f32 v34, v36;
	v36 =	vld [tilespmem:s22+$0x810];
	[tilespmem:$0x1FAA0] =	vst v51  }
0x39b: {  	v46 =	vmul.f32 v51, v51;
	v42 =	vld [tilespmem:s22+$0x6E20];
	[tilespmem:$0x1FA70] =	vst v6  }
0x39c: {  	[tilespmem:s22+$0xCA20] =	vst v7  }
0x39d: {  	v48 =	vmul.f32 v17, v17;
	v17 =	vadd.f32 v46, v0;
	v0 =	vld [tilespmem:$0x1F850];
	_ =	sdelay $0x1  }
0x39e: {  	[tilespmem:s22+$0xCA70] =	vst v6  }
0x39f: {  	v6 =	vld [tilespmem:$0x1F860]  }
0x3a0: {  	v15 =	vadd.f32 v56, v52;
	v26 =	vmul.f32 v12, v12;
	v43 =	vmul.f32 v32, v32;
	v7 =	vld [tilespmem:$0x1F870]  }
0x3a1: {  	v58 =	vld [tilespmem:s24+$0x1800];
	v8 =	vadd.f32 v0, v61;
	v0 =	vadd.f32 v4, v2  }
0x3a2: {  	v26 =	vadd.f32 v26, v43;
	v11 =	vmul.f32 v28, v28;
	v1 =	vmul.f32 v9, v9;
	v52 =	vld [tilespmem:s22+$0x820]  }
0x3a3: {  	v49 =	vmul.f32 v14, v14;
	v46 =	vld [tilespmem:s24+$0x7E20];
	[tilespmem:$0x1FB60] =	vst v0  }
0x3a4: {  	v26 =	vadd.f32 v48, v26;
	v13 =	vmul.f32 v20, v20;
	v1 =	vadd.f32 v11, v1;
	v4 =	vld [tilespmem:s22+$0x6E30]  }
0x3a5: {  	v29 =	vmov v20;
	v20 =	vadd.f32 v7, v6;
	v6 =	vld [tilespmem:s22+$0x830]  }
0x3a6: {  	v26 =	vadd.f32 v49, v26;
	v1 =	vadd.f32 v13, v1;
	[tilespmem:s22+$0xCE00] =	vst v0;
	v49 =	vld [tilespmem:s24+$0x1820]  }
0x3a7: {  	v13 =	vmul.f32 v27, v27;
	v2 =	vmul.f32 v19, v19;
	v0 =	vadd.f32 v36, v5;
	v33 =	vld [tilespmem:$0x1F880]  }
0x3a8: {  	v25 =	vmov v9;
	[tilespmem:$0x1FB70] =	vst v20;
	v7 =	vld [tilespmem:$0x1F890]  }
0x3a9: {  	v1 =	vadd.f32 v13, v1;
	v2 =	vadd.f32 v2, v26;
	v26 =	vmul.f32 v38, v38;
	v9 =	vld [tilespmem:$0x1F8A0];
	[tilespmem:$0x1FB40] =	vst v0  }
0x3aa: {  	v43 =	vld [tilespmem:s22+$0x6E40]  }
0x3ab: {  	v1 =	vadd.f32 v26, v1;
	v26 =	vld [tilespmem:s22+$0x840];
	[tilespmem:s22+$0xCE10] =	vst v0;
	v0 =	vadd.f32 v52, v42  }
0x3ac: {  	v56 =	vld [tilespmem:s24+$0x7E60]  }
0x3ad: {  	v5 =	vmul.f32 v15, v15;
	v10 =	vld [tilespmem:$0x1F8C0];
	[tilespmem:$0x1FB30] =	vst v0  }
0x3ae: {  	v12 =	vadd.f32 v9, v7;
	v7 =	vld [tilespmem:$0x1F8B0];
	[tilespmem:s22+$0xCE20] =	vst v0  }
0x3af: {  	v18 =	vadd.f32 v63, v62;
	v63 =	vmul.f32 v47, v47;
	v2 =	vadd.f32 v5, v2;
	v44 =	vld [tilespmem:$0x1F8D0]  }
0x3b0: {  	v0 =	vld [tilespmem:$0x1F8E0]  }
0x3b1: {  	v60 =	vmul.f32 v20, v20;
	v57 =	vadd.f32 v63, v2;
	v13 =	vmul.f32 v33, v33;
	v2 =	vld [tilespmem:$0x1F8F0]  }
0x3b2: {  	v52 =	vld [tilespmem:s22+$0x6E50]  }
0x3b3: {  	v62 =	vmul.f32 v23, v23;
	v63 =	vld [tilespmem:s24+$0x1860];
	v5 =	vadd.f32 v60, v13;
	v13 =	vmul.f32 v53, v53  }
0x3b4: {  	v42 =	vadd.f32 v6, v4;
	v11 =	vld [tilespmem:s24+$0x7E40]  }
0x3b5: {  	v1 =	vadd.f32 v13, v1;
	v13 =	vld [tilespmem:s22+$0x850];
	v5 =	vadd.f32 v62, v5;
	v6 =	vmul.f32 v44, v44  }
0x3b6: {  	v36 =	vmov v22;
	v4 =	vmul.f32 v22, v22;
	[tilespmem:s22+$0xCE30] =	vst v42;
	v62 =	vld [tilespmem:s22+$0x6E60];
	v22 =	vadd.f32 v2, v0  }
0x3b7: {  	v2 =	vld [tilespmem:$0x1F900];
	v5 =	vadd.f32 v6, v5;
	v6 =	vadd.f32 v26, v43  }
0x3b8: {  	v34 =	vmul.f32 v55, v55;
	v61 =	vmov v19;
	v19 =	vadd.f32 v10, v7;
	v7 =	vld [tilespmem:s22+$0x860];
	[tilespmem:$0x1FB00] =	vst v8  }
0x3b9: {  	v4 =	vadd.f32 v4, v57;
	v0 =	vmul.f32 v8, v8;
	[tilespmem:$0x1FBA0] =	vst v6  }
0x3ba: {  	v59 =	vmovc v15;
	v15 =	vmov v8;
	v1 =	vadd.f32 v34, v1;
	v43 =	vmul.f32 v21, v21;
	v10 =	vld [tilespmem:s22+$0x6E70]  }
0x3bb: {  	v0 =	vadd.f32 v0, v4;
	v4 =	vmul.f32 v19, v19;
	v8 =	vld [tilespmem:s22+$0x870];
	[tilespmem:s22+$0xCE40] =	vst v6;
	v6 =	vadd.f32 v13, v52  }
0x3bc: {  	v34 =	vadd.f32 v30, v2;
	v57 =	vld [tilespmem:s24+$0x1840];
	[tilespmem:$0x1FA80] =	vst v50  }
0x3bd: {  	v2 =	vadd.f32 v43, v1;
	v1 =	vadd.f32 v4, v0;
	v0 =	vld [tilespmem:$0x1F910];
	[tilespmem:$0x1FB80] =	vst v6  }
0x3be: {  	v31 =	vmov v41;
	v41 =	vmul.f32 v41, v41;
	v26 =	vld [tilespmem:s22+$0x7200];
	[tilespmem:s22+$0xCE50] =	vst v6  }
0x3bf: {  	v39 =	vld [tilespmem:s22+$0xC00];
	[tilespmem:$0x1FAC0] =	vst v35  }
0x3c0: {  	v14 =	vmul.f32 v18, v18;
	v5 =	vadd.f32 v41, v5;
	v6 =	vld [tilespmem:s24+$0x7E50];
	[tilespmem:$0x1FB50] =	vst v22  }
0x3c1: {  	v4 =	vadd.f32 v7, v62;
	v7 =	vmul.f32 v22, v22;
	[tilespmem:$0x1FB90] =	vst v34  }
0x3c2: {  	v48 =	vmovc v38;
	v38 =	vmov v21;
	v13 =	vmul.f32 v50, v50;
	v5 =	vadd.f32 v14, v5;
	v9 =	vld [tilespmem:s22+$0x7210]  }
0x3c3: {  	v52 =	vadd.f32 v7, v1;
	v21 =	vadd.f32 v16, v0;
	v0 =	vmul.f32 v12, v12;
	[tilespmem:s22+$0xCE60] =	vst v4;
	v7 =	vld [tilespmem:s24+$0x1850]  }
0x3c4: {  	v14 =	vmovc v35;
	v5 =	vadd.f32 v13, v5;
	v13 =	vmul.f32 v35, v35;
	v35 =	vmul.f32 v34, v34;
	v16 =	vld [tilespmem:$0x1F930]  }
0x3c5: {  	v41 =	vadd.f32 v0, v2;
	v0 =	vld [tilespmem:$0x1F920]  }
0x3c6: {  	v5 =	vadd.f32 v35, v5;
	v35 =	vadd.f32 v8, v10;
	v2 =	vld [tilespmem:s22+$0xC10];
	[tilespmem:$0x1FBB0] =	vst v21  }
0x3c7: {  	v60 =	vmovc v23;
	v23 =	vmov v54;
	v43 =	vadd.f32 v13, v17;
	v13 =	vmul.f32 v21, v21;
	v8 =	vld [tilespmem:s22+$0x7220];
	[tilespmem:$0x1FA90] =	vst v54  }
0x3c8: {  	v40 =	vadd.f32 v57, v11;
	v10 =	vmul.f32 v54, v54;
	v54 =	vadd.f32 v63, v56;
	[tilespmem:s22+$0xCE70] =	vst v35;
	v11 =	vld [tilespmem:s22+$0x7230]  }
0x3c9: {  	v37 =	vmov v18;
	v63 =	vadd.f32 v20, v33;
	v5 =	vadd.f32 v13, v5;
	v18 =	vld [tilespmem:$0x1F940]  }
0x3ca: {  	v62 =	vadd.f32 v16, v0;
	v0 =	vadd.f32 v49, v46;
	v16 =	vld [tilespmem:$0x1F950]  }
0x3cb: {  	v58 =	vadd.f32 v58, v45;
	v24 =	vadd.f32 v7, v6;
	v20 =	vld [tilespmem:$0x1F960]  }
0x3cc: {  	v7 =	vadd.f32 v60, v63;
	v5 =	vadd.f32 v10, v5;
	v10 =	vmul.f32 v0, v0;
	v45 =	vmovc v0;
	v0 =	vld [tilespmem:s22+$0xC30]  }
0x3cd: {  	v13 =	vld [tilespmem:s22+$0xC20]  }
0x3ce: {  	v1 =	vmov v21;
	v21 =	vld [tilespmem:$0x1F970];
	v7 =	vadd.f32 v44, v7  }
0x3cf: {  	v63 =	vadd.f32 v39, v26;
	v26 =	vld [tilespmem:$0x1F980];
	v49 =	vadd.f32 v18, v16  }
0x3d0: {  	v17 =	vld [tilespmem:$0x1F9B0];
	v7 =	vadd.f32 v31, v7;
	v6 =	vadd.f32 v10, v5  }
0x3d1: {  	v5 =	vadd.f32 v20, v49;
	v30 =	vadd.f32 v0, v11;
	v0 =	vld [tilespmem:$0x1F990]  }
0x3d2: {  	v56 =	vadd.f32 v2, v9;
	v46 =	vmov v31;
	v9 =	vadd.f32 v28, v25;
	v31 =	vld [tilespmem:$0x1F9A0]  }
0x3d3: {  	v25 =	vld [tilespmem:$0x1F9D0];
	v7 =	vadd.f32 v37, v7;
	v2 =	vadd.f32 v21, v5  }
0x3d4: {  	v49 =	vmov v37;
	v37 =	vld [tilespmem:$0x1F9C0]  }
0x3d5: {  	v28 =	vld [tilespmem:$0x1F9E0];
	v7 =	vadd.f32 v50, v7;
	v2 =	vadd.f32 v26, v2  }
0x3d6: {  	v10 =	vld [tilespmem:$0x1F9F0];
	v5 =	vadd.f32 v13, v8;
	v8 =	vadd.f32 v0, v32  }
0x3d7: {  	v2 =	vadd.f32 v31, v2  }
0x3d8: {  	v7 =	vadd.f32 v34, v7;
	v34 =	vld [tilespmem:$0x1FA00];
	v8 =	vadd.f32 v17, v8  }
0x3d9: {  	v9 =	vadd.f32 v29, v9;
	v2 =	vadd.f32 v37, v2  }
0x3da: {  	v57 =	vmul.f32 v54, v54;
	v8 =	vadd.f32 v25, v8  }
0x3db: {  	v9 =	vadd.f32 v28, v9;
	v2 =	vadd.f32 v10, v2  }
0x3dc: {  	v57 =	vadd.f32 v57, v6;
	[tilespmem:s22+$0xD200] =	vst v63;
	v8 =	vadd.f32 v61, v8  }
0x3dd: {  	[tilespmem:s22+$0xD210] =	vst v56;
	v7 =	vadd.f32 v1, v7;
	v2 =	vadd.f32 v34, v2  }
0x3de: {  	v9 =	vadd.f32 v48, v9;
	v32 =	vld [tilespmem:$0x1FA10];
	v8 =	vadd.f32 v59, v8  }
0x3df: {  	v11 =	vld [tilespmem:s22+$0xC40];
	v7 =	vadd.f32 v23, v7;
	v2 =	vadd.f32 v51, v2  }
0x3e0: {  	v9 =	vadd.f32 v53, v9;
	v1 =	vld [tilespmem:s22+$0x7240];
	v8 =	vadd.f32 v47, v8  }
0x3e1: {  	v39 =	vld [tilespmem:s22+$0xC50];
	v7 =	vadd.f32 v45, v7;
	v2 =	vadd.f32 v14, v2  }
0x3e2: {  	v13 =	vld [tilespmem:s22+$0x7250];
	v9 =	vadd.f32 v55, v9;
	[tilespmem:s22+$0xD220] =	vst v5;
	v8 =	vadd.f32 v36, v8  }
0x3e3: {  	[tilespmem:s22+$0xD230] =	vst v30;
	v7 =	vadd.f32 v54, v7;
	v2 =	vadd.f32 v32, v2  }
0x3e4: {  	[tilespmem:s24+$0xD670] =	vst v10;
	v9 =	vadd.f32 v38, v9;
	v8 =	vadd.f32 v15, v8  }
0x3e5: {  	v6 =	vmul.f32 v62, v62;
	[tilespmem:s24+$0xCA50] =	vst v0;
	v10 =	vld [tilespmem:s22+$0x7270];
	v15 =	vadd.f32 v2, v7;
	v7 =	vadd.f32 v11, v1  }
0x3e6: {  	[tilespmem:s24+$0xCA30] =	vst v16;
	v9 =	vadd.f32 v12, v9;
	v14 =	vld [tilespmem:s22+$0x7260]  }
0x3e7: {  	v6 =	vadd.f32 v6, v41;
	v13 =	vadd.f32 v39, v13;
	v39 =	vmul.f32 v58, v58;
	v2 =	vld [tilespmem:s22+$0xC60];
	[tilespmem:s22+$0xD240] =	vst v7  }
0x3e8: {  	v9 =	vadd.f32 v62, v9;
	v11 =	vld [tilespmem:s22+$0xC70];
	v8 =	vadd.f32 v19, v8;
	[tilespmem:$0x1FBD0] =	vst v24  }
0x3e9: {  	v50 =	vmov v61;
	v0 =	vmul.f32 v24, v24;
	v6 =	vadd.f32 v39, v6;
	[tilespmem:s24+$0xCA20] =	vst v33  }
0x3ea: {  	v61 =	vmovc v48;
	v48 =	vmov v59;
	v9 =	vadd.f32 v58, v9;
	v8 =	vadd.f32 v22, v8;
	[tilespmem:s22+$0xD250] =	vst v13  }
0x3eb: {  	v59 =	vmovc v19;
	v51 =	vmovc v55;
	v55 =	vmov v45;
	v45 =	vmov v12;
	v12 =	vmul.f32 v32, v32;
	[tilespmem:s24+$0xCA70] =	vst v18  }
0x3ec: {  	v9 =	vadd.f32 v40, v9;
	v19 =	vmul.f32 v40, v40;
	[tilespmem:s24+$0xCE00] =	vst v29;
	v8 =	vadd.f32 v24, v8  }
0x3ed: {  	v0 =	vadd.f32 v0, v52;
	v12 =	vadd.f32 v12, v43;
	[tilespmem:s24+$0xCE10] =	vst v17  }
0x3ee: {  	[tilespmem:s24+$0xCE20] =	vst v60;
	v8 =	vadd.f32 v8, v9;
	v9 =	vadd.f32 v19, v6  }
0x3ef: {  	v1 =	vld [tilespmem:s22+$0x7600];
	[tilespmem:s24+$0xCE30] =	vst v20  }
0x3f0: {  	v12 =	vadd.f32 v12, v57;
	v43 =	vld [tilespmem:s22+$0x1000];
	[tilespmem:s24+$0xCE40] =	vst v28;
	v0 =	vadd.f32 v0, v9  }
0x3f1: {  	[tilespmem:s24+$0xCE50] =	vst v25;
	v8 =	vadd.f32 v15, v8  }
0x3f2: {  	[tilespmem:s24+$0xCE60] =	vst v44;
	v6 =	vadd.f32 v2, v14;
	v2 =	vld [tilespmem:s22+$0x7610];
	v0 =	vadd.f32 v12, v0  }
0x3f3: {  	[tilespmem:s24+$0xCE70] =	vst v21;
	v14 =	vld [tilespmem:s22+$0x1010];
	(xrf2) =	vadd.scan.msk.f32 $0xffff, v8  }
0x3f4: {  	[tilespmem:s24+$0xD200] =	vst v61;
	v9 =	vld [tilespmem:s22+$0x1020];
	(xrf2) =	vadd.scan.msk.f32 $0xffff, v0  }
0x3f5: {  	[tilespmem:s24+$0xD210] =	vst v50;
	v19 =	vadd.f32 v11, v10;
	v10 =	vadd.f32 v43, v1;
	v1 =	vld [tilespmem:s22+$0x1030]  }
0x3f6: {  	[tilespmem:s24+$0xD220] =	vst v46;
	v8 =	vld [tilespmem:s22+$0x7620]  }
0x3f7: {  	[tilespmem:s24+$0xD230] =	vst v26;
	v0 =	vld [tilespmem:s22+$0x7630]  }
0x3f8: {  	[tilespmem:s24+$0xD240] =	vst v53  }
0x3f9: {  	[tilespmem:s22+$0xD260] =	vst v6  }
0x3fa: {  	[tilespmem:s22+$0xD270] =	vst v19;
	v57 =	vadd.f32 v14, v2  }
0x3fb: {  	v11 =	vld [tilespmem:s22+$0x1040];
	[tilespmem:s22+$0xD600] =	vst v10;
	v9 =	vadd.f32 v9, v8  }
0x3fc: {  	v2 =	vld [tilespmem:s22+$0x7640];
	[tilespmem:s22+$0xD610] =	vst v57;
	v0 =	vadd.f32 v1, v0  }
0x3fd: {  	[tilespmem:s22+$0xD620] =	vst v9;
	v12, _, _ =	vpop (xrf2)  }
0x3fe: {  	v8 =	vld [tilespmem:s22+$0x7650];
	[tilespmem:s22+$0xD630] =	vst v0;
	(v2sf) =	vpush v12, $0xF;
	v12, _, _ =	vpop (xrf2)  }
0x3ff: {  	(v2sf) =	vpush v12, $0xF;
	v12 =	vld [tilespmem:$0x1FA20];
	_ =	sdelay $0x1  }
0x400: {  	v15 =	vadd.f32 v11, v2;
	_ =	sdelay $0x1  }
0x401: {  	[tilespmem:s22+$0xD640] =	vst v15  }
0x402: {  	[tilespmem:s24+$0xD250] =	vst v48;
	v8 =	vadd.f32 v12, v8  }
0x403: {  	[tilespmem:s24+$0xD260] =	vst v49  }
0x404: {  	v14 =	vld [tilespmem:s22+$0x7A30];
	[tilespmem:s22+$0xD650] =	vst v8  }
0x405: {  	v12 =	vld [tilespmem:$0x1FA30];
	_ =	sdelay $0x3  }
0x406: {  	v1 =	vld [tilespmem:s22+$0x7A60];
	[tilespmem:s24+$0xD270] =	vst v31  }
0x407: {  	v14 =	vadd.f32 v12, v14;
	v12 =	vld [tilespmem:$0x1FA40];
	_ =	sdelay $0x4  }
0x408: {  	v20 =	vld [tilespmem:s22+$0x7A70];
	[tilespmem:s24+$0xD600] =	vst v51;
	v12 =	vadd.f32 v12, v1  }
0x409: {  	v2 =	vld [tilespmem:s22+$0x7E30];
	[tilespmem:s22+$0xDA30] =	vst v14  }
0x40a: {  	v28 =	vld [tilespmem:$0x1FA50];
	[tilespmem:s22+$0xDA60] =	vst v12  }
0x40b: {  	v16 =	vld [tilespmem:$0x1FA60]  }
0x40c: {  	v17 =	vld [tilespmem:$0x1FA70]  }
0x40d: {  	v11 =	vld [tilespmem:s22+$0x1830];
	_ =	sdelay $0x1  }
0x40e: {  	v23 =	vld [tilespmem:s22+$0x7E70]  }
0x40f: {  	v25 =	vld [tilespmem:s22+$0x1870];
	v20 =	vadd.f32 v28, v20  }
0x410: {  	v27 =	vld [tilespmem:s22+$0x6A00];
	[tilespmem:s24+$0xD610] =	vst v47;
	v28 =	vadd.f32 v17, v16  }
0x411: {  	v2 =	vadd.f32 v11, v2;
	v1 =	vld [tilespmem:s22+$0x400];
	[tilespmem:s22+$0xDA70] =	vst v20;
	v21 =	vmul.f32 v17, v17;
	v22 =	vmul.f32 v16, v16  }
0x412: {  	v16 =	vld [tilespmem:$0x1FA80];
	[tilespmem:s24+$0xD630] =	vst v37;
	v28 =	vadd.f32 v42, v28  }
0x413: {  	v18 =	vmul.f32 v42, v42;
	[tilespmem:s22+$0xDE30] =	vst v2;
	v21 =	vadd.f32 v21, v22  }
0x414: {  	[tilespmem:s24+$0xD640] =	vst v38;
	v11 =	vadd.f32 v35, v28  }
0x415: {  	[tilespmem:s24+$0xD650] =	vst v36;
	v18 =	vadd.f32 v18, v21  }
0x416: {  	[tilespmem:s24+$0xDA30] =	vst v34;
	v21 =	vadd.f32 v30, v11;
	v11 =	vadd.f32 v25, v23  }
0x417: {  	[tilespmem:s24+$0xD620] =	vst v16;
	v25 =	vadd.f32 v1, v27  }
0x418: {  	[tilespmem:s22+$0xDE70] =	vst v11  }
0x419: {  	[tilespmem:s22+$0xCA00] =	vst v25  }
0x41a: {  	v1 =	vadd.f32 v19, v21;
	v21 =	vld [tilespmem:$0x1FA90];
	_ =	sdelay $0x4  }
0x41b: {  	[tilespmem:s24+$0xDA60] =	vst v21  }
0x41c: {  	v21 =	vld [tilespmem:$0x1FAA0];
	_ =	sdelay $0x1  }
0x41d: {  	v61 =	vld [tilespmem:s22+$0x6A10];
	v17 =	vmul.f32 v35, v35  }
0x41e: {  	v22 =	vld [tilespmem:s22+$0x410]  }
0x41f: {  	v16 =	vmul.f32 v30, v30;
	v17 =	vadd.f32 v17, v18  }
0x420: {  	[tilespmem:s24+$0xDA70] =	vst v21  }
0x421: {  	v19 =	vmul.f32 v19, v19;
	v16 =	vadd.f32 v16, v17;
	v21 =	vld [tilespmem:$0x1FAB0]  }
0x422: {  	v28 =	vld [tilespmem:s22+$0x6A40]  }
0x423: {  	v23 =	vld [tilespmem:s22+$0x440];
	v16 =	vadd.f32 v19, v16;
	v19 =	vadd.f32 v22, v61  }
0x424: {  	v1 =	vadd.f32 v0, v1;
	v0 =	vmul.f32 v0, v0  }
0x425: {  	[tilespmem:s22+$0xCA10] =	vst v19  }
0x426: {  	v0 =	vadd.f32 v0, v16;
	v1 =	vadd.f32 v21, v1;
	v16 =	vmul.f32 v21, v21;
	v21 =	vld [tilespmem:$0x1FAC0];
	_ =	sdelay $0x1  }
0x427: {  	v28 =	vadd.f32 v23, v28  }
0x428: {  	[tilespmem:s24+$0xDE70] =	vst v32  }
0x429: {  	[tilespmem:s22+$0xCA40] =	vst v28  }
0x42a: {  	[tilespmem:s24+$0xDE30] =	vst v21  }
0x42b: {  	v21 =	vld [tilespmem:$0x1FAD0];
	_ =	sdelay $0x4  }
0x42c: {  	v18 =	vld [tilespmem:s22+$0x7A10];
	[tilespmem:s24+$0xCA00] =	vst v21  }
0x42d: {  	v21 =	vld [tilespmem:$0x1FAE0]  }
0x42e: {  	v17 =	vld [tilespmem:s22+$0x1410];
	_ =	sdelay $0x3  }
0x42f: {  	[tilespmem:s24+$0xCA10] =	vst v21  }
0x430: {  	v21 =	vadd.f32 v17, v18;
	v17 =	vld [tilespmem:$0x1FAF0];
	_ =	sdelay $0x3  }
0x431: {  	[tilespmem:s22+$0xDA10] =	vst v21  }
0x432: {  	v27 =	vld [tilespmem:s22+$0x1400];
	[tilespmem:s24+$0xCA40] =	vst v17  }
0x433: {  	v1 =	vadd.f32 v14, v1;
	v17 =	vld [tilespmem:$0x1FB00]  }
0x434: {  	v22 =	vld [tilespmem:s22+$0x7A00]  }
0x435: {  	v1 =	vadd.f32 v20, v1;
	_ =	sdelay $0x1  }
0x436: {  	v23 =	vadd.f32 v2, v1  }
0x437: {  	[tilespmem:s24+$0xDA10] =	vst v17  }
0x438: {  	v18 =	vadd.f32 v11, v23;
	v23 =	vadd.f32 v27, v22;
	v41 =	vld [tilespmem:$0x1FB10]  }
0x439: {  	v17 =	vld [tilespmem:$0x1FB20];
	[tilespmem:s24+$0xDA00] =	vst v45  }
0x43a: {  	v45 =	vld [tilespmem:$0x1FB30];
	[tilespmem:s22+$0xDA00] =	vst v23  }
0x43b: {  	v14 =	vmul.f32 v14, v14;
	v0 =	vadd.f32 v16, v0;
	[tilespmem:s24+$0xDA50] =	vst v59  }
0x43c: {  	v24 =	vld [tilespmem:$0x1FB50]  }
0x43d: {  	v14 =	vadd.f32 v14, v0;
	v20 =	vmul.f32 v20, v20  }
0x43e: {  	s26 =	spop (v2sf);
	v39 =	vmul.f32 v19, v19  }
0x43f: {  	s25 =	smul.f32 $1.302083370e-03, s26;
	v14 =	vadd.f32 v20, v14;
	v2 =	vmul.f32 v2, v2;
	v20 =	vmul.f32 v17, v17  }
0x440: {  	v19 =	vadd.f32 v17, v19  }
0x441: {  	s30 =	spop (v2sf);
	s8 =	smul.f32 s25, s25;
	v17 =	vadd.f32 v2, v14;
	v14 =	vadd.f32 v20, v39;
	v20 =	vld [tilespmem:$0x1FB40];
	[tilespmem:s24+$0xDE10] =	vst v24  }
0x442: {  	s9 =	smul.f32 $1.302083370e-03, s30;
	v24 =	vld [tilespmem:$0x1FB70];
	_ =	sdelay $0x1  }
0x443: {  	s8 =	ssub.f32 s9, s8;
	_ =	sdelay $0x1  }
0x444: {  	s8 =	sadd.f32 $9.999999970e-07, s8;
	v30 =	vld [tilespmem:s22+$0x7A50]  }
0x445: {  	v38 =	vld [tilespmem:$0x1FB60];
	[tilespmem:s24+$0xCA60] =	vst v24  }
0x446: {  	s31 =	sshra.s32 s8, $0x1;
	s26 =	smul.f32 $5.000000000e-01, s8;
	v19 =	vadd.f32 v20, v19;
	v20 =	vmul.f32 v20, v20;
	v24 =	vld [tilespmem:$0x1FB90]  }
0x447: {  	s15 =	ssub.s32 $0x5F3759DF, s31;
	v16 =	vld [tilespmem:s22+$0x1450]  }
0x448: {  	s9 =	smul.f32 s15, s26;
	v42 =	vmul.f32 v25, v25;
	v2 =	vmul.f32 v28, v28;
	v14 =	vadd.f32 v20, v14;
	v20 =	vld [tilespmem:$0x1FB80]  }
0x449: {  	v31 =	vld [tilespmem:s22+$0x7E10]  }
0x44a: {  	s9 =	smul.f32 s15, s9;
	v25 =	vadd.f32 v28, v25;
	v27 =	vld [tilespmem:s22+$0x1810];
	v2 =	vadd.f32 v2, v42;
	v28 =	vmul.f32 v38, v38  }
0x44b: {  	[tilespmem:s24+$0xD660] =	vst v24  }
0x44c: {  	s9 =	ssub.f32 $1.500000000e+00, s9;
	v50 =	vadd.f32 v28, v2;
	v2 =	vadd.f32 v16, v30;
	v26 =	vld [tilespmem:$0x1FBA0];
	[tilespmem:s24+$0xDA40] =	vst v62  }
0x44d: {  	v19 =	vadd.f32 v20, v19;
	[tilespmem:s24+$0xDE00] =	vst v58  }
0x44e: {  	s8 =	smul.f32 s15, s9;
	[tilespmem:s22+$0xDA50] =	vst v2  }
0x44f: {  	v16 =	vadd.f32 v56, v19;
	v19 =	vadd.f32 v27, v31;
	v27 =	vld [tilespmem:$0x1FBB0]  }
0x450: {  	s9 =	smul.f32 s8, s26  }
0x451: {  	v49 =	vmul.f32 v20, v20  }
0x452: {  	v43 =	vld [tilespmem:s22+$0x460];
	s9 =	smul.f32 s9, s8;
	[tilespmem:s24+$0xDE40] =	vst v40  }
0x453: {  	v52 =	vmul.f32 v56, v56;
	v48 =	vld [tilespmem:s22+$0x1060];
	v14 =	vadd.f32 v49, v14;
	[tilespmem:s22+$0xDE10] =	vst v19  }
0x454: {  	v47 =	vld [tilespmem:s22+$0x7660];
	s9 =	ssub.f32 $1.500000000e+00, s9;
	[tilespmem:s24+$0xDA20] =	vst v27  }
0x455: {  	v56 =	vmul.f32 v13, v13;
	v14 =	vadd.f32 v52, v14;
	v16 =	vadd.f32 v13, v16;
	v13 =	vld [tilespmem:$0x1FBC0]  }
0x456: {  	v33 =	vld [tilespmem:s22+$0x1840];
	s8 =	smul.f32 s9, s8;
	v25 =	vadd.f32 v38, v25;
	v51 =	vmul.f32 v26, v26  }
0x457: {  	v32 =	vld [tilespmem:s22+$0x7E40];
	v31 =	vmul.f32 v57, v57;
	v14 =	vadd.f32 v56, v14  }
0x458: {  	v53 =	vmul.f32 v63, v63;
	s9 =	smul.f32 s8, s26;
	v0 =	vld [tilespmem:s22+$0x7A40];
	v25 =	vadd.f32 v26, v25;
	v29 =	vadd.f32 v51, v50  }
0x459: {  	v1 =	vld [tilespmem:s22+$0x1440];
	[tilespmem:s24+$0xDE20] =	vst v55;
	v14 =	vadd.f32 v31, v14;
	v31 =	vadd.f32 v48, v47  }
0x45a: {  	s9 =	smul.f32 s9, s8;
	v28 =	vld [tilespmem:s22+$0x7E00];
	[tilespmem:s24+$0xDE60] =	vst v54;
	v26 =	vadd.f32 v53, v29;
	v29 =	vmul.f32 v7, v7;
	v59 =	vadd.f32 v43, v13  }
0x45b: {  	v30 =	vld [tilespmem:s22+$0x1800];
	[tilespmem:s22+$0xD660] =	vst v31  }
0x45c: {  	s9 =	ssub.f32 $1.500000000e+00, s9;
	v20 =	vld [tilespmem:s22+$0x1420];
	v58 =	vmul.f32 v10, v10;
	v26 =	vadd.f32 v29, v26;
	[tilespmem:s22+$0xCA60] =	vst v59  }
0x45d: {  	v60 =	vmul.f32 v15, v15;
	v34 =	vadd.f32 v63, v25;
	v25 =	vmul.f32 v8, v8;
	v62 =	vld [tilespmem:$0x1FBD0]  }
0x45e: {  	s8 =	smul.f32 s9, s8;
	v61 =	vmul.f32 v23, v23;
	v35 =	vmul.f32 v41, v41;
	v24 =	vld [tilespmem:s22+$0x7E20];
	v36 =	vadd.f32 v58, v26  }
0x45f: {  	v27 =	vld [tilespmem:s22+$0x1820];
	v14 =	vadd.f32 v25, v14;
	v26 =	vadd.f32 v57, v16;
	v16 =	vmul.f32 v21, v21  }
0x460: {  	s31 =	smul.f32 s8, s25;
	v22 =	vmul.f32 v45, v45;
	v29 =	vld [tilespmem:s22+$0x1860];
	v25 =	vmul.f32 v59, v59;
	v38 =	vadd.f32 v60, v36  }
0x461: {  	v63 =	vmul.f32 v2, v2;
	v13 =	vld [tilespmem:s22+$0x7E60];
	v37 =	vadd.f32 v59, v41;
	v16 =	vadd.f32 v16, v14  }
0x462: {  	s29 =	simm.s32 $0x2;
	s30 =	simm.s32 $0x0;
	s28 =	ssub.f32 $0.0e+00, s31;
	v39 =	vmul.f32 v19, v19;
	v14 =	vld [tilespmem:s22+$0x7E50];
	v36 =	vadd.f32 v25, v35;
	v25 =	vadd.f32 v61, v38;
	[tilespmem:s24+$0xDE50] =	vst v62  }
0x463: {  	s25 =	simm.s32 $0x80;
	v35 =	vmul.f32 v4, v4;
	v38 =	vadd.f32 v45, v37;
	v37 =	vadd.f32 v63, v16;
	v16 =	vld [tilespmem:s22+$0x1850];
	s24 =	simm.s32 $0x80;
	[smem:s30] =	sst s8  }
.LBB2_7:
0x464: {  	s8 =	sshrl.u32 s29, $0x3  }
0x465: {  	v22 =	vadd.f32 v22, v36;
	v7 =	vadd.f32 v7, v34;
	s24 =	sadd.s32 $0x1, s24;
	s9 =	smov.u32 s29;
	s26 =	sadd.s32 $0x1, s29  }
0x466: {  	v34 =	vmul.f32 v5, v5;
	s23 =	sadd.s32 $0x80, s23;
	s8 =	smul.u32 $0x1800, s8;
	v4 =	vadd.f32 v4, v38;
	v36 =	vadd.f32 v39, v37;
	[smem:s25] =	sst s28  }
0x467: {  	p1 =	sne.s32 s29, $0xF;
	s9 =	sand.u32 $0x380, s23;
	s25 =	smov.u32 s24;
	v22 =	vadd.f32 v35, v22;
	v7 =	vadd.f32 v10, v7  }
0x468: {  	v10 =	vadd.f32 v1, v0;
	s28 =	sor.u32 s9, s8;
	v4 =	vadd.f32 v5, v4;
	v5 =	vmul.f32 v6, v6  }
0x469: {  	v0 =	vld [tilespmem:s28+$0x1470];
	v34 =	vadd.f32 v34, v22;
	v7 =	vadd.f32 v15, v7  }
0x46a: {  	v15 =	vadd.f32 v30, v28;
	v1 =	vld [tilespmem:s28+$0x1460];
	v4 =	vadd.f32 v6, v4;
	v6 =	vmul.f32 v9, v9;
	[tilespmem:s22+$0xDA40] =	vst v10  }
0x46b: {  	v22 =	vld [tilespmem:s28+$0x1430];
	v5 =	vadd.f32 v5, v34;
	v7 =	vadd.f32 v23, v7  }
0x46c: {  	v20 =	vadd.f32 v20, v3;
	v4 =	vadd.f32 v9, v4;
	v9 =	vmul.f32 v31, v31;
	v3 =	vld [tilespmem:s28+$0x7A20];
	[tilespmem:s22+$0xDE00] =	vst v15  }
0x46d: {  	v28 =	vld [tilespmem:s28+$0x6A70];
	v5 =	vadd.f32 v6, v5;
	v6 =	vadd.f32 v10, v7  }
0x46e: {  	v30 =	vmul.f32 v20, v20;
	v7 =	vld [tilespmem:s28+$0x1070];
	v4 =	vadd.f32 v31, v4;
	[tilespmem:s22+$0xDA20] =	vst v20;
	v31 =	vadd.f32 v33, v32  }
0x46f: {  	v23 =	vld [tilespmem:s28+$0x1050];
	v5 =	vadd.f32 v9, v5;
	v6 =	vadd.f32 v15, v6  }
0x470: {  	v24 =	vadd.f32 v27, v24;
	v9 =	vld [tilespmem:s28+$0x450];
	v4 =	vadd.f32 v20, v4;
	v20 =	vmul.f32 v12, v12;
	[tilespmem:s22+$0xDE40] =	vst v31  }
0x471: {  	v27 =	vld [tilespmem:s28+$0x7670];
	v5 =	vadd.f32 v30, v5;
	v6 =	vadd.f32 v31, v6  }
0x472: {  	v29 =	vadd.f32 v29, v13;
	v30 =	vld [tilespmem:s28+$0x6A50];
	v4 =	vadd.f32 v12, v4;
	[tilespmem:s22+$0xDE20] =	vst v24;
	v12 =	vmul.f32 v24, v24  }
0x473: {  	v16 =	vadd.f32 v16, v14;
	v13 =	vld [tilespmem:s28+$0x6A60];
	v5 =	vadd.f32 v20, v5  }
0x474: {  	v8 =	vadd.f32 v8, v26;
	v14 =	vld [tilespmem:s28+$0x430];
	v4 =	vadd.f32 v24, v4;
	[tilespmem:s22+$0xDE60] =	vst v29;
	v24 =	vmul.f32 v29, v29  }
0x475: {  	v26 =	vld [tilespmem:s28+$0x6A30];
	v5 =	vadd.f32 v12, v5;
	[tilespmem:s22+$0xDE50] =	vst v16;
	s22 =	smov.u32 s28  }
0x476: {  	v32 =	vld [tilespmem:s22+$0x420];
	v12 =	vadd.f32 v7, v27;
	v4 =	vadd.f32 v29, v4  }
0x477: {  	v7 =	vld [tilespmem:s22+$0x6A20];
	v20 =	vadd.f32 v9, v30;
	v5 =	vadd.f32 v24, v5  }
0x478: {  	v21 =	vadd.f32 v21, v8;
	v9 =	vld [tilespmem:s22+$0x470];
	[tilespmem:s22+$0xD670] =	vst v12;
	v4 =	vadd.f32 v18, v4  }
0x479: {  	[tilespmem:s22+$0xCA50] =	vst v20;
	v18 =	vld [tilespmem:s22+$0x6E00]  }
0x47a: {  	v2 =	vadd.f32 v2, v21;
	v8 =	vadd.f32 v14, v26;
	v24 =	vld [tilespmem:s22+$0x800]  }
0x47b: {  	v21 =	vld [tilespmem:s22+$0x6E10]  }
0x47c: {  	v19 =	vadd.f32 v19, v2;
	v2 =	vmul.f32 v11, v11;
	v14 =	vadd.f32 v32, v7;
	[tilespmem:s22+$0xCA30] =	vst v8;
	v7 =	vld [tilespmem:s22+$0x810]  }
0x47d: {  	v9 =	vadd.f32 v9, v28;
	v11 =	vld [tilespmem:s22+$0x6E20]  }
0x47e: {  	v10 =	vmul.f32 v10, v10;
	v17 =	vadd.f32 v2, v17;
	v27 =	vmul.f32 v16, v16;
	[tilespmem:s22+$0xCA20] =	vst v14;
	v26 =	vld [tilespmem:s22+$0x820]  }
0x47f: {  	[tilespmem:s22+$0xCA70] =	vst v9;
	v28 =	vmul.f32 v9, v9;
	v2 =	vadd.f32 v24, v18;
	v18 =	vld [tilespmem:s22+$0x6E30]  }
0x480: {  	v10 =	vadd.f32 v10, v25;
	v15 =	vmul.f32 v15, v15;
	v25 =	vadd.f32 v27, v36;
	v24 =	vld [tilespmem:s22+$0x830]  }
0x481: {  	[tilespmem:s22+$0xCE00] =	vst v2;
	v21 =	vadd.f32 v7, v21;
	v7 =	vld [tilespmem:s22+$0x6E40]  }
0x482: {  	v19 =	vadd.f32 v16, v19;
	v10 =	vadd.f32 v15, v10;
	v15 =	vmul.f32 v31, v31;
	v27 =	vld [tilespmem:s22+$0x840]  }
0x483: {  	[tilespmem:s22+$0xCE10] =	vst v21;
	v16 =	vadd.f32 v26, v11;
	v11 =	vld [tilespmem:s22+$0x6E50]  }
0x484: {  	v10 =	vadd.f32 v15, v10;
	v6 =	vadd.f32 v19, v6;
	v26 =	vld [tilespmem:s22+$0x850]  }
0x485: {  	v5 =	vadd.f32 v17, v5;
	[tilespmem:s22+$0xCE20] =	vst v16;
	v15 =	vadd.f32 v24, v18;
	v18 =	vld [tilespmem:s22+$0x6E60]  }
0x486: {  	v4 =	vadd.f32 v4, v6;
	v6 =	vadd.f32 v25, v10;
	v17 =	vld [tilespmem:s22+$0x860]  }
0x487: {  	[tilespmem:s22+$0xCE30] =	vst v15;
	v30 =	vmul.f32 v15, v15;
	v19 =	vadd.f32 v27, v7;
	v7 =	vld [tilespmem:s22+$0x6E70]  }
0x488: {  	v5 =	vadd.f32 v5, v6;
	v10 =	vld [tilespmem:s22+$0x870];
	(xrf2) =	vadd.scan.msk.f32 $0xffff, v4  }
0x489: {  	[tilespmem:s22+$0xCE40] =	vst v19;
	v25 =	vadd.f32 v26, v11;
	v6 =	vld [tilespmem:s22+$0x7200]  }
0x48a: {  	v11 =	vld [tilespmem:s22+$0xC00]  }
0x48b: {  	[tilespmem:s22+$0xCE50] =	vst v25;
	v4 =	vadd.f32 v17, v18;
	v17 =	vld [tilespmem:s22+$0x7210];
	(xrf2) =	vadd.scan.msk.f32 $0xffff, v5  }
0x48c: {  	v5 =	vld [tilespmem:s22+$0xC10]  }
0x48d: {  	[tilespmem:s22+$0xCE60] =	vst v4;
	v10 =	vadd.f32 v10, v7;
	v7 =	vld [tilespmem:s22+$0x7220]  }
0x48e: {  	v18 =	vld [tilespmem:s22+$0xC20]  }
0x48f: {  	[tilespmem:s22+$0xCE70] =	vst v10;
	v31 =	vmul.f32 v10, v10;
	v24 =	vadd.f32 v11, v6;
	v6 =	vld [tilespmem:s22+$0x7230]  }
0x490: {  	v11 =	vld [tilespmem:s22+$0xC30]  }
0x491: {  	[tilespmem:s22+$0xD200] =	vst v24;
	v26 =	vadd.f32 v5, v17;
	v17 =	vld [tilespmem:s22+$0x7240]  }
0x492: {  	v27 =	vld [tilespmem:s22+$0xC40];
	v29, _, _ =	vpop (xrf2)  }
0x493: {  	[tilespmem:s22+$0xD210] =	vst v26;
	v5 =	vadd.f32 v18, v7;
	v18 =	vld [tilespmem:s22+$0x7250];
	(v2sf) =	vpush v29, $0xF  }
0x494: {  	v29 =	vld [tilespmem:s22+$0xC50]  }
0x495: {  	[tilespmem:s22+$0xD220] =	vst v5;
	v11 =	vadd.f32 v11, v6;
	v6 =	vld [tilespmem:s22+$0x7260];
	v7, _, _ =	vpop (xrf2)  }
0x496: {  	v32 =	vld [tilespmem:s22+$0xC60];
	(v2sf) =	vpush v7, $0xF  }
0x497: {  	[tilespmem:s22+$0xD230] =	vst v11;
	v33 =	vmul.f32 v11, v11;
	v7 =	vadd.f32 v27, v17;
	v17 =	vld [tilespmem:s22+$0x7270]  }
0x498: {  	v34 =	vld [tilespmem:s22+$0xC70]  }
0x499: {  	[tilespmem:s22+$0xD240] =	vst v7;
	v27 =	vadd.f32 v29, v18;
	v18 =	vld [tilespmem:s22+$0x7600]  }
0x49a: {  	v9 =	vadd.f32 v9, v8;
	v29 =	vld [tilespmem:s22+$0x1000]  }
0x49b: {  	[tilespmem:s22+$0xD250] =	vst v27;
	v6 =	vadd.f32 v32, v6;
	v32 =	vld [tilespmem:s22+$0x7610]  }
0x49c: {  	v9 =	vadd.f32 v15, v9;
	v15 =	vld [tilespmem:s22+$0x1010]  }
0x49d: {  	[tilespmem:s22+$0xD260] =	vst v6;
	v17 =	vadd.f32 v34, v17;
	v34 =	vld [tilespmem:s22+$0x7620]  }
0x49e: {  	v8 =	vmul.f32 v8, v8;
	v35 =	vld [tilespmem:s22+$0x1020]  }
0x49f: {  	v9 =	vadd.f32 v10, v9;
	[tilespmem:s22+$0xD270] =	vst v17;
	v36 =	vmul.f32 v17, v17;
	v10 =	vadd.f32 v29, v18;
	v18 =	vld [tilespmem:s22+$0x7630]  }
0x4a0: {  	v8 =	vadd.f32 v28, v8;
	v28 =	vld [tilespmem:s22+$0x1030]  }
0x4a1: {  	[tilespmem:s22+$0xD600] =	vst v10;
	v29 =	vadd.f32 v15, v32;
	v15 =	vld [tilespmem:s22+$0x7640]  }
0x4a2: {  	v8 =	vadd.f32 v30, v8;
	v11 =	vadd.f32 v11, v9;
	v30 =	vld [tilespmem:s22+$0x1040];
	s8 =	spop (v2sf)  }
0x4a3: {  	[tilespmem:s22+$0xD610] =	vst v29;
	v9 =	vadd.f32 v35, v34;
	v32 =	vld [tilespmem:s22+$0x7650];
	s28 =	smul.f32 $1.302083370e-03, s8  }
0x4a4: {  	v8 =	vadd.f32 v31, v8;
	v11 =	vadd.f32 v17, v11;
	v17 =	vld [tilespmem:s22+$0x7A30]  }
0x4a5: {  	s8 =	smul.f32 s28, s28;
	s9 =	spop (v2sf)  }
0x4a6: {  	[tilespmem:s22+$0xD620] =	vst v9;
	v18 =	vadd.f32 v28, v18;
	v28 =	vld [tilespmem:s22+$0x7A60];
	s9 =	smul.f32 $1.302083370e-03, s9  }
0x4a7: {  	v8 =	vadd.f32 v33, v8;
	v31 =	vld [tilespmem:s22+$0x7A70]  }
0x4a8: {  	[tilespmem:s22+$0xD630] =	vst v18;
	v11 =	vadd.f32 v18, v11;
	v18 =	vmul.f32 v18, v18;
	v15 =	vadd.f32 v30, v15;
	v30 =	vld [tilespmem:s22+$0x7E30];
	s8 =	ssub.f32 s9, s8  }
0x4a9: {  	v33 =	vadd.f32 v36, v8;
	v8 =	vadd.f32 v23, v32;
	v23 =	vld [tilespmem:s22+$0x1830]  }
0x4aa: {  	[tilespmem:s22+$0xD640] =	vst v15;
	v11 =	vadd.f32 v12, v11;
	v17 =	vadd.f32 v22, v17;
	v22 =	vld [tilespmem:s22+$0x7E70];
	s8 =	sadd.f32 $9.999999970e-07, s8  }
0x4ab: {  	v32 =	vmul.f32 v12, v12;
	v18 =	vadd.f32 v18, v33;
	[tilespmem:s22+$0xD650] =	vst v8;
	v12 =	vadd.f32 v1, v28;
	v1 =	vld [tilespmem:s22+$0x1870]  }
0x4ac: {  	v28 =	vld [tilespmem:s22+$0x6A00];
	[tilespmem:s22+$0xDA30] =	vst v17;
	v11 =	vadd.f32 v17, v11;
	v17 =	vmul.f32 v17, v17;
	v0 =	vadd.f32 v0, v31;
	s9 =	sshra.s32 s8, $0x1;
	s29 =	smul.f32 $5.000000000e-01, s8  }
0x4ad: {  	v18 =	vadd.f32 v32, v18;
	v31 =	vld [tilespmem:s22+$0x400];
	[tilespmem:s22+$0xDA60] =	vst v12;
	s8 =	ssub.s32 $0x5F3759DF, s9  }
0x4ae: {  	v32 =	vld [tilespmem:s22+$0x6A10];
	[tilespmem:s22+$0xDA70] =	vst v0;
	v11 =	vadd.f32 v0, v11;
	v23 =	vadd.f32 v23, v30;
	s9 =	smul.f32 s8, s29  }
0x4af: {  	v17 =	vadd.f32 v17, v18;
	v0 =	vmul.f32 v0, v0;
	v30 =	vld [tilespmem:s22+$0x410]  }
0x4b0: {  	v33 =	vld [tilespmem:s22+$0x6A40];
	[tilespmem:s22+$0xDE30] =	vst v23;
	v18 =	vadd.f32 v23, v11;
	v11 =	vadd.f32 v1, v22;
	s9 =	smul.f32 s8, s9  }
0x4b1: {  	v0 =	vadd.f32 v0, v17;
	v17 =	vmul.f32 v23, v23;
	v1 =	vld [tilespmem:s22+$0x440]  }
0x4b2: {  	v23 =	vadd.f32 v31, v28;
	v28 =	vld [tilespmem:s22+$0x7A10];
	[tilespmem:s22+$0xDE70] =	vst v11;
	v18 =	vadd.f32 v11, v18;
	s9 =	ssub.f32 $1.500000000e+00, s9  }
0x4b3: {  	v17 =	vadd.f32 v17, v0;
	v31 =	vld [tilespmem:s22+$0x1410]  }
0x4b4: {  	[tilespmem:s22+$0xCA00] =	vst v23;
	v0 =	vadd.f32 v30, v32;
	v30 =	vld [tilespmem:s22+$0x7A00];
	s8 =	smul.f32 s8, s9  }
0x4b5: {  	v35 =	vmul.f32 v14, v14;
	v32 =	vmul.f32 v20, v20;
	v34 =	vld [tilespmem:s22+$0x1400]  }
0x4b6: {  	[tilespmem:s22+$0xCA10] =	vst v0;
	v36 =	vmul.f32 v0, v0;
	v1 =	vadd.f32 v1, v33;
	v20 =	vadd.f32 v20, v0;
	v33 =	vld [tilespmem:s22+$0x7A50];
	s9 =	smul.f32 s8, s29  }
0x4b7: {  	v22 =	vmul.f32 v16, v16;
	v37 =	vmul.f32 v23, v23;
	v38 =	vld [tilespmem:s22+$0x1450]  }
0x4b8: {  	[tilespmem:s22+$0xCA40] =	vst v1;
	v39 =	vadd.f32 v1, v23;
	v23 =	vmul.f32 v1, v1;
	v32 =	vadd.f32 v32, v36;
	v0 =	vld [tilespmem:s22+$0x7A40];
	s9 =	smul.f32 s9, s8  }
0x4b9: {  	v20 =	vadd.f32 v21, v20;
	v36 =	vmul.f32 v21, v21;
	v21 =	vadd.f32 v31, v28;
	v1 =	vld [tilespmem:s22+$0x1440]  }
0x4ba: {  	v31 =	vmul.f32 v2, v2;
	v28 =	vadd.f32 v23, v37;
	v23 =	vadd.f32 v34, v30;
	v37 =	vld [tilespmem:s22+$0x7E10];
	s9 =	ssub.f32 $1.500000000e+00, s9  }
0x4bb: {  	v30 =	vadd.f32 v36, v32;
	v20 =	vadd.f32 v25, v20;
	v25 =	vmul.f32 v25, v25;
	[tilespmem:s22+$0xDA10] =	vst v21;
	v32 =	vld [tilespmem:s22+$0x1810]  }
0x4bc: {  	v2 =	vadd.f32 v2, v39;
	v36 =	vld [tilespmem:s22+$0x460];
	v28 =	vadd.f32 v31, v28;
	v31 =	vmul.f32 v19, v19;
	[tilespmem:s22+$0xDA00] =	vst v23;
	s8 =	smul.f32 s9, s8  }
0x4bd: {  	v25 =	vadd.f32 v25, v30;
	v20 =	vadd.f32 v26, v20;
	v26 =	vmul.f32 v26, v26;
	v39 =	vld [tilespmem:s22+$0x7660]  }
0x4be: {  	v2 =	vadd.f32 v19, v2;
	v19 =	vadd.f32 v31, v28;
	v28 =	vmul.f32 v24, v24;
	v31 =	vld [tilespmem:s22+$0x1060];
	s9 =	smul.f32 s8, s29  }
0x4bf: {  	v25 =	vadd.f32 v26, v25;
	v26 =	vadd.f32 v27, v20;
	v27 =	vmul.f32 v27, v27;
	v20 =	vld [tilespmem:s22+$0x1420]  }
0x4c0: {  	v34 =	vadd.f32 v24, v2;
	v24 =	vmul.f32 v7, v7;
	v19 =	vadd.f32 v28, v19;
	v28 =	vld [tilespmem:s22+$0x7E00];
	s9 =	smul.f32 s9, s8  }
0x4c1: {  	v2 =	vadd.f32 v38, v33;
	v25 =	vadd.f32 v27, v25;
	v27 =	vmul.f32 v29, v29;
	v30 =	vld [tilespmem:s22+$0x1800]  }
0x4c2: {  	v38 =	vmul.f32 v10, v10;
	v33 =	vadd.f32 v24, v19;
	v19 =	vadd.f32 v32, v37;
	v24 =	vld [tilespmem:s22+$0x7E20];
	s9 =	ssub.f32 $1.500000000e+00, s9  }
0x4c3: {  	v26 =	vadd.f32 v29, v26;
	v29 =	vmul.f32 v8, v8;
	v25 =	vadd.f32 v27, v25;
	[tilespmem:s22+$0xDA50] =	vst v2;
	v27 =	vld [tilespmem:s22+$0x1820]  }
0x4c4: {  	v36 =	vadd.f32 v36, v13;
	v32 =	vadd.f32 v38, v33;
	v33 =	vmul.f32 v15, v15;
	[tilespmem:s22+$0xDE10] =	vst v19;
	v13 =	vld [tilespmem:s22+$0x7E60];
	s8 =	smul.f32 s9, s8  }
.Ltmp2:
0x4c5: {  	v37 =	vmul.f32 v21, v21;
	v31 =	vadd.f32 v31, v39;
	v25 =	vadd.f32 v29, v25;
	v29 =	vld [tilespmem:s22+$0x1860];
	(pc) =	sbr.rel @p1 .LBB2_7-.Ltmp2, $4  }
0x4c6: {  	v40 =	vmul.f32 v23, v23;
	v38 =	vmul.f32 v36, v36;
	s9 =	sadd.s32 $0xFFFFFF80, s24;
	[tilespmem:s22+$0xCA60] =	vst v36;
	v39 =	vadd.f32 v33, v32;
	v32 =	vld [tilespmem:s22+$0x7E40]  }
0x4c7: {  	v42 =	vmul.f32 v2, v2;
	v41 =	vadd.f32 v36, v14;
	v37 =	vadd.f32 v37, v25;
	[tilespmem:s22+$0xD660] =	vst v31;
	v33 =	vld [tilespmem:s22+$0x1840];
	[smem:s9] =	sst s8;
	s8 =	smul.f32 s8, s28  }
0x4c8: {  	v36 =	vadd.f32 v38, v35;
	v35 =	vmul.f32 v4, v4;
	v25 =	vadd.f32 v40, v39;
	v14 =	vld [tilespmem:s22+$0x7E50]  }
0x4c9: {  	s29 =	smov.u32 s26;
	v38 =	vadd.f32 v16, v41;
	v37 =	vadd.f32 v42, v37;
	v39 =	vmul.f32 v19, v19;
	v16 =	vld [tilespmem:s22+$0x1850];
	s28 =	ssub.f32 $0.0e+00, s8  }
0x4ca: {  	v22 =	vadd.f32 v22, v36;
	v7 =	vadd.f32 v7, v34  }
0x4cb: {  	v0 =	vadd.f32 v1, v0;
	v3 =	vadd.f32 v20, v3  }
0x4cc: {  	v8 =	vadd.f32 v8, v26;
	v4 =	vadd.f32 v4, v38  }
0x4cd: {  	v52 =	vmul.f32 v5, v5;
	v51 =	vadd.f32 v39, v37;
	v22 =	vadd.f32 v35, v22  }
0x4ce: {  	v11 =	vmul.f32 v11, v11;
	v7 =	vadd.f32 v10, v7;
	v4 =	vadd.f32 v5, v4  }
0x4cf: {  	v1 =	vmul.f32 v6, v6;
	v8 =	vadd.f32 v21, v8;
	v5 =	vadd.f32 v52, v22  }
0x4d0: {  	v11 =	vadd.f32 v11, v17;
	v4 =	vadd.f32 v6, v4  }
0x4d1: {  	v10 =	vmul.f32 v9, v9;
	v7 =	vadd.f32 v15, v7;
	v1 =	vadd.f32 v1, v5  }
0x4d2: {  	v2 =	vadd.f32 v2, v8;
	v4 =	vadd.f32 v9, v4  }
0x4d3: {  	v5 =	vadd.f32 v23, v7;
	v7 =	vmul.f32 v31, v31;
	v1 =	vadd.f32 v10, v1  }
0x4d4: {  	v6 =	vadd.f32 v30, v28;
	v4 =	vadd.f32 v31, v4  }
0x4d5: {  	v9 =	vadd.f32 v33, v32;
	v10 =	vmul.f32 v3, v3;
	v1 =	vadd.f32 v7, v1  }
0x4d6: {  	v5 =	vadd.f32 v0, v5;
	v4 =	vadd.f32 v3, v4  }
0x4d7: {  	v7 =	vadd.f32 v27, v24;
	v1 =	vadd.f32 v10, v1;
	v10 =	vmul.f32 v12, v12  }
0x4d8: {  	v5 =	vadd.f32 v6, v5;
	v4 =	vadd.f32 v12, v4  }
0x4d9: {  	v12 =	vadd.f32 v29, v13;
	v13 =	vmul.f32 v7, v7;
	v1 =	vadd.f32 v10, v1  }
0x4da: {  	v2 =	vadd.f32 v19, v2;
	v5 =	vadd.f32 v9, v5  }
0x4db: {  	v8 =	vmul.f32 v12, v12;
	v1 =	vadd.f32 v13, v1;
	v13 =	vmul.f32 v0, v0  }
0x4dc: {  	v10 =	vadd.f32 v16, v14;
	v4 =	vadd.f32 v7, v4  }
0x4dd: {  	v1 =	vadd.f32 v8, v1;
	v8 =	vadd.f32 v13, v25;
	v13 =	vmul.f32 v6, v6  }
0x4de: {  	v2 =	vadd.f32 v10, v2;
	v4 =	vadd.f32 v12, v4  }
0x4df: {  	v14 =	vmul.f32 v10, v10;
	v8 =	vadd.f32 v13, v8;
	v13 =	vmul.f32 v9, v9  }
0x4e0: {  	v2 =	vadd.f32 v2, v5;
	v4 =	vadd.f32 v18, v4  }
0x4e1: {  	v5 =	vadd.f32 v14, v51;
	v8 =	vadd.f32 v13, v8  }
0x4e2: {  	v2 =	vadd.f32 v4, v2  }
0x4e3: {  	v1 =	vadd.f32 v11, v1;
	v4 =	vadd.f32 v5, v8  }
0x4e4: {  	(xrf2) =	vadd.scan.msk.f32 $0xffff, v2  }
0x4e5: {  	v1 =	vadd.f32 v1, v4;
	_ =	sdelay $0x1  }
0x4e6: {  	(xrf2) =	vadd.scan.msk.f32 $0xffff, v1;
	_ =	sdelay $0x6  }
0x4e7: {  	v1, _, _ =	vpop (xrf2)  }
0x4e8: {  	(v2sf) =	vpush v1, $0xF;
	_ =	sdelay $0x1  }
0x4e9: {  	v1, _, _ =	vpop (xrf2)  }
0x4ea: {  	(v2sf) =	vpush v1, $0xF;
	_ =	sdelay $0xb  }
0x4eb: {  	s8 =	spop (v2sf)  }
0x4ec: {  	s8 =	smul.f32 $1.302083370e-03, s8;
	_ =	sdelay $0x1  }
0x4ed: {  	s9 =	smul.f32 s8, s8;
	s15 =	spop (v2sf)  }
0x4ee: {  	s15 =	smul.f32 $1.302083370e-03, s15;
	_ =	sdelay $0x1  }
0x4ef: {  	s9 =	ssub.f32 s15, s9;
	_ =	sdelay $0x1  }
0x4f0: {  	[tilespmem:s22+$0xDA40] =	vst v0;
	s9 =	sadd.f32 $9.999999970e-07, s9  }
0x4f1: {  	[tilespmem:s22+$0xDA20] =	vst v3  }
0x4f2: {  	[tilespmem:s22+$0xDE00] =	vst v6;
	s23 =	sshra.s32 s9, $0x1;
	s9 =	smul.f32 $5.000000000e-01, s9  }
0x4f3: {  	[tilespmem:s22+$0xDE40] =	vst v9;
	s15 =	ssub.s32 $0x5F3759DF, s23  }
0x4f4: {  	[tilespmem:s22+$0xDE20] =	vst v7;
	s23 =	smul.f32 s15, s9  }
0x4f5: {  	[tilespmem:s22+$0xDE60] =	vst v12  }
0x4f6: {  	[tilespmem:s22+$0xDE50] =	vst v10;
	s26 =	smul.f32 s15, s23  }
0x4f7: {  	v0 =	vld @!p0 [tilespmem:s21+$0x30]  }
0x4f8: {  	s23 =	ssub.f32 $1.500000000e+00, s26;
	_ =	sdelay $0x1  }
0x4f9: {  	s15 =	smul.f32 s15, s23;
	_ =	sdelay $0x1  }
0x4fa: {  	v1 =	vshrl.u32 @!p0 v0, $0x3;
	s21 =	smul.f32 s15, s9  }
0x4fb: {  	v1 =	vmul.u32 @!p0 $0x30, v1  }
0x4fc: {  	v2 =	vlaneseq.u32 @!p0;
	v0 =	vand.u32 @!p0 $0x7, v0;
	s21 =	smul.f32 s21, s15  }
0x4fd: {  	v3 =	vshrl.u32 @!p0 v2, $0x3;
	v0 =	vor.u32 @!p0 v0, v1;
	v1 =	vand.u32 @!p0 $0x7, v2  }
0x4fe: {  	v3 =	vmul.u32 @!p0 $0x8, v3;
	v1 =	vperm.xlane @!p0 v0, v1;
	s21 =	ssub.f32 $1.500000000e+00, s21;
	_ =	sdelay $0x1  }
0x4ff: {  	v1 =	vadd.s32 @!p0 v3, v1;
	s15 =	smul.f32 s21, s15;
	_ =	sdelay $0x1  }
0x500: {  	s9 =	smul.f32 s15, s9  }
0x501: {  	[smem:s25] =	sst s28;
	v2 =	vor.u32 @!p0 $0x8, v2  }
0x502: {  	s22 =	simm.s32 @!p0 $0x6A00;
	v0 =	vperm.xlane @!p0 v0, v2;
	s21 =	simm.s32 @!p0 $0x0;
	s9 =	smul.f32 s9, s15  }
0x503: {  	[tilespmem:s22], [sflag:$0x2] =	stream.indirect_vreg.gather @!p0 [hbm4b:s1+s21], $0x80, v1, vm1, $0xb8;
	[tilespmem:$0xFA00] =	vst v63  }
0x504: {  	v0 =	vadd.s32 @!p0 v3, v0;
	s26 =	sadd.s32 $0x1, s24;
	s23 =	simm.s32 @!p0 $0x7200;
	s9 =	ssub.f32 $1.500000000e+00, s9  }
0x505: {  	[tilespmem:s23], [sflag:$0x2] =	stream.indirect_vreg.gather @!p0 [hbm4b:s10+s21], $0x80, v1, vm1, $0xb8;
	[tilespmem:$0xFA00] =	vst v63  }
0x506: {  	s24 =	sadd.s32 $0xFFFFFF80, s26;
	s23 =	simm.s32 @!p0 $0x7A00;
	s9 =	smul.f32 s9, s15  }
0x507: {  	[tilespmem:s23], [sflag:$0x2] =	stream.indirect_vreg.gather @!p0 [hbm4b:s11+s21], $0x80, v1, vm1, $0xb8;
	[tilespmem:$0xFA00] =	vst v63  }
0x508: {  	[smem:s24] =	sst s9;
	s8 =	smul.f32 s9, s8;
	s9 =	simm.s32 @!p0 $0x8200  }
0x509: {  	[tilespmem:s9], [sflag:$0x2] =	stream.indirect_vreg.gather @!p0 [hbm4b:s1+s21], $0x80, v0, vm1, $0xb8;
	[tilespmem:$0xFA00] =	vst v63  }
0x50a: {  	s9 =	simm.s32 @!p0 $0x8A00;
	s8 =	ssub.f32 $0.0e+00, s8  }
0x50b: {  	[tilespmem:s9], [sflag:$0x2] =	stream.indirect_vreg.gather @!p0 [hbm4b:s10+s21], $0x80, v0, vm1, $0xb8;
	[tilespmem:$0xFA00] =	vst v63  }
0x50c: {  	[smem:s26] =	sst s8;
	s8 =	simm.s32 @!p0 $0x9200  }
0x50d: {  	[tilespmem:s8], [sflag:$0x2] =	stream.indirect_vreg.gather @!p0 [hbm4b:s11+s21], $0x80, v0, vm1, $0xb8;
	[tilespmem:$0xFA00] =	vst v63  }
0x50e: {  	s8 =	sld [smem:$0x0]  }
0x50f: {  	s9 =	sld [smem:$0x1]  }
0x510: {  	s15 =	sld [smem:$0x2]  }
0x511: {  	s22 =	sld [smem:$0x3]  }
0x512: {  	s23 =	simm.s32 $0x0;
	s24 =	sld [smem:$0x4]  }
0x513: {  	s26 =	sand.u32 $0x1C00, s23;
	s25 =	sld [smem:$0x5];
	s21 =	sand.u32 $0x70, s23  }
0x514: {  	s28 =	sld [smem:$0x6];
	s21 =	sor.u32 s21, s26  }
0x515: {  	s29 =	sld [smem:$0x81];
	v0 =	vld [tilespmem:s21+$0xCA00]  }
0x516: {  	s30 =	sld [smem:$0x82];
	v1 =	vld [tilespmem:s21+$0xCA80]  }
0x517: {  	s31 =	sld [smem:$0x83];
	v2 =	vld [tilespmem:s21+$0xCB00]  }
0x518: {  	s26 =	sld [smem:$0x80];
	v5 =	vld [tilespmem:s21+$0xCB80]  }
0x519: {  	v6 =	vld [tilespmem:s21+$0xCC00];
	v19 =	vmov s8;
	s8 =	sld [smem:$0x84];
	v17 =	vmov s9;
	v14 =	vmov s29  }
0x51a: {  	v7 =	vld [tilespmem:s21+$0xCC80];
	s9 =	sld [smem:$0x85];
	v22 =	vmov s15;
	v12 =	vmov s30;
	s15 =	simm.s32 $0x3400;
	v26 =	vmov s22  }
0x51b: {  	v18 =	vmov s31;
	v27 =	vmov s24;
	v11 =	vmov s26;
	s26 =	sld [smem:$0x86];
	v3 =	vld [tilespmem:s15+$0x0]  }
0x51c: {  	v8 =	vld [tilespmem:s21+$0xCD00];
	v29 =	vmov s25;
	s25 =	simm.s32 $0x3700;
	v30 =	vmov s28;
	v0 =	vmul.f32 v0, v19  }
0x51d: {  	v4 =	vld [tilespmem:s25+$0x0];
	v15 =	vmov s8;
	v20 =	vmov s9;
	v1 =	vmul.f32 v1, v17  }
0x51e: {  	v21 =	vmov s26;
	v2 =	vmul.f32 v2, v22;
	v0 =	vadd.f32 v0, v11  }
0x51f: {  	v5 =	vmul.f32 v5, v26;
	v6 =	vmul.f32 v6, v27;
	v1 =	vadd.f32 v1, v14  }
0x520: {  	v7 =	vmul.f32 v7, v29;
	v2 =	vadd.f32 v2, v12;
	v0 =	vmul.f32 v0, v3  }
0x521: {  	v8 =	vmul.f32 v8, v30;
	v5 =	vadd.f32 v5, v18;
	v1 =	vmul.f32 v1, v3  }
0x522: {  	v6 =	vadd.f32 v6, v15;
	v2 =	vmul.f32 v2, v3;
	v0 =	vadd.f32 v0, v4  }
0x523: {  	v7 =	vadd.f32 v7, v20;
	v5 =	vmul.f32 v5, v3;
	v1 =	vadd.f32 v1, v4  }
0x524: {  	[tilespmem:s21+$0xCA00] =	vst v0;
	v0 =	vadd.f32 v2, v4;
	v2 =	vmul.f32 v6, v3;
	v6 =	vadd.f32 v8, v21  }
0x525: {  	[tilespmem:s21+$0xCA80] =	vst v1;
	v1 =	vadd.f32 v5, v4;
	v5 =	vmul.f32 v7, v3  }
0x526: {  	[tilespmem:s21+$0xCB00] =	vst v0;
	v0 =	vadd.f32 v2, v4;
	v2 =	vmul.f32 v6, v3  }
0x527: {  	s28 =	simm.s32 $0x10;
	s29 =	simm.s32 $0x80;
	[tilespmem:s21+$0xCB80] =	vst v1;
	v1 =	vadd.f32 v5, v4  }
0x528: {  	s15 =	sand.u32 $0x70, s28;
	s22 =	sand.u32 $0x1C00, s29;
	[tilespmem:s21+$0xCC00] =	vst v0;
	v0 =	vadd.f32 v2, v4  }
0x529: {  	s23 =	sor.u32 s23, s23;
	s22 =	sor.u32 s15, s22;
	[tilespmem:s21+$0xCC80] =	vst v1  }
0x52a: {  	s9 =	sor.u32 $0x380, s23;
	v10 =	vld [tilespmem:s22+$0xCB00];
	[tilespmem:s21+$0xCD00] =	vst v0  }
0x52b: {  	v0 =	vld [tilespmem:s9+$0xCA00]  }
0x52c: {  	s8 =	sld [smem:$0x7];
	v24 =	vld [tilespmem:s22+$0xCB80]  }
0x52d: {  	s25 =	sld [smem:$0x87];
	v53 =	vld [tilespmem:s22+$0xCD00]  }
0x52e: {  	s26 =	sld [smem:$0x88];
	v2 =	vld [tilespmem:s22+$0xCA80]  }
0x52f: {  	s24 =	sld [smem:$0x8];
	v36 =	vmov s8;
	v1 =	vld [tilespmem:s22+$0xCA00]  }
0x530: {  	s30 =	sld [smem:$0x89];
	v25 =	vld [tilespmem:s22+$0xCC00];
	v0 =	vmul.f32 v0, v36  }
0x531: {  	s15 =	sld [smem:$0x9];
	v31 =	vld [tilespmem:s22+$0xCC80];
	v35 =	vmov s25;
	v13 =	vmov s26;
	s26 =	simm.s32 $0x3410  }
0x532: {  	v23 =	vmov s24;
	v10 =	vmul.f32 v10, v22;
	v5 =	vld [tilespmem:s26+$0x0];
	v0 =	vadd.f32 v0, v35  }
0x533: {  	v16 =	vmov s30;
	s24 =	simm.s32 $0x3710;
	v32 =	vmul.f32 v53, v30;
	v2 =	vmul.f32 v2, v17  }
0x534: {  	s31 =	sld [smem:$0x8A];
	v9 =	vld [tilespmem:s24+$0x0];
	v28 =	vmov s15;
	v1 =	vmul.f32 v1, v19;
	v0 =	vmul.f32 v0, v3  }
0x535: {  	s23 =	sld [smem:$0xA];
	v24 =	vmul.f32 v24, v26;
	v32 =	vadd.f32 v32, v21;
	v2 =	vadd.f32 v2, v14  }
0x536: {  	s30 =	sld [smem:$0x8D];
	v25 =	vmul.f32 v25, v27;
	v1 =	vadd.f32 v1, v11;
	v0 =	vadd.f32 v0, v4  }
0x537: {  	s25 =	sld [smem:$0xB];
	v31 =	vmul.f32 v31, v29;
	v24 =	vadd.f32 v24, v18;
	v2 =	vmul.f32 v2, v5  }
0x538: {  	s15 =	sld [smem:$0xD];
	v10 =	vadd.f32 v10, v12;
	v58 =	vmul.f32 v32, v5;
	v1 =	vmul.f32 v1, v5;
	[tilespmem:s9+$0xCA00] =	vst v0  }
0x539: {  	s8 =	sld [smem:$0xC];
	v0 =	vadd.f32 v2, v9;
	v2 =	vmul.f32 v24, v5;
	v24 =	vadd.f32 v31, v20;
	v31 =	vld [tilespmem:s21+$0xE580]  }
0x53a: {  	v8 =	vmov s25;
	s25 =	sld [smem:$0x8B];
	v10 =	vmul.f32 v10, v5;
	v1 =	vadd.f32 v1, v9;
	v55 =	vld [tilespmem:s21+$0xE200]  }
0x53b: {  	v25 =	vadd.f32 v25, v15;
	s26 =	sld [smem:$0x8C];
	v33 =	vadd.f32 v58, v9;
	v57 =	vld [tilespmem:s21+$0xE280]  }
0x53c: {  	v7 =	vmov s23;
	[tilespmem:s22+$0xCA00] =	vst v1;
	v1 =	vadd.f32 v10, v9;
	s9 =	sld [smem:$0xF];
	v59 =	vld [tilespmem:s21+$0xE300]  }
0x53d: {  	v6 =	vmov s31;
	v54 =	vmul.f32 v25, v5;
	v25 =	vmov s8;
	s8 =	sld [smem:$0xE];
	[tilespmem:s22+$0xCD00] =	vst v33;
	v60 =	vld [tilespmem:s21+$0xE380]  }
0x53e: {  	s23 =	sld [smem:$0x8F];
	v10 =	vmov s25;
	[tilespmem:s22+$0xCB00] =	vst v1;
	v40 =	vld [tilespmem:s21+$0xE400];
	v2 =	vadd.f32 v2, v9;
	v56 =	vmul.f32 v24, v5  }
0x53f: {  	s25 =	simm.s32 $0x20;
	v1 =	vadd.f32 v54, v9;
	v44 =	vld [tilespmem:s21+$0xE480];
	[tilespmem:s22+$0xCA80] =	vst v0;
	v24 =	vmov s26;
	s26 =	simm.s32 $0x100;
	v0 =	vmov s9;
	s9 =	sld [smem:$0x8E]  }
0x540: {  	v32 =	vmov s15;
	v34 =	vmov s8;
	s15 =	sand.u32 $0x70, s25;
	s31 =	sand.u32 $0x1C00, s26;
	[tilespmem:s22+$0xCB80] =	vst v2;
	v2 =	vadd.f32 v56, v9  }
0x541: {  	[tilespmem:s22+$0xCC00] =	vst v1;
	v1 =	vmov s23;
	s23 =	sor.u32 s15, s31;
	s15 =	sor.u32 s29, s28;
	v41 =	vmul.f32 v31, v0;
	v31 =	vmov s30  }
0x542: {  	v42 =	vld [tilespmem:s23+$0xCA00];
	s29 =	sor.u32 $0x380, s15;
	[tilespmem:s22+$0xCC80] =	vst v2;
	v2 =	vmul.f32 v55, v23;
	v38 =	vmul.f32 v57, v28;
	v33 =	vmov s9  }
0x543: {  	v39 =	vmul.f32 v59, v7;
	v37 =	vmul.f32 v60, v8;
	v47 =	vld [tilespmem:s29+$0xCA00];
	v41 =	vadd.f32 v41, v1  }
0x544: {  	v43 =	vld [tilespmem:s23+$0xCA80];
	v61 =	vmul.f32 v40, v25;
	v62 =	vmul.f32 v44, v32;
	v2 =	vadd.f32 v2, v13  }
0x545: {  	v45 =	vld [tilespmem:s23+$0xCB00];
	v38 =	vadd.f32 v38, v16;
	v37 =	vadd.f32 v37, v10;
	v41 =	vmul.f32 v41, v3  }
0x546: {  	v46 =	vld [tilespmem:s23+$0xCB80];
	v53 =	vadd.f32 v61, v24;
	v51 =	vmul.f32 v2, v3;
	v2 =	vadd.f32 v39, v6  }
0x547: {  	v49 =	vld [tilespmem:s23+$0xCC00];
	v52 =	vmul.f32 v38, v3;
	v38 =	vmul.f32 v37, v3;
	v63 =	vadd.f32 v41, v4  }
0x548: {  	v50 =	vld [tilespmem:s23+$0xCC80];
	s30 =	simm.s32 $0x3420;
	v39 =	vadd.f32 v62, v31;
	v37 =	vmul.f32 v53, v3;
	v48 =	vmul.f32 v47, v36  }
0x549: {  	s31 =	simm.s32 $0x30;
	s28 =	simm.s32 $0x100;
	v41 =	vmul.f32 v2, v3;
	v2 =	vld [tilespmem:s30+$0x0];
	v47 =	vadd.f32 v51, v4;
	v44 =	vadd.f32 v52, v4;
	[tilespmem:s21+$0xE580] =	vst v63  }
.LBB2_9:
0x54a: {  	p0 =	sne.s32 s31, $0x2F0;
	v42 =	vmul.f32 v42, v19;
	v51 =	vld [tilespmem:s23+$0xCD00];
	v48 =	vadd.f32 v48, v35;
	s24 =	sadd.s32 $0x10, s24;
	v39 =	vmul.f32 v39, v3  }
0x54b: {  	v43 =	vmul.f32 v43, v17;
	v45 =	vmul.f32 v45, v22;
	v41 =	vadd.f32 v41, v4;
	v40 =	vld [tilespmem:s24+$0x0];
	[tilespmem:s21+$0xE200] =	vst v47  }
0x54c: {  	v46 =	vmul.f32 v46, v26;
	v42 =	vadd.f32 v42, v11;
	v47 =	vmul.f32 v48, v5;
	[tilespmem:s21+$0xE280] =	vst v44;
	v44 =	vld [tilespmem:s21+$0xE500]  }
0x54d: {  	v43 =	vadd.f32 v43, v14;
	v48 =	vmul.f32 v49, v27;
	v49 =	vmul.f32 v50, v29;
	[tilespmem:s21+$0xE300] =	vst v41  }
0x54e: {  	v41 =	vmul.f32 v42, v2;
	v42 =	vadd.f32 v45, v12;
	v45 =	vadd.f32 v47, v9  }
0x54f: {  	v46 =	vadd.f32 v46, v18;
	v43 =	vmul.f32 v43, v2;
	v47 =	vmul.f32 v51, v30  }
0x550: {  	v48 =	vadd.f32 v48, v15;
	v41 =	vadd.f32 v41, v40;
	v42 =	vmul.f32 v42, v2;
	[tilespmem:s29+$0xCA00] =	vst v45  }
0x551: {  	v43 =	vadd.f32 v43, v40;
	v45 =	vmul.f32 v46, v2;
	v46 =	vadd.f32 v49, v20;
	v49 =	vld [tilespmem:s22+$0xE580]  }
0x552: {  	v47 =	vadd.f32 v47, v21;
	[tilespmem:s23+$0xCA00] =	vst v41;
	v41 =	vadd.f32 v42, v40;
	v42 =	vmul.f32 v48, v2;
	v48 =	vld [tilespmem:s22+$0xE200]  }
0x553: {  	v44 =	vmul.f32 v44, v34;
	[tilespmem:s23+$0xCA80] =	vst v43;
	v43 =	vadd.f32 v45, v40;
	v45 =	vmul.f32 v46, v2;
	v46 =	vld [tilespmem:s22+$0xE280]  }
0x554: {  	v38 =	vadd.f32 v38, v4;
	[tilespmem:s23+$0xCB00] =	vst v41;
	v41 =	vadd.f32 v42, v40;
	v42 =	vmul.f32 v47, v2;
	v47 =	vld [tilespmem:s22+$0xE300]  }
0x555: {  	s26 =	sadd.s32 $0x80, s26;
	v44 =	vadd.f32 v44, v33;
	[tilespmem:s23+$0xCB80] =	vst v43;
	v43 =	vadd.f32 v45, v40;
	v45 =	vld [tilespmem:s22+$0xE380]  }
0x556: {  	s8 =	sand.u32 $0x70, s31;
	s9 =	sand.u32 $0x1C00, s26;
	v37 =	vadd.f32 v37, v4;
	[tilespmem:s23+$0xCC00] =	vst v41;
	v41 =	vadd.f32 v42, v40;
	v50 =	vld [tilespmem:s22+$0xE400];
	v49 =	vmul.f32 v49, v0  }
0x557: {  	s8 =	sor.u32 s8, s9;
	s9 =	sor.u32 s28, s25;
	v39 =	vadd.f32 v39, v4;
	s28 =	smov.u32 s26;
	v44 =	vmul.f32 v44, v3;
	[tilespmem:s23+$0xCC80] =	vst v43;
	v43 =	vmul.f32 v48, v23;
	v48 =	vld [tilespmem:s22+$0xE480]  }
0x558: {  	s25 =	smov.u32 s31;
	s29 =	sor.u32 $0x380, s9;
	v3 =	vmovc v5;
	v5 =	vmov v2;
	v42 =	vld [tilespmem:s8+$0xCA00];
	[tilespmem:s23+$0xCD00] =	vst v41;
	v41 =	vmul.f32 v46, v28;
	v46 =	vadd.f32 v49, v1  }
0x559: {  	v4 =	vadd.f32 v44, v4;
	v2 =	vld [tilespmem:s29+$0xCA00];
	v49 =	vadd.f32 v43, v13;
	v47 =	vmul.f32 v47, v7;
	[tilespmem:s21+$0xE380] =	vst v38  }
0x55a: {  	v43 =	vld [tilespmem:s8+$0xCA80];
	v38 =	vadd.f32 v41, v16;
	v41 =	vmul.f32 v45, v8;
	v44 =	vmul.f32 v46, v3;
	[tilespmem:s21+$0xE400] =	vst v37  }
.Ltmp3:
0x55b: {  	v45 =	vld [tilespmem:s8+$0xCB00];
	v37 =	vmul.f32 v49, v3;
	v47 =	vadd.f32 v47, v6;
	v50 =	vmul.f32 v50, v25;
	[tilespmem:s21+$0xE480] =	vst v39;
	(pc) =	sbr.rel @p0 .LBB2_9-.Ltmp3, $4  }
0x55c: {  	v46 =	vld [tilespmem:s8+$0xCB80];
	v39 =	vadd.f32 v41, v10;
	v51 =	vmul.f32 v48, v32;
	v44 =	vadd.f32 v44, v9;
	[tilespmem:s21+$0xE500] =	vst v4;
	s21 =	smov.u32 s22;
	s22 =	smov.u32 s23;
	s23 =	smov.u32 s8  }
0x55d: {  	v52 =	vmul.f32 v38, v3;
	v4 =	vmovc v9;
	v49 =	vld [tilespmem:s23+$0xCC00];
	v41 =	vmul.f32 v47, v3;
	v53 =	vadd.f32 v50, v24  }
0x55e: {  	s30 =	sadd.s32 $0x10, s30;
	v50 =	vld [tilespmem:s23+$0xCC80];
	v48 =	vmul.f32 v2, v36;
	v38 =	vmul.f32 v39, v3;
	v39 =	vadd.f32 v51, v31;
	[tilespmem:s21+$0xE580] =	vst v44  }
0x55f: {  	s31 =	sadd.s32 $0x10, s31;
	v9 =	vmovc v40;
	v47 =	vadd.f32 v37, v4;
	v44 =	vadd.f32 v52, v4;
	v2 =	vld [tilespmem:s30+$0x0];
	v37 =	vmul.f32 v53, v3  }
0x560: {  	v40 =	vmul.f32 v42, v19;
	v54 =	vld [tilespmem:s23+$0xCD00];
	s8 =	sadd.s32 $0x10, s24  }
0x561: {  	v17 =	vmul.f32 v43, v17;
	v22 =	vmul.f32 v45, v22;
	v19 =	vld [tilespmem:s8+$0x0]  }
0x562: {  	v26 =	vmul.f32 v46, v26;
	v11 =	vadd.f32 v40, v11  }
0x563: {  	v14 =	vadd.f32 v17, v14;
	v55 =	vmul.f32 v49, v27;
	v12 =	vadd.f32 v22, v12  }
0x564: {  	v56 =	vmul.f32 v50, v29;
	v11 =	vmul.f32 v11, v2  }
0x565: {  	v18 =	vadd.f32 v26, v18;
	v14 =	vmul.f32 v14, v2;
	v12 =	vmul.f32 v12, v2  }
0x566: {  	v15 =	vadd.f32 v55, v15;
	v57 =	vmul.f32 v54, v30;
	v11 =	vadd.f32 v11, v19  }
0x567: {  	v58 =	vmul.f32 v18, v2;
	v59 =	vadd.f32 v56, v20;
	v14 =	vadd.f32 v14, v19  }
0x568: {  	v60 =	vadd.f32 v12, v19;
	v61 =	vmul.f32 v15, v2;
	v62 =	vadd.f32 v57, v21;
	[tilespmem:s23+$0xCA00] =	vst v11  }
0x569: {  	v63 =	vadd.f32 v58, v19;
	v20 =	vmul.f32 v59, v2;
	[tilespmem:s23+$0xCA80] =	vst v14  }
0x56a: {  	[tilespmem:s23+$0xCB00] =	vst v60;
	v21 =	vadd.f32 v61, v19;
	v22 =	vmul.f32 v62, v2  }
0x56b: {  	[tilespmem:s23+$0xCB80] =	vst v63;
	v26 =	vadd.f32 v20, v19  }
0x56c: {  	[tilespmem:s23+$0xCC00] =	vst v21;
	v27 =	vadd.f32 v22, v19  }
0x56d: {  	s30 =	sor.u32 s28, s25;
	v29 =	vadd.f32 v48, v35;
	[tilespmem:s23+$0xCC80] =	vst v26  }
0x56e: {  	s8 =	sor.u32 $0x380, s30;
	[tilespmem:s23+$0xCD00] =	vst v27  }
0x56f: {  	v12 =	vmul.f32 v29, v5;
	v11 =	vld [tilespmem:s8+$0xCA00];
	_ =	sdelay $0x1  }
0x570: {  	v12 =	vadd.f32 v12, v9;
	_ =	sdelay $0x1  }
0x571: {  	[tilespmem:s29+$0xCA00] =	vst v12  }
0x572: {  	v12 =	vld [tilespmem:s22+$0xE580];
	v11 =	vmul.f32 v11, v36  }
0x573: {  	v30 =	vld [tilespmem:s22+$0xE200]  }
0x574: {  	v40 =	vld [tilespmem:s22+$0xE300];
	v11 =	vadd.f32 v11, v35  }
0x575: {  	v42 =	vld [tilespmem:s22+$0xE380]  }
0x576: {  	[tilespmem:s21+$0xE200] =	vst v47;
	v47 =	vld [tilespmem:s22+$0xE400];
	v11 =	vmul.f32 v11, v2  }
0x577: {  	v48 =	vld [tilespmem:s22+$0xE480]  }
0x578: {  	v35 =	vld [tilespmem:s22+$0xE280];
	v11 =	vadd.f32 v11, v19  }
0x579: {  	v51 =	vadd.f32 v41, v4;
	v36 =	vld [tilespmem:s21+$0xE500]  }
0x57a: {  	v54 =	vadd.f32 v38, v4;
	v38 =	vmul.f32 v39, v3;
	v58 =	vld [tilespmem:s22+$0xE500];
	v12 =	vmul.f32 v12, v0;
	[tilespmem:s8+$0xCA00] =	vst v11  }
0x57b: {  	[tilespmem:s21+$0xE280] =	vst v44;
	v59 =	vadd.f32 v37, v4;
	v14 =	vmul.f32 v30, v23;
	v57 =	vmul.f32 v40, v7;
	v44 =	vld [tilespmem:s23+$0xE580]  }
0x57c: {  	v61 =	vmul.f32 v42, v8;
	v63 =	vmul.f32 v47, v25;
	v12 =	vadd.f32 v12, v1;
	v45 =	vld [tilespmem:s23+$0xE200]  }
0x57d: {  	v42 =	vadd.f32 v38, v4;
	v43 =	vadd.f32 v14, v13;
	v15 =	vmul.f32 v35, v28;
	v46 =	vld [tilespmem:s23+$0xE280]  }
0x57e: {  	v22 =	vadd.f32 v63, v24;
	v12 =	vmul.f32 v12, v5;
	v52 =	vmul.f32 v36, v34;
	v62 =	vld [tilespmem:s23+$0xE380]  }
0x57f: {  	v36 =	vmul.f32 v48, v32;
	v35 =	vadd.f32 v61, v10;
	v15 =	vadd.f32 v15, v16;
	v30 =	vld [tilespmem:s23+$0xE400]  }
0x580: {  	v12 =	vadd.f32 v12, v9;
	v11 =	vmul.f32 v43, v5;
	v43 =	vmul.f32 v22, v5;
	v37 =	vld [tilespmem:s23+$0xE480]  }
0x581: {  	[tilespmem:s21+$0xE300] =	vst v51;
	v41 =	vadd.f32 v36, v31;
	v14 =	vmul.f32 v35, v5;
	v47 =	vld [tilespmem:s23+$0xE500];
	v15 =	vmul.f32 v15, v5  }
0x582: {  	[tilespmem:s21+$0xE380] =	vst v54;
	v60 =	vld [tilespmem:s23+$0xE300];
	v11 =	vadd.f32 v11, v9;
	v50 =	vmul.f32 v44, v0;
	v53 =	vmul.f32 v45, v23  }
0x583: {  	[tilespmem:s21+$0xE400] =	vst v59;
	v49 =	vadd.f32 v15, v9;
	v55 =	vmul.f32 v46, v28;
	v45 =	vmul.f32 v41, v5  }
0x584: {  	[tilespmem:s21+$0xE480] =	vst v42;
	v15 =	vadd.f32 v57, v6;
	v46 =	vmul.f32 v58, v34;
	v51 =	vmul.f32 v62, v8  }
0x585: {  	[tilespmem:s22+$0xE580] =	vst v12;
	v56 =	vadd.f32 v52, v33;
	v54 =	vmul.f32 v30, v25;
	v57 =	vmul.f32 v37, v32  }
0x586: {  	v48 =	vadd.f32 v14, v9;
	[tilespmem:s22+$0xE200] =	vst v11;
	v58 =	vmul.f32 v47, v34;
	v40 =	vmul.f32 v15, v5  }
0x587: {  	[tilespmem:s22+$0xE280] =	vst v49;
	v49 =	vmul.f32 v60, v7;
	v0 =	vadd.f32 v50, v1;
	v50 =	vadd.f32 v43, v9  }
0x588: {  	[tilespmem:s22+$0xE380] =	vst v48;
	v11 =	vadd.f32 v53, v13;
	v1 =	vmul.f32 v56, v3;
	v52 =	vadd.f32 v45, v9  }
0x589: {  	v12 =	vadd.f32 v55, v16;
	v3 =	vadd.f32 v40, v9;
	v0 =	vmul.f32 v0, v2;
	[tilespmem:s22+$0xE400] =	vst v50  }
0x58a: {  	v53 =	vadd.f32 v49, v6;
	v11 =	vmul.f32 v11, v2;
	v44 =	vadd.f32 v1, v4;
	[tilespmem:s22+$0xE480] =	vst v52  }
0x58b: {  	v12 =	vmul.f32 v12, v2;
	v4 =	vadd.f32 v46, v33;
	[tilespmem:s22+$0xE300] =	vst v3;
	v0 =	vadd.f32 v0, v19  }
0x58c: {  	v56 =	vadd.f32 v51, v10;
	v1 =	vmul.f32 v53, v2;
	v11 =	vadd.f32 v11, v19;
	[tilespmem:s21+$0xE500] =	vst v44  }
0x58d: {  	v6 =	vadd.f32 v54, v24;
	v39 =	vadd.f32 v12, v19;
	v55 =	vmul.f32 v4, v5;
	[tilespmem:s23+$0xE580] =	vst v0  }
0x58e: {  	v60 =	vadd.f32 v58, v33;
	v4 =	vmul.f32 v56, v2;
	v1 =	vadd.f32 v1, v19;
	[tilespmem:s23+$0xE200] =	vst v11  }
0x58f: {  	v59 =	vmul.f32 v6, v2;
	v5 =	vadd.f32 v57, v31;
	[tilespmem:s23+$0xE280] =	vst v39;
	v3 =	vadd.f32 v55, v9  }
0x590: {  	s19 =	sadd.s32 $0x1, s19;
	v62 =	vmul.f32 v60, v2;
	v4 =	vadd.f32 v4, v19;
	[tilespmem:s23+$0xE300] =	vst v1  }
0x591: {  	p0 =	sne.s32 s19, $0x20;
	v61 =	vmul.f32 v5, v2;
	v0 =	vadd.f32 v59, v19;
	[tilespmem:s22+$0xE500] =	vst v3  }
.Ltmp4:
0x592: {  	v1 =	vadd.f32 v62, v19;
	[tilespmem:s23+$0xE380] =	vst v4;
	(pc) =	sbr.rel @p0 .LBB2_2-.Ltmp4, $4  }
0x593: {  	s31 =	sadd.s32 s20, s12;
	v63 =	vadd.f32 v61, v19;
	[tilespmem:s23+$0xE400] =	vst v0  }
0x594: {  	s8 =	sshrl.u32 s31, $0x3;
	[tilespmem:s23+$0xE500] =	vst v1  }
0x595: {  	s8 =	sadd.s32 s5, s8;
	[tilespmem:s23+$0xE480] =	vst v63  }
0x596: {  	[hbm4b:s8+s6] =	stream.linear.scatter [tilespmem:s14], [sflag:$0x4], $0x3000, $0x38;
	[tilespmem:$0xFA00] =	vst v63  }
0x597: {  	s18 =	sadd.s32 $0x1, s18  }
0x598: {  	_ =	swait.ge [sflag:s0], $0x3000;
	p0 =	sne.s32 s18, s13  }
.Ltmp5:
0x599: {  	[sflag:s0] =	ssyncset.done $0x0;
	(pc) =	sbr.rel @p0 .LBB2_1-.Ltmp5, $4  }
0x59a: {  	[sflag:s0] =	ssyncadd.s32 $0xFFFFD000  }
0x59b: {  	_ =	swait.ge [sflag:s17], $0x3000  }
0x59c: {  	[sflag:s17] =	ssyncset.done $0x0  }
0x59d: {  	[sflag:s17] =	ssyncadd.s32 $0xFFFFD000  }
0x59e: {  	_ =	sfence.sel $0x180000  }
0x59f: {  	[bflag:$0x0] =	sbarrier.arrive $0xFFFF  }
0x5a0: {  	_ =	strace $0x90000047  }
0x5a1: {  	s0 =	stileid.u32;
	[bflag:$0x2] =	sbarrier.arrive $0xFFFF  }
0x5a2: {  	p0 =	sne.s32 s0, $0x0;
	s0 =	rddreg [dreg:$0x6]  }
0x5a3: {  	s0 =	sadd.s32 @!p0 $0x100000, s0  }
0x5a4: {  	[sflag:s0] =	ssyncadd.tile.s32 @!p0 $0x1;
	_ =	shalt  }
.Lfunc_end2:
_tile_overlayer_lowered:
.L_overlay_start_2:
0x5a5: {  	(tag) =	ssettag $0x2  }
0x5a6: {  	s0 =	rddreg [dreg:$0x0];
	s2 =	stileid.u32  }
0x5a7: {  	s1 =	rddreg [dreg:$0x1];
	p0 =	sne.s32 s2, $0x0  }
0x5a8: {  	s3 =	rddreg [dreg:$0x2];
	[bflag:$0x3] =	sbarrier.arrive $0xFFFF;
	s2 =	simm.s32 @!p0 $0x1C05  }
0x5a9: {  	[timem:s3], [sflag:s2] =	dma.local @!p0 [hbm:s0], s1  }
0x5aa: {  	s0 =	simm.s32 @!p0 $0x5  }
0x5ab: {  	_ =	swait.ge @!p0 [sflag:s0], s1  }
0x5ac: {  	s1 =	ssub.s32 @!p0 $0x0, s1;
	[sflag:s0] =	ssyncset.done @!p0 $0x0  }
0x5ad: {  	[sflag:s0] =	ssyncadd.s32 @!p0 s1  }
0x5ae: {  	[bflag:$0x3] =	sbarrier.arrive $0xFFFF  }
0x5af: {  	_ =	shalt  }

</sc_bundles>
